<compile_context>
chip_gen: v7x
topology: tpu7x:2x2x1
jax: 0.10.2.dev20260603
libtpu: 0.0.44.dev20260713+nightly
codegen_flags: <defaults>
</compile_context>

<pallas_src>
import jax
import jax.numpy as jnp
from jax import lax
from jax.experimental import pallas as pl
from jax.experimental.pallas import tpu as pltpu
from jax.experimental.pallas import tpu_sc as plsc

N = 10000
E = 320000
F_IN = 128
H = 256
C = 10
B = 16

NC = 2
NS = 16
LANES = 16

HH = H // NC
NPAD = 10240
RPT = NPAD // NS
EPT = E // NS
CHUNK = 128
NCHUNK = 2 * ((EPT + 2 * CHUNK - 1) // (2 * CHUNK))
EPT_PAD = NCHUNK * CHUNK
NPAIR = NCHUNK // 2
PAD_IDX = N

_mesh = plsc.VectorSubcoreMesh(core_axis_name="c", subcore_axis_name="s")



def _prep_body(edge_hbm, srcp_hbm, dstp_hbm, deg_hbm,
               src_v, dst_v, degloc, tmp_v, acc_v, shared_deg):
    c = lax.axis_index("c")
    s = lax.axis_index("s")
    base = s * EPT
    tbase = (c * NS + s) * EPT_PAD

    pltpu.sync_copy(edge_hbm.at[pl.ds(base, EPT)], src_v.at[pl.ds(0, EPT)])
    pltpu.sync_copy(edge_hbm.at[pl.ds(E + base, EPT)], dst_v.at[pl.ds(0, EPT)])
    pad = jnp.full((LANES,), PAD_IDX, jnp.int32)
    for i in range((EPT_PAD - EPT) // LANES):
        src_v[pl.ds(EPT + i * LANES, LANES)] = pad
        dst_v[pl.ds(EPT + i * LANES, LANES)] = pad

    zeros = jnp.zeros((LANES,), jnp.float32)
    ones = jnp.ones((LANES,), jnp.float32)

    def zero_body(i, _):
        degloc[pl.ds(i * LANES, LANES)] = zeros
        return 0
    lax.fori_loop(0, NPAD // LANES, zero_body, 0)

    def deg_body(i, _):
        dvec = dst_v[pl.ds(i * LANES, LANES)]
        plsc.addupdate_scatter(degloc, [dvec], ones)
        return 0
    lax.fori_loop(0, EPT_PAD // LANES, deg_body, 0)

    coff = jnp.full((LANES,), 1, jnp.int32) * (c * NPAD)

    def off_body(i, _):
        sl = pl.ds(i * LANES, LANES)
        src_v[sl] = src_v[sl] + coff
        return 0
    lax.fori_loop(0, EPT_PAD // LANES, off_body, 0)
    pltpu.sync_copy(src_v, srcp_hbm.at[pl.ds(tbase, EPT_PAD)])
    pltpu.sync_copy(dst_v, dstp_hbm.at[pl.ds(tbase, EPT_PAD)])

    pltpu.sync_copy(degloc, shared_deg.at[pl.ds(s * NPAD, NPAD)])
    plsc.subcore_barrier()
    nvec = RPT // LANES

    for v in range(nvec):
        acc_v[pl.ds(v * LANES, LANES)] = zeros

    def red_body(t, _):
        pltpu.sync_copy(shared_deg.at[pl.ds(t * NPAD + s * RPT, RPT)], tmp_v)
        for v in range(nvec):
            sl = pl.ds(v * LANES, LANES)
            acc_v[sl] = acc_v[sl] + tmp_v[sl]
        return 0
    lax.fori_loop(0, NS, red_body, 0)
    pltpu.sync_copy(acc_v, deg_hbm.at[pl.ds(c * NPAD + s * RPT, RPT)])


_prep = pl.kernel(
    _prep_body,
    out_type=[
        jax.ShapeDtypeStruct((NC * NS * EPT_PAD,), jnp.int32),
        jax.ShapeDtypeStruct((NC * NS * EPT_PAD,), jnp.int32),
        jax.ShapeDtypeStruct((NC * NPAD,), jnp.float32),
    ],
    mesh=_mesh,
    scratch_types=[
        pltpu.VMEM((EPT_PAD,), jnp.int32),
        pltpu.VMEM((EPT_PAD,), jnp.int32),
        pltpu.VMEM((NPAD,), jnp.float32),
        pltpu.VMEM((RPT,), jnp.float32),
        pltpu.VMEM((RPT,), jnp.float32),
        pltpu.VMEM_SHARED((NS * NPAD,), jnp.float32),
    ],
    compiler_params=pltpu.CompilerParams(needs_layout_passes=False),
)



def _agg_body(h_hbm, srcp_hbm, dstp_hbm, s_hbm,
              sidx0, sidx1, didx0, didx1, rb0, rb1, agg_sh,
              isem0, isem1, dsem0, dsem1, gsem0, gsem1, ssem0, ssem1):
    c = lax.axis_index("c")
    s = lax.axis_index("s")
    tbase = (c * NS + s) * EPT_PAD
    sidx = (sidx0, sidx1)
    didx = (didx0, didx1)
    rb = (rb0, rb1)
    isem = (isem0, isem1)
    dsem = (dsem0, dsem1)
    gsem = (gsem0, gsem1)
    ssem = (ssem0, ssem1)

    row0 = c * NPAD + s * RPT
    pltpu.sync_copy(h_hbm.at[pl.ds(row0, RPT)], agg_sh.at[pl.ds(s * RPT, RPT)])
    plsc.subcore_barrier()

    ih = [None, None]
    dh = [None, None]
    gh = [None, None]

    for b in (0, 1):
        ih[b] = pltpu.async_copy(
            srcp_hbm.at[pl.ds(tbase + b * CHUNK, CHUNK)], sidx[b], isem[b])
        dh[b] = pltpu.async_copy(
            dstp_hbm.at[pl.ds(tbase + b * CHUNK, CHUNK)], didx[b], dsem[b])
    for b in (0, 1):
        ih[b].wait()
        gh[b] = pltpu.async_copy(h_hbm.at[sidx[b]], rb[b], gsem[b])

    def pair_body(i2, _):
        for b in (0, 1):
            j = 2 * i2 + b
            gh[b].wait()
            dh[b].wait()
            scat = pltpu.async_copy(rb[b], agg_sh.at[didx[b]], ssem[b],
                                    add=True)
            nxt = tbase + (j + 2) * CHUNK
            pltpu.async_copy(srcp_hbm.at[pl.ds(nxt, CHUNK)], sidx[b], isem[b])
            scat.wait()
            pltpu.async_copy(dstp_hbm.at[pl.ds(nxt, CHUNK)], didx[b], dsem[b])
            ih[b].wait()
            pltpu.async_copy(h_hbm.at[sidx[b]], rb[b], gsem[b])
        return 0
    lax.fori_loop(0, NPAIR - 1, pair_body, 0)

    for b in (0, 1):
        gh[b].wait()
        dh[b].wait()
        pltpu.async_copy(rb[b], agg_sh.at[didx[b]], ssem[b], add=True).wait()

    plsc.subcore_barrier()
    pltpu.sync_copy(agg_sh.at[pl.ds(s * RPT, RPT)],
                    s_hbm.at[pl.ds(c * NPAD + s * RPT, RPT)])


_agg = pl.kernel(
    _agg_body,
    out_type=jax.ShapeDtypeStruct((NC * NPAD, HH), jnp.float32),
    mesh=_mesh,
    scratch_types=[
        pltpu.VMEM((CHUNK,), jnp.int32),
        pltpu.VMEM((CHUNK,), jnp.int32),
        pltpu.VMEM((CHUNK,), jnp.int32),
        pltpu.VMEM((CHUNK,), jnp.int32),
        pltpu.VMEM((CHUNK, HH), jnp.float32),
        pltpu.VMEM((CHUNK, HH), jnp.float32),
        pltpu.VMEM_SHARED((NPAD, HH), jnp.float32),
        pltpu.SemaphoreType.DMA,
        pltpu.SemaphoreType.DMA,
        pltpu.SemaphoreType.DMA,
        pltpu.SemaphoreType.DMA,
        pltpu.SemaphoreType.DMA,
        pltpu.SemaphoreType.DMA,
        pltpu.SemaphoreType.DMA,
        pltpu.SemaphoreType.DMA,
    ],
)



def _dot(a, b):
    return lax.dot_general(a, b, (((1,), (0,)), ((), ())),
                           precision=lax.Precision.HIGHEST,
                           preferred_element_type=jnp.float32)


RB = 1024
NB = NPAD // RB


def _rowmask(dtype=jnp.float32):
    i = pl.program_id(1)
    rows = lax.broadcasted_iota(jnp.int32, (RB, 1), 0) + i * RB
    return (rows < N).astype(dtype)


def _tc_first_body(x_ref, w_ref, deg_ref, out_ref):
    dinv = lax.rsqrt(deg_ref[...] + 1.0)
    out_ref[...] = _dot(x_ref[...], w_ref[...]) * dinv * _rowmask()


def _tc_mid_body(s0_ref, s1_ref, deg_ref, b_ref, w_ref, out_ref):
    dinv = lax.rsqrt(deg_ref[...] + 1.0)
    sfull = jnp.concatenate([s0_ref[...], s1_ref[...]], axis=1)
    h = jax.nn.relu(sfull * dinv + b_ref[...])
    out_ref[...] = _dot(h, w_ref[...]) * dinv * _rowmask()


def _tc_final_body(s_ref, deg_ref, b_ref, bi_ref, wout_ref, bout_ref, out_ref):
    dinv = lax.rsqrt(deg_ref[pl.ds(0, N), :] + 1.0)
    sfull = jnp.concatenate(
        [s_ref[pl.ds(c * NPAD, N), :] for c in range(NC)], axis=1)
    h = jax.nn.relu(sfull * dinv + b_ref[...])
    rows = lax.broadcasted_iota(jnp.int32, (B, N), 0)
    oh = (rows == bi_ref[...]).astype(jnp.float32)
    counts = jnp.sum(oh, axis=1, keepdims=True)
    pooled = _dot(oh, h) / jnp.maximum(counts, 1.0)
    out_ref[...] = _dot(pooled, wout_ref[...]) + bout_ref[...]


_ht_out_spec = pl.BlockSpec((RB, HH), lambda h, i: (h * NB + i, 0))
_deg_spec = pl.BlockSpec((RB, 1), lambda h, i: (i, 0))

_tc_first = pl.pallas_call(
    _tc_first_body,
    grid=(NC, NB),
    in_specs=[
        pl.BlockSpec((RB, F_IN), lambda h, i: (i, 0)),
        pl.BlockSpec((F_IN, HH), lambda h, i: (0, h)),
        _deg_spec,
    ],
    out_specs=_ht_out_spec,
    out_shape=jax.ShapeDtypeStruct((NC * NPAD, HH), jnp.float32))

_tc_mid = pl.pallas_call(
    _tc_mid_body,
    grid=(NC, NB),
    in_specs=[
        pl.BlockSpec((RB, HH), lambda h, i: (i, 0)),
        pl.BlockSpec((RB, HH), lambda h, i: (NB + i, 0)),
        _deg_spec,
        pl.BlockSpec((1, H), lambda h, i: (0, 0)),
        pl.BlockSpec((H, HH), lambda h, i: (0, h)),
    ],
    out_specs=_ht_out_spec,
    out_shape=jax.ShapeDtypeStruct((NC * NPAD, HH), jnp.float32))

_tc_final = pl.pallas_call(
    _tc_final_body,
    out_shape=jax.ShapeDtypeStruct((B, C), jnp.float32))



@jax.jit
def kernel(x, edge_index, batch_index, W1, b1, W2, b2, W3, b3, W4, b4,
           W5, b5, Wout, bout):
    src_pack, dst_pack, deg2 = _prep(edge_index.reshape(2 * E))
    deg = deg2[:NPAD].reshape(NPAD, 1)
    bi = batch_index.reshape(1, N)
    x_pad = jnp.pad(x, ((0, NPAD - N), (0, 0)))

    ht = _tc_first(x_pad, W1, deg)
    for (b, w) in ((b1, W2), (b2, W3), (b3, W4), (b4, W5)):
        s = _agg(ht, src_pack, dst_pack)
        ht = _tc_mid(s, s, deg, b.reshape(1, H), w)
    s = _agg(ht, src_pack, dst_pack)
    return _tc_final(s, deg, b5.reshape(1, H), bi, Wout, bout.reshape(1, C))

# --- scband reference (transcript-rebuilt; emitter-appended) ---
"""Pipeline reference for scband-plain-gcn-14491219657415 (READ-ONLY COPY).

The authoritative reference and input builder live on the scoring server;
editing this copy changes nothing except your own understanding.
"""

import jax, jax.numpy as jnp
import numpy as np

N = 10000
E = 320000
F_IN = 128
H = 256
C = 10
B = 16


def setup_inputs(seed: int = 0) -> dict:
    key = jax.random.key(seed)
    ks = jax.random.split(key, 20)
    x = jax.random.normal(ks[0], (N, F_IN), dtype=jnp.float32)
    edge_index = jax.random.randint(ks[1], (2, E), 0, N, dtype=jnp.int32)
    batch_index = jnp.sort(jax.random.randint(ks[2], (N,), 0, B, dtype=jnp.int32))
    def lin(k, fan_in, fan_out):
        bound = 1.0 / np.sqrt(fan_in)
        return jax.random.uniform(k, (fan_in, fan_out), dtype=jnp.float32, minval=-bound, maxval=bound)
    W1 = lin(ks[3], F_IN, H); b1 = jnp.zeros((H,), jnp.float32)
    W2 = lin(ks[4], H, H); b2 = jnp.zeros((H,), jnp.float32)
    W3 = lin(ks[5], H, H); b3 = jnp.zeros((H,), jnp.float32)
    W4 = lin(ks[6], H, H); b4 = jnp.zeros((H,), jnp.float32)
    W5 = lin(ks[7], H, H); b5 = jnp.zeros((H,), jnp.float32)
    Wout = lin(ks[8], H, C)
    bout = jnp.zeros((C,), jnp.float32)
    return {"x": x, "edge_index": edge_index, "batch_index": batch_index,
            "W1": W1, "b1": b1, "W2": W2, "b2": b2, "W3": W3, "b3": b3,
            "W4": W4, "b4": b4, "W5": W5, "b5": b5, "Wout": Wout, "bout": bout}


def reference(x, edge_index, batch_index, W1, b1, W2, b2, W3, b3, W4, b4, W5, b5, Wout, bout):
    n = x.shape[0]
    loop = jnp.arange(n, dtype=edge_index.dtype)
    src = jnp.concatenate([edge_index[0], loop])
    dst = jnp.concatenate([edge_index[1], loop])
    deg = jax.ops.segment_sum(jnp.ones_like(src, dtype=x.dtype), dst, num_segments=n)
    dinv = jnp.where(deg > 0, 1.0 / jnp.sqrt(deg), 0.0)
    norm = dinv[src] * dinv[dst]

    def gcn_conv(h, W, b):
        h = h @ W
        msg = h[src] * norm[:, None]
        agg = jax.ops.segment_sum(msg, dst, num_segments=n)
        return agg + b

    h = jax.nn.relu(gcn_conv(x, W1, b1))
    h = jax.nn.relu(gcn_conv(h, W2, b2))
    h = jax.nn.relu(gcn_conv(h, W3, b3))
    h = jax.nn.relu(gcn_conv(h, W4, b4))
    h = jax.nn.relu(gcn_conv(h, W5, b5))
    # dropout is identity in eval mode
    counts = jax.ops.segment_sum(jnp.ones((n,), x.dtype), batch_index, num_segments=B)
    pooled = jax.ops.segment_sum(h, batch_index, num_segments=B) / jnp.clip(counts, 1.0)[:, None]
    return pooled @ Wout + bout

if __name__ == "__main__":
    import jax
    _d = setup_inputs()
    print(jax.jit(kernel)(*tuple(_d.values())))

</pallas_src>

<mosaic_0001>
#map = affine_map<(d0, d1) -> (0, 0)>
#map1 = affine_map<(d0, d1) -> (0)>
module attributes {stable_mosaic.version = 14 : i64} {
  func.func @_agg_body(%arg0: i32, %arg1: i32, %arg2: memref<20480x128xf32, #tpu.memory_space<hbm>>, %arg3: memref<647168xi32, #tpu.memory_space<hbm>>, %arg4: memref<647168xi32, #tpu.memory_space<hbm>>, %arg5: memref<20480x128xf32, #tpu.memory_space<hbm>>, %arg6: memref<128xi32, #tpu.memory_space<vmem>>, %arg7: memref<128xi32, #tpu.memory_space<vmem>>, %arg8: memref<128xi32, #tpu.memory_space<vmem>>, %arg9: memref<128xi32, #tpu.memory_space<vmem>>, %arg10: memref<128x128xf32, #tpu.memory_space<vmem>>, %arg11: memref<128x128xf32, #tpu.memory_space<vmem>>, %arg12: memref<10240x128xf32, #tpu.memory_space<vmem_shared>>, %arg13: memref<!tpu.dma_semaphore, #tpu.memory_space<semaphore_mem>>, %arg14: memref<!tpu.dma_semaphore, #tpu.memory_space<semaphore_mem>>, %arg15: memref<!tpu.dma_semaphore, #tpu.memory_space<semaphore_mem>>, %arg16: memref<!tpu.dma_semaphore, #tpu.memory_space<semaphore_mem>>, %arg17: memref<!tpu.dma_semaphore, #tpu.memory_space<semaphore_mem>>, %arg18: memref<!tpu.dma_semaphore, #tpu.memory_space<semaphore_mem>>, %arg19: memref<!tpu.dma_semaphore, #tpu.memory_space<semaphore_mem>>, %arg20: memref<!tpu.dma_semaphore, #tpu.memory_space<semaphore_mem>>) attributes {dimension_semantics = [#tpu.dimension_semantics<core_parallel>, #tpu.dimension_semantics<subcore_parallel>], iteration_bounds = array<i64: 2, 16>, scalar_prefetch = 0 : i64, scratch_operands = 15 : i64, tpu.core_type = #tpu.core_type<sc_vector_subcore>, window_params = [{transform_indices = #map}, {transform_indices = #map1}, {transform_indices = #map1}, {transform_indices = #map}]} {
    %mul3A = arith.constant 16 : i32
    %mul3A_0 = arith.muli %arg0, %mul3A : i32
    %add3A = arith.addi %mul3A_0, %arg1 : i32
    %mul3A_1 = arith.constant 20224 : i32
    %mul3A_2 = arith.muli %add3A, %mul3A_1 : i32
    %mul3A_3 = arith.constant 10240 : i32
    %mul3A_4 = arith.muli %arg0, %mul3A_3 : i32
    %mul3A_5 = arith.constant 640 : i32
    %mul3A_6 = arith.muli %arg1, %mul3A_5 : i32
    %add3A_7 = arith.addi %mul3A_4, %mul3A_6 : i32
    %mul3A_8 = arith.constant 640 : i32
    %mul3A_9 = arith.muli %arg1, %mul3A_8 : i32
    "tpu.region"() ({
      %run_scoped3A = tpu.sem_alloc : memref<!tpu.dma_semaphore, #tpu.memory_space<semaphore_mem>>
      %dma_start3A_70 = arith.constant 0 : i32
      %dma_start3A_71 = tpu.memref_slice %arg12[%mul3A_9, %dma_start3A_70] : memref<10240x128xf32, #tpu.memory_space<vmem_shared>> -> memref<640x128xf32, #tpu.memory_space<vmem_shared>>
      %dma_start3A_72 = arith.constant 0 : i32
      %dma_start3A_73 = tpu.memref_slice %arg2[%add3A_7, %dma_start3A_72] : memref<20480x128xf32, #tpu.memory_space<hbm>> -> memref<640x128xf32, #tpu.memory_space<hbm>>
      tpu.enqueue_dma source(%dma_start3A_73 : memref<640x128xf32, #tpu.memory_space<hbm>>) target(%dma_start3A_71 : memref<640x128xf32, #tpu.memory_space<vmem_shared>>) target_semaphore(%run_scoped3A : memref<!tpu.dma_semaphore, #tpu.memory_space<semaphore_mem>>)
      %dma_wait3A_74 = arith.constant 0 : i32
      %dma_wait3A_75 = tpu.memref_slice %arg12[%mul3A_9, %dma_wait3A_74] : memref<10240x128xf32, #tpu.memory_space<vmem_shared>> -> memref<640x128xf32, #tpu.memory_space<vmem_shared>>
      %dma_wait3A_76 = arith.constant 0 : i32
      %dma_wait3A_77 = tpu.memref_slice %arg2[%add3A_7, %dma_wait3A_76] : memref<20480x128xf32, #tpu.memory_space<hbm>> -> memref<640x128xf32, #tpu.memory_space<hbm>>
      tpu.wait_dma2 semaphore(%run_scoped3A : memref<!tpu.dma_semaphore, #tpu.memory_space<semaphore_mem>>) src(%dma_wait3A_77 : memref<640x128xf32, #tpu.memory_space<hbm>>) dst(%dma_wait3A_75 : memref<640x128xf32, #tpu.memory_space<vmem_shared>>)
      tpu.yield
    }) : () -> ()
    %barrier3A = arith.constant 0 : index
    tpu.barrier barrier_id(%barrier3A)
    %add3A_10 = arith.constant 0 : i32
    %add3A_11 = arith.addi %mul3A_2, %add3A_10 : i32
    %dma_start3A = tpu.memref_slice %arg3[%add3A_11] : memref<647168xi32, #tpu.memory_space<hbm>> -> memref<128xi32, #tpu.memory_space<hbm>>
    %dma_start3A_12 = tpu.memref_slice %arg3[%add3A_11] : memref<647168xi32, #tpu.memory_space<hbm>> -> memref<128xi32, #tpu.memory_space<hbm>>
    tpu.enqueue_dma source(%dma_start3A_12 : memref<128xi32, #tpu.memory_space<hbm>>) target(%arg6 : memref<128xi32, #tpu.memory_space<vmem>>) target_semaphore(%arg13 : memref<!tpu.dma_semaphore, #tpu.memory_space<semaphore_mem>>)
    %add3A_13 = arith.constant 0 : i32
    %add3A_14 = arith.addi %mul3A_2, %add3A_13 : i32
    %dma_start3A_15 = tpu.memref_slice %arg4[%add3A_14] : memref<647168xi32, #tpu.memory_space<hbm>> -> memref<128xi32, #tpu.memory_space<hbm>>
    %dma_start3A_16 = tpu.memref_slice %arg4[%add3A_14] : memref<647168xi32, #tpu.memory_space<hbm>> -> memref<128xi32, #tpu.memory_space<hbm>>
    tpu.enqueue_dma source(%dma_start3A_16 : memref<128xi32, #tpu.memory_space<hbm>>) target(%arg8 : memref<128xi32, #tpu.memory_space<vmem>>) target_semaphore(%arg15 : memref<!tpu.dma_semaphore, #tpu.memory_space<semaphore_mem>>)
    %add3A_17 = arith.constant 128 : i32
    %add3A_18 = arith.addi %mul3A_2, %add3A_17 : i32
    %dma_start3A_19 = tpu.memref_slice %arg3[%add3A_18] : memref<647168xi32, #tpu.memory_space<hbm>> -> memref<128xi32, #tpu.memory_space<hbm>>
    %dma_start3A_20 = tpu.memref_slice %arg3[%add3A_18] : memref<647168xi32, #tpu.memory_space<hbm>> -> memref<128xi32, #tpu.memory_space<hbm>>
    tpu.enqueue_dma source(%dma_start3A_20 : memref<128xi32, #tpu.memory_space<hbm>>) target(%arg7 : memref<128xi32, #tpu.memory_space<vmem>>) target_semaphore(%arg14 : memref<!tpu.dma_semaphore, #tpu.memory_space<semaphore_mem>>)
    %add3A_21 = arith.constant 128 : i32
    %add3A_22 = arith.addi %mul3A_2, %add3A_21 : i32
    %dma_start3A_23 = tpu.memref_slice %arg4[%add3A_22] : memref<647168xi32, #tpu.memory_space<hbm>> -> memref<128xi32, #tpu.memory_space<hbm>>
    %dma_start3A_24 = tpu.memref_slice %arg4[%add3A_22] : memref<647168xi32, #tpu.memory_space<hbm>> -> memref<128xi32, #tpu.memory_space<hbm>>
    tpu.enqueue_dma source(%dma_start3A_24 : memref<128xi32, #tpu.memory_space<hbm>>) target(%arg9 : memref<128xi32, #tpu.memory_space<vmem>>) target_semaphore(%arg16 : memref<!tpu.dma_semaphore, #tpu.memory_space<semaphore_mem>>)
    %dma_wait3A = tpu.memref_slice %arg3[%add3A_11] : memref<647168xi32, #tpu.memory_space<hbm>> -> memref<128xi32, #tpu.memory_space<hbm>>
    %dma_wait3A_25 = tpu.memref_slice %arg3[%add3A_11] : memref<647168xi32, #tpu.memory_space<hbm>> -> memref<128xi32, #tpu.memory_space<hbm>>
    tpu.wait_dma2 semaphore(%arg13 : memref<!tpu.dma_semaphore, #tpu.memory_space<semaphore_mem>>) src(%dma_wait3A_25 : memref<128xi32, #tpu.memory_space<hbm>>) dst(%arg6 : memref<128xi32, #tpu.memory_space<vmem>>)
    %dma_start3A_26 = arith.constant 0 : i32
    %dma_start3A_27 = arith.constant 0 : i32
    %dma_start3A_28 = tpu.memref_slice %arg2[%dma_start3A_26, %dma_start3A_27] : memref<20480x128xf32, #tpu.memory_space<hbm>> -> memref<20480x128xf32, #tpu.memory_space<hbm>>
    tpu.enqueue_indirect_dma source(%dma_start3A_28 : memref<20480x128xf32, #tpu.memory_space<hbm>>) target(%arg10 : memref<128x128xf32, #tpu.memory_space<vmem>>) offsets(%arg6 : memref<128xi32, #tpu.memory_space<vmem>>) semaphore(%arg17 : memref<!tpu.dma_semaphore, #tpu.memory_space<semaphore_mem>>)
    %dma_wait3A_29 = tpu.memref_slice %arg3[%add3A_18] : memref<647168xi32, #tpu.memory_space<hbm>> -> memref<128xi32, #tpu.memory_space<hbm>>
    %dma_wait3A_30 = tpu.memref_slice %arg3[%add3A_18] : memref<647168xi32, #tpu.memory_space<hbm>> -> memref<128xi32, #tpu.memory_space<hbm>>
    tpu.wait_dma2 semaphore(%arg14 : memref<!tpu.dma_semaphore, #tpu.memory_space<semaphore_mem>>) src(%dma_wait3A_30 : memref<128xi32, #tpu.memory_space<hbm>>) dst(%arg7 : memref<128xi32, #tpu.memory_space<vmem>>)
    %dma_start3A_31 = arith.constant 0 : i32
    %dma_start3A_32 = arith.constant 0 : i32
    %dma_start3A_33 = tpu.memref_slice %arg2[%dma_start3A_31, %dma_start3A_32] : memref<20480x128xf32, #tpu.memory_space<hbm>> -> memref<20480x128xf32, #tpu.memory_space<hbm>>
    tpu.enqueue_indirect_dma source(%dma_start3A_33 : memref<20480x128xf32, #tpu.memory_space<hbm>>) target(%arg11 : memref<128x128xf32, #tpu.memory_space<vmem>>) offsets(%arg7 : memref<128xi32, #tpu.memory_space<vmem>>) semaphore(%arg18 : memref<!tpu.dma_semaphore, #tpu.memory_space<semaphore_mem>>)
    %scan3A = arith.constant 0 : i32
    %scan3A_34 = arith.constant 0 : i32
    %scan3A_35 = arith.constant 78 : i32
    %scan3A_36 = arith.addi %scan3A_34, %scan3A_35 : i32
    %scan3A_37 = arith.constant 1 : i32
    %scan3A_38 = scf.for %scan3A_70 = %scan3A_34 to %scan3A_36 step %scan3A_37 iter_args(%scan3A_71 = %scan3A) -> (i32)  : i32 {
      %mul3A_72 = arith.constant 2 : i32
      %mul3A_73 = arith.muli %mul3A_72, %scan3A_70 : i32
      %add3A_74 = arith.constant 0 : i32
      %add3A_75 = arith.addi %mul3A_73, %add3A_74 : i32
      %dma_wait3A_76 = arith.constant 0 : i32
      %dma_wait3A_77 = arith.constant 0 : i32
      %dma_wait3A_78 = tpu.memref_slice %arg2[%dma_wait3A_76, %dma_wait3A_77] : memref<20480x128xf32, #tpu.memory_space<hbm>> -> memref<20480x128xf32, #tpu.memory_space<hbm>>
      tpu.wait_indirect_dma semaphore(%arg17 : memref<!tpu.dma_semaphore, #tpu.memory_space<semaphore_mem>>) src(%dma_wait3A_78 : memref<20480x128xf32, #tpu.memory_space<hbm>>) dst(%arg10 : memref<128x128xf32, #tpu.memory_space<vmem>>)
      %dma_wait3A_79 = tpu.memref_slice %arg4[%add3A_14] : memref<647168xi32, #tpu.memory_space<hbm>> -> memref<128xi32, #tpu.memory_space<hbm>>
      %dma_wait3A_80 = tpu.memref_slice %arg4[%add3A_14] : memref<647168xi32, #tpu.memory_space<hbm>> -> memref<128xi32, #tpu.memory_space<hbm>>
      tpu.wait_dma2 semaphore(%arg15 : memref<!tpu.dma_semaphore, #tpu.memory_space<semaphore_mem>>) src(%dma_wait3A_80 : memref<128xi32, #tpu.memory_space<hbm>>) dst(%arg8 : memref<128xi32, #tpu.memory_space<vmem>>)
      %dma_start3A_81 = arith.constant 0 : i32
      %dma_start3A_82 = arith.constant 0 : i32
      %dma_start3A_83 = tpu.memref_slice %arg12[%dma_start3A_81, %dma_start3A_82] : memref<10240x128xf32, #tpu.memory_space<vmem_shared>> -> memref<10240x128xf32, #tpu.memory_space<vmem_shared>>
      tpu.enqueue_indirect_dma source(%arg10 : memref<128x128xf32, #tpu.memory_space<vmem>>) target(%dma_start3A_83 : memref<10240x128xf32, #tpu.memory_space<vmem_shared>>) offsets(%arg8 : memref<128xi32, #tpu.memory_space<vmem>>) semaphore(%arg19 : memref<!tpu.dma_semaphore, #tpu.memory_space<semaphore_mem>>) {add = true}
      %add3A_84 = arith.constant 2 : i32
      %add3A_85 = arith.addi %add3A_75, %add3A_84 : i32
      %mul3A_86 = arith.constant 128 : i32
      %mul3A_87 = arith.muli %add3A_85, %mul3A_86 : i32
      %add3A_88 = arith.addi %mul3A_2, %mul3A_87 : i32
      %dma_start3A_89 = tpu.memref_slice %arg3[%add3A_88] : memref<647168xi32, #tpu.memory_space<hbm>> -> memref<128xi32, #tpu.memory_space<hbm>>
      %dma_start3A_90 = tpu.memref_slice %arg3[%add3A_88] : memref<647168xi32, #tpu.memory_space<hbm>> -> memref<128xi32, #tpu.memory_space<hbm>>
      tpu.enqueue_dma source(%dma_start3A_90 : memref<128xi32, #tpu.memory_space<hbm>>) target(%arg6 : memref<128xi32, #tpu.memory_space<vmem>>) target_semaphore(%arg13 : memref<!tpu.dma_semaphore, #tpu.memory_space<semaphore_mem>>)
      %dma_wait3A_91 = arith.constant 0 : i32
      %dma_wait3A_92 = arith.constant 0 : i32
      %dma_wait3A_93 = tpu.memref_slice %arg12[%dma_wait3A_91, %dma_wait3A_92] : memref<10240x128xf32, #tpu.memory_space<vmem_shared>> -> memref<10240x128xf32, #tpu.memory_space<vmem_shared>>
      tpu.wait_indirect_dma semaphore(%arg19 : memref<!tpu.dma_semaphore, #tpu.memory_space<semaphore_mem>>) src(%arg10 : memref<128x128xf32, #tpu.memory_space<vmem>>) dst(%dma_wait3A_93 : memref<10240x128xf32, #tpu.memory_space<vmem_shared>>)
      %dma_start3A_94 = tpu.memref_slice %arg4[%add3A_88] : memref<647168xi32, #tpu.memory_space<hbm>> -> memref<128xi32, #tpu.memory_space<hbm>>
      %dma_start3A_95 = tpu.memref_slice %arg4[%add3A_88] : memref<647168xi32, #tpu.memory_space<hbm>> -> memref<128xi32, #tpu.memory_space<hbm>>
      tpu.enqueue_dma source(%dma_start3A_95 : memref<128xi32, #tpu.memory_space<hbm>>) target(%arg8 : memref<128xi32, #tpu.memory_space<vmem>>) target_semaphore(%arg15 : memref<!tpu.dma_semaphore, #tpu.memory_space<semaphore_mem>>)
      %dma_wait3A_96 = tpu.memref_slice %arg3[%add3A_11] : memref<647168xi32, #tpu.memory_space<hbm>> -> memref<128xi32, #tpu.memory_space<hbm>>
      %dma_wait3A_97 = tpu.memref_slice %arg3[%add3A_11] : memref<647168xi32, #tpu.memory_space<hbm>> -> memref<128xi32, #tpu.memory_space<hbm>>
      tpu.wait_dma2 semaphore(%arg13 : memref<!tpu.dma_semaphore, #tpu.memory_space<semaphore_mem>>) src(%dma_wait3A_97 : memref<128xi32, #tpu.memory_space<hbm>>) dst(%arg6 : memref<128xi32, #tpu.memory_space<vmem>>)
      %dma_start3A_98 = arith.constant 0 : i32
      %dma_start3A_99 = arith.constant 0 : i32
      %dma_start3A_100 = tpu.memref_slice %arg2[%dma_start3A_98, %dma_start3A_99] : memref<20480x128xf32, #tpu.memory_space<hbm>> -> memref<20480x128xf32, #tpu.memory_space<hbm>>
      tpu.enqueue_indirect_dma source(%dma_start3A_100 : memref<20480x128xf32, #tpu.memory_space<hbm>>) target(%arg10 : memref<128x128xf32, #tpu.memory_space<vmem>>) offsets(%arg6 : memref<128xi32, #tpu.memory_space<vmem>>) semaphore(%arg17 : memref<!tpu.dma_semaphore, #tpu.memory_space<semaphore_mem>>)
      %mul3A_101 = arith.constant 2 : i32
      %mul3A_102 = arith.muli %mul3A_101, %scan3A_70 : i32
      %add3A_103 = arith.constant 1 : i32
      %add3A_104 = arith.addi %mul3A_102, %add3A_103 : i32
      %dma_wait3A_105 = arith.constant 0 : i32
      %dma_wait3A_106 = arith.constant 0 : i32
      %dma_wait3A_107 = tpu.memref_slice %arg2[%dma_wait3A_105, %dma_wait3A_106] : memref<20480x128xf32, #tpu.memory_space<hbm>> -> memref<20480x128xf32, #tpu.memory_space<hbm>>
      tpu.wait_indirect_dma semaphore(%arg18 : memref<!tpu.dma_semaphore, #tpu.memory_space<semaphore_mem>>) src(%dma_wait3A_107 : memref<20480x128xf32, #tpu.memory_space<hbm>>) dst(%arg11 : memref<128x128xf32, #tpu.memory_space<vmem>>)
      %dma_wait3A_108 = tpu.memref_slice %arg4[%add3A_22] : memref<647168xi32, #tpu.memory_space<hbm>> -> memref<128xi32, #tpu.memory_space<hbm>>
      %dma_wait3A_109 = tpu.memref_slice %arg4[%add3A_22] : memref<647168xi32, #tpu.memory_space<hbm>> -> memref<128xi32, #tpu.memory_space<hbm>>
      tpu.wait_dma2 semaphore(%arg16 : memref<!tpu.dma_semaphore, #tpu.memory_space<semaphore_mem>>) src(%dma_wait3A_109 : memref<128xi32, #tpu.memory_space<hbm>>) dst(%arg9 : memref<128xi32, #tpu.memory_space<vmem>>)
      %dma_start3A_110 = arith.constant 0 : i32
      %dma_start3A_111 = arith.constant 0 : i32
      %dma_start3A_112 = tpu.memref_slice %arg12[%dma_start3A_110, %dma_start3A_111] : memref<10240x128xf32, #tpu.memory_space<vmem_shared>> -> memref<10240x128xf32, #tpu.memory_space<vmem_shared>>
      tpu.enqueue_indirect_dma source(%arg11 : memref<128x128xf32, #tpu.memory_space<vmem>>) target(%dma_start3A_112 : memref<10240x128xf32, #tpu.memory_space<vmem_shared>>) offsets(%arg9 : memref<128xi32, #tpu.memory_space<vmem>>) semaphore(%arg20 : memref<!tpu.dma_semaphore, #tpu.memory_space<semaphore_mem>>) {add = true}
      %add3A_113 = arith.constant 2 : i32
      %add3A_114 = arith.addi %add3A_104, %add3A_113 : i32
      %mul3A_115 = arith.constant 128 : i32
      %mul3A_116 = arith.muli %add3A_114, %mul3A_115 : i32
      %add3A_117 = arith.addi %mul3A_2, %mul3A_116 : i32
      %dma_start3A_118 = tpu.memref_slice %arg3[%add3A_117] : memref<647168xi32, #tpu.memory_space<hbm>> -> memref<128xi32, #tpu.memory_space<hbm>>
      %dma_start3A_119 = tpu.memref_slice %arg3[%add3A_117] : memref<647168xi32, #tpu.memory_space<hbm>> -> memref<128xi32, #tpu.memory_space<hbm>>
      tpu.enqueue_dma source(%dma_start3A_119 : memref<128xi32, #tpu.memory_space<hbm>>) target(%arg7 : memref<128xi32, #tpu.memory_space<vmem>>) target_semaphore(%arg14 : memref<!tpu.dma_semaphore, #tpu.memory_space<semaphore_mem>>)
      %dma_wait3A_120 = arith.constant 0 : i32
      %dma_wait3A_121 = arith.constant 0 : i32
      %dma_wait3A_122 = tpu.memref_slice %arg12[%dma_wait3A_120, %dma_wait3A_121] : memref<10240x128xf32, #tpu.memory_space<vmem_shared>> -> memref<10240x128xf32, #tpu.memory_space<vmem_shared>>
      tpu.wait_indirect_dma semaphore(%arg20 : memref<!tpu.dma_semaphore, #tpu.memory_space<semaphore_mem>>) src(%arg11 : memref<128x128xf32, #tpu.memory_space<vmem>>) dst(%dma_wait3A_122 : memref<10240x128xf32, #tpu.memory_space<vmem_shared>>)
      %dma_start3A_123 = tpu.memref_slice %arg4[%add3A_117] : memref<647168xi32, #tpu.memory_space<hbm>> -> memref<128xi32, #tpu.memory_space<hbm>>
      %dma_start3A_124 = tpu.memref_slice %arg4[%add3A_117] : memref<647168xi32, #tpu.memory_space<hbm>> -> memref<128xi32, #tpu.memory_space<hbm>>
      tpu.enqueue_dma source(%dma_start3A_124 : memref<128xi32, #tpu.memory_space<hbm>>) target(%arg9 : memref<128xi32, #tpu.memory_space<vmem>>) target_semaphore(%arg16 : memref<!tpu.dma_semaphore, #tpu.memory_space<semaphore_mem>>)
      %dma_wait3A_125 = tpu.memref_slice %arg3[%add3A_18] : memref<647168xi32, #tpu.memory_space<hbm>> -> memref<128xi32, #tpu.memory_space<hbm>>
      %dma_wait3A_126 = tpu.memref_slice %arg3[%add3A_18] : memref<647168xi32, #tpu.memory_space<hbm>> -> memref<128xi32, #tpu.memory_space<hbm>>
      tpu.wait_dma2 semaphore(%arg14 : memref<!tpu.dma_semaphore, #tpu.memory_space<semaphore_mem>>) src(%dma_wait3A_126 : memref<128xi32, #tpu.memory_space<hbm>>) dst(%arg7 : memref<128xi32, #tpu.memory_space<vmem>>)
      %dma_start3A_127 = arith.constant 0 : i32
      %dma_start3A_128 = arith.constant 0 : i32
      %dma_start3A_129 = tpu.memref_slice %arg2[%dma_start3A_127, %dma_start3A_128] : memref<20480x128xf32, #tpu.memory_space<hbm>> -> memref<20480x128xf32, #tpu.memory_space<hbm>>
      tpu.enqueue_indirect_dma source(%dma_start3A_129 : memref<20480x128xf32, #tpu.memory_space<hbm>>) target(%arg11 : memref<128x128xf32, #tpu.memory_space<vmem>>) offsets(%arg7 : memref<128xi32, #tpu.memory_space<vmem>>) semaphore(%arg18 : memref<!tpu.dma_semaphore, #tpu.memory_space<semaphore_mem>>)
      %scan3A_130 = arith.constant 0 : i32
      scf.yield %scan3A_130 : i32
    }
    %scan3A_39 = arith.constant 78 : i32
    %dma_wait3A_40 = arith.constant 0 : i32
    %dma_wait3A_41 = arith.constant 0 : i32
    %dma_wait3A_42 = tpu.memref_slice %arg2[%dma_wait3A_40, %dma_wait3A_41] : memref<20480x128xf32, #tpu.memory_space<hbm>> -> memref<20480x128xf32, #tpu.memory_space<hbm>>
    tpu.wait_indirect_dma semaphore(%arg17 : memref<!tpu.dma_semaphore, #tpu.memory_space<semaphore_mem>>) src(%dma_wait3A_42 : memref<20480x128xf32, #tpu.memory_space<hbm>>) dst(%arg10 : memref<128x128xf32, #tpu.memory_space<vmem>>)
    %dma_wait3A_43 = tpu.memref_slice %arg4[%add3A_14] : memref<647168xi32, #tpu.memory_space<hbm>> -> memref<128xi32, #tpu.memory_space<hbm>>
    %dma_wait3A_44 = tpu.memref_slice %arg4[%add3A_14] : memref<647168xi32, #tpu.memory_space<hbm>> -> memref<128xi32, #tpu.memory_space<hbm>>
    tpu.wait_dma2 semaphore(%arg15 : memref<!tpu.dma_semaphore, #tpu.memory_space<semaphore_mem>>) src(%dma_wait3A_44 : memref<128xi32, #tpu.memory_space<hbm>>) dst(%arg8 : memref<128xi32, #tpu.memory_space<vmem>>)
    %dma_start3A_45 = arith.constant 0 : i32
    %dma_start3A_46 = arith.constant 0 : i32
    %dma_start3A_47 = tpu.memref_slice %arg12[%dma_start3A_45, %dma_start3A_46] : memref<10240x128xf32, #tpu.memory_space<vmem_shared>> -> memref<10240x128xf32, #tpu.memory_space<vmem_shared>>
    tpu.enqueue_indirect_dma source(%arg10 : memref<128x128xf32, #tpu.memory_space<vmem>>) target(%dma_start3A_47 : memref<10240x128xf32, #tpu.memory_space<vmem_shared>>) offsets(%arg8 : memref<128xi32, #tpu.memory_space<vmem>>) semaphore(%arg19 : memref<!tpu.dma_semaphore, #tpu.memory_space<semaphore_mem>>) {add = true}
    %dma_wait3A_48 = arith.constant 0 : i32
    %dma_wait3A_49 = arith.constant 0 : i32
    %dma_wait3A_50 = tpu.memref_slice %arg12[%dma_wait3A_48, %dma_wait3A_49] : memref<10240x128xf32, #tpu.memory_space<vmem_shared>> -> memref<10240x128xf32, #tpu.memory_space<vmem_shared>>
    tpu.wait_indirect_dma semaphore(%arg19 : memref<!tpu.dma_semaphore, #tpu.memory_space<semaphore_mem>>) src(%arg10 : memref<128x128xf32, #tpu.memory_space<vmem>>) dst(%dma_wait3A_50 : memref<10240x128xf32, #tpu.memory_space<vmem_shared>>)
    %dma_wait3A_51 = arith.constant 0 : i32
    %dma_wait3A_52 = arith.constant 0 : i32
    %dma_wait3A_53 = tpu.memref_slice %arg2[%dma_wait3A_51, %dma_wait3A_52] : memref<20480x128xf32, #tpu.memory_space<hbm>> -> memref<20480x128xf32, #tpu.memory_space<hbm>>
    tpu.wait_indirect_dma semaphore(%arg18 : memref<!tpu.dma_semaphore, #tpu.memory_space<semaphore_mem>>) src(%dma_wait3A_53 : memref<20480x128xf32, #tpu.memory_space<hbm>>) dst(%arg11 : memref<128x128xf32, #tpu.memory_space<vmem>>)
    %dma_wait3A_54 = tpu.memref_slice %arg4[%add3A_22] : memref<647168xi32, #tpu.memory_space<hbm>> -> memref<128xi32, #tpu.memory_space<hbm>>
    %dma_wait3A_55 = tpu.memref_slice %arg4[%add3A_22] : memref<647168xi32, #tpu.memory_space<hbm>> -> memref<128xi32, #tpu.memory_space<hbm>>
    tpu.wait_dma2 semaphore(%arg16 : memref<!tpu.dma_semaphore, #tpu.memory_space<semaphore_mem>>) src(%dma_wait3A_55 : memref<128xi32, #tpu.memory_space<hbm>>) dst(%arg9 : memref<128xi32, #tpu.memory_space<vmem>>)
    %dma_start3A_56 = arith.constant 0 : i32
    %dma_start3A_57 = arith.constant 0 : i32
    %dma_start3A_58 = tpu.memref_slice %arg12[%dma_start3A_56, %dma_start3A_57] : memref<10240x128xf32, #tpu.memory_space<vmem_shared>> -> memref<10240x128xf32, #tpu.memory_space<vmem_shared>>
    tpu.enqueue_indirect_dma source(%arg11 : memref<128x128xf32, #tpu.memory_space<vmem>>) target(%dma_start3A_58 : memref<10240x128xf32, #tpu.memory_space<vmem_shared>>) offsets(%arg9 : memref<128xi32, #tpu.memory_space<vmem>>) semaphore(%arg20 : memref<!tpu.dma_semaphore, #tpu.memory_space<semaphore_mem>>) {add = true}
    %dma_wait3A_59 = arith.constant 0 : i32
    %dma_wait3A_60 = arith.constant 0 : i32
    %dma_wait3A_61 = tpu.memref_slice %arg12[%dma_wait3A_59, %dma_wait3A_60] : memref<10240x128xf32, #tpu.memory_space<vmem_shared>> -> memref<10240x128xf32, #tpu.memory_space<vmem_shared>>
    tpu.wait_indirect_dma semaphore(%arg20 : memref<!tpu.dma_semaphore, #tpu.memory_space<semaphore_mem>>) src(%arg11 : memref<128x128xf32, #tpu.memory_space<vmem>>) dst(%dma_wait3A_61 : memref<10240x128xf32, #tpu.memory_space<vmem_shared>>)
    %barrier3A_62 = arith.constant 0 : index
    tpu.barrier barrier_id(%barrier3A_62)
    %mul3A_63 = arith.constant 640 : i32
    %mul3A_64 = arith.muli %arg1, %mul3A_63 : i32
    %mul3A_65 = arith.constant 10240 : i32
    %mul3A_66 = arith.muli %arg0, %mul3A_65 : i32
    %mul3A_67 = arith.constant 640 : i32
    %mul3A_68 = arith.muli %arg1, %mul3A_67 : i32
    %add3A_69 = arith.addi %mul3A_66, %mul3A_68 : i32
    "tpu.region"() ({
      %run_scoped3A = tpu.sem_alloc : memref<!tpu.dma_semaphore, #tpu.memory_space<semaphore_mem>>
      %dma_start3A_70 = arith.constant 0 : i32
      %dma_start3A_71 = tpu.memref_slice %arg5[%add3A_69, %dma_start3A_70] : memref<20480x128xf32, #tpu.memory_space<hbm>> -> memref<640x128xf32, #tpu.memory_space<hbm>>
      %dma_start3A_72 = arith.constant 0 : i32
      %dma_start3A_73 = tpu.memref_slice %arg12[%mul3A_64, %dma_start3A_72] : memref<10240x128xf32, #tpu.memory_space<vmem_shared>> -> memref<640x128xf32, #tpu.memory_space<vmem_shared>>
      tpu.enqueue_dma source(%dma_start3A_73 : memref<640x128xf32, #tpu.memory_space<vmem_shared>>) target(%dma_start3A_71 : memref<640x128xf32, #tpu.memory_space<hbm>>) target_semaphore(%run_scoped3A : memref<!tpu.dma_semaphore, #tpu.memory_space<semaphore_mem>>)
      %dma_wait3A_74 = arith.constant 0 : i32
      %dma_wait3A_75 = tpu.memref_slice %arg5[%add3A_69, %dma_wait3A_74] : memref<20480x128xf32, #tpu.memory_space<hbm>> -> memref<640x128xf32, #tpu.memory_space<hbm>>
      %dma_wait3A_76 = arith.constant 0 : i32
      %dma_wait3A_77 = tpu.memref_slice %arg12[%mul3A_64, %dma_wait3A_76] : memref<10240x128xf32, #tpu.memory_space<vmem_shared>> -> memref<640x128xf32, #tpu.memory_space<vmem_shared>>
      tpu.wait_dma2 semaphore(%run_scoped3A : memref<!tpu.dma_semaphore, #tpu.memory_space<semaphore_mem>>) src(%dma_wait3A_77 : memref<640x128xf32, #tpu.memory_space<vmem_shared>>) dst(%dma_wait3A_75 : memref<640x128xf32, #tpu.memory_space<hbm>>)
      tpu.yield
    }) : () -> ()
    return
  }
}

#map = affine_map<(d0, d1) -> (0)>
module attributes {stable_mosaic.version = 14 : i64} {
  func.func @_prep_body(%arg0: i32, %arg1: i32, %arg2: memref<640000xi32, #tpu.memory_space<hbm>>, %arg3: memref<647168xi32, #tpu.memory_space<hbm>>, %arg4: memref<647168xi32, #tpu.memory_space<hbm>>, %arg5: memref<20480xf32, #tpu.memory_space<hbm>>, %arg6: memref<20224xi32, #tpu.memory_space<vmem>>, %arg7: memref<20224xi32, #tpu.memory_space<vmem>>, %arg8: memref<10240xf32, #tpu.memory_space<vmem>>, %arg9: memref<640xf32, #tpu.memory_space<vmem>>, %arg10: memref<640xf32, #tpu.memory_space<vmem>>, %arg11: memref<163840xf32, #tpu.memory_space<vmem_shared>>) attributes {dimension_semantics = [#tpu.dimension_semantics<core_parallel>, #tpu.dimension_semantics<subcore_parallel>], iteration_bounds = array<i64: 2, 16>, scalar_prefetch = 0 : i64, scratch_operands = 6 : i64, tpu.core_type = #tpu.core_type<sc_vector_subcore>, window_params = [{transform_indices = #map}, {transform_indices = #map}, {transform_indices = #map}, {transform_indices = #map}]} {
    %mul3A = arith.constant 20000 : i32
    %mul3A_0 = arith.muli %arg1, %mul3A : i32
    %mul3A_1 = arith.constant 16 : i32
    %mul3A_2 = arith.muli %arg0, %mul3A_1 : i32
    %add3A = arith.addi %mul3A_2, %arg1 : i32
    %mul3A_3 = arith.constant 20224 : i32
    %mul3A_4 = arith.muli %add3A, %mul3A_3 : i32
    "tpu.region"() ({
      %run_scoped3A = tpu.sem_alloc : memref<!tpu.dma_semaphore, #tpu.memory_space<semaphore_mem>>
      %dma_start3A = arith.constant 0 : i32
      %dma_start3A_187 = tpu.memref_slice %arg6[%dma_start3A] : memref<20224xi32, #tpu.memory_space<vmem>> -> memref<20000xi32, #tpu.memory_space<vmem>>
      %dma_start3A_188 = tpu.memref_slice %arg2[%mul3A_0] : memref<640000xi32, #tpu.memory_space<hbm>> -> memref<20000xi32, #tpu.memory_space<hbm>>
      %dma_start3A_189 = arith.constant 0 : i32
      %dma_start3A_190 = tpu.memref_slice %arg6[%dma_start3A_189] : memref<20224xi32, #tpu.memory_space<vmem>> -> memref<20000xi32, #tpu.memory_space<vmem>>
      %dma_start3A_191 = tpu.memref_slice %arg2[%mul3A_0] : memref<640000xi32, #tpu.memory_space<hbm>> -> memref<20000xi32, #tpu.memory_space<hbm>>
      tpu.enqueue_dma source(%dma_start3A_191 : memref<20000xi32, #tpu.memory_space<hbm>>) target(%dma_start3A_190 : memref<20000xi32, #tpu.memory_space<vmem>>) target_semaphore(%run_scoped3A : memref<!tpu.dma_semaphore, #tpu.memory_space<semaphore_mem>>)
      %dma_wait3A = arith.constant 0 : i32
      %dma_wait3A_192 = tpu.memref_slice %arg6[%dma_wait3A] : memref<20224xi32, #tpu.memory_space<vmem>> -> memref<20000xi32, #tpu.memory_space<vmem>>
      %dma_wait3A_193 = tpu.memref_slice %arg2[%mul3A_0] : memref<640000xi32, #tpu.memory_space<hbm>> -> memref<20000xi32, #tpu.memory_space<hbm>>
      %dma_wait3A_194 = arith.constant 0 : i32
      %dma_wait3A_195 = tpu.memref_slice %arg6[%dma_wait3A_194] : memref<20224xi32, #tpu.memory_space<vmem>> -> memref<20000xi32, #tpu.memory_space<vmem>>
      %dma_wait3A_196 = tpu.memref_slice %arg2[%mul3A_0] : memref<640000xi32, #tpu.memory_space<hbm>> -> memref<20000xi32, #tpu.memory_space<hbm>>
      tpu.wait_dma2 semaphore(%run_scoped3A : memref<!tpu.dma_semaphore, #tpu.memory_space<semaphore_mem>>) src(%dma_wait3A_196 : memref<20000xi32, #tpu.memory_space<hbm>>) dst(%dma_wait3A_195 : memref<20000xi32, #tpu.memory_space<vmem>>)
      tpu.yield
    }) : () -> ()
    %add3A_5 = arith.constant 320000 : i32
    %add3A_6 = arith.addi %add3A_5, %mul3A_0 : i32
    "tpu.region"() ({
      %run_scoped3A = tpu.sem_alloc : memref<!tpu.dma_semaphore, #tpu.memory_space<semaphore_mem>>
      %dma_start3A = arith.constant 0 : i32
      %dma_start3A_187 = tpu.memref_slice %arg7[%dma_start3A] : memref<20224xi32, #tpu.memory_space<vmem>> -> memref<20000xi32, #tpu.memory_space<vmem>>
      %dma_start3A_188 = tpu.memref_slice %arg2[%add3A_6] : memref<640000xi32, #tpu.memory_space<hbm>> -> memref<20000xi32, #tpu.memory_space<hbm>>
      %dma_start3A_189 = arith.constant 0 : i32
      %dma_start3A_190 = tpu.memref_slice %arg7[%dma_start3A_189] : memref<20224xi32, #tpu.memory_space<vmem>> -> memref<20000xi32, #tpu.memory_space<vmem>>
      %dma_start3A_191 = tpu.memref_slice %arg2[%add3A_6] : memref<640000xi32, #tpu.memory_space<hbm>> -> memref<20000xi32, #tpu.memory_space<hbm>>
      tpu.enqueue_dma source(%dma_start3A_191 : memref<20000xi32, #tpu.memory_space<hbm>>) target(%dma_start3A_190 : memref<20000xi32, #tpu.memory_space<vmem>>) target_semaphore(%run_scoped3A : memref<!tpu.dma_semaphore, #tpu.memory_space<semaphore_mem>>)
      %dma_wait3A = arith.constant 0 : i32
      %dma_wait3A_192 = tpu.memref_slice %arg7[%dma_wait3A] : memref<20224xi32, #tpu.memory_space<vmem>> -> memref<20000xi32, #tpu.memory_space<vmem>>
      %dma_wait3A_193 = tpu.memref_slice %arg2[%add3A_6] : memref<640000xi32, #tpu.memory_space<hbm>> -> memref<20000xi32, #tpu.memory_space<hbm>>
      %dma_wait3A_194 = arith.constant 0 : i32
      %dma_wait3A_195 = tpu.memref_slice %arg7[%dma_wait3A_194] : memref<20224xi32, #tpu.memory_space<vmem>> -> memref<20000xi32, #tpu.memory_space<vmem>>
      %dma_wait3A_196 = tpu.memref_slice %arg2[%add3A_6] : memref<640000xi32, #tpu.memory_space<hbm>> -> memref<20000xi32, #tpu.memory_space<hbm>>
      tpu.wait_dma2 semaphore(%run_scoped3A : memref<!tpu.dma_semaphore, #tpu.memory_space<semaphore_mem>>) src(%dma_wait3A_196 : memref<20000xi32, #tpu.memory_space<hbm>>) dst(%dma_wait3A_195 : memref<20000xi32, #tpu.memory_space<vmem>>)
      tpu.yield
    }) : () -> ()
    %broadcast_in_dim3A = arith.constant 10000 : i32
    %broadcast_in_dim3A_7 = vector.broadcast %broadcast_in_dim3A : i32 to vector<16xi32>
    %swap3A = arith.constant 20000 : index
    %swap3A_8 = tpu.vector_load %arg6[%swap3A] {strides = array<i32>} : memref<20224xi32, #tpu.memory_space<vmem>>, vector<16xi32>,
    tpu.vector_store %arg6[%swap3A], %broadcast_in_dim3A_7 {strides = array<i32>} : memref<20224xi32, #tpu.memory_space<vmem>>, vector<16xi32>,
    %swap3A_9 = arith.constant 20000 : index
    %swap3A_10 = tpu.vector_load %arg7[%swap3A_9] {strides = array<i32>} : memref<20224xi32, #tpu.memory_space<vmem>>, vector<16xi32>,
    tpu.vector_store %arg7[%swap3A_9], %broadcast_in_dim3A_7 {strides = array<i32>} : memref<20224xi32, #tpu.memory_space<vmem>>, vector<16xi32>,
    %swap3A_11 = arith.constant 20016 : index
    %swap3A_12 = tpu.vector_load %arg6[%swap3A_11] {strides = array<i32>} : memref<20224xi32, #tpu.memory_space<vmem>>, vector<16xi32>,
    tpu.vector_store %arg6[%swap3A_11], %broadcast_in_dim3A_7 {strides = array<i32>} : memref<20224xi32, #tpu.memory_space<vmem>>, vector<16xi32>,
    %swap3A_13 = arith.constant 20016 : index
    %swap3A_14 = tpu.vector_load %arg7[%swap3A_13] {strides = array<i32>} : memref<20224xi32, #tpu.memory_space<vmem>>, vector<16xi32>,
    tpu.vector_store %arg7[%swap3A_13], %broadcast_in_dim3A_7 {strides = array<i32>} : memref<20224xi32, #tpu.memory_space<vmem>>, vector<16xi32>,
    %swap3A_15 = arith.constant 20032 : index
    %swap3A_16 = tpu.vector_load %arg6[%swap3A_15] {strides = array<i32>} : memref<20224xi32, #tpu.memory_space<vmem>>, vector<16xi32>,
    tpu.vector_store %arg6[%swap3A_15], %broadcast_in_dim3A_7 {strides = array<i32>} : memref<20224xi32, #tpu.memory_space<vmem>>, vector<16xi32>,
    %swap3A_17 = arith.constant 20032 : index
    %swap3A_18 = tpu.vector_load %arg7[%swap3A_17] {strides = array<i32>} : memref<20224xi32, #tpu.memory_space<vmem>>, vector<16xi32>,
    tpu.vector_store %arg7[%swap3A_17], %broadcast_in_dim3A_7 {strides = array<i32>} : memref<20224xi32, #tpu.memory_space<vmem>>, vector<16xi32>,
    %swap3A_19 = arith.constant 20048 : index
    %swap3A_20 = tpu.vector_load %arg6[%swap3A_19] {strides = array<i32>} : memref<20224xi32, #tpu.memory_space<vmem>>, vector<16xi32>,
    tpu.vector_store %arg6[%swap3A_19], %broadcast_in_dim3A_7 {strides = array<i32>} : memref<20224xi32, #tpu.memory_space<vmem>>, vector<16xi32>,
    %swap3A_21 = arith.constant 20048 : index
    %swap3A_22 = tpu.vector_load %arg7[%swap3A_21] {strides = array<i32>} : memref<20224xi32, #tpu.memory_space<vmem>>, vector<16xi32>,
    tpu.vector_store %arg7[%swap3A_21], %broadcast_in_dim3A_7 {strides = array<i32>} : memref<20224xi32, #tpu.memory_space<vmem>>, vector<16xi32>,
    %swap3A_23 = arith.constant 20064 : index
    %swap3A_24 = tpu.vector_load %arg6[%swap3A_23] {strides = array<i32>} : memref<20224xi32, #tpu.memory_space<vmem>>, vector<16xi32>,
    tpu.vector_store %arg6[%swap3A_23], %broadcast_in_dim3A_7 {strides = array<i32>} : memref<20224xi32, #tpu.memory_space<vmem>>, vector<16xi32>,
    %swap3A_25 = arith.constant 20064 : index
    %swap3A_26 = tpu.vector_load %arg7[%swap3A_25] {strides = array<i32>} : memref<20224xi32, #tpu.memory_space<vmem>>, vector<16xi32>,
    tpu.vector_store %arg7[%swap3A_25], %broadcast_in_dim3A_7 {strides = array<i32>} : memref<20224xi32, #tpu.memory_space<vmem>>, vector<16xi32>,
    %swap3A_27 = arith.constant 20080 : index
    %swap3A_28 = tpu.vector_load %arg6[%swap3A_27] {strides = array<i32>} : memref<20224xi32, #tpu.memory_space<vmem>>, vector<16xi32>,
    tpu.vector_store %arg6[%swap3A_27], %broadcast_in_dim3A_7 {strides = array<i32>} : memref<20224xi32, #tpu.memory_space<vmem>>, vector<16xi32>,
    %swap3A_29 = arith.constant 20080 : index
    %swap3A_30 = tpu.vector_load %arg7[%swap3A_29] {strides = array<i32>} : memref<20224xi32, #tpu.memory_space<vmem>>, vector<16xi32>,
    tpu.vector_store %arg7[%swap3A_29], %broadcast_in_dim3A_7 {strides = array<i32>} : memref<20224xi32, #tpu.memory_space<vmem>>, vector<16xi32>,
    %swap3A_31 = arith.constant 20096 : index
    %swap3A_32 = tpu.vector_load %arg6[%swap3A_31] {strides = array<i32>} : memref<20224xi32, #tpu.memory_space<vmem>>, vector<16xi32>,
    tpu.vector_store %arg6[%swap3A_31], %broadcast_in_dim3A_7 {strides = array<i32>} : memref<20224xi32, #tpu.memory_space<vmem>>, vector<16xi32>,
    %swap3A_33 = arith.constant 20096 : index
    %swap3A_34 = tpu.vector_load %arg7[%swap3A_33] {strides = array<i32>} : memref<20224xi32, #tpu.memory_space<vmem>>, vector<16xi32>,
    tpu.vector_store %arg7[%swap3A_33], %broadcast_in_dim3A_7 {strides = array<i32>} : memref<20224xi32, #tpu.memory_space<vmem>>, vector<16xi32>,
    %swap3A_35 = arith.constant 20112 : index
    %swap3A_36 = tpu.vector_load %arg6[%swap3A_35] {strides = array<i32>} : memref<20224xi32, #tpu.memory_space<vmem>>, vector<16xi32>,
    tpu.vector_store %arg6[%swap3A_35], %broadcast_in_dim3A_7 {strides = array<i32>} : memref<20224xi32, #tpu.memory_space<vmem>>, vector<16xi32>,
    %swap3A_37 = arith.constant 20112 : index
    %swap3A_38 = tpu.vector_load %arg7[%swap3A_37] {strides = array<i32>} : memref<20224xi32, #tpu.memory_space<vmem>>, vector<16xi32>,
    tpu.vector_store %arg7[%swap3A_37], %broadcast_in_dim3A_7 {strides = array<i32>} : memref<20224xi32, #tpu.memory_space<vmem>>, vector<16xi32>,
    %swap3A_39 = arith.constant 20128 : index
    %swap3A_40 = tpu.vector_load %arg6[%swap3A_39] {strides = array<i32>} : memref<20224xi32, #tpu.memory_space<vmem>>, vector<16xi32>,
    tpu.vector_store %arg6[%swap3A_39], %broadcast_in_dim3A_7 {strides = array<i32>} : memref<20224xi32, #tpu.memory_space<vmem>>, vector<16xi32>,
    %swap3A_41 = arith.constant 20128 : index
    %swap3A_42 = tpu.vector_load %arg7[%swap3A_41] {strides = array<i32>} : memref<20224xi32, #tpu.memory_space<vmem>>, vector<16xi32>,
    tpu.vector_store %arg7[%swap3A_41], %broadcast_in_dim3A_7 {strides = array<i32>} : memref<20224xi32, #tpu.memory_space<vmem>>, vector<16xi32>,
    %swap3A_43 = arith.constant 20144 : index
    %swap3A_44 = tpu.vector_load %arg6[%swap3A_43] {strides = array<i32>} : memref<20224xi32, #tpu.memory_space<vmem>>, vector<16xi32>,
    tpu.vector_store %arg6[%swap3A_43], %broadcast_in_dim3A_7 {strides = array<i32>} : memref<20224xi32, #tpu.memory_space<vmem>>, vector<16xi32>,
    %swap3A_45 = arith.constant 20144 : index
    %swap3A_46 = tpu.vector_load %arg7[%swap3A_45] {strides = array<i32>} : memref<20224xi32, #tpu.memory_space<vmem>>, vector<16xi32>,
    tpu.vector_store %arg7[%swap3A_45], %broadcast_in_dim3A_7 {strides = array<i32>} : memref<20224xi32, #tpu.memory_space<vmem>>, vector<16xi32>,
    %swap3A_47 = arith.constant 20160 : index
    %swap3A_48 = tpu.vector_load %arg6[%swap3A_47] {strides = array<i32>} : memref<20224xi32, #tpu.memory_space<vmem>>, vector<16xi32>,
    tpu.vector_store %arg6[%swap3A_47], %broadcast_in_dim3A_7 {strides = array<i32>} : memref<20224xi32, #tpu.memory_space<vmem>>, vector<16xi32>,
    %swap3A_49 = arith.constant 20160 : index
    %swap3A_50 = tpu.vector_load %arg7[%swap3A_49] {strides = array<i32>} : memref<20224xi32, #tpu.memory_space<vmem>>, vector<16xi32>,
    tpu.vector_store %arg7[%swap3A_49], %broadcast_in_dim3A_7 {strides = array<i32>} : memref<20224xi32, #tpu.memory_space<vmem>>, vector<16xi32>,
    %swap3A_51 = arith.constant 20176 : index
    %swap3A_52 = tpu.vector_load %arg6[%swap3A_51] {strides = array<i32>} : memref<20224xi32, #tpu.memory_space<vmem>>, vector<16xi32>,
    tpu.vector_store %arg6[%swap3A_51], %broadcast_in_dim3A_7 {strides = array<i32>} : memref<20224xi32, #tpu.memory_space<vmem>>, vector<16xi32>,
    %swap3A_53 = arith.constant 20176 : index
    %swap3A_54 = tpu.vector_load %arg7[%swap3A_53] {strides = array<i32>} : memref<20224xi32, #tpu.memory_space<vmem>>, vector<16xi32>,
    tpu.vector_store %arg7[%swap3A_53], %broadcast_in_dim3A_7 {strides = array<i32>} : memref<20224xi32, #tpu.memory_space<vmem>>, vector<16xi32>,
    %swap3A_55 = arith.constant 20192 : index
    %swap3A_56 = tpu.vector_load %arg6[%swap3A_55] {strides = array<i32>} : memref<20224xi32, #tpu.memory_space<vmem>>, vector<16xi32>,
    tpu.vector_store %arg6[%swap3A_55], %broadcast_in_dim3A_7 {strides = array<i32>} : memref<20224xi32, #tpu.memory_space<vmem>>, vector<16xi32>,
    %swap3A_57 = arith.constant 20192 : index
    %swap3A_58 = tpu.vector_load %arg7[%swap3A_57] {strides = array<i32>} : memref<20224xi32, #tpu.memory_space<vmem>>, vector<16xi32>,
    tpu.vector_store %arg7[%swap3A_57], %broadcast_in_dim3A_7 {strides = array<i32>} : memref<20224xi32, #tpu.memory_space<vmem>>, vector<16xi32>,
    %swap3A_59 = arith.constant 20208 : index
    %swap3A_60 = tpu.vector_load %arg6[%swap3A_59] {strides = array<i32>} : memref<20224xi32, #tpu.memory_space<vmem>>, vector<16xi32>,
    tpu.vector_store %arg6[%swap3A_59], %broadcast_in_dim3A_7 {strides = array<i32>} : memref<20224xi32, #tpu.memory_space<vmem>>, vector<16xi32>,
    %swap3A_61 = arith.constant 20208 : index
    %swap3A_62 = tpu.vector_load %arg7[%swap3A_61] {strides = array<i32>} : memref<20224xi32, #tpu.memory_space<vmem>>, vector<16xi32>,
    tpu.vector_store %arg7[%swap3A_61], %broadcast_in_dim3A_7 {strides = array<i32>} : memref<20224xi32, #tpu.memory_space<vmem>>, vector<16xi32>,
    %broadcast_in_dim3A_63 = arith.constant 0.000000e+00 : f32
    %broadcast_in_dim3A_64 = vector.broadcast %broadcast_in_dim3A_63 : f32 to vector<16xf32>
    %broadcast_in_dim3A_65 = arith.constant 1.000000e+00 : f32
    %broadcast_in_dim3A_66 = vector.broadcast %broadcast_in_dim3A_65 : f32 to vector<16xf32>
    %scan3A = arith.constant 0 : i32
    %scan3A_67 = arith.constant 0 : i32
    %scan3A_68 = arith.constant 640 : i32
    %scan3A_69 = arith.addi %scan3A_67, %scan3A_68 : i32
    %scan3A_70 = arith.constant 1 : i32
    %scan3A_71 = scf.for %scan3A_187 = %scan3A_67 to %scan3A_69 step %scan3A_70 iter_args(%scan3A_188 = %scan3A) -> (i32)  : i32 {
      %mul3A_189 = arith.constant 16 : i32
      %mul3A_190 = arith.muli %scan3A_187, %mul3A_189 : i32
      %swap3A_191 = arith.index_cast %mul3A_190 : i32 to index
      %swap3A_192 = tpu.vector_load %arg8[%swap3A_191] {strides = array<i32>} : memref<10240xf32, #tpu.memory_space<vmem>>, vector<16xf32>,
      tpu.vector_store %arg8[%swap3A_191], %broadcast_in_dim3A_64 {strides = array<i32>} : memref<10240xf32, #tpu.memory_space<vmem>>, vector<16xf32>,
      %scan3A_193 = arith.constant 0 : i32
      scf.yield %scan3A_193 : i32
    }
    %scan3A_72 = arith.constant 640 : i32
    %scan3A_73 = arith.constant 0 : i32
    %scan3A_74 = arith.constant 0 : i32
    %scan3A_75 = arith.constant 1264 : i32
    %scan3A_76 = arith.addi %scan3A_74, %scan3A_75 : i32
    %scan3A_77 = arith.constant 1 : i32
    %scan3A_78 = scf.for %scan3A_187 = %scan3A_74 to %scan3A_76 step %scan3A_77 iter_args(%scan3A_188 = %scan3A_73) -> (i32)  : i32 {
      %mul3A_189 = arith.constant 16 : i32
      %mul3A_190 = arith.muli %scan3A_187, %mul3A_189 : i32
      %get3A = arith.index_cast %mul3A_190 : i32 to index
      %get3A_191 = tpu.vector_load %arg7[%get3A] {strides = array<i32>} : memref<20224xi32, #tpu.memory_space<vmem>>, vector<16xi32>,
      tpu.vector_store_idx %arg8[%get3A_191], %broadcast_in_dim3A_66 {add = true} : memref<10240xf32, #tpu.memory_space<vmem>>[vector<16xi32>], vector<16xf32>,
      %scan3A_192 = arith.constant 0 : i32
      scf.yield %scan3A_192 : i32
    }
    %scan3A_79 = arith.constant 1264 : i32
    %broadcast_in_dim3A_80 = arith.constant 1 : i32
    %broadcast_in_dim3A_81 = vector.broadcast %broadcast_in_dim3A_80 : i32 to vector<16xi32>
    %mul3A_82 = arith.constant 10240 : i32
    %mul3A_83 = arith.muli %arg0, %mul3A_82 : i32
    %mul3A_84 = vector.broadcast %mul3A_83 : i32 to vector<16xi32>
    %mul3A_85 = arith.muli %broadcast_in_dim3A_81, %mul3A_84 : vector<16xi32>
    %scan3A_86 = arith.constant 0 : i32
    %scan3A_87 = arith.constant 0 : i32
    %scan3A_88 = arith.constant 1264 : i32
    %scan3A_89 = arith.addi %scan3A_87, %scan3A_88 : i32
    %scan3A_90 = arith.constant 1 : i32
    %scan3A_91 = scf.for %scan3A_187 = %scan3A_87 to %scan3A_89 step %scan3A_90 iter_args(%scan3A_188 = %scan3A_86) -> (i32)  : i32 {
      %mul3A_189 = arith.constant 16 : i32
      %mul3A_190 = arith.muli %scan3A_187, %mul3A_189 : i32
      %get3A = arith.index_cast %mul3A_190 : i32 to index
      %get3A_191 = tpu.vector_load %arg6[%get3A] {strides = array<i32>} : memref<20224xi32, #tpu.memory_space<vmem>>, vector<16xi32>,
      %add3A_192 = arith.addi %get3A_191, %mul3A_85 : vector<16xi32>
      %swap3A_193 = arith.index_cast %mul3A_190 : i32 to index
      %swap3A_194 = tpu.vector_load %arg6[%swap3A_193] {strides = array<i32>} : memref<20224xi32, #tpu.memory_space<vmem>>, vector<16xi32>,
      tpu.vector_store %arg6[%swap3A_193], %add3A_192 {strides = array<i32>} : memref<20224xi32, #tpu.memory_space<vmem>>, vector<16xi32>,
      %scan3A_195 = arith.constant 0 : i32
      scf.yield %scan3A_195 : i32
    }
    %scan3A_92 = arith.constant 1264 : i32
    "tpu.region"() ({
      %run_scoped3A = tpu.sem_alloc : memref<!tpu.dma_semaphore, #tpu.memory_space<semaphore_mem>>
      %dma_start3A = tpu.memref_slice %arg3[%mul3A_4] : memref<647168xi32, #tpu.memory_space<hbm>> -> memref<20224xi32, #tpu.memory_space<hbm>>
      %dma_start3A_187 = tpu.memref_slice %arg3[%mul3A_4] : memref<647168xi32, #tpu.memory_space<hbm>> -> memref<20224xi32, #tpu.memory_space<hbm>>
      tpu.enqueue_dma source(%arg6 : memref<20224xi32, #tpu.memory_space<vmem>>) target(%dma_start3A_187 : memref<20224xi32, #tpu.memory_space<hbm>>) target_semaphore(%run_scoped3A : memref<!tpu.dma_semaphore, #tpu.memory_space<semaphore_mem>>)
      %dma_wait3A = tpu.memref_slice %arg3[%mul3A_4] : memref<647168xi32, #tpu.memory_space<hbm>> -> memref<20224xi32, #tpu.memory_space<hbm>>
      %dma_wait3A_188 = tpu.memref_slice %arg3[%mul3A_4] : memref<647168xi32, #tpu.memory_space<hbm>> -> memref<20224xi32, #tpu.memory_space<hbm>>
      tpu.wait_dma2 semaphore(%run_scoped3A : memref<!tpu.dma_semaphore, #tpu.memory_space<semaphore_mem>>) src(%arg6 : memref<20224xi32, #tpu.memory_space<vmem>>) dst(%dma_wait3A_188 : memref<20224xi32, #tpu.memory_space<hbm>>)
      tpu.yield
    }) : () -> ()
    "tpu.region"() ({
      %run_scoped3A = tpu.sem_alloc : memref<!tpu.dma_semaphore, #tpu.memory_space<semaphore_mem>>
      %dma_start3A = tpu.memref_slice %arg4[%mul3A_4] : memref<647168xi32, #tpu.memory_space<hbm>> -> memref<20224xi32, #tpu.memory_space<hbm>>
      %dma_start3A_187 = tpu.memref_slice %arg4[%mul3A_4] : memref<647168xi32, #tpu.memory_space<hbm>> -> memref<20224xi32, #tpu.memory_space<hbm>>
      tpu.enqueue_dma source(%arg7 : memref<20224xi32, #tpu.memory_space<vmem>>) target(%dma_start3A_187 : memref<20224xi32, #tpu.memory_space<hbm>>) target_semaphore(%run_scoped3A : memref<!tpu.dma_semaphore, #tpu.memory_space<semaphore_mem>>)
      %dma_wait3A = tpu.memref_slice %arg4[%mul3A_4] : memref<647168xi32, #tpu.memory_space<hbm>> -> memref<20224xi32, #tpu.memory_space<hbm>>
      %dma_wait3A_188 = tpu.memref_slice %arg4[%mul3A_4] : memref<647168xi32, #tpu.memory_space<hbm>> -> memref<20224xi32, #tpu.memory_space<hbm>>
      tpu.wait_dma2 semaphore(%run_scoped3A : memref<!tpu.dma_semaphore, #tpu.memory_space<semaphore_mem>>) src(%arg7 : memref<20224xi32, #tpu.memory_space<vmem>>) dst(%dma_wait3A_188 : memref<20224xi32, #tpu.memory_space<hbm>>)
      tpu.yield
    }) : () -> ()
    %mul3A_93 = arith.constant 10240 : i32
    %mul3A_94 = arith.muli %arg1, %mul3A_93 : i32
    "tpu.region"() ({
      %run_scoped3A = tpu.sem_alloc : memref<!tpu.dma_semaphore, #tpu.memory_space<semaphore_mem>>
      %dma_start3A = tpu.memref_slice %arg11[%mul3A_94] : memref<163840xf32, #tpu.memory_space<vmem_shared>> -> memref<10240xf32, #tpu.memory_space<vmem_shared>>
      %dma_start3A_187 = tpu.memref_slice %arg11[%mul3A_94] : memref<163840xf32, #tpu.memory_space<vmem_shared>> -> memref<10240xf32, #tpu.memory_space<vmem_shared>>
      tpu.enqueue_dma source(%arg8 : memref<10240xf32, #tpu.memory_space<vmem>>) target(%dma_start3A_187 : memref<10240xf32, #tpu.memory_space<vmem_shared>>) target_semaphore(%run_scoped3A : memref<!tpu.dma_semaphore, #tpu.memory_space<semaphore_mem>>)
      %dma_wait3A = tpu.memref_slice %arg11[%mul3A_94] : memref<163840xf32, #tpu.memory_space<vmem_shared>> -> memref<10240xf32, #tpu.memory_space<vmem_shared>>
      %dma_wait3A_188 = tpu.memref_slice %arg11[%mul3A_94] : memref<163840xf32, #tpu.memory_space<vmem_shared>> -> memref<10240xf32, #tpu.memory_space<vmem_shared>>
      tpu.wait_dma2 semaphore(%run_scoped3A : memref<!tpu.dma_semaphore, #tpu.memory_space<semaphore_mem>>) src(%arg8 : memref<10240xf32, #tpu.memory_space<vmem>>) dst(%dma_wait3A_188 : memref<10240xf32, #tpu.memory_space<vmem_shared>>)
      tpu.yield
    }) : () -> ()
    %barrier3A = arith.constant 0 : index
    tpu.barrier barrier_id(%barrier3A)
    %swap3A_95 = arith.constant 0 : index
    %swap3A_96 = tpu.vector_load %arg10[%swap3A_95] {strides = array<i32>} : memref<640xf32, #tpu.memory_space<vmem>>, vector<16xf32>,
    tpu.vector_store %arg10[%swap3A_95], %broadcast_in_dim3A_64 {strides = array<i32>} : memref<640xf32, #tpu.memory_space<vmem>>, vector<16xf32>,
    %swap3A_97 = arith.constant 16 : index
    %swap3A_98 = tpu.vector_load %arg10[%swap3A_97] {strides = array<i32>} : memref<640xf32, #tpu.memory_space<vmem>>, vector<16xf32>,
    tpu.vector_store %arg10[%swap3A_97], %broadcast_in_dim3A_64 {strides = array<i32>} : memref<640xf32, #tpu.memory_space<vmem>>, vector<16xf32>,
    %swap3A_99 = arith.constant 32 : index
    %swap3A_100 = tpu.vector_load %arg10[%swap3A_99] {strides = array<i32>} : memref<640xf32, #tpu.memory_space<vmem>>, vector<16xf32>,
    tpu.vector_store %arg10[%swap3A_99], %broadcast_in_dim3A_64 {strides = array<i32>} : memref<640xf32, #tpu.memory_space<vmem>>, vector<16xf32>,
    %swap3A_101 = arith.constant 48 : index
    %swap3A_102 = tpu.vector_load %arg10[%swap3A_101] {strides = array<i32>} : memref<640xf32, #tpu.memory_space<vmem>>, vector<16xf32>,
    tpu.vector_store %arg10[%swap3A_101], %broadcast_in_dim3A_64 {strides = array<i32>} : memref<640xf32, #tpu.memory_space<vmem>>, vector<16xf32>,
    %swap3A_103 = arith.constant 64 : index
    %swap3A_104 = tpu.vector_load %arg10[%swap3A_103] {strides = array<i32>} : memref<640xf32, #tpu.memory_space<vmem>>, vector<16xf32>,
    tpu.vector_store %arg10[%swap3A_103], %broadcast_in_dim3A_64 {strides = array<i32>} : memref<640xf32, #tpu.memory_space<vmem>>, vector<16xf32>,
    %swap3A_105 = arith.constant 80 : index
    %swap3A_106 = tpu.vector_load %arg10[%swap3A_105] {strides = array<i32>} : memref<640xf32, #tpu.memory_space<vmem>>, vector<16xf32>,
    tpu.vector_store %arg10[%swap3A_105], %broadcast_in_dim3A_64 {strides = array<i32>} : memref<640xf32, #tpu.memory_space<vmem>>, vector<16xf32>,
    %swap3A_107 = arith.constant 96 : index
    %swap3A_108 = tpu.vector_load %arg10[%swap3A_107] {strides = array<i32>} : memref<640xf32, #tpu.memory_space<vmem>>, vector<16xf32>,
    tpu.vector_store %arg10[%swap3A_107], %broadcast_in_dim3A_64 {strides = array<i32>} : memref<640xf32, #tpu.memory_space<vmem>>, vector<16xf32>,
    %swap3A_109 = arith.constant 112 : index
    %swap3A_110 = tpu.vector_load %arg10[%swap3A_109] {strides = array<i32>} : memref<640xf32, #tpu.memory_space<vmem>>, vector<16xf32>,
    tpu.vector_store %arg10[%swap3A_109], %broadcast_in_dim3A_64 {strides = array<i32>} : memref<640xf32, #tpu.memory_space<vmem>>, vector<16xf32>,
    %swap3A_111 = arith.constant 128 : index
    %swap3A_112 = tpu.vector_load %arg10[%swap3A_111] {strides = array<i32>} : memref<640xf32, #tpu.memory_space<vmem>>, vector<16xf32>,
    tpu.vector_store %arg10[%swap3A_111], %broadcast_in_dim3A_64 {strides = array<i32>} : memref<640xf32, #tpu.memory_space<vmem>>, vector<16xf32>,
    %swap3A_113 = arith.constant 144 : index
    %swap3A_114 = tpu.vector_load %arg10[%swap3A_113] {strides = array<i32>} : memref<640xf32, #tpu.memory_space<vmem>>, vector<16xf32>,
    tpu.vector_store %arg10[%swap3A_113], %broadcast_in_dim3A_64 {strides = array<i32>} : memref<640xf32, #tpu.memory_space<vmem>>, vector<16xf32>,
    %swap3A_115 = arith.constant 160 : index
    %swap3A_116 = tpu.vector_load %arg10[%swap3A_115] {strides = array<i32>} : memref<640xf32, #tpu.memory_space<vmem>>, vector<16xf32>,
    tpu.vector_store %arg10[%swap3A_115], %broadcast_in_dim3A_64 {strides = array<i32>} : memref<640xf32, #tpu.memory_space<vmem>>, vector<16xf32>,
    %swap3A_117 = arith.constant 176 : index
    %swap3A_118 = tpu.vector_load %arg10[%swap3A_117] {strides = array<i32>} : memref<640xf32, #tpu.memory_space<vmem>>, vector<16xf32>,
    tpu.vector_store %arg10[%swap3A_117], %broadcast_in_dim3A_64 {strides = array<i32>} : memref<640xf32, #tpu.memory_space<vmem>>, vector<16xf32>,
    %swap3A_119 = arith.constant 192 : index
    %swap3A_120 = tpu.vector_load %arg10[%swap3A_119] {strides = array<i32>} : memref<640xf32, #tpu.memory_space<vmem>>, vector<16xf32>,
    tpu.vector_store %arg10[%swap3A_119], %broadcast_in_dim3A_64 {strides = array<i32>} : memref<640xf32, #tpu.memory_space<vmem>>, vector<16xf32>,
    %swap3A_121 = arith.constant 208 : index
    %swap3A_122 = tpu.vector_load %arg10[%swap3A_121] {strides = array<i32>} : memref<640xf32, #tpu.memory_space<vmem>>, vector<16xf32>,
    tpu.vector_store %arg10[%swap3A_121], %broadcast_in_dim3A_64 {strides = array<i32>} : memref<640xf32, #tpu.memory_space<vmem>>, vector<16xf32>,
    %swap3A_123 = arith.constant 224 : index
    %swap3A_124 = tpu.vector_load %arg10[%swap3A_123] {strides = array<i32>} : memref<640xf32, #tpu.memory_space<vmem>>, vector<16xf32>,
    tpu.vector_store %arg10[%swap3A_123], %broadcast_in_dim3A_64 {strides = array<i32>} : memref<640xf32, #tpu.memory_space<vmem>>, vector<16xf32>,
    %swap3A_125 = arith.constant 240 : index
    %swap3A_126 = tpu.vector_load %arg10[%swap3A_125] {strides = array<i32>} : memref<640xf32, #tpu.memory_space<vmem>>, vector<16xf32>,
    tpu.vector_store %arg10[%swap3A_125], %broadcast_in_dim3A_64 {strides = array<i32>} : memref<640xf32, #tpu.memory_space<vmem>>, vector<16xf32>,
    %swap3A_127 = arith.constant 256 : index
    %swap3A_128 = tpu.vector_load %arg10[%swap3A_127] {strides = array<i32>} : memref<640xf32, #tpu.memory_space<vmem>>, vector<16xf32>,
    tpu.vector_store %arg10[%swap3A_127], %broadcast_in_dim3A_64 {strides = array<i32>} : memref<640xf32, #tpu.memory_space<vmem>>, vector<16xf32>,
    %swap3A_129 = arith.constant 272 : index
    %swap3A_130 = tpu.vector_load %arg10[%swap3A_129] {strides = array<i32>} : memref<640xf32, #tpu.memory_space<vmem>>, vector<16xf32>,
    tpu.vector_store %arg10[%swap3A_129], %broadcast_in_dim3A_64 {strides = array<i32>} : memref<640xf32, #tpu.memory_space<vmem>>, vector<16xf32>,
    %swap3A_131 = arith.constant 288 : index
    %swap3A_132 = tpu.vector_load %arg10[%swap3A_131] {strides = array<i32>} : memref<640xf32, #tpu.memory_space<vmem>>, vector<16xf32>,
    tpu.vector_store %arg10[%swap3A_131], %broadcast_in_dim3A_64 {strides = array<i32>} : memref<640xf32, #tpu.memory_space<vmem>>, vector<16xf32>,
    %swap3A_133 = arith.constant 304 : index
    %swap3A_134 = tpu.vector_load %arg10[%swap3A_133] {strides = array<i32>} : memref<640xf32, #tpu.memory_space<vmem>>, vector<16xf32>,
    tpu.vector_store %arg10[%swap3A_133], %broadcast_in_dim3A_64 {strides = array<i32>} : memref<640xf32, #tpu.memory_space<vmem>>, vector<16xf32>,
    %swap3A_135 = arith.constant 320 : index
    %swap3A_136 = tpu.vector_load %arg10[%swap3A_135] {strides = array<i32>} : memref<640xf32, #tpu.memory_space<vmem>>, vector<16xf32>,
    tpu.vector_store %arg10[%swap3A_135], %broadcast_in_dim3A_64 {strides = array<i32>} : memref<640xf32, #tpu.memory_space<vmem>>, vector<16xf32>,
    %swap3A_137 = arith.constant 336 : index
    %swap3A_138 = tpu.vector_load %arg10[%swap3A_137] {strides = array<i32>} : memref<640xf32, #tpu.memory_space<vmem>>, vector<16xf32>,
    tpu.vector_store %arg10[%swap3A_137], %broadcast_in_dim3A_64 {strides = array<i32>} : memref<640xf32, #tpu.memory_space<vmem>>, vector<16xf32>,
    %swap3A_139 = arith.constant 352 : index
    %swap3A_140 = tpu.vector_load %arg10[%swap3A_139] {strides = array<i32>} : memref<640xf32, #tpu.memory_space<vmem>>, vector<16xf32>,
    tpu.vector_store %arg10[%swap3A_139], %broadcast_in_dim3A_64 {strides = array<i32>} : memref<640xf32, #tpu.memory_space<vmem>>, vector<16xf32>,
    %swap3A_141 = arith.constant 368 : index
    %swap3A_142 = tpu.vector_load %arg10[%swap3A_141] {strides = array<i32>} : memref<640xf32, #tpu.memory_space<vmem>>, vector<16xf32>,
    tpu.vector_store %arg10[%swap3A_141], %broadcast_in_dim3A_64 {strides = array<i32>} : memref<640xf32, #tpu.memory_space<vmem>>, vector<16xf32>,
    %swap3A_143 = arith.constant 384 : index
    %swap3A_144 = tpu.vector_load %arg10[%swap3A_143] {strides = array<i32>} : memref<640xf32, #tpu.memory_space<vmem>>, vector<16xf32>,
    tpu.vector_store %arg10[%swap3A_143], %broadcast_in_dim3A_64 {strides = array<i32>} : memref<640xf32, #tpu.memory_space<vmem>>, vector<16xf32>,
    %swap3A_145 = arith.constant 400 : index
    %swap3A_146 = tpu.vector_load %arg10[%swap3A_145] {strides = array<i32>} : memref<640xf32, #tpu.memory_space<vmem>>, vector<16xf32>,
    tpu.vector_store %arg10[%swap3A_145], %broadcast_in_dim3A_64 {strides = array<i32>} : memref<640xf32, #tpu.memory_space<vmem>>, vector<16xf32>,
    %swap3A_147 = arith.constant 416 : index
    %swap3A_148 = tpu.vector_load %arg10[%swap3A_147] {strides = array<i32>} : memref<640xf32, #tpu.memory_space<vmem>>, vector<16xf32>,
    tpu.vector_store %arg10[%swap3A_147], %broadcast_in_dim3A_64 {strides = array<i32>} : memref<640xf32, #tpu.memory_space<vmem>>, vector<16xf32>,
    %swap3A_149 = arith.constant 432 : index
    %swap3A_150 = tpu.vector_load %arg10[%swap3A_149] {strides = array<i32>} : memref<640xf32, #tpu.memory_space<vmem>>, vector<16xf32>,
    tpu.vector_store %arg10[%swap3A_149], %broadcast_in_dim3A_64 {strides = array<i32>} : memref<640xf32, #tpu.memory_space<vmem>>, vector<16xf32>,
    %swap3A_151 = arith.constant 448 : index
    %swap3A_152 = tpu.vector_load %arg10[%swap3A_151] {strides = array<i32>} : memref<640xf32, #tpu.memory_space<vmem>>, vector<16xf32>,
    tpu.vector_store %arg10[%swap3A_151], %broadcast_in_dim3A_64 {strides = array<i32>} : memref<640xf32, #tpu.memory_space<vmem>>, vector<16xf32>,
    %swap3A_153 = arith.constant 464 : index
    %swap3A_154 = tpu.vector_load %arg10[%swap3A_153] {strides = array<i32>} : memref<640xf32, #tpu.memory_space<vmem>>, vector<16xf32>,
    tpu.vector_store %arg10[%swap3A_153], %broadcast_in_dim3A_64 {strides = array<i32>} : memref<640xf32, #tpu.memory_space<vmem>>, vector<16xf32>,
    %swap3A_155 = arith.constant 480 : index
    %swap3A_156 = tpu.vector_load %arg10[%swap3A_155] {strides = array<i32>} : memref<640xf32, #tpu.memory_space<vmem>>, vector<16xf32>,
    tpu.vector_store %arg10[%swap3A_155], %broadcast_in_dim3A_64 {strides = array<i32>} : memref<640xf32, #tpu.memory_space<vmem>>, vector<16xf32>,
    %swap3A_157 = arith.constant 496 : index
    %swap3A_158 = tpu.vector_load %arg10[%swap3A_157] {strides = array<i32>} : memref<640xf32, #tpu.memory_space<vmem>>, vector<16xf32>,
    tpu.vector_store %arg10[%swap3A_157], %broadcast_in_dim3A_64 {strides = array<i32>} : memref<640xf32, #tpu.memory_space<vmem>>, vector<16xf32>,
    %swap3A_159 = arith.constant 512 : index
    %swap3A_160 = tpu.vector_load %arg10[%swap3A_159] {strides = array<i32>} : memref<640xf32, #tpu.memory_space<vmem>>, vector<16xf32>,
    tpu.vector_store %arg10[%swap3A_159], %broadcast_in_dim3A_64 {strides = array<i32>} : memref<640xf32, #tpu.memory_space<vmem>>, vector<16xf32>,
    %swap3A_161 = arith.constant 528 : index
    %swap3A_162 = tpu.vector_load %arg10[%swap3A_161] {strides = array<i32>} : memref<640xf32, #tpu.memory_space<vmem>>, vector<16xf32>,
    tpu.vector_store %arg10[%swap3A_161], %broadcast_in_dim3A_64 {strides = array<i32>} : memref<640xf32, #tpu.memory_space<vmem>>, vector<16xf32>,
    %swap3A_163 = arith.constant 544 : index
    %swap3A_164 = tpu.vector_load %arg10[%swap3A_163] {strides = array<i32>} : memref<640xf32, #tpu.memory_space<vmem>>, vector<16xf32>,
    tpu.vector_store %arg10[%swap3A_163], %broadcast_in_dim3A_64 {strides = array<i32>} : memref<640xf32, #tpu.memory_space<vmem>>, vector<16xf32>,
    %swap3A_165 = arith.constant 560 : index
    %swap3A_166 = tpu.vector_load %arg10[%swap3A_165] {strides = array<i32>} : memref<640xf32, #tpu.memory_space<vmem>>, vector<16xf32>,
    tpu.vector_store %arg10[%swap3A_165], %broadcast_in_dim3A_64 {strides = array<i32>} : memref<640xf32, #tpu.memory_space<vmem>>, vector<16xf32>,
    %swap3A_167 = arith.constant 576 : index
    %swap3A_168 = tpu.vector_load %arg10[%swap3A_167] {strides = array<i32>} : memref<640xf32, #tpu.memory_space<vmem>>, vector<16xf32>,
    tpu.vector_store %arg10[%swap3A_167], %broadcast_in_dim3A_64 {strides = array<i32>} : memref<640xf32, #tpu.memory_space<vmem>>, vector<16xf32>,
    %swap3A_169 = arith.constant 592 : index
    %swap3A_170 = tpu.vector_load %arg10[%swap3A_169] {strides = array<i32>} : memref<640xf32, #tpu.memory_space<vmem>>, vector<16xf32>,
    tpu.vector_store %arg10[%swap3A_169], %broadcast_in_dim3A_64 {strides = array<i32>} : memref<640xf32, #tpu.memory_space<vmem>>, vector<16xf32>,
    %swap3A_171 = arith.constant 608 : index
    %swap3A_172 = tpu.vector_load %arg10[%swap3A_171] {strides = array<i32>} : memref<640xf32, #tpu.memory_space<vmem>>, vector<16xf32>,
    tpu.vector_store %arg10[%swap3A_171], %broadcast_in_dim3A_64 {strides = array<i32>} : memref<640xf32, #tpu.memory_space<vmem>>, vector<16xf32>,
    %swap3A_173 = arith.constant 624 : index
    %swap3A_174 = tpu.vector_load %arg10[%swap3A_173] {strides = array<i32>} : memref<640xf32, #tpu.memory_space<vmem>>, vector<16xf32>,
    tpu.vector_store %arg10[%swap3A_173], %broadcast_in_dim3A_64 {strides = array<i32>} : memref<640xf32, #tpu.memory_space<vmem>>, vector<16xf32>,
    %scan3A_175 = arith.constant 0 : i32
    %scan3A_176 = arith.constant 0 : i32
    %scan3A_177 = arith.constant 16 : i32
    %scan3A_178 = arith.addi %scan3A_176, %scan3A_177 : i32
    %scan3A_179 = arith.constant 1 : i32
    %scan3A_180 = scf.for %scan3A_187 = %scan3A_176 to %scan3A_178 step %scan3A_179 iter_args(%scan3A_188 = %scan3A_175) -> (i32)  : i32 {
      %mul3A_189 = arith.constant 10240 : i32
      %mul3A_190 = arith.muli %scan3A_187, %mul3A_189 : i32
      %mul3A_191 = arith.constant 640 : i32
      %mul3A_192 = arith.muli %arg1, %mul3A_191 : i32
      %add3A_193 = arith.addi %mul3A_190, %mul3A_192 : i32
      "tpu.region"() ({
        %run_scoped3A = tpu.sem_alloc : memref<!tpu.dma_semaphore, #tpu.memory_space<semaphore_mem>>
        %dma_start3A = tpu.memref_slice %arg11[%add3A_193] : memref<163840xf32, #tpu.memory_space<vmem_shared>> -> memref<640xf32, #tpu.memory_space<vmem_shared>>
        %dma_start3A_474 = tpu.memref_slice %arg11[%add3A_193] : memref<163840xf32, #tpu.memory_space<vmem_shared>> -> memref<640xf32, #tpu.memory_space<vmem_shared>>
        tpu.enqueue_dma source(%dma_start3A_474 : memref<640xf32, #tpu.memory_space<vmem_shared>>) target(%arg9 : memref<640xf32, #tpu.memory_space<vmem>>) target_semaphore(%run_scoped3A : memref<!tpu.dma_semaphore, #tpu.memory_space<semaphore_mem>>)
        %dma_wait3A = tpu.memref_slice %arg11[%add3A_193] : memref<163840xf32, #tpu.memory_space<vmem_shared>> -> memref<640xf32, #tpu.memory_space<vmem_shared>>
        %dma_wait3A_475 = tpu.memref_slice %arg11[%add3A_193] : memref<163840xf32, #tpu.memory_space<vmem_shared>> -> memref<640xf32, #tpu.memory_space<vmem_shared>>
        tpu.wait_dma2 semaphore(%run_scoped3A : memref<!tpu.dma_semaphore, #tpu.memory_space<semaphore_mem>>) src(%dma_wait3A_475 : memref<640xf32, #tpu.memory_space<vmem_shared>>) dst(%arg9 : memref<640xf32, #tpu.memory_space<vmem>>)
        tpu.yield
      }) : () -> ()
      %get3A = arith.constant 0 : index
      %get3A_194 = tpu.vector_load %arg10[%get3A] {strides = array<i32>} : memref<640xf32, #tpu.memory_space<vmem>>, vector<16xf32>,
      %get3A_195 = arith.constant 0 : index
      %get3A_196 = tpu.vector_load %arg9[%get3A_195] {strides = array<i32>} : memref<640xf32, #tpu.memory_space<vmem>>, vector<16xf32>,
      %add3A_197 = arith.addf %get3A_194, %get3A_196 : vector<16xf32>
      %swap3A_198 = arith.constant 0 : index
      %swap3A_199 = tpu.vector_load %arg10[%swap3A_198] {strides = array<i32>} : memref<640xf32, #tpu.memory_space<vmem>>, vector<16xf32>,
      tpu.vector_store %arg10[%swap3A_198], %add3A_197 {strides = array<i32>} : memref<640xf32, #tpu.memory_space<vmem>>, vector<16xf32>,
      %get3A_200 = arith.constant 16 : index
      %get3A_201 = tpu.vector_load %arg10[%get3A_200] {strides = array<i32>} : memref<640xf32, #tpu.memory_space<vmem>>, vector<16xf32>,
      %get3A_202 = arith.constant 16 : index
      %get3A_203 = tpu.vector_load %arg9[%get3A_202] {strides = array<i32>} : memref<640xf32, #tpu.memory_space<vmem>>, vector<16xf32>,
      %add3A_204 = arith.addf %get3A_201, %get3A_203 : vector<16xf32>
      %swap3A_205 = arith.constant 16 : index
      %swap3A_206 = tpu.vector_load %arg10[%swap3A_205] {strides = array<i32>} : memref<640xf32, #tpu.memory_space<vmem>>, vector<16xf32>,
      tpu.vector_store %arg10[%swap3A_205], %add3A_204 {strides = array<i32>} : memref<640xf32, #tpu.memory_space<vmem>>, vector<16xf32>,
      %get3A_207 = arith.constant 32 : index
      %get3A_208 = tpu.vector_load %arg10[%get3A_207] {strides = array<i32>} : memref<640xf32, #tpu.memory_space<vmem>>, vector<16xf32>,
      %get3A_209 = arith.constant 32 : index
      %get3A_210 = tpu.vector_load %arg9[%get3A_209] {strides = array<i32>} : memref<640xf32, #tpu.memory_space<vmem>>, vector<16xf32>,
      %add3A_211 = arith.addf %get3A_208, %get3A_210 : vector<16xf32>
      %swap3A_212 = arith.constant 32 : index
      %swap3A_213 = tpu.vector_load %arg10[%swap3A_212] {strides = array<i32>} : memref<640xf32, #tpu.memory_space<vmem>>, vector<16xf32>,
      tpu.vector_store %arg10[%swap3A_212], %add3A_211 {strides = array<i32>} : memref<640xf32, #tpu.memory_space<vmem>>, vector<16xf32>,
      %get3A_214 = arith.constant 48 : index
      %get3A_215 = tpu.vector_load %arg10[%get3A_214] {strides = array<i32>} : memref<640xf32, #tpu.memory_space<vmem>>, vector<16xf32>,
      %get3A_216 = arith.constant 48 : index
      %get3A_217 = tpu.vector_load %arg9[%get3A_216] {strides = array<i32>} : memref<640xf32, #tpu.memory_space<vmem>>, vector<16xf32>,
      %add3A_218 = arith.addf %get3A_215, %get3A_217 : vector<16xf32>
      %swap3A_219 = arith.constant 48 : index
      %swap3A_220 = tpu.vector_load %arg10[%swap3A_219] {strides = array<i32>} : memref<640xf32, #tpu.memory_space<vmem>>, vector<16xf32>,
      tpu.vector_store %arg10[%swap3A_219], %add3A_218 {strides = array<i32>} : memref<640xf32, #tpu.memory_space<vmem>>, vector<16xf32>,
      %get3A_221 = arith.constant 64 : index
      %get3A_222 = tpu.vector_load %arg10[%get3A_221] {strides = array<i32>} : memref<640xf32, #tpu.memory_space<vmem>>, vector<16xf32>,
      %get3A_223 = arith.constant 64 : index
      %get3A_224 = tpu.vector_load %arg9[%get3A_223] {strides = array<i32>} : memref<640xf32, #tpu.memory_space<vmem>>, vector<16xf32>,
      %add3A_225 = arith.addf %get3A_222, %get3A_224 : vector<16xf32>
      %swap3A_226 = arith.constant 64 : index
      %swap3A_227 = tpu.vector_load %arg10[%swap3A_226] {strides = array<i32>} : memref<640xf32, #tpu.memory_space<vmem>>, vector<16xf32>,
      tpu.vector_store %arg10[%swap3A_226], %add3A_225 {strides = array<i32>} : memref<640xf32, #tpu.memory_space<vmem>>, vector<16xf32>,
      %get3A_228 = arith.constant 80 : index
      %get3A_229 = tpu.vector_load %arg10[%get3A_228] {strides = array<i32>} : memref<640xf32, #tpu.memory_space<vmem>>, vector<16xf32>,
      %get3A_230 = arith.constant 80 : index
      %get3A_231 = tpu.vector_load %arg9[%get3A_230] {strides = array<i32>} : memref<640xf32, #tpu.memory_space<vmem>>, vector<16xf32>,
      %add3A_232 = arith.addf %get3A_229, %get3A_231 : vector<16xf32>
      %swap3A_233 = arith.constant 80 : index
      %swap3A_234 = tpu.vector_load %arg10[%swap3A_233] {strides = array<i32>} : memref<640xf32, #tpu.memory_space<vmem>>, vector<16xf32>,
      tpu.vector_store %arg10[%swap3A_233], %add3A_232 {strides = array<i32>} : memref<640xf32, #tpu.memory_space<vmem>>, vector<16xf32>,
      %get3A_235 = arith.constant 96 : index
      %get3A_236 = tpu.vector_load %arg10[%get3A_235] {strides = array<i32>} : memref<640xf32, #tpu.memory_space<vmem>>, vector<16xf32>,
      %get3A_237 = arith.constant 96 : index
      %get3A_238 = tpu.vector_load %arg9[%get3A_237] {strides = array<i32>} : memref<640xf32, #tpu.memory_space<vmem>>, vector<16xf32>,
      %add3A_239 = arith.addf %get3A_236, %get3A_238 : vector<16xf32>
      %swap3A_240 = arith.constant 96 : index
      %swap3A_241 = tpu.vector_load %arg10[%swap3A_240] {strides = array<i32>} : memref<640xf32, #tpu.memory_space<vmem>>, vector<16xf32>,
      tpu.vector_store %arg10[%swap3A_240], %add3A_239 {strides = array<i32>} : memref<640xf32, #tpu.memory_space<vmem>>, vector<16xf32>,
      %get3A_242 = arith.constant 112 : index
      %get3A_243 = tpu.vector_load %arg10[%get3A_242] {strides = array<i32>} : memref<640xf32, #tpu.memory_space<vmem>>, vector<16xf32>,
      %get3A_244 = arith.constant 112 : index
      %get3A_245 = tpu.vector_load %arg9[%get3A_244] {strides = array<i32>} : memref<640xf32, #tpu.memory_space<vmem>>, vector<16xf32>,
      %add3A_246 = arith.addf %get3A_243, %get3A_245 : vector<16xf32>
      %swap3A_247 = arith.constant 112 : index
      %swap3A_248 = tpu.vector_load %arg10[%swap3A_247] {strides = array<i32>} : memref<640xf32, #tpu.memory_space<vmem>>, vector<16xf32>,
      tpu.vector_store %arg10[%swap3A_247], %add3A_246 {strides = array<i32>} : memref<640xf32, #tpu.memory_space<vmem>>, vector<16xf32>,
      %get3A_249 = arith.constant 128 : index
      %get3A_250 = tpu.vector_load %arg10[%get3A_249] {strides = array<i32>} : memref<640xf32, #tpu.memory_space<vmem>>, vector<16xf32>,
      %get3A_251 = arith.constant 128 : index
      %get3A_252 = tpu.vector_load %arg9[%get3A_251] {strides = array<i32>} : memref<640xf32, #tpu.memory_space<vmem>>, vector<16xf32>,
      %add3A_253 = arith.addf %get3A_250, %get3A_252 : vector<16xf32>
      %swap3A_254 = arith.constant 128 : index
      %swap3A_255 = tpu.vector_load %arg10[%swap3A_254] {strides = array<i32>} : memref<640xf32, #tpu.memory_space<vmem>>, vector<16xf32>,
      tpu.vector_store %arg10[%swap3A_254], %add3A_253 {strides = array<i32>} : memref<640xf32, #tpu.memory_space<vmem>>, vector<16xf32>,
      %get3A_256 = arith.constant 144 : index
      %get3A_257 = tpu.vector_load %arg10[%get3A_256] {strides = array<i32>} : memref<640xf32, #tpu.memory_space<vmem>>, vector<16xf32>,
      %get3A_258 = arith.constant 144 : index
      %get3A_259 = tpu.vector_load %arg9[%get3A_258] {strides = array<i32>} : memref<640xf32, #tpu.memory_space<vmem>>, vector<16xf32>,
      %add3A_260 = arith.addf %get3A_257, %get3A_259 : vector<16xf32>
      %swap3A_261 = arith.constant 144 : index
      %swap3A_262 = tpu.vector_load %arg10[%swap3A_261] {strides = array<i32>} : memref<640xf32, #tpu.memory_space<vmem>>, vector<16xf32>,
      tpu.vector_store %arg10[%swap3A_261], %add3A_260 {strides = array<i32>} : memref<640xf32, #tpu.memory_space<vmem>>, vector<16xf32>,
      %get3A_263 = arith.constant 160 : index
      %get3A_264 = tpu.vector_load %arg10[%get3A_263] {strides = array<i32>} : memref<640xf32, #tpu.memory_space<vmem>>, vector<16xf32>,
      %get3A_265 = arith.constant 160 : index
      %get3A_266 = tpu.vector_load %arg9[%get3A_265] {strides = array<i32>} : memref<640xf32, #tpu.memory_space<vmem>>, vector<16xf32>,
      %add3A_267 = arith.addf %get3A_264, %get3A_266 : vector<16xf32>
      %swap3A_268 = arith.constant 160 : index
      %swap3A_269 = tpu.vector_load %arg10[%swap3A_268] {strides = array<i32>} : memref<640xf32, #tpu.memory_space<vmem>>, vector<16xf32>,
      tpu.vector_store %arg10[%swap3A_268], %add3A_267 {strides = array<i32>} : memref<640xf32, #tpu.memory_space<vmem>>, vector<16xf32>,
      %get3A_270 = arith.constant 176 : index
      %get3A_271 = tpu.vector_load %arg10[%get3A_270] {strides = array<i32>} : memref<640xf32, #tpu.memory_space<vmem>>, vector<16xf32>,
      %get3A_272 = arith.constant 176 : index
      %get3A_273 = tpu.vector_load %arg9[%get3A_272] {strides = array<i32>} : memref<640xf32, #tpu.memory_space<vmem>>, vector<16xf32>,
      %add3A_274 = arith.addf %get3A_271, %get3A_273 : vector<16xf32>
      %swap3A_275 = arith.constant 176 : index
      %swap3A_276 = tpu.vector_load %arg10[%swap3A_275] {strides = array<i32>} : memref<640xf32, #tpu.memory_space<vmem>>, vector<16xf32>,
      tpu.vector_store %arg10[%swap3A_275], %add3A_274 {strides = array<i32>} : memref<640xf32, #tpu.memory_space<vmem>>, vector<16xf32>,
      %get3A_277 = arith.constant 192 : index
      %get3A_278 = tpu.vector_load %arg10[%get3A_277] {strides = array<i32>} : memref<640xf32, #tpu.memory_space<vmem>>, vector<16xf32>,
      %get3A_279 = arith.constant 192 : index
      %get3A_280 = tpu.vector_load %arg9[%get3A_279] {strides = array<i32>} : memref<640xf32, #tpu.memory_space<vmem>>, vector<16xf32>,
      %add3A_281 = arith.addf %get3A_278, %get3A_280 : vector<16xf32>
      %swap3A_282 = arith.constant 192 : index
      %swap3A_283 = tpu.vector_load %arg10[%swap3A_282] {strides = array<i32>} : memref<640xf32, #tpu.memory_space<vmem>>, vector<16xf32>,
      tpu.vector_store %arg10[%swap3A_282], %add3A_281 {strides = array<i32>} : memref<640xf32, #tpu.memory_space<vmem>>, vector<16xf32>,
      %get3A_284 = arith.constant 208 : index
      %get3A_285 = tpu.vector_load %arg10[%get3A_284] {strides = array<i32>} : memref<640xf32, #tpu.memory_space<vmem>>, vector<16xf32>,
      %get3A_286 = arith.constant 208 : index
      %get3A_287 = tpu.vector_load %arg9[%get3A_286] {strides = array<i32>} : memref<640xf32, #tpu.memory_space<vmem>>, vector<16xf32>,
      %add3A_288 = arith.addf %get3A_285, %get3A_287 : vector<16xf32>
      %swap3A_289 = arith.constant 208 : index
      %swap3A_290 = tpu.vector_load %arg10[%swap3A_289] {strides = array<i32>} : memref<640xf32, #tpu.memory_space<vmem>>, vector<16xf32>,
      tpu.vector_store %arg10[%swap3A_289], %add3A_288 {strides = array<i32>} : memref<640xf32, #tpu.memory_space<vmem>>, vector<16xf32>,
      %get3A_291 = arith.constant 224 : index
      %get3A_292 = tpu.vector_load %arg10[%get3A_291] {strides = array<i32>} : memref<640xf32, #tpu.memory_space<vmem>>, vector<16xf32>,
      %get3A_293 = arith.constant 224 : index
      %get3A_294 = tpu.vector_load %arg9[%get3A_293] {strides = array<i32>} : memref<640xf32, #tpu.memory_space<vmem>>, vector<16xf32>,
      %add3A_295 = arith.addf %get3A_292, %get3A_294 : vector<16xf32>
      %swap3A_296 = arith.constant 224 : index
      %swap3A_297 = tpu.vector_load %arg10[%swap3A_296] {strides = array<i32>} : memref<640xf32, #tpu.memory_space<vmem>>, vector<16xf32>,
      tpu.vector_store %arg10[%swap3A_296], %add3A_295 {strides = array<i32>} : memref<640xf32, #tpu.memory_space<vmem>>, vector<16xf32>,
      %get3A_298 = arith.constant 240 : index
      %get3A_299 = tpu.vector_load %arg10[%get3A_298] {strides = array<i32>} : memref<640xf32, #tpu.memory_space<vmem>>, vector<16xf32>,
      %get3A_300 = arith.constant 240 : index
      %get3A_301 = tpu.vector_load %arg9[%get3A_300] {strides = array<i32>} : memref<640xf32, #tpu.memory_space<vmem>>, vector<16xf32>,
      %add3A_302 = arith.addf %get3A_299, %get3A_301 : vector<16xf32>
      %swap3A_303 = arith.constant 240 : index
      %swap3A_304 = tpu.vector_load %arg10[%swap3A_303] {strides = array<i32>} : memref<640xf32, #tpu.memory_space<vmem>>, vector<16xf32>,
      tpu.vector_store %arg10[%swap3A_303], %add3A_302 {strides = array<i32>} : memref<640xf32, #tpu.memory_space<vmem>>, vector<16xf32>,
      %get3A_305 = arith.constant 256 : index
      %get3A_306 = tpu.vector_load %arg10[%get3A_305] {strides = array<i32>} : memref<640xf32, #tpu.memory_space<vmem>>, vector<16xf32>,
      %get3A_307 = arith.constant 256 : index
      %get3A_308 = tpu.vector_load %arg9[%get3A_307] {strides = array<i32>} : memref<640xf32, #tpu.memory_space<vmem>>, vector<16xf32>,
      %add3A_309 = arith.addf %get3A_306, %get3A_308 : vector<16xf32>
      %swap3A_310 = arith.constant 256 : index
      %swap3A_311 = tpu.vector_load %arg10[%swap3A_310] {strides = array<i32>} : memref<640xf32, #tpu.memory_space<vmem>>, vector<16xf32>,
      tpu.vector_store %arg10[%swap3A_310], %add3A_309 {strides = array<i32>} : memref<640xf32, #tpu.memory_space<vmem>>, vector<16xf32>,
      %get3A_312 = arith.constant 272 : index
      %get3A_313 = tpu.vector_load %arg10[%get3A_312] {strides = array<i32>} : memref<640xf32, #tpu.memory_space<vmem>>, vector<16xf32>,
      %get3A_314 = arith.constant 272 : index
      %get3A_315 = tpu.vector_load %arg9[%get3A_314] {strides = array<i32>} : memref<640xf32, #tpu.memory_space<vmem>>, vector<16xf32>,
      %add3A_316 = arith.addf %get3A_313, %get3A_315 : vector<16xf32>
      %swap3A_317 = arith.constant 272 : index
      %swap3A_318 = tpu.vector_load %arg10[%swap3A_317] {strides = array<i32>} : memref<640xf32, #tpu.memory_space<vmem>>, vector<16xf32>,
      tpu.vector_store %arg10[%swap3A_317], %add3A_316 {strides = array<i32>} : memref<640xf32, #tpu.memory_space<vmem>>, vector<16xf32>,
      %get3A_319 = arith.constant 288 : index
      %get3A_320 = tpu.vector_load %arg10[%get3A_319] {strides = array<i32>} : memref<640xf32, #tpu.memory_space<vmem>>, vector<16xf32>,
      %get3A_321 = arith.constant 288 : index
      %get3A_322 = tpu.vector_load %arg9[%get3A_321] {strides = array<i32>} : memref<640xf32, #tpu.memory_space<vmem>>, vector<16xf32>,
      %add3A_323 = arith.addf %get3A_320, %get3A_322 : vector<16xf32>
      %swap3A_324 = arith.constant 288 : index
      %swap3A_325 = tpu.vector_load %arg10[%swap3A_324] {strides = array<i32>} : memref<640xf32, #tpu.memory_space<vmem>>, vector<16xf32>,
      tpu.vector_store %arg10[%swap3A_324], %add3A_323 {strides = array<i32>} : memref<640xf32, #tpu.memory_space<vmem>>, vector<16xf32>,
      %get3A_326 = arith.constant 304 : index
      %get3A_327 = tpu.vector_load %arg10[%get3A_326] {strides = array<i32>} : memref<640xf32, #tpu.memory_space<vmem>>, vector<16xf32>,
      %get3A_328 = arith.constant 304 : index
      %get3A_329 = tpu.vector_load %arg9[%get3A_328] {strides = array<i32>} : memref<640xf32, #tpu.memory_space<vmem>>, vector<16xf32>,
      %add3A_330 = arith.addf %get3A_327, %get3A_329 : vector<16xf32>
      %swap3A_331 = arith.constant 304 : index
      %swap3A_332 = tpu.vector_load %arg10[%swap3A_331] {strides = array<i32>} : memref<640xf32, #tpu.memory_space<vmem>>, vector<16xf32>,
      tpu.vector_store %arg10[%swap3A_331], %add3A_330 {strides = array<i32>} : memref<640xf32, #tpu.memory_space<vmem>>, vector<16xf32>,
      %get3A_333 = arith.constant 320 : index
      %get3A_334 = tpu.vector_load %arg10[%get3A_333] {strides = array<i32>} : memref<640xf32, #tpu.memory_space<vmem>>, vector<16xf32>,
      %get3A_335 = arith.constant 320 : index
      %get3A_336 = tpu.vector_load %arg9[%get3A_335] {strides = array<i32>} : memref<640xf32, #tpu.memory_space<vmem>>, vector<16xf32>,
      %add3A_337 = arith.addf %get3A_334, %get3A_336 : vector<16xf32>
      %swap3A_338 = arith.constant 320 : index
      %swap3A_339 = tpu.vector_load %arg10[%swap3A_338] {strides = array<i32>} : memref<640xf32, #tpu.memory_space<vmem>>, vector<16xf32>,
      tpu.vector_store %arg10[%swap3A_338], %add3A_337 {strides = array<i32>} : memref<640xf32, #tpu.memory_space<vmem>>, vector<16xf32>,
      %get3A_340 = arith.constant 336 : index
      %get3A_341 = tpu.vector_load %arg10[%get3A_340] {strides = array<i32>} : memref<640xf32, #tpu.memory_space<vmem>>, vector<16xf32>,
      %get3A_342 = arith.constant 336 : index
      %get3A_343 = tpu.vector_load %arg9[%get3A_342] {strides = array<i32>} : memref<640xf32, #tpu.memory_space<vmem>>, vector<16xf32>,
      %add3A_344 = arith.addf %get3A_341, %get3A_343 : vector<16xf32>
      %swap3A_345 = arith.constant 336 : index
      %swap3A_346 = tpu.vector_load %arg10[%swap3A_345] {strides = array<i32>} : memref<640xf32, #tpu.memory_space<vmem>>, vector<16xf32>,
      tpu.vector_store %arg10[%swap3A_345], %add3A_344 {strides = array<i32>} : memref<640xf32, #tpu.memory_space<vmem>>, vector<16xf32>,
      %get3A_347 = arith.constant 352 : index
      %get3A_348 = tpu.vector_load %arg10[%get3A_347] {strides = array<i32>} : memref<640xf32, #tpu.memory_space<vmem>>, vector<16xf32>,
      %get3A_349 = arith.constant 352 : index
      %get3A_350 = tpu.vector_load %arg9[%get3A_349] {strides = array<i32>} : memref<640xf32, #tpu.memory_space<vmem>>, vector<16xf32>,
      %add3A_351 = arith.addf %get3A_348, %get3A_350 : vector<16xf32>
      %swap3A_352 = arith.constant 352 : index
      %swap3A_353 = tpu.vector_load %arg10[%swap3A_352] {strides = array<i32>} : memref<640xf32, #tpu.memory_space<vmem>>, vector<16xf32>,
      tpu.vector_store %arg10[%swap3A_352], %add3A_351 {strides = array<i32>} : memref<640xf32, #tpu.memory_space<vmem>>, vector<16xf32>,
      %get3A_354 = arith.constant 368 : index
      %get3A_355 = tpu.vector_load %arg10[%get3A_354] {strides = array<i32>} : memref<640xf32, #tpu.memory_space<vmem>>, vector<16xf32>,
      %get3A_356 = arith.constant 368 : index
      %get3A_357 = tpu.vector_load %arg9[%get3A_356] {strides = array<i32>} : memref<640xf32, #tpu.memory_space<vmem>>, vector<16xf32>,
      %add3A_358 = arith.addf %get3A_355, %get3A_357 : vector<16xf32>
      %swap3A_359 = arith.constant 368 : index
      %swap3A_360 = tpu.vector_load %arg10[%swap3A_359] {strides = array<i32>} : memref<640xf32, #tpu.memory_space<vmem>>, vector<16xf32>,
      tpu.vector_store %arg10[%swap3A_359], %add3A_358 {strides = array<i32>} : memref<640xf32, #tpu.memory_space<vmem>>, vector<16xf32>,
      %get3A_361 = arith.constant 384 : index
      %get3A_362 = tpu.vector_load %arg10[%get3A_361] {strides = array<i32>} : memref<640xf32, #tpu.memory_space<vmem>>, vector<16xf32>,
      %get3A_363 = arith.constant 384 : index
      %get3A_364 = tpu.vector_load %arg9[%get3A_363] {strides = array<i32>} : memref<640xf32, #tpu.memory_space<vmem>>, vector<16xf32>,
      %add3A_365 = arith.addf %get3A_362, %get3A_364 : vector<16xf32>
      %swap3A_366 = arith.constant 384 : index
      %swap3A_367 = tpu.vector_load %arg10[%swap3A_366] {strides = array<i32>} : memref<640xf32, #tpu.memory_space<vmem>>, vector<16xf32>,
      tpu.vector_store %arg10[%swap3A_366], %add3A_365 {strides = array<i32>} : memref<640xf32, #tpu.memory_space<vmem>>, vector<16xf32>,
      %get3A_368 = arith.constant 400 : index
      %get3A_369 = tpu.vector_load %arg10[%get3A_368] {strides = array<i32>} : memref<640xf32, #tpu.memory_space<vmem>>, vector<16xf32>,
      %get3A_370 = arith.constant 400 : index
      %get3A_371 = tpu.vector_load %arg9[%get3A_370] {strides = array<i32>} : memref<640xf32, #tpu.memory_space<vmem>>, vector<16xf32>,
      %add3A_372 = arith.addf %get3A_369, %get3A_371 : vector<16xf32>
      %swap3A_373 = arith.constant 400 : index
      %swap3A_374 = tpu.vector_load %arg10[%swap3A_373] {strides = array<i32>} : memref<640xf32, #tpu.memory_space<vmem>>, vector<16xf32>,
      tpu.vector_store %arg10[%swap3A_373], %add3A_372 {strides = array<i32>} : memref<640xf32, #tpu.memory_space<vmem>>, vector<16xf32>,
      %get3A_375 = arith.constant 416 : index
      %get3A_376 = tpu.vector_load %arg10[%get3A_375] {strides = array<i32>} : memref<640xf32, #tpu.memory_space<vmem>>, vector<16xf32>,
      %get3A_377 = arith.constant 416 : index
      %get3A_378 = tpu.vector_load %arg9[%get3A_377] {strides = array<i32>} : memref<640xf32, #tpu.memory_space<vmem>>, vector<16xf32>,
      %add3A_379 = arith.addf %get3A_376, %get3A_378 : vector<16xf32>
      %swap3A_380 = arith.constant 416 : index
      %swap3A_381 = tpu.vector_load %arg10[%swap3A_380] {strides = array<i32>} : memref<640xf32, #tpu.memory_space<vmem>>, vector<16xf32>,
      tpu.vector_store %arg10[%swap3A_380], %add3A_379 {strides = array<i32>} : memref<640xf32, #tpu.memory_space<vmem>>, vector<16xf32>,
      %get3A_382 = arith.constant 432 : index
      %get3A_383 = tpu.vector_load %arg10[%get3A_382] {strides = array<i32>} : memref<640xf32, #tpu.memory_space<vmem>>, vector<16xf32>,
      %get3A_384 = arith.constant 432 : index
      %get3A_385 = tpu.vector_load %arg9[%get3A_384] {strides = array<i32>} : memref<640xf32, #tpu.memory_space<vmem>>, vector<16xf32>,
      %add3A_386 = arith.addf %get3A_383, %get3A_385 : vector<16xf32>
      %swap3A_387 = arith.constant 432 : index
      %swap3A_388 = tpu.vector_load %arg10[%swap3A_387] {strides = array<i32>} : memref<640xf32, #tpu.memory_space<vmem>>, vector<16xf32>,
      tpu.vector_store %arg10[%swap3A_387], %add3A_386 {strides = array<i32>} : memref<640xf32, #tpu.memory_space<vmem>>, vector<16xf32>,
      %get3A_389 = arith.constant 448 : index
      %get3A_390 = tpu.vector_load %arg10[%get3A_389] {strides = array<i32>} : memref<640xf32, #tpu.memory_space<vmem>>, vector<16xf32>,
      %get3A_391 = arith.constant 448 : index
      %get3A_392 = tpu.vector_load %arg9[%get3A_391] {strides = array<i32>} : memref<640xf32, #tpu.memory_space<vmem>>, vector<16xf32>,
      %add3A_393 = arith.addf %get3A_390, %get3A_392 : vector<16xf32>
      %swap3A_394 = arith.constant 448 : index
      %swap3A_395 = tpu.vector_load %arg10[%swap3A_394] {strides = array<i32>} : memref<640xf32, #tpu.memory_space<vmem>>, vector<16xf32>,
      tpu.vector_store %arg10[%swap3A_394], %add3A_393 {strides = array<i32>} : memref<640xf32, #tpu.memory_space<vmem>>, vector<16xf32>,
      %get3A_396 = arith.constant 464 : index
      %get3A_397 = tpu.vector_load %arg10[%get3A_396] {strides = array<i32>} : memref<640xf32, #tpu.memory_space<vmem>>, vector<16xf32>,
      %get3A_398 = arith.constant 464 : index
      %get3A_399 = tpu.vector_load %arg9[%get3A_398] {strides = array<i32>} : memref<640xf32, #tpu.memory_space<vmem>>, vector<16xf32>,
      %add3A_400 = arith.addf %get3A_397, %get3A_399 : vector<16xf32>
      %swap3A_401 = arith.constant 464 : index
      %swap3A_402 = tpu.vector_load %arg10[%swap3A_401] {strides = array<i32>} : memref<640xf32, #tpu.memory_space<vmem>>, vector<16xf32>,
      tpu.vector_store %arg10[%swap3A_401], %add3A_400 {strides = array<i32>} : memref<640xf32, #tpu.memory_space<vmem>>, vector<16xf32>,
      %get3A_403 = arith.constant 480 : index
      %get3A_404 = tpu.vector_load %arg10[%get3A_403] {strides = array<i32>} : memref<640xf32, #tpu.memory_space<vmem>>, vector<16xf32>,
      %get3A_405 = arith.constant 480 : index
      %get3A_406 = tpu.vector_load %arg9[%get3A_405] {strides = array<i32>} : memref<640xf32, #tpu.memory_space<vmem>>, vector<16xf32>,
      %add3A_407 = arith.addf %get3A_404, %get3A_406 : vector<16xf32>
      %swap3A_408 = arith.constant 480 : index
      %swap3A_409 = tpu.vector_load %arg10[%swap3A_408] {strides = array<i32>} : memref<640xf32, #tpu.memory_space<vmem>>, vector<16xf32>,
      tpu.vector_store %arg10[%swap3A_408], %add3A_407 {strides = array<i32>} : memref<640xf32, #tpu.memory_space<vmem>>, vector<16xf32>,
      %get3A_410 = arith.constant 496 : index
      %get3A_411 = tpu.vector_load %arg10[%get3A_410] {strides = array<i32>} : memref<640xf32, #tpu.memory_space<vmem>>, vector<16xf32>,
      %get3A_412 = arith.constant 496 : index
      %get3A_413 = tpu.vector_load %arg9[%get3A_412] {strides = array<i32>} : memref<640xf32, #tpu.memory_space<vmem>>, vector<16xf32>,
      %add3A_414 = arith.addf %get3A_411, %get3A_413 : vector<16xf32>
      %swap3A_415 = arith.constant 496 : index
      %swap3A_416 = tpu.vector_load %arg10[%swap3A_415] {strides = array<i32>} : memref<640xf32, #tpu.memory_space<vmem>>, vector<16xf32>,
      tpu.vector_store %arg10[%swap3A_415], %add3A_414 {strides = array<i32>} : memref<640xf32, #tpu.memory_space<vmem>>, vector<16xf32>,
      %get3A_417 = arith.constant 512 : index
      %get3A_418 = tpu.vector_load %arg10[%get3A_417] {strides = array<i32>} : memref<640xf32, #tpu.memory_space<vmem>>, vector<16xf32>,
      %get3A_419 = arith.constant 512 : index
      %get3A_420 = tpu.vector_load %arg9[%get3A_419] {strides = array<i32>} : memref<640xf32, #tpu.memory_space<vmem>>, vector<16xf32>,
      %add3A_421 = arith.addf %get3A_418, %get3A_420 : vector<16xf32>
      %swap3A_422 = arith.constant 512 : index
      %swap3A_423 = tpu.vector_load %arg10[%swap3A_422] {strides = array<i32>} : memref<640xf32, #tpu.memory_space<vmem>>, vector<16xf32>,
      tpu.vector_store %arg10[%swap3A_422], %add3A_421 {strides = array<i32>} : memref<640xf32, #tpu.memory_space<vmem>>, vector<16xf32>,
      %get3A_424 = arith.constant 528 : index
      %get3A_425 = tpu.vector_load %arg10[%get3A_424] {strides = array<i32>} : memref<640xf32, #tpu.memory_space<vmem>>, vector<16xf32>,
      %get3A_426 = arith.constant 528 : index
      %get3A_427 = tpu.vector_load %arg9[%get3A_426] {strides = array<i32>} : memref<640xf32, #tpu.memory_space<vmem>>, vector<16xf32>,
      %add3A_428 = arith.addf %get3A_425, %get3A_427 : vector<16xf32>
      %swap3A_429 = arith.constant 528 : index
      %swap3A_430 = tpu.vector_load %arg10[%swap3A_429] {strides = array<i32>} : memref<640xf32, #tpu.memory_space<vmem>>, vector<16xf32>,
      tpu.vector_store %arg10[%swap3A_429], %add3A_428 {strides = array<i32>} : memref<640xf32, #tpu.memory_space<vmem>>, vector<16xf32>,
      %get3A_431 = arith.constant 544 : index
      %get3A_432 = tpu.vector_load %arg10[%get3A_431] {strides = array<i32>} : memref<640xf32, #tpu.memory_space<vmem>>, vector<16xf32>,
      %get3A_433 = arith.constant 544 : index
      %get3A_434 = tpu.vector_load %arg9[%get3A_433] {strides = array<i32>} : memref<640xf32, #tpu.memory_space<vmem>>, vector<16xf32>,
      %add3A_435 = arith.addf %get3A_432, %get3A_434 : vector<16xf32>
      %swap3A_436 = arith.constant 544 : index
      %swap3A_437 = tpu.vector_load %arg10[%swap3A_436] {strides = array<i32>} : memref<640xf32, #tpu.memory_space<vmem>>, vector<16xf32>,
      tpu.vector_store %arg10[%swap3A_436], %add3A_435 {strides = array<i32>} : memref<640xf32, #tpu.memory_space<vmem>>, vector<16xf32>,
      %get3A_438 = arith.constant 560 : index
      %get3A_439 = tpu.vector_load %arg10[%get3A_438] {strides = array<i32>} : memref<640xf32, #tpu.memory_space<vmem>>, vector<16xf32>,
      %get3A_440 = arith.constant 560 : index
      %get3A_441 = tpu.vector_load %arg9[%get3A_440] {strides = array<i32>} : memref<640xf32, #tpu.memory_space<vmem>>, vector<16xf32>,
      %add3A_442 = arith.addf %get3A_439, %get3A_441 : vector<16xf32>
      %swap3A_443 = arith.constant 560 : index
      %swap3A_444 = tpu.vector_load %arg10[%swap3A_443] {strides = array<i32>} : memref<640xf32, #tpu.memory_space<vmem>>, vector<16xf32>,
      tpu.vector_store %arg10[%swap3A_443], %add3A_442 {strides = array<i32>} : memref<640xf32, #tpu.memory_space<vmem>>, vector<16xf32>,
      %get3A_445 = arith.constant 576 : index
      %get3A_446 = tpu.vector_load %arg10[%get3A_445] {strides = array<i32>} : memref<640xf32, #tpu.memory_space<vmem>>, vector<16xf32>,
      %get3A_447 = arith.constant 576 : index
      %get3A_448 = tpu.vector_load %arg9[%get3A_447] {strides = array<i32>} : memref<640xf32, #tpu.memory_space<vmem>>, vector<16xf32>,
      %add3A_449 = arith.addf %get3A_446, %get3A_448 : vector<16xf32>
      %swap3A_450 = arith.constant 576 : index
      %swap3A_451 = tpu.vector_load %arg10[%swap3A_450] {strides = array<i32>} : memref<640xf32, #tpu.memory_space<vmem>>, vector<16xf32>,
      tpu.vector_store %arg10[%swap3A_450], %add3A_449 {strides = array<i32>} : memref<640xf32, #tpu.memory_space<vmem>>, vector<16xf32>,
      %get3A_452 = arith.constant 592 : index
      %get3A_453 = tpu.vector_load %arg10[%get3A_452] {strides = array<i32>} : memref<640xf32, #tpu.memory_space<vmem>>, vector<16xf32>,
      %get3A_454 = arith.constant 592 : index
      %get3A_455 = tpu.vector_load %arg9[%get3A_454] {strides = array<i32>} : memref<640xf32, #tpu.memory_space<vmem>>, vector<16xf32>,
      %add3A_456 = arith.addf %get3A_453, %get3A_455 : vector<16xf32>
      %swap3A_457 = arith.constant 592 : index
      %swap3A_458 = tpu.vector_load %arg10[%swap3A_457] {strides = array<i32>} : memref<640xf32, #tpu.memory_space<vmem>>, vector<16xf32>,
      tpu.vector_store %arg10[%swap3A_457], %add3A_456 {strides = array<i32>} : memref<640xf32, #tpu.memory_space<vmem>>, vector<16xf32>,
      %get3A_459 = arith.constant 608 : index
      %get3A_460 = tpu.vector_load %arg10[%get3A_459] {strides = array<i32>} : memref<640xf32, #tpu.memory_space<vmem>>, vector<16xf32>,
      %get3A_461 = arith.constant 608 : index
      %get3A_462 = tpu.vector_load %arg9[%get3A_461] {strides = array<i32>} : memref<640xf32, #tpu.memory_space<vmem>>, vector<16xf32>,
      %add3A_463 = arith.addf %get3A_460, %get3A_462 : vector<16xf32>
      %swap3A_464 = arith.constant 608 : index
      %swap3A_465 = tpu.vector_load %arg10[%swap3A_464] {strides = array<i32>} : memref<640xf32, #tpu.memory_space<vmem>>, vector<16xf32>,
      tpu.vector_store %arg10[%swap3A_464], %add3A_463 {strides = array<i32>} : memref<640xf32, #tpu.memory_space<vmem>>, vector<16xf32>,
      %get3A_466 = arith.constant 624 : index
      %get3A_467 = tpu.vector_load %arg10[%get3A_466] {strides = array<i32>} : memref<640xf32, #tpu.memory_space<vmem>>, vector<16xf32>,
      %get3A_468 = arith.constant 624 : index
      %get3A_469 = tpu.vector_load %arg9[%get3A_468] {strides = array<i32>} : memref<640xf32, #tpu.memory_space<vmem>>, vector<16xf32>,
      %add3A_470 = arith.addf %get3A_467, %get3A_469 : vector<16xf32>
      %swap3A_471 = arith.constant 624 : index
      %swap3A_472 = tpu.vector_load %arg10[%swap3A_471] {strides = array<i32>} : memref<640xf32, #tpu.memory_space<vmem>>, vector<16xf32>,
      tpu.vector_store %arg10[%swap3A_471], %add3A_470 {strides = array<i32>} : memref<640xf32, #tpu.memory_space<vmem>>, vector<16xf32>,
      %scan3A_473 = arith.constant 0 : i32
      scf.yield %scan3A_473 : i32
    }
    %scan3A_181 = arith.constant 16 : i32
    %mul3A_182 = arith.constant 10240 : i32
    %mul3A_183 = arith.muli %arg0, %mul3A_182 : i32
    %mul3A_184 = arith.constant 640 : i32
    %mul3A_185 = arith.muli %arg1, %mul3A_184 : i32
    %add3A_186 = arith.addi %mul3A_183, %mul3A_185 : i32
    "tpu.region"() ({
      %run_scoped3A = tpu.sem_alloc : memref<!tpu.dma_semaphore, #tpu.memory_space<semaphore_mem>>
      %dma_start3A = tpu.memref_slice %arg5[%add3A_186] : memref<20480xf32, #tpu.memory_space<hbm>> -> memref<640xf32, #tpu.memory_space<hbm>>
      %dma_start3A_187 = tpu.memref_slice %arg5[%add3A_186] : memref<20480xf32, #tpu.memory_space<hbm>> -> memref<640xf32, #tpu.memory_space<hbm>>
      tpu.enqueue_dma source(%arg10 : memref<640xf32, #tpu.memory_space<vmem>>) target(%dma_start3A_187 : memref<640xf32, #tpu.memory_space<hbm>>) target_semaphore(%run_scoped3A : memref<!tpu.dma_semaphore, #tpu.memory_space<semaphore_mem>>)
      %dma_wait3A = tpu.memref_slice %arg5[%add3A_186] : memref<20480xf32, #tpu.memory_space<hbm>> -> memref<640xf32, #tpu.memory_space<hbm>>
      %dma_wait3A_188 = tpu.memref_slice %arg5[%add3A_186] : memref<20480xf32, #tpu.memory_space<hbm>> -> memref<640xf32, #tpu.memory_space<hbm>>
      tpu.wait_dma2 semaphore(%run_scoped3A : memref<!tpu.dma_semaphore, #tpu.memory_space<semaphore_mem>>) src(%arg10 : memref<640xf32, #tpu.memory_space<vmem>>) dst(%dma_wait3A_188 : memref<640xf32, #tpu.memory_space<hbm>>)
      tpu.yield
    }) : () -> ()
    return
  }
}

#map = affine_map<(d0, d1) -> (0, 0)>
#map1 = affine_map<(d0, d1) -> (0)>
module attributes {stable_mosaic.version = 14 : i64} {
  func.func @_agg_body(%arg0: i32, %arg1: i32, %arg2: memref<20480x128xf32, #tpu.memory_space<hbm>>, %arg3: memref<647168xi32, #tpu.memory_space<hbm>>, %arg4: memref<647168xi32, #tpu.memory_space<hbm>>, %arg5: memref<20480x128xf32, #tpu.memory_space<hbm>>, %arg6: memref<128xi32, #tpu.memory_space<vmem>>, %arg7: memref<128xi32, #tpu.memory_space<vmem>>, %arg8: memref<128xi32, #tpu.memory_space<vmem>>, %arg9: memref<128xi32, #tpu.memory_space<vmem>>, %arg10: memref<128x128xf32, #tpu.memory_space<vmem>>, %arg11: memref<128x128xf32, #tpu.memory_space<vmem>>, %arg12: memref<10240x128xf32, #tpu.memory_space<vmem_shared>>, %arg13: memref<!tpu.dma_semaphore, #tpu.memory_space<semaphore_mem>>, %arg14: memref<!tpu.dma_semaphore, #tpu.memory_space<semaphore_mem>>, %arg15: memref<!tpu.dma_semaphore, #tpu.memory_space<semaphore_mem>>, %arg16: memref<!tpu.dma_semaphore, #tpu.memory_space<semaphore_mem>>, %arg17: memref<!tpu.dma_semaphore, #tpu.memory_space<semaphore_mem>>, %arg18: memref<!tpu.dma_semaphore, #tpu.memory_space<semaphore_mem>>, %arg19: memref<!tpu.dma_semaphore, #tpu.memory_space<semaphore_mem>>, %arg20: memref<!tpu.dma_semaphore, #tpu.memory_space<semaphore_mem>>) attributes {dimension_semantics = [#tpu.dimension_semantics<core_parallel>, #tpu.dimension_semantics<subcore_parallel>], iteration_bounds = array<i64: 2, 16>, scalar_prefetch = 0 : i64, scratch_operands = 15 : i64, tpu.core_type = #tpu.core_type<sc_vector_subcore>, window_params = [{transform_indices = #map}, {transform_indices = #map1}, {transform_indices = #map1}, {transform_indices = #map}]} {
    %mul3A = arith.constant 16 : i32
    %mul3A_0 = arith.muli %arg0, %mul3A : i32
    %add3A = arith.addi %mul3A_0, %arg1 : i32
    %mul3A_1 = arith.constant 20224 : i32
    %mul3A_2 = arith.muli %add3A, %mul3A_1 : i32
    %mul3A_3 = arith.constant 10240 : i32
    %mul3A_4 = arith.muli %arg0, %mul3A_3 : i32
    %mul3A_5 = arith.constant 640 : i32
    %mul3A_6 = arith.muli %arg1, %mul3A_5 : i32
    %add3A_7 = arith.addi %mul3A_4, %mul3A_6 : i32
    %mul3A_8 = arith.constant 640 : i32
    %mul3A_9 = arith.muli %arg1, %mul3A_8 : i32
    "tpu.region"() ({
      %run_scoped3A = tpu.sem_alloc : memref<!tpu.dma_semaphore, #tpu.memory_space<semaphore_mem>>
      %dma_start3A_70 = arith.constant 0 : i32
      %dma_start3A_71 = tpu.memref_slice %arg12[%mul3A_9, %dma_start3A_70] : memref<10240x128xf32, #tpu.memory_space<vmem_shared>> -> memref<640x128xf32, #tpu.memory_space<vmem_shared>>
      %dma_start3A_72 = arith.constant 0 : i32
      %dma_start3A_73 = tpu.memref_slice %arg2[%add3A_7, %dma_start3A_72] : memref<20480x128xf32, #tpu.memory_space<hbm>> -> memref<640x128xf32, #tpu.memory_space<hbm>>
      tpu.enqueue_dma source(%dma_start3A_73 : memref<640x128xf32, #tpu.memory_space<hbm>>) target(%dma_start3A_71 : memref<640x128xf32, #tpu.memory_space<vmem_shared>>) target_semaphore(%run_scoped3A : memref<!tpu.dma_semaphore, #tpu.memory_space<semaphore_mem>>)
      %dma_wait3A_74 = arith.constant 0 : i32
      %dma_wait3A_75 = tpu.memref_slice %arg12[%mul3A_9, %dma_wait3A_74] : memref<10240x128xf32, #tpu.memory_space<vmem_shared>> -> memref<640x128xf32, #tpu.memory_space<vmem_shared>>
      %dma_wait3A_76 = arith.constant 0 : i32
      %dma_wait3A_77 = tpu.memref_slice %arg2[%add3A_7, %dma_wait3A_76] : memref<20480x128xf32, #tpu.memory_space<hbm>> -> memref<640x128xf32, #tpu.memory_space<hbm>>
      tpu.wait_dma2 semaphore(%run_scoped3A : memref<!tpu.dma_semaphore, #tpu.memory_space<semaphore_mem>>) src(%dma_wait3A_77 : memref<640x128xf32, #tpu.memory_space<hbm>>) dst(%dma_wait3A_75 : memref<640x128xf32, #tpu.memory_space<vmem_shared>>)
      tpu.yield
    }) : () -> ()
    %barrier3A = arith.constant 0 : index
    tpu.barrier barrier_id(%barrier3A)
    %add3A_10 = arith.constant 0 : i32
    %add3A_11 = arith.addi %mul3A_2, %add3A_10 : i32
    %dma_start3A = tpu.memref_slice %arg3[%add3A_11] : memref<647168xi32, #tpu.memory_space<hbm>> -> memref<128xi32, #tpu.memory_space<hbm>>
    %dma_start3A_12 = tpu.memref_slice %arg3[%add3A_11] : memref<647168xi32, #tpu.memory_space<hbm>> -> memref<128xi32, #tpu.memory_space<hbm>>
    tpu.enqueue_dma source(%dma_start3A_12 : memref<128xi32, #tpu.memory_space<hbm>>) target(%arg6 : memref<128xi32, #tpu.memory_space<vmem>>) target_semaphore(%arg13 : memref<!tpu.dma_semaphore, #tpu.memory_space<semaphore_mem>>)
    %add3A_13 = arith.constant 0 : i32
    %add3A_14 = arith.addi %mul3A_2, %add3A_13 : i32
    %dma_start3A_15 = tpu.memref_slice %arg4[%add3A_14] : memref<647168xi32, #tpu.memory_space<hbm>> -> memref<128xi32, #tpu.memory_space<hbm>>
    %dma_start3A_16 = tpu.memref_slice %arg4[%add3A_14] : memref<647168xi32, #tpu.memory_space<hbm>> -> memref<128xi32, #tpu.memory_space<hbm>>
    tpu.enqueue_dma source(%dma_start3A_16 : memref<128xi32, #tpu.memory_space<hbm>>) target(%arg8 : memref<128xi32, #tpu.memory_space<vmem>>) target_semaphore(%arg15 : memref<!tpu.dma_semaphore, #tpu.memory_space<semaphore_mem>>)
    %add3A_17 = arith.constant 128 : i32
    %add3A_18 = arith.addi %mul3A_2, %add3A_17 : i32
    %dma_start3A_19 = tpu.memref_slice %arg3[%add3A_18] : memref<647168xi32, #tpu.memory_space<hbm>> -> memref<128xi32, #tpu.memory_space<hbm>>
    %dma_start3A_20 = tpu.memref_slice %arg3[%add3A_18] : memref<647168xi32, #tpu.memory_space<hbm>> -> memref<128xi32, #tpu.memory_space<hbm>>
    tpu.enqueue_dma source(%dma_start3A_20 : memref<128xi32, #tpu.memory_space<hbm>>) target(%arg7 : memref<128xi32, #tpu.memory_space<vmem>>) target_semaphore(%arg14 : memref<!tpu.dma_semaphore, #tpu.memory_space<semaphore_mem>>)
    %add3A_21 = arith.constant 128 : i32
    %add3A_22 = arith.addi %mul3A_2, %add3A_21 : i32
    %dma_start3A_23 = tpu.memref_slice %arg4[%add3A_22] : memref<647168xi32, #tpu.memory_space<hbm>> -> memref<128xi32, #tpu.memory_space<hbm>>
    %dma_start3A_24 = tpu.memref_slice %arg4[%add3A_22] : memref<647168xi32, #tpu.memory_space<hbm>> -> memref<128xi32, #tpu.memory_space<hbm>>
    tpu.enqueue_dma source(%dma_start3A_24 : memref<128xi32, #tpu.memory_space<hbm>>) target(%arg9 : memref<128xi32, #tpu.memory_space<vmem>>) target_semaphore(%arg16 : memref<!tpu.dma_semaphore, #tpu.memory_space<semaphore_mem>>)
    %dma_wait3A = tpu.memref_slice %arg3[%add3A_11] : memref<647168xi32, #tpu.memory_space<hbm>> -> memref<128xi32, #tpu.memory_space<hbm>>
    %dma_wait3A_25 = tpu.memref_slice %arg3[%add3A_11] : memref<647168xi32, #tpu.memory_space<hbm>> -> memref<128xi32, #tpu.memory_space<hbm>>
    tpu.wait_dma2 semaphore(%arg13 : memref<!tpu.dma_semaphore, #tpu.memory_space<semaphore_mem>>) src(%dma_wait3A_25 : memref<128xi32, #tpu.memory_space<hbm>>) dst(%arg6 : memref<128xi32, #tpu.memory_space<vmem>>)
    %dma_start3A_26 = arith.constant 0 : i32
    %dma_start3A_27 = arith.constant 0 : i32
    %dma_start3A_28 = tpu.memref_slice %arg2[%dma_start3A_26, %dma_start3A_27] : memref<20480x128xf32, #tpu.memory_space<hbm>> -> memref<20480x128xf32, #tpu.memory_space<hbm>>
    tpu.enqueue_indirect_dma source(%dma_start3A_28 : memref<20480x128xf32, #tpu.memory_space<hbm>>) target(%arg10 : memref<128x128xf32, #tpu.memory_space<vmem>>) offsets(%arg6 : memref<128xi32, #tpu.memory_space<vmem>>) semaphore(%arg17 : memref<!tpu.dma_semaphore, #tpu.memory_space<semaphore_mem>>)
    %dma_wait3A_29 = tpu.memref_slice %arg3[%add3A_18] : memref<647168xi32, #tpu.memory_space<hbm>> -> memref<128xi32, #tpu.memory_space<hbm>>
    %dma_wait3A_30 = tpu.memref_slice %arg3[%add3A_18] : memref<647168xi32, #tpu.memory_space<hbm>> -> memref<128xi32, #tpu.memory_space<hbm>>
    tpu.wait_dma2 semaphore(%arg14 : memref<!tpu.dma_semaphore, #tpu.memory_space<semaphore_mem>>) src(%dma_wait3A_30 : memref<128xi32, #tpu.memory_space<hbm>>) dst(%arg7 : memref<128xi32, #tpu.memory_space<vmem>>)
    %dma_start3A_31 = arith.constant 0 : i32
    %dma_start3A_32 = arith.constant 0 : i32
    %dma_start3A_33 = tpu.memref_slice %arg2[%dma_start3A_31, %dma_start3A_32] : memref<20480x128xf32, #tpu.memory_space<hbm>> -> memref<20480x128xf32, #tpu.memory_space<hbm>>
    tpu.enqueue_indirect_dma source(%dma_start3A_33 : memref<20480x128xf32, #tpu.memory_space<hbm>>) target(%arg11 : memref<128x128xf32, #tpu.memory_space<vmem>>) offsets(%arg7 : memref<128xi32, #tpu.memory_space<vmem>>) semaphore(%arg18 : memref<!tpu.dma_semaphore, #tpu.memory_space<semaphore_mem>>)
    %scan3A = arith.constant 0 : i32
    %scan3A_34 = arith.constant 0 : i32
    %scan3A_35 = arith.constant 78 : i32
    %scan3A_36 = arith.addi %scan3A_34, %scan3A_35 : i32
    %scan3A_37 = arith.constant 1 : i32
    %scan3A_38 = scf.for %scan3A_70 = %scan3A_34 to %scan3A_36 step %scan3A_37 iter_args(%scan3A_71 = %scan3A) -> (i32)  : i32 {
      %mul3A_72 = arith.constant 2 : i32
      %mul3A_73 = arith.muli %mul3A_72, %scan3A_70 : i32
      %add3A_74 = arith.constant 0 : i32
      %add3A_75 = arith.addi %mul3A_73, %add3A_74 : i32
      %dma_wait3A_76 = arith.constant 0 : i32
      %dma_wait3A_77 = arith.constant 0 : i32
      %dma_wait3A_78 = tpu.memref_slice %arg2[%dma_wait3A_76, %dma_wait3A_77] : memref<20480x128xf32, #tpu.memory_space<hbm>> -> memref<20480x128xf32, #tpu.memory_space<hbm>>
      tpu.wait_indirect_dma semaphore(%arg17 : memref<!tpu.dma_semaphore, #tpu.memory_space<semaphore_mem>>) src(%dma_wait3A_78 : memref<20480x128xf32, #tpu.memory_space<hbm>>) dst(%arg10 : memref<128x128xf32, #tpu.memory_space<vmem>>)
      %dma_wait3A_79 = tpu.memref_slice %arg4[%add3A_14] : memref<647168xi32, #tpu.memory_space<hbm>> -> memref<128xi32, #tpu.memory_space<hbm>>
      %dma_wait3A_80 = tpu.memref_slice %arg4[%add3A_14] : memref<647168xi32, #tpu.memory_space<hbm>> -> memref<128xi32, #tpu.memory_space<hbm>>
      tpu.wait_dma2 semaphore(%arg15 : memref<!tpu.dma_semaphore, #tpu.memory_space<semaphore_mem>>) src(%dma_wait3A_80 : memref<128xi32, #tpu.memory_space<hbm>>) dst(%arg8 : memref<128xi32, #tpu.memory_space<vmem>>)
      %dma_start3A_81 = arith.constant 0 : i32
      %dma_start3A_82 = arith.constant 0 : i32
      %dma_start3A_83 = tpu.memref_slice %arg12[%dma_start3A_81, %dma_start3A_82] : memref<10240x128xf32, #tpu.memory_space<vmem_shared>> -> memref<10240x128xf32, #tpu.memory_space<vmem_shared>>
      tpu.enqueue_indirect_dma source(%arg10 : memref<128x128xf32, #tpu.memory_space<vmem>>) target(%dma_start3A_83 : memref<10240x128xf32, #tpu.memory_space<vmem_shared>>) offsets(%arg8 : memref<128xi32, #tpu.memory_space<vmem>>) semaphore(%arg19 : memref<!tpu.dma_semaphore, #tpu.memory_space<semaphore_mem>>) {add = true}
      %add3A_84 = arith.constant 2 : i32
      %add3A_85 = arith.addi %add3A_75, %add3A_84 : i32
      %mul3A_86 = arith.constant 128 : i32
      %mul3A_87 = arith.muli %add3A_85, %mul3A_86 : i32
      %add3A_88 = arith.addi %mul3A_2, %mul3A_87 : i32
      %dma_start3A_89 = tpu.memref_slice %arg3[%add3A_88] : memref<647168xi32, #tpu.memory_space<hbm>> -> memref<128xi32, #tpu.memory_space<hbm>>
      %dma_start3A_90 = tpu.memref_slice %arg3[%add3A_88] : memref<647168xi32, #tpu.memory_space<hbm>> -> memref<128xi32, #tpu.memory_space<hbm>>
      tpu.enqueue_dma source(%dma_start3A_90 : memref<128xi32, #tpu.memory_space<hbm>>) target(%arg6 : memref<128xi32, #tpu.memory_space<vmem>>) target_semaphore(%arg13 : memref<!tpu.dma_semaphore, #tpu.memory_space<semaphore_mem>>)
      %dma_wait3A_91 = arith.constant 0 : i32
      %dma_wait3A_92 = arith.constant 0 : i32
      %dma_wait3A_93 = tpu.memref_slice %arg12[%dma_wait3A_91, %dma_wait3A_92] : memref<10240x128xf32, #tpu.memory_space<vmem_shared>> -> memref<10240x128xf32, #tpu.memory_space<vmem_shared>>
      tpu.wait_indirect_dma semaphore(%arg19 : memref<!tpu.dma_semaphore, #tpu.memory_space<semaphore_mem>>) src(%arg10 : memref<128x128xf32, #tpu.memory_space<vmem>>) dst(%dma_wait3A_93 : memref<10240x128xf32, #tpu.memory_space<vmem_shared>>)
      %dma_start3A_94 = tpu.memref_slice %arg4[%add3A_88] : memref<647168xi32, #tpu.memory_space<hbm>> -> memref<128xi32, #tpu.memory_space<hbm>>
      %dma_start3A_95 = tpu.memref_slice %arg4[%add3A_88] : memref<647168xi32, #tpu.memory_space<hbm>> -> memref<128xi32, #tpu.memory_space<hbm>>
      tpu.enqueue_dma source(%dma_start3A_95 : memref<128xi32, #tpu.memory_space<hbm>>) target(%arg8 : memref<128xi32, #tpu.memory_space<vmem>>) target_semaphore(%arg15 : memref<!tpu.dma_semaphore, #tpu.memory_space<semaphore_mem>>)
      %dma_wait3A_96 = tpu.memref_slice %arg3[%add3A_11] : memref<647168xi32, #tpu.memory_space<hbm>> -> memref<128xi32, #tpu.memory_space<hbm>>
      %dma_wait3A_97 = tpu.memref_slice %arg3[%add3A_11] : memref<647168xi32, #tpu.memory_space<hbm>> -> memref<128xi32, #tpu.memory_space<hbm>>
      tpu.wait_dma2 semaphore(%arg13 : memref<!tpu.dma_semaphore, #tpu.memory_space<semaphore_mem>>) src(%dma_wait3A_97 : memref<128xi32, #tpu.memory_space<hbm>>) dst(%arg6 : memref<128xi32, #tpu.memory_space<vmem>>)
      %dma_start3A_98 = arith.constant 0 : i32
      %dma_start3A_99 = arith.constant 0 : i32
      %dma_start3A_100 = tpu.memref_slice %arg2[%dma_start3A_98, %dma_start3A_99] : memref<20480x128xf32, #tpu.memory_space<hbm>> -> memref<20480x128xf32, #tpu.memory_space<hbm>>
      tpu.enqueue_indirect_dma source(%dma_start3A_100 : memref<20480x128xf32, #tpu.memory_space<hbm>>) target(%arg10 : memref<128x128xf32, #tpu.memory_space<vmem>>) offsets(%arg6 : memref<128xi32, #tpu.memory_space<vmem>>) semaphore(%arg17 : memref<!tpu.dma_semaphore, #tpu.memory_space<semaphore_mem>>)
      %mul3A_101 = arith.constant 2 : i32
      %mul3A_102 = arith.muli %mul3A_101, %scan3A_70 : i32
      %add3A_103 = arith.constant 1 : i32
      %add3A_104 = arith.addi %mul3A_102, %add3A_103 : i32
      %dma_wait3A_105 = arith.constant 0 : i32
      %dma_wait3A_106 = arith.constant 0 : i32
      %dma_wait3A_107 = tpu.memref_slice %arg2[%dma_wait3A_105, %dma_wait3A_106] : memref<20480x128xf32, #tpu.memory_space<hbm>> -> memref<20480x128xf32, #tpu.memory_space<hbm>>
      tpu.wait_indirect_dma semaphore(%arg18 : memref<!tpu.dma_semaphore, #tpu.memory_space<semaphore_mem>>) src(%dma_wait3A_107 : memref<20480x128xf32, #tpu.memory_space<hbm>>) dst(%arg11 : memref<128x128xf32, #tpu.memory_space<vmem>>)
      %dma_wait3A_108 = tpu.memref_slice %arg4[%add3A_22] : memref<647168xi32, #tpu.memory_space<hbm>> -> memref<128xi32, #tpu.memory_space<hbm>>
      %dma_wait3A_109 = tpu.memref_slice %arg4[%add3A_22] : memref<647168xi32, #tpu.memory_space<hbm>> -> memref<128xi32, #tpu.memory_space<hbm>>
      tpu.wait_dma2 semaphore(%arg16 : memref<!tpu.dma_semaphore, #tpu.memory_space<semaphore_mem>>) src(%dma_wait3A_109 : memref<128xi32, #tpu.memory_space<hbm>>) dst(%arg9 : memref<128xi32, #tpu.memory_space<vmem>>)
      %dma_start3A_110 = arith.constant 0 : i32
      %dma_start3A_111 = arith.constant 0 : i32
      %dma_start3A_112 = tpu.memref_slice %arg12[%dma_start3A_110, %dma_start3A_111] : memref<10240x128xf32, #tpu.memory_space<vmem_shared>> -> memref<10240x128xf32, #tpu.memory_space<vmem_shared>>
      tpu.enqueue_indirect_dma source(%arg11 : memref<128x128xf32, #tpu.memory_space<vmem>>) target(%dma_start3A_112 : memref<10240x128xf32, #tpu.memory_space<vmem_shared>>) offsets(%arg9 : memref<128xi32, #tpu.memory_space<vmem>>) semaphore(%arg20 : memref<!tpu.dma_semaphore, #tpu.memory_space<semaphore_mem>>) {add = true}
      %add3A_113 = arith.constant 2 : i32
      %add3A_114 = arith.addi %add3A_104, %add3A_113 : i32
      %mul3A_115 = arith.constant 128 : i32
      %mul3A_116 = arith.muli %add3A_114, %mul3A_115 : i32
      %add3A_117 = arith.addi %mul3A_2, %mul3A_116 : i32
      %dma_start3A_118 = tpu.memref_slice %arg3[%add3A_117] : memref<647168xi32, #tpu.memory_space<hbm>> -> memref<128xi32, #tpu.memory_space<hbm>>
      %dma_start3A_119 = tpu.memref_slice %arg3[%add3A_117] : memref<647168xi32, #tpu.memory_space<hbm>> -> memref<128xi32, #tpu.memory_space<hbm>>
      tpu.enqueue_dma source(%dma_start3A_119 : memref<128xi32, #tpu.memory_space<hbm>>) target(%arg7 : memref<128xi32, #tpu.memory_space<vmem>>) target_semaphore(%arg14 : memref<!tpu.dma_semaphore, #tpu.memory_space<semaphore_mem>>)
      %dma_wait3A_120 = arith.constant 0 : i32
      %dma_wait3A_121 = arith.constant 0 : i32
      %dma_wait3A_122 = tpu.memref_slice %arg12[%dma_wait3A_120, %dma_wait3A_121] : memref<10240x128xf32, #tpu.memory_space<vmem_shared>> -> memref<10240x128xf32, #tpu.memory_space<vmem_shared>>
      tpu.wait_indirect_dma semaphore(%arg20 : memref<!tpu.dma_semaphore, #tpu.memory_space<semaphore_mem>>) src(%arg11 : memref<128x128xf32, #tpu.memory_space<vmem>>) dst(%dma_wait3A_122 : memref<10240x128xf32, #tpu.memory_space<vmem_shared>>)
      %dma_start3A_123 = tpu.memref_slice %arg4[%add3A_117] : memref<647168xi32, #tpu.memory_space<hbm>> -> memref<128xi32, #tpu.memory_space<hbm>>
      %dma_start3A_124 = tpu.memref_slice %arg4[%add3A_117] : memref<647168xi32, #tpu.memory_space<hbm>> -> memref<128xi32, #tpu.memory_space<hbm>>
      tpu.enqueue_dma source(%dma_start3A_124 : memref<128xi32, #tpu.memory_space<hbm>>) target(%arg9 : memref<128xi32, #tpu.memory_space<vmem>>) target_semaphore(%arg16 : memref<!tpu.dma_semaphore, #tpu.memory_space<semaphore_mem>>)
      %dma_wait3A_125 = tpu.memref_slice %arg3[%add3A_18] : memref<647168xi32, #tpu.memory_space<hbm>> -> memref<128xi32, #tpu.memory_space<hbm>>
      %dma_wait3A_126 = tpu.memref_slice %arg3[%add3A_18] : memref<647168xi32, #tpu.memory_space<hbm>> -> memref<128xi32, #tpu.memory_space<hbm>>
      tpu.wait_dma2 semaphore(%arg14 : memref<!tpu.dma_semaphore, #tpu.memory_space<semaphore_mem>>) src(%dma_wait3A_126 : memref<128xi32, #tpu.memory_space<hbm>>) dst(%arg7 : memref<128xi32, #tpu.memory_space<vmem>>)
      %dma_start3A_127 = arith.constant 0 : i32
      %dma_start3A_128 = arith.constant 0 : i32
      %dma_start3A_129 = tpu.memref_slice %arg2[%dma_start3A_127, %dma_start3A_128] : memref<20480x128xf32, #tpu.memory_space<hbm>> -> memref<20480x128xf32, #tpu.memory_space<hbm>>
      tpu.enqueue_indirect_dma source(%dma_start3A_129 : memref<20480x128xf32, #tpu.memory_space<hbm>>) target(%arg11 : memref<128x128xf32, #tpu.memory_space<vmem>>) offsets(%arg7 : memref<128xi32, #tpu.memory_space<vmem>>) semaphore(%arg18 : memref<!tpu.dma_semaphore, #tpu.memory_space<semaphore_mem>>)
      %scan3A_130 = arith.constant 0 : i32
      scf.yield %scan3A_130 : i32
    }
    %scan3A_39 = arith.constant 78 : i32
    %dma_wait3A_40 = arith.constant 0 : i32
    %dma_wait3A_41 = arith.constant 0 : i32
    %dma_wait3A_42 = tpu.memref_slice %arg2[%dma_wait3A_40, %dma_wait3A_41] : memref<20480x128xf32, #tpu.memory_space<hbm>> -> memref<20480x128xf32, #tpu.memory_space<hbm>>
    tpu.wait_indirect_dma semaphore(%arg17 : memref<!tpu.dma_semaphore, #tpu.memory_space<semaphore_mem>>) src(%dma_wait3A_42 : memref<20480x128xf32, #tpu.memory_space<hbm>>) dst(%arg10 : memref<128x128xf32, #tpu.memory_space<vmem>>)
    %dma_wait3A_43 = tpu.memref_slice %arg4[%add3A_14] : memref<647168xi32, #tpu.memory_space<hbm>> -> memref<128xi32, #tpu.memory_space<hbm>>
    %dma_wait3A_44 = tpu.memref_slice %arg4[%add3A_14] : memref<647168xi32, #tpu.memory_space<hbm>> -> memref<128xi32, #tpu.memory_space<hbm>>
    tpu.wait_dma2 semaphore(%arg15 : memref<!tpu.dma_semaphore, #tpu.memory_space<semaphore_mem>>) src(%dma_wait3A_44 : memref<128xi32, #tpu.memory_space<hbm>>) dst(%arg8 : memref<128xi32, #tpu.memory_space<vmem>>)
    %dma_start3A_45 = arith.constant 0 : i32
    %dma_start3A_46 = arith.constant 0 : i32
    %dma_start3A_47 = tpu.memref_slice %arg12[%dma_start3A_45, %dma_start3A_46] : memref<10240x128xf32, #tpu.memory_space<vmem_shared>> -> memref<10240x128xf32, #tpu.memory_space<vmem_shared>>
    tpu.enqueue_indirect_dma source(%arg10 : memref<128x128xf32, #tpu.memory_space<vmem>>) target(%dma_start3A_47 : memref<10240x128xf32, #tpu.memory_space<vmem_shared>>) offsets(%arg8 : memref<128xi32, #tpu.memory_space<vmem>>) semaphore(%arg19 : memref<!tpu.dma_semaphore, #tpu.memory_space<semaphore_mem>>) {add = true}
    %dma_wait3A_48 = arith.constant 0 : i32
    %dma_wait3A_49 = arith.constant 0 : i32
    %dma_wait3A_50 = tpu.memref_slice %arg12[%dma_wait3A_48, %dma_wait3A_49] : memref<10240x128xf32, #tpu.memory_space<vmem_shared>> -> memref<10240x128xf32, #tpu.memory_space<vmem_shared>>
    tpu.wait_indirect_dma semaphore(%arg19 : memref<!tpu.dma_semaphore, #tpu.memory_space<semaphore_mem>>) src(%arg10 : memref<128x128xf32, #tpu.memory_space<vmem>>) dst(%dma_wait3A_50 : memref<10240x128xf32, #tpu.memory_space<vmem_shared>>)
    %dma_wait3A_51 = arith.constant 0 : i32
    %dma_wait3A_52 = arith.constant 0 : i32
    %dma_wait3A_53 = tpu.memref_slice %arg2[%dma_wait3A_51, %dma_wait3A_52] : memref<20480x128xf32, #tpu.memory_space<hbm>> -> memref<20480x128xf32, #tpu.memory_space<hbm>>
    tpu.wait_indirect_dma semaphore(%arg18 : memref<!tpu.dma_semaphore, #tpu.memory_space<semaphore_mem>>) src(%dma_wait3A_53 : memref<20480x128xf32, #tpu.memory_space<hbm>>) dst(%arg11 : memref<128x128xf32, #tpu.memory_space<vmem>>)
    %dma_wait3A_54 = tpu.memref_slice %arg4[%add3A_22] : memref<647168xi32, #tpu.memory_space<hbm>> -> memref<128xi32, #tpu.memory_space<hbm>>
    %dma_wait3A_55 = tpu.memref_slice %arg4[%add3A_22] : memref<647168xi32, #tpu.memory_space<hbm>> -> memref<128xi32, #tpu.memory_space<hbm>>
    tpu.wait_dma2 semaphore(%arg16 : memref<!tpu.dma_semaphore, #tpu.memory_space<semaphore_mem>>) src(%dma_wait3A_55 : memref<128xi32, #tpu.memory_space<hbm>>) dst(%arg9 : memref<128xi32, #tpu.memory_space<vmem>>)
    %dma_start3A_56 = arith.constant 0 : i32
    %dma_start3A_57 = arith.constant 0 : i32
    %dma_start3A_58 = tpu.memref_slice %arg12[%dma_start3A_56, %dma_start3A_57] : memref<10240x128xf32, #tpu.memory_space<vmem_shared>> -> memref<10240x128xf32, #tpu.memory_space<vmem_shared>>
    tpu.enqueue_indirect_dma source(%arg11 : memref<128x128xf32, #tpu.memory_space<vmem>>) target(%dma_start3A_58 : memref<10240x128xf32, #tpu.memory_space<vmem_shared>>) offsets(%arg9 : memref<128xi32, #tpu.memory_space<vmem>>) semaphore(%arg20 : memref<!tpu.dma_semaphore, #tpu.memory_space<semaphore_mem>>) {add = true}
    %dma_wait3A_59 = arith.constant 0 : i32
    %dma_wait3A_60 = arith.constant 0 : i32
    %dma_wait3A_61 = tpu.memref_slice %arg12[%dma_wait3A_59, %dma_wait3A_60] : memref<10240x128xf32, #tpu.memory_space<vmem_shared>> -> memref<10240x128xf32, #tpu.memory_space<vmem_shared>>
    tpu.wait_indirect_dma semaphore(%arg20 : memref<!tpu.dma_semaphore, #tpu.memory_space<semaphore_mem>>) src(%arg11 : memref<128x128xf32, #tpu.memory_space<vmem>>) dst(%dma_wait3A_61 : memref<10240x128xf32, #tpu.memory_space<vmem_shared>>)
    %barrier3A_62 = arith.constant 0 : index
    tpu.barrier barrier_id(%barrier3A_62)
    %mul3A_63 = arith.constant 640 : i32
    %mul3A_64 = arith.muli %arg1, %mul3A_63 : i32
    %mul3A_65 = arith.constant 10240 : i32
    %mul3A_66 = arith.muli %arg0, %mul3A_65 : i32
    %mul3A_67 = arith.constant 640 : i32
    %mul3A_68 = arith.muli %arg1, %mul3A_67 : i32
    %add3A_69 = arith.addi %mul3A_66, %mul3A_68 : i32
    "tpu.region"() ({
      %run_scoped3A = tpu.sem_alloc : memref<!tpu.dma_semaphore, #tpu.memory_space<semaphore_mem>>
      %dma_start3A_70 = arith.constant 0 : i32
      %dma_start3A_71 = tpu.memref_slice %arg5[%add3A_69, %dma_start3A_70] : memref<20480x128xf32, #tpu.memory_space<hbm>> -> memref<640x128xf32, #tpu.memory_space<hbm>>
      %dma_start3A_72 = arith.constant 0 : i32
      %dma_start3A_73 = tpu.memref_slice %arg12[%mul3A_64, %dma_start3A_72] : memref<10240x128xf32, #tpu.memory_space<vmem_shared>> -> memref<640x128xf32, #tpu.memory_space<vmem_shared>>
      tpu.enqueue_dma source(%dma_start3A_73 : memref<640x128xf32, #tpu.memory_space<vmem_shared>>) target(%dma_start3A_71 : memref<640x128xf32, #tpu.memory_space<hbm>>) target_semaphore(%run_scoped3A : memref<!tpu.dma_semaphore, #tpu.memory_space<semaphore_mem>>)
      %dma_wait3A_74 = arith.constant 0 : i32
      %dma_wait3A_75 = tpu.memref_slice %arg5[%add3A_69, %dma_wait3A_74] : memref<20480x128xf32, #tpu.memory_space<hbm>> -> memref<640x128xf32, #tpu.memory_space<hbm>>
      %dma_wait3A_76 = arith.constant 0 : i32
      %dma_wait3A_77 = tpu.memref_slice %arg12[%mul3A_64, %dma_wait3A_76] : memref<10240x128xf32, #tpu.memory_space<vmem_shared>> -> memref<640x128xf32, #tpu.memory_space<vmem_shared>>
      tpu.wait_dma2 semaphore(%run_scoped3A : memref<!tpu.dma_semaphore, #tpu.memory_space<semaphore_mem>>) src(%dma_wait3A_77 : memref<640x128xf32, #tpu.memory_space<vmem_shared>>) dst(%dma_wait3A_75 : memref<640x128xf32, #tpu.memory_space<hbm>>)
      tpu.yield
    }) : () -> ()
    return
  }
}

#map = affine_map<(d0, d1) -> (0, 0)>
#map1 = affine_map<(d0, d1) -> (0)>
module attributes {stable_mosaic.version = 14 : i64} {
  func.func @_agg_body(%arg0: i32, %arg1: i32, %arg2: memref<20480x128xf32, #tpu.memory_space<hbm>>, %arg3: memref<647168xi32, #tpu.memory_space<hbm>>, %arg4: memref<647168xi32, #tpu.memory_space<hbm>>, %arg5: memref<20480x128xf32, #tpu.memory_space<hbm>>, %arg6: memref<128xi32, #tpu.memory_space<vmem>>, %arg7: memref<128xi32, #tpu.memory_space<vmem>>, %arg8: memref<128xi32, #tpu.memory_space<vmem>>, %arg9: memref<128xi32, #tpu.memory_space<vmem>>, %arg10: memref<128x128xf32, #tpu.memory_space<vmem>>, %arg11: memref<128x128xf32, #tpu.memory_space<vmem>>, %arg12: memref<10240x128xf32, #tpu.memory_space<vmem_shared>>, %arg13: memref<!tpu.dma_semaphore, #tpu.memory_space<semaphore_mem>>, %arg14: memref<!tpu.dma_semaphore, #tpu.memory_space<semaphore_mem>>, %arg15: memref<!tpu.dma_semaphore, #tpu.memory_space<semaphore_mem>>, %arg16: memref<!tpu.dma_semaphore, #tpu.memory_space<semaphore_mem>>, %arg17: memref<!tpu.dma_semaphore, #tpu.memory_space<semaphore_mem>>, %arg18: memref<!tpu.dma_semaphore, #tpu.memory_space<semaphore_mem>>, %arg19: memref<!tpu.dma_semaphore, #tpu.memory_space<semaphore_mem>>, %arg20: memref<!tpu.dma_semaphore, #tpu.memory_space<semaphore_mem>>) attributes {dimension_semantics = [#tpu.dimension_semantics<core_parallel>, #tpu.dimension_semantics<subcore_parallel>], iteration_bounds = array<i64: 2, 16>, scalar_prefetch = 0 : i64, scratch_operands = 15 : i64, tpu.core_type = #tpu.core_type<sc_vector_subcore>, window_params = [{transform_indices = #map}, {transform_indices = #map1}, {transform_indices = #map1}, {transform_indices = #map}]} {
    %mul3A = arith.constant 16 : i32
    %mul3A_0 = arith.muli %arg0, %mul3A : i32
    %add3A = arith.addi %mul3A_0, %arg1 : i32
    %mul3A_1 = arith.constant 20224 : i32
    %mul3A_2 = arith.muli %add3A, %mul3A_1 : i32
    %mul3A_3 = arith.constant 10240 : i32
    %mul3A_4 = arith.muli %arg0, %mul3A_3 : i32
    %mul3A_5 = arith.constant 640 : i32
    %mul3A_6 = arith.muli %arg1, %mul3A_5 : i32
    %add3A_7 = arith.addi %mul3A_4, %mul3A_6 : i32
    %mul3A_8 = arith.constant 640 : i32
    %mul3A_9 = arith.muli %arg1, %mul3A_8 : i32
    "tpu.region"() ({
      %run_scoped3A = tpu.sem_alloc : memref<!tpu.dma_semaphore, #tpu.memory_space<semaphore_mem>>
      %dma_start3A_70 = arith.constant 0 : i32
      %dma_start3A_71 = tpu.memref_slice %arg12[%mul3A_9, %dma_start3A_70] : memref<10240x128xf32, #tpu.memory_space<vmem_shared>> -> memref<640x128xf32, #tpu.memory_space<vmem_shared>>
      %dma_start3A_72 = arith.constant 0 : i32
      %dma_start3A_73 = tpu.memref_slice %arg2[%add3A_7, %dma_start3A_72] : memref<20480x128xf32, #tpu.memory_space<hbm>> -> memref<640x128xf32, #tpu.memory_space<hbm>>
      tpu.enqueue_dma source(%dma_start3A_73 : memref<640x128xf32, #tpu.memory_space<hbm>>) target(%dma_start3A_71 : memref<640x128xf32, #tpu.memory_space<vmem_shared>>) target_semaphore(%run_scoped3A : memref<!tpu.dma_semaphore, #tpu.memory_space<semaphore_mem>>)
      %dma_wait3A_74 = arith.constant 0 : i32
      %dma_wait3A_75 = tpu.memref_slice %arg12[%mul3A_9, %dma_wait3A_74] : memref<10240x128xf32, #tpu.memory_space<vmem_shared>> -> memref<640x128xf32, #tpu.memory_space<vmem_shared>>
      %dma_wait3A_76 = arith.constant 0 : i32
      %dma_wait3A_77 = tpu.memref_slice %arg2[%add3A_7, %dma_wait3A_76] : memref<20480x128xf32, #tpu.memory_space<hbm>> -> memref<640x128xf32, #tpu.memory_space<hbm>>
      tpu.wait_dma2 semaphore(%run_scoped3A : memref<!tpu.dma_semaphore, #tpu.memory_space<semaphore_mem>>) src(%dma_wait3A_77 : memref<640x128xf32, #tpu.memory_space<hbm>>) dst(%dma_wait3A_75 : memref<640x128xf32, #tpu.memory_space<vmem_shared>>)
      tpu.yield
    }) : () -> ()
    %barrier3A = arith.constant 0 : index
    tpu.barrier barrier_id(%barrier3A)
    %add3A_10 = arith.constant 0 : i32
    %add3A_11 = arith.addi %mul3A_2, %add3A_10 : i32
    %dma_start3A = tpu.memref_slice %arg3[%add3A_11] : memref<647168xi32, #tpu.memory_space<hbm>> -> memref<128xi32, #tpu.memory_space<hbm>>
    %dma_start3A_12 = tpu.memref_slice %arg3[%add3A_11] : memref<647168xi32, #tpu.memory_space<hbm>> -> memref<128xi32, #tpu.memory_space<hbm>>
    tpu.enqueue_dma source(%dma_start3A_12 : memref<128xi32, #tpu.memory_space<hbm>>) target(%arg6 : memref<128xi32, #tpu.memory_space<vmem>>) target_semaphore(%arg13 : memref<!tpu.dma_semaphore, #tpu.memory_space<semaphore_mem>>)
    %add3A_13 = arith.constant 0 : i32
    %add3A_14 = arith.addi %mul3A_2, %add3A_13 : i32
    %dma_start3A_15 = tpu.memref_slice %arg4[%add3A_14] : memref<647168xi32, #tpu.memory_space<hbm>> -> memref<128xi32, #tpu.memory_space<hbm>>
    %dma_start3A_16 = tpu.memref_slice %arg4[%add3A_14] : memref<647168xi32, #tpu.memory_space<hbm>> -> memref<128xi32, #tpu.memory_space<hbm>>
    tpu.enqueue_dma source(%dma_start3A_16 : memref<128xi32, #tpu.memory_space<hbm>>) target(%arg8 : memref<128xi32, #tpu.memory_space<vmem>>) target_semaphore(%arg15 : memref<!tpu.dma_semaphore, #tpu.memory_space<semaphore_mem>>)
    %add3A_17 = arith.constant 128 : i32
    %add3A_18 = arith.addi %mul3A_2, %add3A_17 : i32
    %dma_start3A_19 = tpu.memref_slice %arg3[%add3A_18] : memref<647168xi32, #tpu.memory_space<hbm>> -> memref<128xi32, #tpu.memory_space<hbm>>
    %dma_start3A_20 = tpu.memref_slice %arg3[%add3A_18] : memref<647168xi32, #tpu.memory_space<hbm>> -> memref<128xi32, #tpu.memory_space<hbm>>
    tpu.enqueue_dma source(%dma_start3A_20 : memref<128xi32, #tpu.memory_space<hbm>>) target(%arg7 : memref<128xi32, #tpu.memory_space<vmem>>) target_semaphore(%arg14 : memref<!tpu.dma_semaphore, #tpu.memory_space<semaphore_mem>>)
    %add3A_21 = arith.constant 128 : i32
    %add3A_22 = arith.addi %mul3A_2, %add3A_21 : i32
    %dma_start3A_23 = tpu.memref_slice %arg4[%add3A_22] : memref<647168xi32, #tpu.memory_space<hbm>> -> memref<128xi32, #tpu.memory_space<hbm>>
    %dma_start3A_24 = tpu.memref_slice %arg4[%add3A_22] : memref<647168xi32, #tpu.memory_space<hbm>> -> memref<128xi32, #tpu.memory_space<hbm>>
    tpu.enqueue_dma source(%dma_start3A_24 : memref<128xi32, #tpu.memory_space<hbm>>) target(%arg9 : memref<128xi32, #tpu.memory_space<vmem>>) target_semaphore(%arg16 : memref<!tpu.dma_semaphore, #tpu.memory_space<semaphore_mem>>)
    %dma_wait3A = tpu.memref_slice %arg3[%add3A_11] : memref<647168xi32, #tpu.memory_space<hbm>> -> memref<128xi32, #tpu.memory_space<hbm>>
    %dma_wait3A_25 = tpu.memref_slice %arg3[%add3A_11] : memref<647168xi32, #tpu.memory_space<hbm>> -> memref<128xi32, #tpu.memory_space<hbm>>
    tpu.wait_dma2 semaphore(%arg13 : memref<!tpu.dma_semaphore, #tpu.memory_space<semaphore_mem>>) src(%dma_wait3A_25 : memref<128xi32, #tpu.memory_space<hbm>>) dst(%arg6 : memref<128xi32, #tpu.memory_space<vmem>>)
    %dma_start3A_26 = arith.constant 0 : i32
    %dma_start3A_27 = arith.constant 0 : i32
    %dma_start3A_28 = tpu.memref_slice %arg2[%dma_start3A_26, %dma_start3A_27] : memref<20480x128xf32, #tpu.memory_space<hbm>> -> memref<20480x128xf32, #tpu.memory_space<hbm>>
    tpu.enqueue_indirect_dma source(%dma_start3A_28 : memref<20480x128xf32, #tpu.memory_space<hbm>>) target(%arg10 : memref<128x128xf32, #tpu.memory_space<vmem>>) offsets(%arg6 : memref<128xi32, #tpu.memory_space<vmem>>) semaphore(%arg17 : memref<!tpu.dma_semaphore, #tpu.memory_space<semaphore_mem>>)
    %dma_wait3A_29 = tpu.memref_slice %arg3[%add3A_18] : memref<647168xi32, #tpu.memory_space<hbm>> -> memref<128xi32, #tpu.memory_space<hbm>>
    %dma_wait3A_30 = tpu.memref_slice %arg3[%add3A_18] : memref<647168xi32, #tpu.memory_space<hbm>> -> memref<128xi32, #tpu.memory_space<hbm>>
    tpu.wait_dma2 semaphore(%arg14 : memref<!tpu.dma_semaphore, #tpu.memory_space<semaphore_mem>>) src(%dma_wait3A_30 : memref<128xi32, #tpu.memory_space<hbm>>) dst(%arg7 : memref<128xi32, #tpu.memory_space<vmem>>)
    %dma_start3A_31 = arith.constant 0 : i32
    %dma_start3A_32 = arith.constant 0 : i32
    %dma_start3A_33 = tpu.memref_slice %arg2[%dma_start3A_31, %dma_start3A_32] : memref<20480x128xf32, #tpu.memory_space<hbm>> -> memref<20480x128xf32, #tpu.memory_space<hbm>>
    tpu.enqueue_indirect_dma source(%dma_start3A_33 : memref<20480x128xf32, #tpu.memory_space<hbm>>) target(%arg11 : memref<128x128xf32, #tpu.memory_space<vmem>>) offsets(%arg7 : memref<128xi32, #tpu.memory_space<vmem>>) semaphore(%arg18 : memref<!tpu.dma_semaphore, #tpu.memory_space<semaphore_mem>>)
    %scan3A = arith.constant 0 : i32
    %scan3A_34 = arith.constant 0 : i32
    %scan3A_35 = arith.constant 78 : i32
    %scan3A_36 = arith.addi %scan3A_34, %scan3A_35 : i32
    %scan3A_37 = arith.constant 1 : i32
    %scan3A_38 = scf.for %scan3A_70 = %scan3A_34 to %scan3A_36 step %scan3A_37 iter_args(%scan3A_71 = %scan3A) -> (i32)  : i32 {
      %mul3A_72 = arith.constant 2 : i32
      %mul3A_73 = arith.muli %mul3A_72, %scan3A_70 : i32
      %add3A_74 = arith.constant 0 : i32
      %add3A_75 = arith.addi %mul3A_73, %add3A_74 : i32
      %dma_wait3A_76 = arith.constant 0 : i32
      %dma_wait3A_77 = arith.constant 0 : i32
      %dma_wait3A_78 = tpu.memref_slice %arg2[%dma_wait3A_76, %dma_wait3A_77] : memref<20480x128xf32, #tpu.memory_space<hbm>> -> memref<20480x128xf32, #tpu.memory_space<hbm>>
      tpu.wait_indirect_dma semaphore(%arg17 : memref<!tpu.dma_semaphore, #tpu.memory_space<semaphore_mem>>) src(%dma_wait3A_78 : memref<20480x128xf32, #tpu.memory_space<hbm>>) dst(%arg10 : memref<128x128xf32, #tpu.memory_space<vmem>>)
      %dma_wait3A_79 = tpu.memref_slice %arg4[%add3A_14] : memref<647168xi32, #tpu.memory_space<hbm>> -> memref<128xi32, #tpu.memory_space<hbm>>
      %dma_wait3A_80 = tpu.memref_slice %arg4[%add3A_14] : memref<647168xi32, #tpu.memory_space<hbm>> -> memref<128xi32, #tpu.memory_space<hbm>>
      tpu.wait_dma2 semaphore(%arg15 : memref<!tpu.dma_semaphore, #tpu.memory_space<semaphore_mem>>) src(%dma_wait3A_80 : memref<128xi32, #tpu.memory_space<hbm>>) dst(%arg8 : memref<128xi32, #tpu.memory_space<vmem>>)
      %dma_start3A_81 = arith.constant 0 : i32
      %dma_start3A_82 = arith.constant 0 : i32
      %dma_start3A_83 = tpu.memref_slice %arg12[%dma_start3A_81, %dma_start3A_82] : memref<10240x128xf32, #tpu.memory_space<vmem_shared>> -> memref<10240x128xf32, #tpu.memory_space<vmem_shared>>
      tpu.enqueue_indirect_dma source(%arg10 : memref<128x128xf32, #tpu.memory_space<vmem>>) target(%dma_start3A_83 : memref<10240x128xf32, #tpu.memory_space<vmem_shared>>) offsets(%arg8 : memref<128xi32, #tpu.memory_space<vmem>>) semaphore(%arg19 : memref<!tpu.dma_semaphore, #tpu.memory_space<semaphore_mem>>) {add = true}
      %add3A_84 = arith.constant 2 : i32
      %add3A_85 = arith.addi %add3A_75, %add3A_84 : i32
      %mul3A_86 = arith.constant 128 : i32
      %mul3A_87 = arith.muli %add3A_85, %mul3A_86 : i32
      %add3A_88 = arith.addi %mul3A_2, %mul3A_87 : i32
      %dma_start3A_89 = tpu.memref_slice %arg3[%add3A_88] : memref<647168xi32, #tpu.memory_space<hbm>> -> memref<128xi32, #tpu.memory_space<hbm>>
      %dma_start3A_90 = tpu.memref_slice %arg3[%add3A_88] : memref<647168xi32, #tpu.memory_space<hbm>> -> memref<128xi32, #tpu.memory_space<hbm>>
      tpu.enqueue_dma source(%dma_start3A_90 : memref<128xi32, #tpu.memory_space<hbm>>) target(%arg6 : memref<128xi32, #tpu.memory_space<vmem>>) target_semaphore(%arg13 : memref<!tpu.dma_semaphore, #tpu.memory_space<semaphore_mem>>)
      %dma_wait3A_91 = arith.constant 0 : i32
      %dma_wait3A_92 = arith.constant 0 : i32
      %dma_wait3A_93 = tpu.memref_slice %arg12[%dma_wait3A_91, %dma_wait3A_92] : memref<10240x128xf32, #tpu.memory_space<vmem_shared>> -> memref<10240x128xf32, #tpu.memory_space<vmem_shared>>
      tpu.wait_indirect_dma semaphore(%arg19 : memref<!tpu.dma_semaphore, #tpu.memory_space<semaphore_mem>>) src(%arg10 : memref<128x128xf32, #tpu.memory_space<vmem>>) dst(%dma_wait3A_93 : memref<10240x128xf32, #tpu.memory_space<vmem_shared>>)
      %dma_start3A_94 = tpu.memref_slice %arg4[%add3A_88] : memref<647168xi32, #tpu.memory_space<hbm>> -> memref<128xi32, #tpu.memory_space<hbm>>
      %dma_start3A_95 = tpu.memref_slice %arg4[%add3A_88] : memref<647168xi32, #tpu.memory_space<hbm>> -> memref<128xi32, #tpu.memory_space<hbm>>
      tpu.enqueue_dma source(%dma_start3A_95 : memref<128xi32, #tpu.memory_space<hbm>>) target(%arg8 : memref<128xi32, #tpu.memory_space<vmem>>) target_semaphore(%arg15 : memref<!tpu.dma_semaphore, #tpu.memory_space<semaphore_mem>>)
      %dma_wait3A_96 = tpu.memref_slice %arg3[%add3A_11] : memref<647168xi32, #tpu.memory_space<hbm>> -> memref<128xi32, #tpu.memory_space<hbm>>
      %dma_wait3A_97 = tpu.memref_slice %arg3[%add3A_11] : memref<647168xi32, #tpu.memory_space<hbm>> -> memref<128xi32, #tpu.memory_space<hbm>>
      tpu.wait_dma2 semaphore(%arg13 : memref<!tpu.dma_semaphore, #tpu.memory_space<semaphore_mem>>) src(%dma_wait3A_97 : memref<128xi32, #tpu.memory_space<hbm>>) dst(%arg6 : memref<128xi32, #tpu.memory_space<vmem>>)
      %dma_start3A_98 = arith.constant 0 : i32
      %dma_start3A_99 = arith.constant 0 : i32
      %dma_start3A_100 = tpu.memref_slice %arg2[%dma_start3A_98, %dma_start3A_99] : memref<20480x128xf32, #tpu.memory_space<hbm>> -> memref<20480x128xf32, #tpu.memory_space<hbm>>
      tpu.enqueue_indirect_dma source(%dma_start3A_100 : memref<20480x128xf32, #tpu.memory_space<hbm>>) target(%arg10 : memref<128x128xf32, #tpu.memory_space<vmem>>) offsets(%arg6 : memref<128xi32, #tpu.memory_space<vmem>>) semaphore(%arg17 : memref<!tpu.dma_semaphore, #tpu.memory_space<semaphore_mem>>)
      %mul3A_101 = arith.constant 2 : i32
      %mul3A_102 = arith.muli %mul3A_101, %scan3A_70 : i32
      %add3A_103 = arith.constant 1 : i32
      %add3A_104 = arith.addi %mul3A_102, %add3A_103 : i32
      %dma_wait3A_105 = arith.constant 0 : i32
      %dma_wait3A_106 = arith.constant 0 : i32
      %dma_wait3A_107 = tpu.memref_slice %arg2[%dma_wait3A_105, %dma_wait3A_106] : memref<20480x128xf32, #tpu.memory_space<hbm>> -> memref<20480x128xf32, #tpu.memory_space<hbm>>
      tpu.wait_indirect_dma semaphore(%arg18 : memref<!tpu.dma_semaphore, #tpu.memory_space<semaphore_mem>>) src(%dma_wait3A_107 : memref<20480x128xf32, #tpu.memory_space<hbm>>) dst(%arg11 : memref<128x128xf32, #tpu.memory_space<vmem>>)
      %dma_wait3A_108 = tpu.memref_slice %arg4[%add3A_22] : memref<647168xi32, #tpu.memory_space<hbm>> -> memref<128xi32, #tpu.memory_space<hbm>>
      %dma_wait3A_109 = tpu.memref_slice %arg4[%add3A_22] : memref<647168xi32, #tpu.memory_space<hbm>> -> memref<128xi32, #tpu.memory_space<hbm>>
      tpu.wait_dma2 semaphore(%arg16 : memref<!tpu.dma_semaphore, #tpu.memory_space<semaphore_mem>>) src(%dma_wait3A_109 : memref<128xi32, #tpu.memory_space<hbm>>) dst(%arg9 : memref<128xi32, #tpu.memory_space<vmem>>)
      %dma_start3A_110 = arith.constant 0 : i32
      %dma_start3A_111 = arith.constant 0 : i32
      %dma_start3A_112 = tpu.memref_slice %arg12[%dma_start3A_110, %dma_start3A_111] : memref<10240x128xf32, #tpu.memory_space<vmem_shared>> -> memref<10240x128xf32, #tpu.memory_space<vmem_shared>>
      tpu.enqueue_indirect_dma source(%arg11 : memref<128x128xf32, #tpu.memory_space<vmem>>) target(%dma_start3A_112 : memref<10240x128xf32, #tpu.memory_space<vmem_shared>>) offsets(%arg9 : memref<128xi32, #tpu.memory_space<vmem>>) semaphore(%arg20 : memref<!tpu.dma_semaphore, #tpu.memory_space<semaphore_mem>>) {add = true}
      %add3A_113 = arith.constant 2 : i32
      %add3A_114 = arith.addi %add3A_104, %add3A_113 : i32
      %mul3A_115 = arith.constant 128 : i32
      %mul3A_116 = arith.muli %add3A_114, %mul3A_115 : i32
      %add3A_117 = arith.addi %mul3A_2, %mul3A_116 : i32
      %dma_start3A_118 = tpu.memref_slice %arg3[%add3A_117] : memref<647168xi32, #tpu.memory_space<hbm>> -> memref<128xi32, #tpu.memory_space<hbm>>
      %dma_start3A_119 = tpu.memref_slice %arg3[%add3A_117] : memref<647168xi32, #tpu.memory_space<hbm>> -> memref<128xi32, #tpu.memory_space<hbm>>
      tpu.enqueue_dma source(%dma_start3A_119 : memref<128xi32, #tpu.memory_space<hbm>>) target(%arg7 : memref<128xi32, #tpu.memory_space<vmem>>) target_semaphore(%arg14 : memref<!tpu.dma_semaphore, #tpu.memory_space<semaphore_mem>>)
      %dma_wait3A_120 = arith.constant 0 : i32
      %dma_wait3A_121 = arith.constant 0 : i32
      %dma_wait3A_122 = tpu.memref_slice %arg12[%dma_wait3A_120, %dma_wait3A_121] : memref<10240x128xf32, #tpu.memory_space<vmem_shared>> -> memref<10240x128xf32, #tpu.memory_space<vmem_shared>>
      tpu.wait_indirect_dma semaphore(%arg20 : memref<!tpu.dma_semaphore, #tpu.memory_space<semaphore_mem>>) src(%arg11 : memref<128x128xf32, #tpu.memory_space<vmem>>) dst(%dma_wait3A_122 : memref<10240x128xf32, #tpu.memory_space<vmem_shared>>)
      %dma_start3A_123 = tpu.memref_slice %arg4[%add3A_117] : memref<647168xi32, #tpu.memory_space<hbm>> -> memref<128xi32, #tpu.memory_space<hbm>>
      %dma_start3A_124 = tpu.memref_slice %arg4[%add3A_117] : memref<647168xi32, #tpu.memory_space<hbm>> -> memref<128xi32, #tpu.memory_space<hbm>>
      tpu.enqueue_dma source(%dma_start3A_124 : memref<128xi32, #tpu.memory_space<hbm>>) target(%arg9 : memref<128xi32, #tpu.memory_space<vmem>>) target_semaphore(%arg16 : memref<!tpu.dma_semaphore, #tpu.memory_space<semaphore_mem>>)
      %dma_wait3A_125 = tpu.memref_slice %arg3[%add3A_18] : memref<647168xi32, #tpu.memory_space<hbm>> -> memref<128xi32, #tpu.memory_space<hbm>>
      %dma_wait3A_126 = tpu.memref_slice %arg3[%add3A_18] : memref<647168xi32, #tpu.memory_space<hbm>> -> memref<128xi32, #tpu.memory_space<hbm>>
      tpu.wait_dma2 semaphore(%arg14 : memref<!tpu.dma_semaphore, #tpu.memory_space<semaphore_mem>>) src(%dma_wait3A_126 : memref<128xi32, #tpu.memory_space<hbm>>) dst(%arg7 : memref<128xi32, #tpu.memory_space<vmem>>)
      %dma_start3A_127 = arith.constant 0 : i32
      %dma_start3A_128 = arith.constant 0 : i32
      %dma_start3A_129 = tpu.memref_slice %arg2[%dma_start3A_127, %dma_start3A_128] : memref<20480x128xf32, #tpu.memory_space<hbm>> -> memref<20480x128xf32, #tpu.memory_space<hbm>>
      tpu.enqueue_indirect_dma source(%dma_start3A_129 : memref<20480x128xf32, #tpu.memory_space<hbm>>) target(%arg11 : memref<128x128xf32, #tpu.memory_space<vmem>>) offsets(%arg7 : memref<128xi32, #tpu.memory_space<vmem>>) semaphore(%arg18 : memref<!tpu.dma_semaphore, #tpu.memory_space<semaphore_mem>>)
      %scan3A_130 = arith.constant 0 : i32
      scf.yield %scan3A_130 : i32
    }
    %scan3A_39 = arith.constant 78 : i32
    %dma_wait3A_40 = arith.constant 0 : i32
    %dma_wait3A_41 = arith.constant 0 : i32
    %dma_wait3A_42 = tpu.memref_slice %arg2[%dma_wait3A_40, %dma_wait3A_41] : memref<20480x128xf32, #tpu.memory_space<hbm>> -> memref<20480x128xf32, #tpu.memory_space<hbm>>
    tpu.wait_indirect_dma semaphore(%arg17 : memref<!tpu.dma_semaphore, #tpu.memory_space<semaphore_mem>>) src(%dma_wait3A_42 : memref<20480x128xf32, #tpu.memory_space<hbm>>) dst(%arg10 : memref<128x128xf32, #tpu.memory_space<vmem>>)
    %dma_wait3A_43 = tpu.memref_slice %arg4[%add3A_14] : memref<647168xi32, #tpu.memory_space<hbm>> -> memref<128xi32, #tpu.memory_space<hbm>>
    %dma_wait3A_44 = tpu.memref_slice %arg4[%add3A_14] : memref<647168xi32, #tpu.memory_space<hbm>> -> memref<128xi32, #tpu.memory_space<hbm>>
    tpu.wait_dma2 semaphore(%arg15 : memref<!tpu.dma_semaphore, #tpu.memory_space<semaphore_mem>>) src(%dma_wait3A_44 : memref<128xi32, #tpu.memory_space<hbm>>) dst(%arg8 : memref<128xi32, #tpu.memory_space<vmem>>)
    %dma_start3A_45 = arith.constant 0 : i32
    %dma_start3A_46 = arith.constant 0 : i32
    %dma_start3A_47 = tpu.memref_slice %arg12[%dma_start3A_45, %dma_start3A_46] : memref<10240x128xf32, #tpu.memory_space<vmem_shared>> -> memref<10240x128xf32, #tpu.memory_space<vmem_shared>>
    tpu.enqueue_indirect_dma source(%arg10 : memref<128x128xf32, #tpu.memory_space<vmem>>) target(%dma_start3A_47 : memref<10240x128xf32, #tpu.memory_space<vmem_shared>>) offsets(%arg8 : memref<128xi32, #tpu.memory_space<vmem>>) semaphore(%arg19 : memref<!tpu.dma_semaphore, #tpu.memory_space<semaphore_mem>>) {add = true}
    %dma_wait3A_48 = arith.constant 0 : i32
    %dma_wait3A_49 = arith.constant 0 : i32
    %dma_wait3A_50 = tpu.memref_slice %arg12[%dma_wait3A_48, %dma_wait3A_49] : memref<10240x128xf32, #tpu.memory_space<vmem_shared>> -> memref<10240x128xf32, #tpu.memory_space<vmem_shared>>
    tpu.wait_indirect_dma semaphore(%arg19 : memref<!tpu.dma_semaphore, #tpu.memory_space<semaphore_mem>>) src(%arg10 : memref<128x128xf32, #tpu.memory_space<vmem>>) dst(%dma_wait3A_50 : memref<10240x128xf32, #tpu.memory_space<vmem_shared>>)
    %dma_wait3A_51 = arith.constant 0 : i32
    %dma_wait3A_52 = arith.constant 0 : i32
    %dma_wait3A_53 = tpu.memref_slice %arg2[%dma_wait3A_51, %dma_wait3A_52] : memref<20480x128xf32, #tpu.memory_space<hbm>> -> memref<20480x128xf32, #tpu.memory_space<hbm>>
    tpu.wait_indirect_dma semaphore(%arg18 : memref<!tpu.dma_semaphore, #tpu.memory_space<semaphore_mem>>) src(%dma_wait3A_53 : memref<20480x128xf32, #tpu.memory_space<hbm>>) dst(%arg11 : memref<128x128xf32, #tpu.memory_space<vmem>>)
    %dma_wait3A_54 = tpu.memref_slice %arg4[%add3A_22] : memref<647168xi32, #tpu.memory_space<hbm>> -> memref<128xi32, #tpu.memory_space<hbm>>
    %dma_wait3A_55 = tpu.memref_slice %arg4[%add3A_22] : memref<647168xi32, #tpu.memory_space<hbm>> -> memref<128xi32, #tpu.memory_space<hbm>>
    tpu.wait_dma2 semaphore(%arg16 : memref<!tpu.dma_semaphore, #tpu.memory_space<semaphore_mem>>) src(%dma_wait3A_55 : memref<128xi32, #tpu.memory_space<hbm>>) dst(%arg9 : memref<128xi32, #tpu.memory_space<vmem>>)
    %dma_start3A_56 = arith.constant 0 : i32
    %dma_start3A_57 = arith.constant 0 : i32
    %dma_start3A_58 = tpu.memref_slice %arg12[%dma_start3A_56, %dma_start3A_57] : memref<10240x128xf32, #tpu.memory_space<vmem_shared>> -> memref<10240x128xf32, #tpu.memory_space<vmem_shared>>
    tpu.enqueue_indirect_dma source(%arg11 : memref<128x128xf32, #tpu.memory_space<vmem>>) target(%dma_start3A_58 : memref<10240x128xf32, #tpu.memory_space<vmem_shared>>) offsets(%arg9 : memref<128xi32, #tpu.memory_space<vmem>>) semaphore(%arg20 : memref<!tpu.dma_semaphore, #tpu.memory_space<semaphore_mem>>) {add = true}
    %dma_wait3A_59 = arith.constant 0 : i32
    %dma_wait3A_60 = arith.constant 0 : i32
    %dma_wait3A_61 = tpu.memref_slice %arg12[%dma_wait3A_59, %dma_wait3A_60] : memref<10240x128xf32, #tpu.memory_space<vmem_shared>> -> memref<10240x128xf32, #tpu.memory_space<vmem_shared>>
    tpu.wait_indirect_dma semaphore(%arg20 : memref<!tpu.dma_semaphore, #tpu.memory_space<semaphore_mem>>) src(%arg11 : memref<128x128xf32, #tpu.memory_space<vmem>>) dst(%dma_wait3A_61 : memref<10240x128xf32, #tpu.memory_space<vmem_shared>>)
    %barrier3A_62 = arith.constant 0 : index
    tpu.barrier barrier_id(%barrier3A_62)
    %mul3A_63 = arith.constant 640 : i32
    %mul3A_64 = arith.muli %arg1, %mul3A_63 : i32
    %mul3A_65 = arith.constant 10240 : i32
    %mul3A_66 = arith.muli %arg0, %mul3A_65 : i32
    %mul3A_67 = arith.constant 640 : i32
    %mul3A_68 = arith.muli %arg1, %mul3A_67 : i32
    %add3A_69 = arith.addi %mul3A_66, %mul3A_68 : i32
    "tpu.region"() ({
      %run_scoped3A = tpu.sem_alloc : memref<!tpu.dma_semaphore, #tpu.memory_space<semaphore_mem>>
      %dma_start3A_70 = arith.constant 0 : i32
      %dma_start3A_71 = tpu.memref_slice %arg5[%add3A_69, %dma_start3A_70] : memref<20480x128xf32, #tpu.memory_space<hbm>> -> memref<640x128xf32, #tpu.memory_space<hbm>>
      %dma_start3A_72 = arith.constant 0 : i32
      %dma_start3A_73 = tpu.memref_slice %arg12[%mul3A_64, %dma_start3A_72] : memref<10240x128xf32, #tpu.memory_space<vmem_shared>> -> memref<640x128xf32, #tpu.memory_space<vmem_shared>>
      tpu.enqueue_dma source(%dma_start3A_73 : memref<640x128xf32, #tpu.memory_space<vmem_shared>>) target(%dma_start3A_71 : memref<640x128xf32, #tpu.memory_space<hbm>>) target_semaphore(%run_scoped3A : memref<!tpu.dma_semaphore, #tpu.memory_space<semaphore_mem>>)
      %dma_wait3A_74 = arith.constant 0 : i32
      %dma_wait3A_75 = tpu.memref_slice %arg5[%add3A_69, %dma_wait3A_74] : memref<20480x128xf32, #tpu.memory_space<hbm>> -> memref<640x128xf32, #tpu.memory_space<hbm>>
      %dma_wait3A_76 = arith.constant 0 : i32
      %dma_wait3A_77 = tpu.memref_slice %arg12[%mul3A_64, %dma_wait3A_76] : memref<10240x128xf32, #tpu.memory_space<vmem_shared>> -> memref<640x128xf32, #tpu.memory_space<vmem_shared>>
      tpu.wait_dma2 semaphore(%run_scoped3A : memref<!tpu.dma_semaphore, #tpu.memory_space<semaphore_mem>>) src(%dma_wait3A_77 : memref<640x128xf32, #tpu.memory_space<vmem_shared>>) dst(%dma_wait3A_75 : memref<640x128xf32, #tpu.memory_space<hbm>>)
      tpu.yield
    }) : () -> ()
    return
  }
}

#map = affine_map<(d0, d1) -> (0, 0)>
#map1 = affine_map<(d0, d1) -> (0)>
module attributes {stable_mosaic.version = 14 : i64} {
  func.func @_agg_body(%arg0: i32, %arg1: i32, %arg2: memref<20480x128xf32, #tpu.memory_space<hbm>>, %arg3: memref<647168xi32, #tpu.memory_space<hbm>>, %arg4: memref<647168xi32, #tpu.memory_space<hbm>>, %arg5: memref<20480x128xf32, #tpu.memory_space<hbm>>, %arg6: memref<128xi32, #tpu.memory_space<vmem>>, %arg7: memref<128xi32, #tpu.memory_space<vmem>>, %arg8: memref<128xi32, #tpu.memory_space<vmem>>, %arg9: memref<128xi32, #tpu.memory_space<vmem>>, %arg10: memref<128x128xf32, #tpu.memory_space<vmem>>, %arg11: memref<128x128xf32, #tpu.memory_space<vmem>>, %arg12: memref<10240x128xf32, #tpu.memory_space<vmem_shared>>, %arg13: memref<!tpu.dma_semaphore, #tpu.memory_space<semaphore_mem>>, %arg14: memref<!tpu.dma_semaphore, #tpu.memory_space<semaphore_mem>>, %arg15: memref<!tpu.dma_semaphore, #tpu.memory_space<semaphore_mem>>, %arg16: memref<!tpu.dma_semaphore, #tpu.memory_space<semaphore_mem>>, %arg17: memref<!tpu.dma_semaphore, #tpu.memory_space<semaphore_mem>>, %arg18: memref<!tpu.dma_semaphore, #tpu.memory_space<semaphore_mem>>, %arg19: memref<!tpu.dma_semaphore, #tpu.memory_space<semaphore_mem>>, %arg20: memref<!tpu.dma_semaphore, #tpu.memory_space<semaphore_mem>>) attributes {dimension_semantics = [#tpu.dimension_semantics<core_parallel>, #tpu.dimension_semantics<subcore_parallel>], iteration_bounds = array<i64: 2, 16>, scalar_prefetch = 0 : i64, scratch_operands = 15 : i64, tpu.core_type = #tpu.core_type<sc_vector_subcore>, window_params = [{transform_indices = #map}, {transform_indices = #map1}, {transform_indices = #map1}, {transform_indices = #map}]} {
    %mul3A = arith.constant 16 : i32
    %mul3A_0 = arith.muli %arg0, %mul3A : i32
    %add3A = arith.addi %mul3A_0, %arg1 : i32
    %mul3A_1 = arith.constant 20224 : i32
    %mul3A_2 = arith.muli %add3A, %mul3A_1 : i32
    %mul3A_3 = arith.constant 10240 : i32
    %mul3A_4 = arith.muli %arg0, %mul3A_3 : i32
    %mul3A_5 = arith.constant 640 : i32
    %mul3A_6 = arith.muli %arg1, %mul3A_5 : i32
    %add3A_7 = arith.addi %mul3A_4, %mul3A_6 : i32
    %mul3A_8 = arith.constant 640 : i32
    %mul3A_9 = arith.muli %arg1, %mul3A_8 : i32
    "tpu.region"() ({
      %run_scoped3A = tpu.sem_alloc : memref<!tpu.dma_semaphore, #tpu.memory_space<semaphore_mem>>
      %dma_start3A_70 = arith.constant 0 : i32
      %dma_start3A_71 = tpu.memref_slice %arg12[%mul3A_9, %dma_start3A_70] : memref<10240x128xf32, #tpu.memory_space<vmem_shared>> -> memref<640x128xf32, #tpu.memory_space<vmem_shared>>
      %dma_start3A_72 = arith.constant 0 : i32
      %dma_start3A_73 = tpu.memref_slice %arg2[%add3A_7, %dma_start3A_72] : memref<20480x128xf32, #tpu.memory_space<hbm>> -> memref<640x128xf32, #tpu.memory_space<hbm>>
      tpu.enqueue_dma source(%dma_start3A_73 : memref<640x128xf32, #tpu.memory_space<hbm>>) target(%dma_start3A_71 : memref<640x128xf32, #tpu.memory_space<vmem_shared>>) target_semaphore(%run_scoped3A : memref<!tpu.dma_semaphore, #tpu.memory_space<semaphore_mem>>)
      %dma_wait3A_74 = arith.constant 0 : i32
      %dma_wait3A_75 = tpu.memref_slice %arg12[%mul3A_9, %dma_wait3A_74] : memref<10240x128xf32, #tpu.memory_space<vmem_shared>> -> memref<640x128xf32, #tpu.memory_space<vmem_shared>>
      %dma_wait3A_76 = arith.constant 0 : i32
      %dma_wait3A_77 = tpu.memref_slice %arg2[%add3A_7, %dma_wait3A_76] : memref<20480x128xf32, #tpu.memory_space<hbm>> -> memref<640x128xf32, #tpu.memory_space<hbm>>
      tpu.wait_dma2 semaphore(%run_scoped3A : memref<!tpu.dma_semaphore, #tpu.memory_space<semaphore_mem>>) src(%dma_wait3A_77 : memref<640x128xf32, #tpu.memory_space<hbm>>) dst(%dma_wait3A_75 : memref<640x128xf32, #tpu.memory_space<vmem_shared>>)
      tpu.yield
    }) : () -> ()
    %barrier3A = arith.constant 0 : index
    tpu.barrier barrier_id(%barrier3A)
    %add3A_10 = arith.constant 0 : i32
    %add3A_11 = arith.addi %mul3A_2, %add3A_10 : i32
    %dma_start3A = tpu.memref_slice %arg3[%add3A_11] : memref<647168xi32, #tpu.memory_space<hbm>> -> memref<128xi32, #tpu.memory_space<hbm>>
    %dma_start3A_12 = tpu.memref_slice %arg3[%add3A_11] : memref<647168xi32, #tpu.memory_space<hbm>> -> memref<128xi32, #tpu.memory_space<hbm>>
    tpu.enqueue_dma source(%dma_start3A_12 : memref<128xi32, #tpu.memory_space<hbm>>) target(%arg6 : memref<128xi32, #tpu.memory_space<vmem>>) target_semaphore(%arg13 : memref<!tpu.dma_semaphore, #tpu.memory_space<semaphore_mem>>)
    %add3A_13 = arith.constant 0 : i32
    %add3A_14 = arith.addi %mul3A_2, %add3A_13 : i32
    %dma_start3A_15 = tpu.memref_slice %arg4[%add3A_14] : memref<647168xi32, #tpu.memory_space<hbm>> -> memref<128xi32, #tpu.memory_space<hbm>>
    %dma_start3A_16 = tpu.memref_slice %arg4[%add3A_14] : memref<647168xi32, #tpu.memory_space<hbm>> -> memref<128xi32, #tpu.memory_space<hbm>>
    tpu.enqueue_dma source(%dma_start3A_16 : memref<128xi32, #tpu.memory_space<hbm>>) target(%arg8 : memref<128xi32, #tpu.memory_space<vmem>>) target_semaphore(%arg15 : memref<!tpu.dma_semaphore, #tpu.memory_space<semaphore_mem>>)
    %add3A_17 = arith.constant 128 : i32
    %add3A_18 = arith.addi %mul3A_2, %add3A_17 : i32
    %dma_start3A_19 = tpu.memref_slice %arg3[%add3A_18] : memref<647168xi32, #tpu.memory_space<hbm>> -> memref<128xi32, #tpu.memory_space<hbm>>
    %dma_start3A_20 = tpu.memref_slice %arg3[%add3A_18] : memref<647168xi32, #tpu.memory_space<hbm>> -> memref<128xi32, #tpu.memory_space<hbm>>
    tpu.enqueue_dma source(%dma_start3A_20 : memref<128xi32, #tpu.memory_space<hbm>>) target(%arg7 : memref<128xi32, #tpu.memory_space<vmem>>) target_semaphore(%arg14 : memref<!tpu.dma_semaphore, #tpu.memory_space<semaphore_mem>>)
    %add3A_21 = arith.constant 128 : i32
    %add3A_22 = arith.addi %mul3A_2, %add3A_21 : i32
    %dma_start3A_23 = tpu.memref_slice %arg4[%add3A_22] : memref<647168xi32, #tpu.memory_space<hbm>> -> memref<128xi32, #tpu.memory_space<hbm>>
    %dma_start3A_24 = tpu.memref_slice %arg4[%add3A_22] : memref<647168xi32, #tpu.memory_space<hbm>> -> memref<128xi32, #tpu.memory_space<hbm>>
    tpu.enqueue_dma source(%dma_start3A_24 : memref<128xi32, #tpu.memory_space<hbm>>) target(%arg9 : memref<128xi32, #tpu.memory_space<vmem>>) target_semaphore(%arg16 : memref<!tpu.dma_semaphore, #tpu.memory_space<semaphore_mem>>)
    %dma_wait3A = tpu.memref_slice %arg3[%add3A_11] : memref<647168xi32, #tpu.memory_space<hbm>> -> memref<128xi32, #tpu.memory_space<hbm>>
    %dma_wait3A_25 = tpu.memref_slice %arg3[%add3A_11] : memref<647168xi32, #tpu.memory_space<hbm>> -> memref<128xi32, #tpu.memory_space<hbm>>
    tpu.wait_dma2 semaphore(%arg13 : memref<!tpu.dma_semaphore, #tpu.memory_space<semaphore_mem>>) src(%dma_wait3A_25 : memref<128xi32, #tpu.memory_space<hbm>>) dst(%arg6 : memref<128xi32, #tpu.memory_space<vmem>>)
    %dma_start3A_26 = arith.constant 0 : i32
    %dma_start3A_27 = arith.constant 0 : i32
    %dma_start3A_28 = tpu.memref_slice %arg2[%dma_start3A_26, %dma_start3A_27] : memref<20480x128xf32, #tpu.memory_space<hbm>> -> memref<20480x128xf32, #tpu.memory_space<hbm>>
    tpu.enqueue_indirect_dma source(%dma_start3A_28 : memref<20480x128xf32, #tpu.memory_space<hbm>>) target(%arg10 : memref<128x128xf32, #tpu.memory_space<vmem>>) offsets(%arg6 : memref<128xi32, #tpu.memory_space<vmem>>) semaphore(%arg17 : memref<!tpu.dma_semaphore, #tpu.memory_space<semaphore_mem>>)
    %dma_wait3A_29 = tpu.memref_slice %arg3[%add3A_18] : memref<647168xi32, #tpu.memory_space<hbm>> -> memref<128xi32, #tpu.memory_space<hbm>>
    %dma_wait3A_30 = tpu.memref_slice %arg3[%add3A_18] : memref<647168xi32, #tpu.memory_space<hbm>> -> memref<128xi32, #tpu.memory_space<hbm>>
    tpu.wait_dma2 semaphore(%arg14 : memref<!tpu.dma_semaphore, #tpu.memory_space<semaphore_mem>>) src(%dma_wait3A_30 : memref<128xi32, #tpu.memory_space<hbm>>) dst(%arg7 : memref<128xi32, #tpu.memory_space<vmem>>)
    %dma_start3A_31 = arith.constant 0 : i32
    %dma_start3A_32 = arith.constant 0 : i32
    %dma_start3A_33 = tpu.memref_slice %arg2[%dma_start3A_31, %dma_start3A_32] : memref<20480x128xf32, #tpu.memory_space<hbm>> -> memref<20480x128xf32, #tpu.memory_space<hbm>>
    tpu.enqueue_indirect_dma source(%dma_start3A_33 : memref<20480x128xf32, #tpu.memory_space<hbm>>) target(%arg11 : memref<128x128xf32, #tpu.memory_space<vmem>>) offsets(%arg7 : memref<128xi32, #tpu.memory_space<vmem>>) semaphore(%arg18 : memref<!tpu.dma_semaphore, #tpu.memory_space<semaphore_mem>>)
    %scan3A = arith.constant 0 : i32
    %scan3A_34 = arith.constant 0 : i32
    %scan3A_35 = arith.constant 78 : i32
    %scan3A_36 = arith.addi %scan3A_34, %scan3A_35 : i32
    %scan3A_37 = arith.constant 1 : i32
    %scan3A_38 = scf.for %scan3A_70 = %scan3A_34 to %scan3A_36 step %scan3A_37 iter_args(%scan3A_71 = %scan3A) -> (i32)  : i32 {
      %mul3A_72 = arith.constant 2 : i32
      %mul3A_73 = arith.muli %mul3A_72, %scan3A_70 : i32
      %add3A_74 = arith.constant 0 : i32
      %add3A_75 = arith.addi %mul3A_73, %add3A_74 : i32
      %dma_wait3A_76 = arith.constant 0 : i32
      %dma_wait3A_77 = arith.constant 0 : i32
      %dma_wait3A_78 = tpu.memref_slice %arg2[%dma_wait3A_76, %dma_wait3A_77] : memref<20480x128xf32, #tpu.memory_space<hbm>> -> memref<20480x128xf32, #tpu.memory_space<hbm>>
      tpu.wait_indirect_dma semaphore(%arg17 : memref<!tpu.dma_semaphore, #tpu.memory_space<semaphore_mem>>) src(%dma_wait3A_78 : memref<20480x128xf32, #tpu.memory_space<hbm>>) dst(%arg10 : memref<128x128xf32, #tpu.memory_space<vmem>>)
      %dma_wait3A_79 = tpu.memref_slice %arg4[%add3A_14] : memref<647168xi32, #tpu.memory_space<hbm>> -> memref<128xi32, #tpu.memory_space<hbm>>
      %dma_wait3A_80 = tpu.memref_slice %arg4[%add3A_14] : memref<647168xi32, #tpu.memory_space<hbm>> -> memref<128xi32, #tpu.memory_space<hbm>>
      tpu.wait_dma2 semaphore(%arg15 : memref<!tpu.dma_semaphore, #tpu.memory_space<semaphore_mem>>) src(%dma_wait3A_80 : memref<128xi32, #tpu.memory_space<hbm>>) dst(%arg8 : memref<128xi32, #tpu.memory_space<vmem>>)
      %dma_start3A_81 = arith.constant 0 : i32
      %dma_start3A_82 = arith.constant 0 : i32
      %dma_start3A_83 = tpu.memref_slice %arg12[%dma_start3A_81, %dma_start3A_82] : memref<10240x128xf32, #tpu.memory_space<vmem_shared>> -> memref<10240x128xf32, #tpu.memory_space<vmem_shared>>
      tpu.enqueue_indirect_dma source(%arg10 : memref<128x128xf32, #tpu.memory_space<vmem>>) target(%dma_start3A_83 : memref<10240x128xf32, #tpu.memory_space<vmem_shared>>) offsets(%arg8 : memref<128xi32, #tpu.memory_space<vmem>>) semaphore(%arg19 : memref<!tpu.dma_semaphore, #tpu.memory_space<semaphore_mem>>) {add = true}
      %add3A_84 = arith.constant 2 : i32
      %add3A_85 = arith.addi %add3A_75, %add3A_84 : i32
      %mul3A_86 = arith.constant 128 : i32
      %mul3A_87 = arith.muli %add3A_85, %mul3A_86 : i32
      %add3A_88 = arith.addi %mul3A_2, %mul3A_87 : i32
      %dma_start3A_89 = tpu.memref_slice %arg3[%add3A_88] : memref<647168xi32, #tpu.memory_space<hbm>> -> memref<128xi32, #tpu.memory_space<hbm>>
      %dma_start3A_90 = tpu.memref_slice %arg3[%add3A_88] : memref<647168xi32, #tpu.memory_space<hbm>> -> memref<128xi32, #tpu.memory_space<hbm>>
      tpu.enqueue_dma source(%dma_start3A_90 : memref<128xi32, #tpu.memory_space<hbm>>) target(%arg6 : memref<128xi32, #tpu.memory_space<vmem>>) target_semaphore(%arg13 : memref<!tpu.dma_semaphore, #tpu.memory_space<semaphore_mem>>)
      %dma_wait3A_91 = arith.constant 0 : i32
      %dma_wait3A_92 = arith.constant 0 : i32
      %dma_wait3A_93 = tpu.memref_slice %arg12[%dma_wait3A_91, %dma_wait3A_92] : memref<10240x128xf32, #tpu.memory_space<vmem_shared>> -> memref<10240x128xf32, #tpu.memory_space<vmem_shared>>
      tpu.wait_indirect_dma semaphore(%arg19 : memref<!tpu.dma_semaphore, #tpu.memory_space<semaphore_mem>>) src(%arg10 : memref<128x128xf32, #tpu.memory_space<vmem>>) dst(%dma_wait3A_93 : memref<10240x128xf32, #tpu.memory_space<vmem_shared>>)
      %dma_start3A_94 = tpu.memref_slice %arg4[%add3A_88] : memref<647168xi32, #tpu.memory_space<hbm>> -> memref<128xi32, #tpu.memory_space<hbm>>
      %dma_start3A_95 = tpu.memref_slice %arg4[%add3A_88] : memref<647168xi32, #tpu.memory_space<hbm>> -> memref<128xi32, #tpu.memory_space<hbm>>
      tpu.enqueue_dma source(%dma_start3A_95 : memref<128xi32, #tpu.memory_space<hbm>>) target(%arg8 : memref<128xi32, #tpu.memory_space<vmem>>) target_semaphore(%arg15 : memref<!tpu.dma_semaphore, #tpu.memory_space<semaphore_mem>>)
      %dma_wait3A_96 = tpu.memref_slice %arg3[%add3A_11] : memref<647168xi32, #tpu.memory_space<hbm>> -> memref<128xi32, #tpu.memory_space<hbm>>
      %dma_wait3A_97 = tpu.memref_slice %arg3[%add3A_11] : memref<647168xi32, #tpu.memory_space<hbm>> -> memref<128xi32, #tpu.memory_space<hbm>>
      tpu.wait_dma2 semaphore(%arg13 : memref<!tpu.dma_semaphore, #tpu.memory_space<semaphore_mem>>) src(%dma_wait3A_97 : memref<128xi32, #tpu.memory_space<hbm>>) dst(%arg6 : memref<128xi32, #tpu.memory_space<vmem>>)
      %dma_start3A_98 = arith.constant 0 : i32
      %dma_start3A_99 = arith.constant 0 : i32
      %dma_start3A_100 = tpu.memref_slice %arg2[%dma_start3A_98, %dma_start3A_99] : memref<20480x128xf32, #tpu.memory_space<hbm>> -> memref<20480x128xf32, #tpu.memory_space<hbm>>
      tpu.enqueue_indirect_dma source(%dma_start3A_100 : memref<20480x128xf32, #tpu.memory_space<hbm>>) target(%arg10 : memref<128x128xf32, #tpu.memory_space<vmem>>) offsets(%arg6 : memref<128xi32, #tpu.memory_space<vmem>>) semaphore(%arg17 : memref<!tpu.dma_semaphore, #tpu.memory_space<semaphore_mem>>)
      %mul3A_101 = arith.constant 2 : i32
      %mul3A_102 = arith.muli %mul3A_101, %scan3A_70 : i32
      %add3A_103 = arith.constant 1 : i32
      %add3A_104 = arith.addi %mul3A_102, %add3A_103 : i32
      %dma_wait3A_105 = arith.constant 0 : i32
      %dma_wait3A_106 = arith.constant 0 : i32
      %dma_wait3A_107 = tpu.memref_slice %arg2[%dma_wait3A_105, %dma_wait3A_106] : memref<20480x128xf32, #tpu.memory_space<hbm>> -> memref<20480x128xf32, #tpu.memory_space<hbm>>
      tpu.wait_indirect_dma semaphore(%arg18 : memref<!tpu.dma_semaphore, #tpu.memory_space<semaphore_mem>>) src(%dma_wait3A_107 : memref<20480x128xf32, #tpu.memory_space<hbm>>) dst(%arg11 : memref<128x128xf32, #tpu.memory_space<vmem>>)
      %dma_wait3A_108 = tpu.memref_slice %arg4[%add3A_22] : memref<647168xi32, #tpu.memory_space<hbm>> -> memref<128xi32, #tpu.memory_space<hbm>>
      %dma_wait3A_109 = tpu.memref_slice %arg4[%add3A_22] : memref<647168xi32, #tpu.memory_space<hbm>> -> memref<128xi32, #tpu.memory_space<hbm>>
      tpu.wait_dma2 semaphore(%arg16 : memref<!tpu.dma_semaphore, #tpu.memory_space<semaphore_mem>>) src(%dma_wait3A_109 : memref<128xi32, #tpu.memory_space<hbm>>) dst(%arg9 : memref<128xi32, #tpu.memory_space<vmem>>)
      %dma_start3A_110 = arith.constant 0 : i32
      %dma_start3A_111 = arith.constant 0 : i32
      %dma_start3A_112 = tpu.memref_slice %arg12[%dma_start3A_110, %dma_start3A_111] : memref<10240x128xf32, #tpu.memory_space<vmem_shared>> -> memref<10240x128xf32, #tpu.memory_space<vmem_shared>>
      tpu.enqueue_indirect_dma source(%arg11 : memref<128x128xf32, #tpu.memory_space<vmem>>) target(%dma_start3A_112 : memref<10240x128xf32, #tpu.memory_space<vmem_shared>>) offsets(%arg9 : memref<128xi32, #tpu.memory_space<vmem>>) semaphore(%arg20 : memref<!tpu.dma_semaphore, #tpu.memory_space<semaphore_mem>>) {add = true}
      %add3A_113 = arith.constant 2 : i32
      %add3A_114 = arith.addi %add3A_104, %add3A_113 : i32
      %mul3A_115 = arith.constant 128 : i32
      %mul3A_116 = arith.muli %add3A_114, %mul3A_115 : i32
      %add3A_117 = arith.addi %mul3A_2, %mul3A_116 : i32
      %dma_start3A_118 = tpu.memref_slice %arg3[%add3A_117] : memref<647168xi32, #tpu.memory_space<hbm>> -> memref<128xi32, #tpu.memory_space<hbm>>
      %dma_start3A_119 = tpu.memref_slice %arg3[%add3A_117] : memref<647168xi32, #tpu.memory_space<hbm>> -> memref<128xi32, #tpu.memory_space<hbm>>
      tpu.enqueue_dma source(%dma_start3A_119 : memref<128xi32, #tpu.memory_space<hbm>>) target(%arg7 : memref<128xi32, #tpu.memory_space<vmem>>) target_semaphore(%arg14 : memref<!tpu.dma_semaphore, #tpu.memory_space<semaphore_mem>>)
      %dma_wait3A_120 = arith.constant 0 : i32
      %dma_wait3A_121 = arith.constant 0 : i32
      %dma_wait3A_122 = tpu.memref_slice %arg12[%dma_wait3A_120, %dma_wait3A_121] : memref<10240x128xf32, #tpu.memory_space<vmem_shared>> -> memref<10240x128xf32, #tpu.memory_space<vmem_shared>>
      tpu.wait_indirect_dma semaphore(%arg20 : memref<!tpu.dma_semaphore, #tpu.memory_space<semaphore_mem>>) src(%arg11 : memref<128x128xf32, #tpu.memory_space<vmem>>) dst(%dma_wait3A_122 : memref<10240x128xf32, #tpu.memory_space<vmem_shared>>)
      %dma_start3A_123 = tpu.memref_slice %arg4[%add3A_117] : memref<647168xi32, #tpu.memory_space<hbm>> -> memref<128xi32, #tpu.memory_space<hbm>>
      %dma_start3A_124 = tpu.memref_slice %arg4[%add3A_117] : memref<647168xi32, #tpu.memory_space<hbm>> -> memref<128xi32, #tpu.memory_space<hbm>>
      tpu.enqueue_dma source(%dma_start3A_124 : memref<128xi32, #tpu.memory_space<hbm>>) target(%arg9 : memref<128xi32, #tpu.memory_space<vmem>>) target_semaphore(%arg16 : memref<!tpu.dma_semaphore, #tpu.memory_space<semaphore_mem>>)
      %dma_wait3A_125 = tpu.memref_slice %arg3[%add3A_18] : memref<647168xi32, #tpu.memory_space<hbm>> -> memref<128xi32, #tpu.memory_space<hbm>>
      %dma_wait3A_126 = tpu.memref_slice %arg3[%add3A_18] : memref<647168xi32, #tpu.memory_space<hbm>> -> memref<128xi32, #tpu.memory_space<hbm>>
      tpu.wait_dma2 semaphore(%arg14 : memref<!tpu.dma_semaphore, #tpu.memory_space<semaphore_mem>>) src(%dma_wait3A_126 : memref<128xi32, #tpu.memory_space<hbm>>) dst(%arg7 : memref<128xi32, #tpu.memory_space<vmem>>)
      %dma_start3A_127 = arith.constant 0 : i32
      %dma_start3A_128 = arith.constant 0 : i32
      %dma_start3A_129 = tpu.memref_slice %arg2[%dma_start3A_127, %dma_start3A_128] : memref<20480x128xf32, #tpu.memory_space<hbm>> -> memref<20480x128xf32, #tpu.memory_space<hbm>>
      tpu.enqueue_indirect_dma source(%dma_start3A_129 : memref<20480x128xf32, #tpu.memory_space<hbm>>) target(%arg11 : memref<128x128xf32, #tpu.memory_space<vmem>>) offsets(%arg7 : memref<128xi32, #tpu.memory_space<vmem>>) semaphore(%arg18 : memref<!tpu.dma_semaphore, #tpu.memory_space<semaphore_mem>>)
      %scan3A_130 = arith.constant 0 : i32
      scf.yield %scan3A_130 : i32
    }
    %scan3A_39 = arith.constant 78 : i32
    %dma_wait3A_40 = arith.constant 0 : i32
    %dma_wait3A_41 = arith.constant 0 : i32
    %dma_wait3A_42 = tpu.memref_slice %arg2[%dma_wait3A_40, %dma_wait3A_41] : memref<20480x128xf32, #tpu.memory_space<hbm>> -> memref<20480x128xf32, #tpu.memory_space<hbm>>
    tpu.wait_indirect_dma semaphore(%arg17 : memref<!tpu.dma_semaphore, #tpu.memory_space<semaphore_mem>>) src(%dma_wait3A_42 : memref<20480x128xf32, #tpu.memory_space<hbm>>) dst(%arg10 : memref<128x128xf32, #tpu.memory_space<vmem>>)
    %dma_wait3A_43 = tpu.memref_slice %arg4[%add3A_14] : memref<647168xi32, #tpu.memory_space<hbm>> -> memref<128xi32, #tpu.memory_space<hbm>>
    %dma_wait3A_44 = tpu.memref_slice %arg4[%add3A_14] : memref<647168xi32, #tpu.memory_space<hbm>> -> memref<128xi32, #tpu.memory_space<hbm>>
    tpu.wait_dma2 semaphore(%arg15 : memref<!tpu.dma_semaphore, #tpu.memory_space<semaphore_mem>>) src(%dma_wait3A_44 : memref<128xi32, #tpu.memory_space<hbm>>) dst(%arg8 : memref<128xi32, #tpu.memory_space<vmem>>)
    %dma_start3A_45 = arith.constant 0 : i32
    %dma_start3A_46 = arith.constant 0 : i32
    %dma_start3A_47 = tpu.memref_slice %arg12[%dma_start3A_45, %dma_start3A_46] : memref<10240x128xf32, #tpu.memory_space<vmem_shared>> -> memref<10240x128xf32, #tpu.memory_space<vmem_shared>>
    tpu.enqueue_indirect_dma source(%arg10 : memref<128x128xf32, #tpu.memory_space<vmem>>) target(%dma_start3A_47 : memref<10240x128xf32, #tpu.memory_space<vmem_shared>>) offsets(%arg8 : memref<128xi32, #tpu.memory_space<vmem>>) semaphore(%arg19 : memref<!tpu.dma_semaphore, #tpu.memory_space<semaphore_mem>>) {add = true}
    %dma_wait3A_48 = arith.constant 0 : i32
    %dma_wait3A_49 = arith.constant 0 : i32
    %dma_wait3A_50 = tpu.memref_slice %arg12[%dma_wait3A_48, %dma_wait3A_49] : memref<10240x128xf32, #tpu.memory_space<vmem_shared>> -> memref<10240x128xf32, #tpu.memory_space<vmem_shared>>
    tpu.wait_indirect_dma semaphore(%arg19 : memref<!tpu.dma_semaphore, #tpu.memory_space<semaphore_mem>>) src(%arg10 : memref<128x128xf32, #tpu.memory_space<vmem>>) dst(%dma_wait3A_50 : memref<10240x128xf32, #tpu.memory_space<vmem_shared>>)
    %dma_wait3A_51 = arith.constant 0 : i32
    %dma_wait3A_52 = arith.constant 0 : i32
    %dma_wait3A_53 = tpu.memref_slice %arg2[%dma_wait3A_51, %dma_wait3A_52] : memref<20480x128xf32, #tpu.memory_space<hbm>> -> memref<20480x128xf32, #tpu.memory_space<hbm>>
    tpu.wait_indirect_dma semaphore(%arg18 : memref<!tpu.dma_semaphore, #tpu.memory_space<semaphore_mem>>) src(%dma_wait3A_53 : memref<20480x128xf32, #tpu.memory_space<hbm>>) dst(%arg11 : memref<128x128xf32, #tpu.memory_space<vmem>>)
    %dma_wait3A_54 = tpu.memref_slice %arg4[%add3A_22] : memref<647168xi32, #tpu.memory_space<hbm>> -> memref<128xi32, #tpu.memory_space<hbm>>
    %dma_wait3A_55 = tpu.memref_slice %arg4[%add3A_22] : memref<647168xi32, #tpu.memory_space<hbm>> -> memref<128xi32, #tpu.memory_space<hbm>>
    tpu.wait_dma2 semaphore(%arg16 : memref<!tpu.dma_semaphore, #tpu.memory_space<semaphore_mem>>) src(%dma_wait3A_55 : memref<128xi32, #tpu.memory_space<hbm>>) dst(%arg9 : memref<128xi32, #tpu.memory_space<vmem>>)
    %dma_start3A_56 = arith.constant 0 : i32
    %dma_start3A_57 = arith.constant 0 : i32
    %dma_start3A_58 = tpu.memref_slice %arg12[%dma_start3A_56, %dma_start3A_57] : memref<10240x128xf32, #tpu.memory_space<vmem_shared>> -> memref<10240x128xf32, #tpu.memory_space<vmem_shared>>
    tpu.enqueue_indirect_dma source(%arg11 : memref<128x128xf32, #tpu.memory_space<vmem>>) target(%dma_start3A_58 : memref<10240x128xf32, #tpu.memory_space<vmem_shared>>) offsets(%arg9 : memref<128xi32, #tpu.memory_space<vmem>>) semaphore(%arg20 : memref<!tpu.dma_semaphore, #tpu.memory_space<semaphore_mem>>) {add = true}
    %dma_wait3A_59 = arith.constant 0 : i32
    %dma_wait3A_60 = arith.constant 0 : i32
    %dma_wait3A_61 = tpu.memref_slice %arg12[%dma_wait3A_59, %dma_wait3A_60] : memref<10240x128xf32, #tpu.memory_space<vmem_shared>> -> memref<10240x128xf32, #tpu.memory_space<vmem_shared>>
    tpu.wait_indirect_dma semaphore(%arg20 : memref<!tpu.dma_semaphore, #tpu.memory_space<semaphore_mem>>) src(%arg11 : memref<128x128xf32, #tpu.memory_space<vmem>>) dst(%dma_wait3A_61 : memref<10240x128xf32, #tpu.memory_space<vmem_shared>>)
    %barrier3A_62 = arith.constant 0 : index
    tpu.barrier barrier_id(%barrier3A_62)
    %mul3A_63 = arith.constant 640 : i32
    %mul3A_64 = arith.muli %arg1, %mul3A_63 : i32
    %mul3A_65 = arith.constant 10240 : i32
    %mul3A_66 = arith.muli %arg0, %mul3A_65 : i32
    %mul3A_67 = arith.constant 640 : i32
    %mul3A_68 = arith.muli %arg1, %mul3A_67 : i32
    %add3A_69 = arith.addi %mul3A_66, %mul3A_68 : i32
    "tpu.region"() ({
      %run_scoped3A = tpu.sem_alloc : memref<!tpu.dma_semaphore, #tpu.memory_space<semaphore_mem>>
      %dma_start3A_70 = arith.constant 0 : i32
      %dma_start3A_71 = tpu.memref_slice %arg5[%add3A_69, %dma_start3A_70] : memref<20480x128xf32, #tpu.memory_space<hbm>> -> memref<640x128xf32, #tpu.memory_space<hbm>>
      %dma_start3A_72 = arith.constant 0 : i32
      %dma_start3A_73 = tpu.memref_slice %arg12[%mul3A_64, %dma_start3A_72] : memref<10240x128xf32, #tpu.memory_space<vmem_shared>> -> memref<640x128xf32, #tpu.memory_space<vmem_shared>>
      tpu.enqueue_dma source(%dma_start3A_73 : memref<640x128xf32, #tpu.memory_space<vmem_shared>>) target(%dma_start3A_71 : memref<640x128xf32, #tpu.memory_space<hbm>>) target_semaphore(%run_scoped3A : memref<!tpu.dma_semaphore, #tpu.memory_space<semaphore_mem>>)
      %dma_wait3A_74 = arith.constant 0 : i32
      %dma_wait3A_75 = tpu.memref_slice %arg5[%add3A_69, %dma_wait3A_74] : memref<20480x128xf32, #tpu.memory_space<hbm>> -> memref<640x128xf32, #tpu.memory_space<hbm>>
      %dma_wait3A_76 = arith.constant 0 : i32
      %dma_wait3A_77 = tpu.memref_slice %arg12[%mul3A_64, %dma_wait3A_76] : memref<10240x128xf32, #tpu.memory_space<vmem_shared>> -> memref<640x128xf32, #tpu.memory_space<vmem_shared>>
      tpu.wait_dma2 semaphore(%run_scoped3A : memref<!tpu.dma_semaphore, #tpu.memory_space<semaphore_mem>>) src(%dma_wait3A_77 : memref<640x128xf32, #tpu.memory_space<vmem_shared>>) dst(%dma_wait3A_75 : memref<640x128xf32, #tpu.memory_space<hbm>>)
      tpu.yield
    }) : () -> ()
    return
  }
}

#map = affine_map<(d0, d1) -> (0, 0)>
#map1 = affine_map<(d0, d1) -> (0)>
module attributes {stable_mosaic.version = 14 : i64} {
  func.func @_agg_body(%arg0: i32, %arg1: i32, %arg2: memref<20480x128xf32, #tpu.memory_space<hbm>>, %arg3: memref<647168xi32, #tpu.memory_space<hbm>>, %arg4: memref<647168xi32, #tpu.memory_space<hbm>>, %arg5: memref<20480x128xf32, #tpu.memory_space<hbm>>, %arg6: memref<128xi32, #tpu.memory_space<vmem>>, %arg7: memref<128xi32, #tpu.memory_space<vmem>>, %arg8: memref<128xi32, #tpu.memory_space<vmem>>, %arg9: memref<128xi32, #tpu.memory_space<vmem>>, %arg10: memref<128x128xf32, #tpu.memory_space<vmem>>, %arg11: memref<128x128xf32, #tpu.memory_space<vmem>>, %arg12: memref<10240x128xf32, #tpu.memory_space<vmem_shared>>, %arg13: memref<!tpu.dma_semaphore, #tpu.memory_space<semaphore_mem>>, %arg14: memref<!tpu.dma_semaphore, #tpu.memory_space<semaphore_mem>>, %arg15: memref<!tpu.dma_semaphore, #tpu.memory_space<semaphore_mem>>, %arg16: memref<!tpu.dma_semaphore, #tpu.memory_space<semaphore_mem>>, %arg17: memref<!tpu.dma_semaphore, #tpu.memory_space<semaphore_mem>>, %arg18: memref<!tpu.dma_semaphore, #tpu.memory_space<semaphore_mem>>, %arg19: memref<!tpu.dma_semaphore, #tpu.memory_space<semaphore_mem>>, %arg20: memref<!tpu.dma_semaphore, #tpu.memory_space<semaphore_mem>>) attributes {dimension_semantics = [#tpu.dimension_semantics<core_parallel>, #tpu.dimension_semantics<subcore_parallel>], iteration_bounds = array<i64: 2, 16>, scalar_prefetch = 0 : i64, scratch_operands = 15 : i64, tpu.core_type = #tpu.core_type<sc_vector_subcore>, window_params = [{transform_indices = #map}, {transform_indices = #map1}, {transform_indices = #map1}, {transform_indices = #map}]} {
    %mul3A = arith.constant 16 : i32
    %mul3A_0 = arith.muli %arg0, %mul3A : i32
    %add3A = arith.addi %mul3A_0, %arg1 : i32
    %mul3A_1 = arith.constant 20224 : i32
    %mul3A_2 = arith.muli %add3A, %mul3A_1 : i32
    %mul3A_3 = arith.constant 10240 : i32
    %mul3A_4 = arith.muli %arg0, %mul3A_3 : i32
    %mul3A_5 = arith.constant 640 : i32
    %mul3A_6 = arith.muli %arg1, %mul3A_5 : i32
    %add3A_7 = arith.addi %mul3A_4, %mul3A_6 : i32
    %mul3A_8 = arith.constant 640 : i32
    %mul3A_9 = arith.muli %arg1, %mul3A_8 : i32
    "tpu.region"() ({
      %run_scoped3A = tpu.sem_alloc : memref<!tpu.dma_semaphore, #tpu.memory_space<semaphore_mem>>
      %dma_start3A_70 = arith.constant 0 : i32
      %dma_start3A_71 = tpu.memref_slice %arg12[%mul3A_9, %dma_start3A_70] : memref<10240x128xf32, #tpu.memory_space<vmem_shared>> -> memref<640x128xf32, #tpu.memory_space<vmem_shared>>
      %dma_start3A_72 = arith.constant 0 : i32
      %dma_start3A_73 = tpu.memref_slice %arg2[%add3A_7, %dma_start3A_72] : memref<20480x128xf32, #tpu.memory_space<hbm>> -> memref<640x128xf32, #tpu.memory_space<hbm>>
      tpu.enqueue_dma source(%dma_start3A_73 : memref<640x128xf32, #tpu.memory_space<hbm>>) target(%dma_start3A_71 : memref<640x128xf32, #tpu.memory_space<vmem_shared>>) target_semaphore(%run_scoped3A : memref<!tpu.dma_semaphore, #tpu.memory_space<semaphore_mem>>)
      %dma_wait3A_74 = arith.constant 0 : i32
      %dma_wait3A_75 = tpu.memref_slice %arg12[%mul3A_9, %dma_wait3A_74] : memref<10240x128xf32, #tpu.memory_space<vmem_shared>> -> memref<640x128xf32, #tpu.memory_space<vmem_shared>>
      %dma_wait3A_76 = arith.constant 0 : i32
      %dma_wait3A_77 = tpu.memref_slice %arg2[%add3A_7, %dma_wait3A_76] : memref<20480x128xf32, #tpu.memory_space<hbm>> -> memref<640x128xf32, #tpu.memory_space<hbm>>
      tpu.wait_dma2 semaphore(%run_scoped3A : memref<!tpu.dma_semaphore, #tpu.memory_space<semaphore_mem>>) src(%dma_wait3A_77 : memref<640x128xf32, #tpu.memory_space<hbm>>) dst(%dma_wait3A_75 : memref<640x128xf32, #tpu.memory_space<vmem_shared>>)
      tpu.yield
    }) : () -> ()
    %barrier3A = arith.constant 0 : index
    tpu.barrier barrier_id(%barrier3A)
    %add3A_10 = arith.constant 0 : i32
    %add3A_11 = arith.addi %mul3A_2, %add3A_10 : i32
    %dma_start3A = tpu.memref_slice %arg3[%add3A_11] : memref<647168xi32, #tpu.memory_space<hbm>> -> memref<128xi32, #tpu.memory_space<hbm>>
    %dma_start3A_12 = tpu.memref_slice %arg3[%add3A_11] : memref<647168xi32, #tpu.memory_space<hbm>> -> memref<128xi32, #tpu.memory_space<hbm>>
    tpu.enqueue_dma source(%dma_start3A_12 : memref<128xi32, #tpu.memory_space<hbm>>) target(%arg6 : memref<128xi32, #tpu.memory_space<vmem>>) target_semaphore(%arg13 : memref<!tpu.dma_semaphore, #tpu.memory_space<semaphore_mem>>)
    %add3A_13 = arith.constant 0 : i32
    %add3A_14 = arith.addi %mul3A_2, %add3A_13 : i32
    %dma_start3A_15 = tpu.memref_slice %arg4[%add3A_14] : memref<647168xi32, #tpu.memory_space<hbm>> -> memref<128xi32, #tpu.memory_space<hbm>>
    %dma_start3A_16 = tpu.memref_slice %arg4[%add3A_14] : memref<647168xi32, #tpu.memory_space<hbm>> -> memref<128xi32, #tpu.memory_space<hbm>>
    tpu.enqueue_dma source(%dma_start3A_16 : memref<128xi32, #tpu.memory_space<hbm>>) target(%arg8 : memref<128xi32, #tpu.memory_space<vmem>>) target_semaphore(%arg15 : memref<!tpu.dma_semaphore, #tpu.memory_space<semaphore_mem>>)
    %add3A_17 = arith.constant 128 : i32
    %add3A_18 = arith.addi %mul3A_2, %add3A_17 : i32
    %dma_start3A_19 = tpu.memref_slice %arg3[%add3A_18] : memref<647168xi32, #tpu.memory_space<hbm>> -> memref<128xi32, #tpu.memory_space<hbm>>
    %dma_start3A_20 = tpu.memref_slice %arg3[%add3A_18] : memref<647168xi32, #tpu.memory_space<hbm>> -> memref<128xi32, #tpu.memory_space<hbm>>
    tpu.enqueue_dma source(%dma_start3A_20 : memref<128xi32, #tpu.memory_space<hbm>>) target(%arg7 : memref<128xi32, #tpu.memory_space<vmem>>) target_semaphore(%arg14 : memref<!tpu.dma_semaphore, #tpu.memory_space<semaphore_mem>>)
    %add3A_21 = arith.constant 128 : i32
    %add3A_22 = arith.addi %mul3A_2, %add3A_21 : i32
    %dma_start3A_23 = tpu.memref_slice %arg4[%add3A_22] : memref<647168xi32, #tpu.memory_space<hbm>> -> memref<128xi32, #tpu.memory_space<hbm>>
    %dma_start3A_24 = tpu.memref_slice %arg4[%add3A_22] : memref<647168xi32, #tpu.memory_space<hbm>> -> memref<128xi32, #tpu.memory_space<hbm>>
    tpu.enqueue_dma source(%dma_start3A_24 : memref<128xi32, #tpu.memory_space<hbm>>) target(%arg9 : memref<128xi32, #tpu.memory_space<vmem>>) target_semaphore(%arg16 : memref<!tpu.dma_semaphore, #tpu.memory_space<semaphore_mem>>)
    %dma_wait3A = tpu.memref_slice %arg3[%add3A_11] : memref<647168xi32, #tpu.memory_space<hbm>> -> memref<128xi32, #tpu.memory_space<hbm>>
    %dma_wait3A_25 = tpu.memref_slice %arg3[%add3A_11] : memref<647168xi32, #tpu.memory_space<hbm>> -> memref<128xi32, #tpu.memory_space<hbm>>
    tpu.wait_dma2 semaphore(%arg13 : memref<!tpu.dma_semaphore, #tpu.memory_space<semaphore_mem>>) src(%dma_wait3A_25 : memref<128xi32, #tpu.memory_space<hbm>>) dst(%arg6 : memref<128xi32, #tpu.memory_space<vmem>>)
    %dma_start3A_26 = arith.constant 0 : i32
    %dma_start3A_27 = arith.constant 0 : i32
    %dma_start3A_28 = tpu.memref_slice %arg2[%dma_start3A_26, %dma_start3A_27] : memref<20480x128xf32, #tpu.memory_space<hbm>> -> memref<20480x128xf32, #tpu.memory_space<hbm>>
    tpu.enqueue_indirect_dma source(%dma_start3A_28 : memref<20480x128xf32, #tpu.memory_space<hbm>>) target(%arg10 : memref<128x128xf32, #tpu.memory_space<vmem>>) offsets(%arg6 : memref<128xi32, #tpu.memory_space<vmem>>) semaphore(%arg17 : memref<!tpu.dma_semaphore, #tpu.memory_space<semaphore_mem>>)
    %dma_wait3A_29 = tpu.memref_slice %arg3[%add3A_18] : memref<647168xi32, #tpu.memory_space<hbm>> -> memref<128xi32, #tpu.memory_space<hbm>>
    %dma_wait3A_30 = tpu.memref_slice %arg3[%add3A_18] : memref<647168xi32, #tpu.memory_space<hbm>> -> memref<128xi32, #tpu.memory_space<hbm>>
    tpu.wait_dma2 semaphore(%arg14 : memref<!tpu.dma_semaphore, #tpu.memory_space<semaphore_mem>>) src(%dma_wait3A_30 : memref<128xi32, #tpu.memory_space<hbm>>) dst(%arg7 : memref<128xi32, #tpu.memory_space<vmem>>)
    %dma_start3A_31 = arith.constant 0 : i32
    %dma_start3A_32 = arith.constant 0 : i32
    %dma_start3A_33 = tpu.memref_slice %arg2[%dma_start3A_31, %dma_start3A_32] : memref<20480x128xf32, #tpu.memory_space<hbm>> -> memref<20480x128xf32, #tpu.memory_space<hbm>>
    tpu.enqueue_indirect_dma source(%dma_start3A_33 : memref<20480x128xf32, #tpu.memory_space<hbm>>) target(%arg11 : memref<128x128xf32, #tpu.memory_space<vmem>>) offsets(%arg7 : memref<128xi32, #tpu.memory_space<vmem>>) semaphore(%arg18 : memref<!tpu.dma_semaphore, #tpu.memory_space<semaphore_mem>>)
    %scan3A = arith.constant 0 : i32
    %scan3A_34 = arith.constant 0 : i32
    %scan3A_35 = arith.constant 78 : i32
    %scan3A_36 = arith.addi %scan3A_34, %scan3A_35 : i32
    %scan3A_37 = arith.constant 1 : i32
    %scan3A_38 = scf.for %scan3A_70 = %scan3A_34 to %scan3A_36 step %scan3A_37 iter_args(%scan3A_71 = %scan3A) -> (i32)  : i32 {
      %mul3A_72 = arith.constant 2 : i32
      %mul3A_73 = arith.muli %mul3A_72, %scan3A_70 : i32
      %add3A_74 = arith.constant 0 : i32
      %add3A_75 = arith.addi %mul3A_73, %add3A_74 : i32
      %dma_wait3A_76 = arith.constant 0 : i32
      %dma_wait3A_77 = arith.constant 0 : i32
      %dma_wait3A_78 = tpu.memref_slice %arg2[%dma_wait3A_76, %dma_wait3A_77] : memref<20480x128xf32, #tpu.memory_space<hbm>> -> memref<20480x128xf32, #tpu.memory_space<hbm>>
      tpu.wait_indirect_dma semaphore(%arg17 : memref<!tpu.dma_semaphore, #tpu.memory_space<semaphore_mem>>) src(%dma_wait3A_78 : memref<20480x128xf32, #tpu.memory_space<hbm>>) dst(%arg10 : memref<128x128xf32, #tpu.memory_space<vmem>>)
      %dma_wait3A_79 = tpu.memref_slice %arg4[%add3A_14] : memref<647168xi32, #tpu.memory_space<hbm>> -> memref<128xi32, #tpu.memory_space<hbm>>
      %dma_wait3A_80 = tpu.memref_slice %arg4[%add3A_14] : memref<647168xi32, #tpu.memory_space<hbm>> -> memref<128xi32, #tpu.memory_space<hbm>>
      tpu.wait_dma2 semaphore(%arg15 : memref<!tpu.dma_semaphore, #tpu.memory_space<semaphore_mem>>) src(%dma_wait3A_80 : memref<128xi32, #tpu.memory_space<hbm>>) dst(%arg8 : memref<128xi32, #tpu.memory_space<vmem>>)
      %dma_start3A_81 = arith.constant 0 : i32
      %dma_start3A_82 = arith.constant 0 : i32
      %dma_start3A_83 = tpu.memref_slice %arg12[%dma_start3A_81, %dma_start3A_82] : memref<10240x128xf32, #tpu.memory_space<vmem_shared>> -> memref<10240x128xf32, #tpu.memory_space<vmem_shared>>
      tpu.enqueue_indirect_dma source(%arg10 : memref<128x128xf32, #tpu.memory_space<vmem>>) target(%dma_start3A_83 : memref<10240x128xf32, #tpu.memory_space<vmem_shared>>) offsets(%arg8 : memref<128xi32, #tpu.memory_space<vmem>>) semaphore(%arg19 : memref<!tpu.dma_semaphore, #tpu.memory_space<semaphore_mem>>) {add = true}
      %add3A_84 = arith.constant 2 : i32
      %add3A_85 = arith.addi %add3A_75, %add3A_84 : i32
      %mul3A_86 = arith.constant 128 : i32
      %mul3A_87 = arith.muli %add3A_85, %mul3A_86 : i32
      %add3A_88 = arith.addi %mul3A_2, %mul3A_87 : i32
      %dma_start3A_89 = tpu.memref_slice %arg3[%add3A_88] : memref<647168xi32, #tpu.memory_space<hbm>> -> memref<128xi32, #tpu.memory_space<hbm>>
      %dma_start3A_90 = tpu.memref_slice %arg3[%add3A_88] : memref<647168xi32, #tpu.memory_space<hbm>> -> memref<128xi32, #tpu.memory_space<hbm>>
      tpu.enqueue_dma source(%dma_start3A_90 : memref<128xi32, #tpu.memory_space<hbm>>) target(%arg6 : memref<128xi32, #tpu.memory_space<vmem>>) target_semaphore(%arg13 : memref<!tpu.dma_semaphore, #tpu.memory_space<semaphore_mem>>)
      %dma_wait3A_91 = arith.constant 0 : i32
      %dma_wait3A_92 = arith.constant 0 : i32
      %dma_wait3A_93 = tpu.memref_slice %arg12[%dma_wait3A_91, %dma_wait3A_92] : memref<10240x128xf32, #tpu.memory_space<vmem_shared>> -> memref<10240x128xf32, #tpu.memory_space<vmem_shared>>
      tpu.wait_indirect_dma semaphore(%arg19 : memref<!tpu.dma_semaphore, #tpu.memory_space<semaphore_mem>>) src(%arg10 : memref<128x128xf32, #tpu.memory_space<vmem>>) dst(%dma_wait3A_93 : memref<10240x128xf32, #tpu.memory_space<vmem_shared>>)
      %dma_start3A_94 = tpu.memref_slice %arg4[%add3A_88] : memref<647168xi32, #tpu.memory_space<hbm>> -> memref<128xi32, #tpu.memory_space<hbm>>
      %dma_start3A_95 = tpu.memref_slice %arg4[%add3A_88] : memref<647168xi32, #tpu.memory_space<hbm>> -> memref<128xi32, #tpu.memory_space<hbm>>
      tpu.enqueue_dma source(%dma_start3A_95 : memref<128xi32, #tpu.memory_space<hbm>>) target(%arg8 : memref<128xi32, #tpu.memory_space<vmem>>) target_semaphore(%arg15 : memref<!tpu.dma_semaphore, #tpu.memory_space<semaphore_mem>>)
      %dma_wait3A_96 = tpu.memref_slice %arg3[%add3A_11] : memref<647168xi32, #tpu.memory_space<hbm>> -> memref<128xi32, #tpu.memory_space<hbm>>
      %dma_wait3A_97 = tpu.memref_slice %arg3[%add3A_11] : memref<647168xi32, #tpu.memory_space<hbm>> -> memref<128xi32, #tpu.memory_space<hbm>>
      tpu.wait_dma2 semaphore(%arg13 : memref<!tpu.dma_semaphore, #tpu.memory_space<semaphore_mem>>) src(%dma_wait3A_97 : memref<128xi32, #tpu.memory_space<hbm>>) dst(%arg6 : memref<128xi32, #tpu.memory_space<vmem>>)
      %dma_start3A_98 = arith.constant 0 : i32
      %dma_start3A_99 = arith.constant 0 : i32
      %dma_start3A_100 = tpu.memref_slice %arg2[%dma_start3A_98, %dma_start3A_99] : memref<20480x128xf32, #tpu.memory_space<hbm>> -> memref<20480x128xf32, #tpu.memory_space<hbm>>
      tpu.enqueue_indirect_dma source(%dma_start3A_100 : memref<20480x128xf32, #tpu.memory_space<hbm>>) target(%arg10 : memref<128x128xf32, #tpu.memory_space<vmem>>) offsets(%arg6 : memref<128xi32, #tpu.memory_space<vmem>>) semaphore(%arg17 : memref<!tpu.dma_semaphore, #tpu.memory_space<semaphore_mem>>)
      %mul3A_101 = arith.constant 2 : i32
      %mul3A_102 = arith.muli %mul3A_101, %scan3A_70 : i32
      %add3A_103 = arith.constant 1 : i32
      %add3A_104 = arith.addi %mul3A_102, %add3A_103 : i32
      %dma_wait3A_105 = arith.constant 0 : i32
      %dma_wait3A_106 = arith.constant 0 : i32
      %dma_wait3A_107 = tpu.memref_slice %arg2[%dma_wait3A_105, %dma_wait3A_106] : memref<20480x128xf32, #tpu.memory_space<hbm>> -> memref<20480x128xf32, #tpu.memory_space<hbm>>
      tpu.wait_indirect_dma semaphore(%arg18 : memref<!tpu.dma_semaphore, #tpu.memory_space<semaphore_mem>>) src(%dma_wait3A_107 : memref<20480x128xf32, #tpu.memory_space<hbm>>) dst(%arg11 : memref<128x128xf32, #tpu.memory_space<vmem>>)
      %dma_wait3A_108 = tpu.memref_slice %arg4[%add3A_22] : memref<647168xi32, #tpu.memory_space<hbm>> -> memref<128xi32, #tpu.memory_space<hbm>>
      %dma_wait3A_109 = tpu.memref_slice %arg4[%add3A_22] : memref<647168xi32, #tpu.memory_space<hbm>> -> memref<128xi32, #tpu.memory_space<hbm>>
      tpu.wait_dma2 semaphore(%arg16 : memref<!tpu.dma_semaphore, #tpu.memory_space<semaphore_mem>>) src(%dma_wait3A_109 : memref<128xi32, #tpu.memory_space<hbm>>) dst(%arg9 : memref<128xi32, #tpu.memory_space<vmem>>)
      %dma_start3A_110 = arith.constant 0 : i32
      %dma_start3A_111 = arith.constant 0 : i32
      %dma_start3A_112 = tpu.memref_slice %arg12[%dma_start3A_110, %dma_start3A_111] : memref<10240x128xf32, #tpu.memory_space<vmem_shared>> -> memref<10240x128xf32, #tpu.memory_space<vmem_shared>>
      tpu.enqueue_indirect_dma source(%arg11 : memref<128x128xf32, #tpu.memory_space<vmem>>) target(%dma_start3A_112 : memref<10240x128xf32, #tpu.memory_space<vmem_shared>>) offsets(%arg9 : memref<128xi32, #tpu.memory_space<vmem>>) semaphore(%arg20 : memref<!tpu.dma_semaphore, #tpu.memory_space<semaphore_mem>>) {add = true}
      %add3A_113 = arith.constant 2 : i32
      %add3A_114 = arith.addi %add3A_104, %add3A_113 : i32
      %mul3A_115 = arith.constant 128 : i32
      %mul3A_116 = arith.muli %add3A_114, %mul3A_115 : i32
      %add3A_117 = arith.addi %mul3A_2, %mul3A_116 : i32
      %dma_start3A_118 = tpu.memref_slice %arg3[%add3A_117] : memref<647168xi32, #tpu.memory_space<hbm>> -> memref<128xi32, #tpu.memory_space<hbm>>
      %dma_start3A_119 = tpu.memref_slice %arg3[%add3A_117] : memref<647168xi32, #tpu.memory_space<hbm>> -> memref<128xi32, #tpu.memory_space<hbm>>
      tpu.enqueue_dma source(%dma_start3A_119 : memref<128xi32, #tpu.memory_space<hbm>>) target(%arg7 : memref<128xi32, #tpu.memory_space<vmem>>) target_semaphore(%arg14 : memref<!tpu.dma_semaphore, #tpu.memory_space<semaphore_mem>>)
      %dma_wait3A_120 = arith.constant 0 : i32
      %dma_wait3A_121 = arith.constant 0 : i32
      %dma_wait3A_122 = tpu.memref_slice %arg12[%dma_wait3A_120, %dma_wait3A_121] : memref<10240x128xf32, #tpu.memory_space<vmem_shared>> -> memref<10240x128xf32, #tpu.memory_space<vmem_shared>>
      tpu.wait_indirect_dma semaphore(%arg20 : memref<!tpu.dma_semaphore, #tpu.memory_space<semaphore_mem>>) src(%arg11 : memref<128x128xf32, #tpu.memory_space<vmem>>) dst(%dma_wait3A_122 : memref<10240x128xf32, #tpu.memory_space<vmem_shared>>)
      %dma_start3A_123 = tpu.memref_slice %arg4[%add3A_117] : memref<647168xi32, #tpu.memory_space<hbm>> -> memref<128xi32, #tpu.memory_space<hbm>>
      %dma_start3A_124 = tpu.memref_slice %arg4[%add3A_117] : memref<647168xi32, #tpu.memory_space<hbm>> -> memref<128xi32, #tpu.memory_space<hbm>>
      tpu.enqueue_dma source(%dma_start3A_124 : memref<128xi32, #tpu.memory_space<hbm>>) target(%arg9 : memref<128xi32, #tpu.memory_space<vmem>>) target_semaphore(%arg16 : memref<!tpu.dma_semaphore, #tpu.memory_space<semaphore_mem>>)
      %dma_wait3A_125 = tpu.memref_slice %arg3[%add3A_18] : memref<647168xi32, #tpu.memory_space<hbm>> -> memref<128xi32, #tpu.memory_space<hbm>>
      %dma_wait3A_126 = tpu.memref_slice %arg3[%add3A_18] : memref<647168xi32, #tpu.memory_space<hbm>> -> memref<128xi32, #tpu.memory_space<hbm>>
      tpu.wait_dma2 semaphore(%arg14 : memref<!tpu.dma_semaphore, #tpu.memory_space<semaphore_mem>>) src(%dma_wait3A_126 : memref<128xi32, #tpu.memory_space<hbm>>) dst(%arg7 : memref<128xi32, #tpu.memory_space<vmem>>)
      %dma_start3A_127 = arith.constant 0 : i32
      %dma_start3A_128 = arith.constant 0 : i32
      %dma_start3A_129 = tpu.memref_slice %arg2[%dma_start3A_127, %dma_start3A_128] : memref<20480x128xf32, #tpu.memory_space<hbm>> -> memref<20480x128xf32, #tpu.memory_space<hbm>>
      tpu.enqueue_indirect_dma source(%dma_start3A_129 : memref<20480x128xf32, #tpu.memory_space<hbm>>) target(%arg11 : memref<128x128xf32, #tpu.memory_space<vmem>>) offsets(%arg7 : memref<128xi32, #tpu.memory_space<vmem>>) semaphore(%arg18 : memref<!tpu.dma_semaphore, #tpu.memory_space<semaphore_mem>>)
      %scan3A_130 = arith.constant 0 : i32
      scf.yield %scan3A_130 : i32
    }
    %scan3A_39 = arith.constant 78 : i32
    %dma_wait3A_40 = arith.constant 0 : i32
    %dma_wait3A_41 = arith.constant 0 : i32
    %dma_wait3A_42 = tpu.memref_slice %arg2[%dma_wait3A_40, %dma_wait3A_41] : memref<20480x128xf32, #tpu.memory_space<hbm>> -> memref<20480x128xf32, #tpu.memory_space<hbm>>
    tpu.wait_indirect_dma semaphore(%arg17 : memref<!tpu.dma_semaphore, #tpu.memory_space<semaphore_mem>>) src(%dma_wait3A_42 : memref<20480x128xf32, #tpu.memory_space<hbm>>) dst(%arg10 : memref<128x128xf32, #tpu.memory_space<vmem>>)
    %dma_wait3A_43 = tpu.memref_slice %arg4[%add3A_14] : memref<647168xi32, #tpu.memory_space<hbm>> -> memref<128xi32, #tpu.memory_space<hbm>>
    %dma_wait3A_44 = tpu.memref_slice %arg4[%add3A_14] : memref<647168xi32, #tpu.memory_space<hbm>> -> memref<128xi32, #tpu.memory_space<hbm>>
    tpu.wait_dma2 semaphore(%arg15 : memref<!tpu.dma_semaphore, #tpu.memory_space<semaphore_mem>>) src(%dma_wait3A_44 : memref<128xi32, #tpu.memory_space<hbm>>) dst(%arg8 : memref<128xi32, #tpu.memory_space<vmem>>)
    %dma_start3A_45 = arith.constant 0 : i32
    %dma_start3A_46 = arith.constant 0 : i32
    %dma_start3A_47 = tpu.memref_slice %arg12[%dma_start3A_45, %dma_start3A_46] : memref<10240x128xf32, #tpu.memory_space<vmem_shared>> -> memref<10240x128xf32, #tpu.memory_space<vmem_shared>>
    tpu.enqueue_indirect_dma source(%arg10 : memref<128x128xf32, #tpu.memory_space<vmem>>) target(%dma_start3A_47 : memref<10240x128xf32, #tpu.memory_space<vmem_shared>>) offsets(%arg8 : memref<128xi32, #tpu.memory_space<vmem>>) semaphore(%arg19 : memref<!tpu.dma_semaphore, #tpu.memory_space<semaphore_mem>>) {add = true}
    %dma_wait3A_48 = arith.constant 0 : i32
    %dma_wait3A_49 = arith.constant 0 : i32
    %dma_wait3A_50 = tpu.memref_slice %arg12[%dma_wait3A_48, %dma_wait3A_49] : memref<10240x128xf32, #tpu.memory_space<vmem_shared>> -> memref<10240x128xf32, #tpu.memory_space<vmem_shared>>
    tpu.wait_indirect_dma semaphore(%arg19 : memref<!tpu.dma_semaphore, #tpu.memory_space<semaphore_mem>>) src(%arg10 : memref<128x128xf32, #tpu.memory_space<vmem>>) dst(%dma_wait3A_50 : memref<10240x128xf32, #tpu.memory_space<vmem_shared>>)
    %dma_wait3A_51 = arith.constant 0 : i32
    %dma_wait3A_52 = arith.constant 0 : i32
    %dma_wait3A_53 = tpu.memref_slice %arg2[%dma_wait3A_51, %dma_wait3A_52] : memref<20480x128xf32, #tpu.memory_space<hbm>> -> memref<20480x128xf32, #tpu.memory_space<hbm>>
    tpu.wait_indirect_dma semaphore(%arg18 : memref<!tpu.dma_semaphore, #tpu.memory_space<semaphore_mem>>) src(%dma_wait3A_53 : memref<20480x128xf32, #tpu.memory_space<hbm>>) dst(%arg11 : memref<128x128xf32, #tpu.memory_space<vmem>>)
    %dma_wait3A_54 = tpu.memref_slice %arg4[%add3A_22] : memref<647168xi32, #tpu.memory_space<hbm>> -> memref<128xi32, #tpu.memory_space<hbm>>
    %dma_wait3A_55 = tpu.memref_slice %arg4[%add3A_22] : memref<647168xi32, #tpu.memory_space<hbm>> -> memref<128xi32, #tpu.memory_space<hbm>>
    tpu.wait_dma2 semaphore(%arg16 : memref<!tpu.dma_semaphore, #tpu.memory_space<semaphore_mem>>) src(%dma_wait3A_55 : memref<128xi32, #tpu.memory_space<hbm>>) dst(%arg9 : memref<128xi32, #tpu.memory_space<vmem>>)
    %dma_start3A_56 = arith.constant 0 : i32
    %dma_start3A_57 = arith.constant 0 : i32
    %dma_start3A_58 = tpu.memref_slice %arg12[%dma_start3A_56, %dma_start3A_57] : memref<10240x128xf32, #tpu.memory_space<vmem_shared>> -> memref<10240x128xf32, #tpu.memory_space<vmem_shared>>
    tpu.enqueue_indirect_dma source(%arg11 : memref<128x128xf32, #tpu.memory_space<vmem>>) target(%dma_start3A_58 : memref<10240x128xf32, #tpu.memory_space<vmem_shared>>) offsets(%arg9 : memref<128xi32, #tpu.memory_space<vmem>>) semaphore(%arg20 : memref<!tpu.dma_semaphore, #tpu.memory_space<semaphore_mem>>) {add = true}
    %dma_wait3A_59 = arith.constant 0 : i32
    %dma_wait3A_60 = arith.constant 0 : i32
    %dma_wait3A_61 = tpu.memref_slice %arg12[%dma_wait3A_59, %dma_wait3A_60] : memref<10240x128xf32, #tpu.memory_space<vmem_shared>> -> memref<10240x128xf32, #tpu.memory_space<vmem_shared>>
    tpu.wait_indirect_dma semaphore(%arg20 : memref<!tpu.dma_semaphore, #tpu.memory_space<semaphore_mem>>) src(%arg11 : memref<128x128xf32, #tpu.memory_space<vmem>>) dst(%dma_wait3A_61 : memref<10240x128xf32, #tpu.memory_space<vmem_shared>>)
    %barrier3A_62 = arith.constant 0 : index
    tpu.barrier barrier_id(%barrier3A_62)
    %mul3A_63 = arith.constant 640 : i32
    %mul3A_64 = arith.muli %arg1, %mul3A_63 : i32
    %mul3A_65 = arith.constant 10240 : i32
    %mul3A_66 = arith.muli %arg0, %mul3A_65 : i32
    %mul3A_67 = arith.constant 640 : i32
    %mul3A_68 = arith.muli %arg1, %mul3A_67 : i32
    %add3A_69 = arith.addi %mul3A_66, %mul3A_68 : i32
    "tpu.region"() ({
      %run_scoped3A = tpu.sem_alloc : memref<!tpu.dma_semaphore, #tpu.memory_space<semaphore_mem>>
      %dma_start3A_70 = arith.constant 0 : i32
      %dma_start3A_71 = tpu.memref_slice %arg5[%add3A_69, %dma_start3A_70] : memref<20480x128xf32, #tpu.memory_space<hbm>> -> memref<640x128xf32, #tpu.memory_space<hbm>>
      %dma_start3A_72 = arith.constant 0 : i32
      %dma_start3A_73 = tpu.memref_slice %arg12[%mul3A_64, %dma_start3A_72] : memref<10240x128xf32, #tpu.memory_space<vmem_shared>> -> memref<640x128xf32, #tpu.memory_space<vmem_shared>>
      tpu.enqueue_dma source(%dma_start3A_73 : memref<640x128xf32, #tpu.memory_space<vmem_shared>>) target(%dma_start3A_71 : memref<640x128xf32, #tpu.memory_space<hbm>>) target_semaphore(%run_scoped3A : memref<!tpu.dma_semaphore, #tpu.memory_space<semaphore_mem>>)
      %dma_wait3A_74 = arith.constant 0 : i32
      %dma_wait3A_75 = tpu.memref_slice %arg5[%add3A_69, %dma_wait3A_74] : memref<20480x128xf32, #tpu.memory_space<hbm>> -> memref<640x128xf32, #tpu.memory_space<hbm>>
      %dma_wait3A_76 = arith.constant 0 : i32
      %dma_wait3A_77 = tpu.memref_slice %arg12[%mul3A_64, %dma_wait3A_76] : memref<10240x128xf32, #tpu.memory_space<vmem_shared>> -> memref<640x128xf32, #tpu.memory_space<vmem_shared>>
      tpu.wait_dma2 semaphore(%run_scoped3A : memref<!tpu.dma_semaphore, #tpu.memory_space<semaphore_mem>>) src(%dma_wait3A_77 : memref<640x128xf32, #tpu.memory_space<vmem_shared>>) dst(%dma_wait3A_75 : memref<640x128xf32, #tpu.memory_space<hbm>>)
      tpu.yield
    }) : () -> ()
    return
  }
}

module attributes {stable_mosaic.version = 14 : i64} {
  func.func @_tc_first_body(%arg0: i32, %arg1: i32, %arg2: memref<1024x128xf32, #tpu.memory_space<vmem>>, %arg3: memref<128x128xf32, #tpu.memory_space<vmem>>, %arg4: memref<1024x1xf32, #tpu.memory_space<vmem>>, %arg5: memref<1024x128xf32, #tpu.memory_space<vmem>>) attributes {dimension_semantics = [#tpu.dimension_semantics<arbitrary>, #tpu.dimension_semantics<arbitrary>], iteration_bounds = array<i64: 2, 10>, scalar_prefetch = 0 : i64, scratch_operands = 0 : i64, tpu.core_type = #tpu.core_type<tc>, window_params = [{transform_indices = @transform_0, window_bounds = array<i64: 1024, 128>}, {transform_indices = @transform_1, window_bounds = array<i64: 128, 128>}, {transform_indices = @transform_2, window_bounds = array<i64: 1024, 1>}, {transform_indices = @transform_3, window_bounds = array<i64: 1024, 128>}]} {
    %get3A = arith.constant 0 : index
    %get3A_0 = arith.constant 0 : index
    %get3A_1 = vector.load %arg4[%get3A, %get3A_0] : memref<1024x1xf32, #tpu.memory_space<vmem>>, vector<1024x1xf32>
    %add3A = arith.constant 1.000000e+00 : f32
    %add3A_2 = vector.broadcast %add3A : f32 to vector<1024x1xf32>
    %add3A_3 = arith.addf %get3A_1, %add3A_2 : vector<1024x1xf32>
    %rsqrt3A = math.rsqrt %add3A_3 : vector<1024x1xf32>
    %get3A_4 = arith.constant 0 : index
    %get3A_5 = arith.constant 0 : index
    %get3A_6 = vector.load %arg2[%get3A_4, %get3A_5] : memref<1024x128xf32, #tpu.memory_space<vmem>>, vector<1024x128xf32>
    %get3A_7 = arith.constant 0 : index
    %get3A_8 = arith.constant 0 : index
    %get3A_9 = vector.load %arg3[%get3A_7, %get3A_8] : memref<128x128xf32, #tpu.memory_space<vmem>>, vector<128x128xf32>
    %dot_general3A = arith.constant dense<0.000000e+00> : vector<1024x128xf32>
    %dot_general3A_10 = tpu.matmul %get3A_6, %get3A_9, %dot_general3A {dimension_numbers = #tpu.dot_dimension_numbers<[1], [0], [0], [1], [0, 0, 1, 1], [], []>, precision = #tpu.contract_precision<fp32>, transpose_lhs_hint = false} : vector<1024x128xf32>, vector<128x128xf32>, vector<1024x128xf32> -> vector<1024x128xf32>
    %mul3A = vector.broadcast %rsqrt3A : vector<1024x1xf32> to vector<1024x128xf32>
    %mul3A_11 = arith.mulf %dot_general3A_10, %mul3A : vector<1024x128xf32>
    %iota3A = tpu.iota {dimensions = array<i32: 0>} : vector<1024x1xi32>
    %mul3A_12 = arith.constant 1024 : i32
    %mul3A_13 = arith.muli %arg1, %mul3A_12 : i32
    %add3A_14 = vector.broadcast %mul3A_13 : i32 to vector<1024x1xi32>
    %add3A_15 = arith.addi %iota3A, %add3A_14 : vector<1024x1xi32>
    %lt3A = arith.constant 10000 : i32
    %lt3A_16 = vector.broadcast %lt3A : i32 to vector<1024x1xi32>
    %lt3A_17 = arith.cmpi slt, %add3A_15, %lt3A_16 : vector<1024x1xi32>
    %convert_element_type3A = arith.extui %lt3A_17 : vector<1024x1xi1> to vector<1024x1xi32>
    %convert_element_type3A_18 = arith.sitofp %convert_element_type3A : vector<1024x1xi32> to vector<1024x1xf32>
    %mul3A_19 = vector.broadcast %convert_element_type3A_18 : vector<1024x1xf32> to vector<1024x128xf32>
    %mul3A_20 = arith.mulf %mul3A_11, %mul3A_19 : vector<1024x128xf32>
    %swap3A = arith.constant 0 : index
    %swap3A_21 = arith.constant 0 : index
    %swap3A_22 = vector.load %arg5[%swap3A, %swap3A_21] : memref<1024x128xf32, #tpu.memory_space<vmem>>, vector<1024x128xf32>
    tpu.vector_store %arg5[%swap3A, %swap3A_21], %mul3A_20 {strides = array<i32>} : memref<1024x128xf32, #tpu.memory_space<vmem>>, vector<1024x128xf32>,
    return
  }
  func.func @transform_0(%arg0: i32, %arg1: i32) -> (i32, i32) {
    %c0_i32 = arith.constant 0 : i32
    %c0_i32_0 = arith.constant 0 : i32
    return %arg1, %c0_i32 : i32, i32
  }
  func.func @transform_1(%arg0: i32, %arg1: i32) -> (i32, i32) {
    %c0_i32 = arith.constant 0 : i32
    %c0_i32_0 = arith.constant 0 : i32
    return %c0_i32, %arg0 : i32, i32
  }
  func.func @transform_2(%arg0: i32, %arg1: i32) -> (i32, i32) {
    %c0_i32 = arith.constant 0 : i32
    %c0_i32_0 = arith.constant 0 : i32
    return %arg1, %c0_i32 : i32, i32
  }
  func.func @transform_3(%arg0: i32, %arg1: i32) -> (i32, i32) {
    %mul3A = arith.constant 10 : i32
    %mul3A_0 = arith.muli %arg0, %mul3A : i32
    %add3A = arith.addi %mul3A_0, %arg1 : i32
    %c0_i32 = arith.constant 0 : i32
    %c0_i32_1 = arith.constant 0 : i32
    return %add3A, %c0_i32 : i32, i32
  }
}

module attributes {stable_mosaic.version = 14 : i64} {
  func.func @_tc_mid_body(%arg0: i32, %arg1: i32, %arg2: memref<1024x128xf32, #tpu.memory_space<vmem>>, %arg3: memref<1024x128xf32, #tpu.memory_space<vmem>>, %arg4: memref<1024x1xf32, #tpu.memory_space<vmem>>, %arg5: memref<1x256xf32, #tpu.memory_space<vmem>>, %arg6: memref<256x128xf32, #tpu.memory_space<vmem>>, %arg7: memref<1024x128xf32, #tpu.memory_space<vmem>>) attributes {dimension_semantics = [#tpu.dimension_semantics<arbitrary>, #tpu.dimension_semantics<arbitrary>], iteration_bounds = array<i64: 2, 10>, scalar_prefetch = 0 : i64, scratch_operands = 0 : i64, tpu.core_type = #tpu.core_type<tc>, window_params = [{transform_indices = @transform_0, window_bounds = array<i64: 1024, 128>}, {transform_indices = @transform_1, window_bounds = array<i64: 1024, 128>}, {transform_indices = @transform_2, window_bounds = array<i64: 1024, 1>}, {pipeline_mode = #tpu.pipeline_mode<synchronous>, transform_indices = @transform_3, window_bounds = array<i64: 1, 256>}, {transform_indices = @transform_4, window_bounds = array<i64: 256, 128>}, {transform_indices = @transform_5, window_bounds = array<i64: 1024, 128>}]} {
    %get3A = arith.constant 0 : index
    %get3A_0 = arith.constant 0 : index
    %get3A_1 = vector.load %arg4[%get3A, %get3A_0] : memref<1024x1xf32, #tpu.memory_space<vmem>>, vector<1024x1xf32>
    %add3A = arith.constant 1.000000e+00 : f32
    %add3A_2 = vector.broadcast %add3A : f32 to vector<1024x1xf32>
    %add3A_3 = arith.addf %get3A_1, %add3A_2 : vector<1024x1xf32>
    %rsqrt3A = math.rsqrt %add3A_3 : vector<1024x1xf32>
    %get3A_4 = arith.constant 0 : index
    %get3A_5 = arith.constant 0 : index
    %get3A_6 = vector.load %arg2[%get3A_4, %get3A_5] : memref<1024x128xf32, #tpu.memory_space<vmem>>, vector<1024x128xf32>
    %get3A_7 = arith.constant 0 : index
    %get3A_8 = arith.constant 0 : index
    %get3A_9 = vector.load %arg3[%get3A_7, %get3A_8] : memref<1024x128xf32, #tpu.memory_space<vmem>>, vector<1024x128xf32>
    %concatenate3A = tpu.concatenate %get3A_6, %get3A_9 in 1 : vector<1024x128xf32>, vector<1024x128xf32> -> vector<1024x256xf32>
    %mul3A = vector.broadcast %rsqrt3A : vector<1024x1xf32> to vector<1024x256xf32>
    %mul3A_10 = arith.mulf %concatenate3A, %mul3A : vector<1024x256xf32>
    %get3A_11 = arith.constant 0 : index
    %get3A_12 = arith.constant 0 : index
    %get3A_13 = vector.load %arg5[%get3A_11, %get3A_12] : memref<1x256xf32, #tpu.memory_space<vmem>>, vector<1x256xf32>
    %add3A_14 = vector.broadcast %get3A_13 : vector<1x256xf32> to vector<1024x256xf32>
    %add3A_15 = arith.addf %mul3A_10, %add3A_14 : vector<1024x256xf32>
    %max3A = arith.constant 0.000000e+00 : f32
    %max3A_16 = vector.broadcast %max3A : f32 to vector<1024x256xf32>
    %max3A_17 = arith.maximumf %add3A_15, %max3A_16 : vector<1024x256xf32>
    %get3A_18 = arith.constant 0 : index
    %get3A_19 = arith.constant 0 : index
    %get3A_20 = vector.load %arg6[%get3A_18, %get3A_19] : memref<256x128xf32, #tpu.memory_space<vmem>>, vector<256x128xf32>
    %dot_general3A = arith.constant dense<0.000000e+00> : vector<1024x128xf32>
    %dot_general3A_21 = tpu.matmul %max3A_17, %get3A_20, %dot_general3A {dimension_numbers = #tpu.dot_dimension_numbers<[1], [0], [0], [1], [0, 0, 1, 1], [], []>, precision = #tpu.contract_precision<fp32>, transpose_lhs_hint = false} : vector<1024x256xf32>, vector<256x128xf32>, vector<1024x128xf32> -> vector<1024x128xf32>
    %mul3A_22 = vector.broadcast %rsqrt3A : vector<1024x1xf32> to vector<1024x128xf32>
    %mul3A_23 = arith.mulf %dot_general3A_21, %mul3A_22 : vector<1024x128xf32>
    %iota3A = tpu.iota {dimensions = array<i32: 0>} : vector<1024x1xi32>
    %mul3A_24 = arith.constant 1024 : i32
    %mul3A_25 = arith.muli %arg1, %mul3A_24 : i32
    %add3A_26 = vector.broadcast %mul3A_25 : i32 to vector<1024x1xi32>
    %add3A_27 = arith.addi %iota3A, %add3A_26 : vector<1024x1xi32>
    %lt3A = arith.constant 10000 : i32
    %lt3A_28 = vector.broadcast %lt3A : i32 to vector<1024x1xi32>
    %lt3A_29 = arith.cmpi slt, %add3A_27, %lt3A_28 : vector<1024x1xi32>
    %convert_element_type3A = arith.extui %lt3A_29 : vector<1024x1xi1> to vector<1024x1xi32>
    %convert_element_type3A_30 = arith.sitofp %convert_element_type3A : vector<1024x1xi32> to vector<1024x1xf32>
    %mul3A_31 = vector.broadcast %convert_element_type3A_30 : vector<1024x1xf32> to vector<1024x128xf32>
    %mul3A_32 = arith.mulf %mul3A_23, %mul3A_31 : vector<1024x128xf32>
    %swap3A = arith.constant 0 : index
    %swap3A_33 = arith.constant 0 : index
    %swap3A_34 = vector.load %arg7[%swap3A, %swap3A_33] : memref<1024x128xf32, #tpu.memory_space<vmem>>, vector<1024x128xf32>
    tpu.vector_store %arg7[%swap3A, %swap3A_33], %mul3A_32 {strides = array<i32>} : memref<1024x128xf32, #tpu.memory_space<vmem>>, vector<1024x128xf32>,
    return
  }
  func.func @transform_0(%arg0: i32, %arg1: i32) -> (i32, i32) {
    %c0_i32 = arith.constant 0 : i32
    %c0_i32_0 = arith.constant 0 : i32
    return %arg1, %c0_i32 : i32, i32
  }
  func.func @transform_1(%arg0: i32, %arg1: i32) -> (i32, i32) {
    %add3A = arith.constant 10 : i32
    %add3A_0 = arith.addi %add3A, %arg1 : i32
    %c0_i32 = arith.constant 0 : i32
    %c0_i32_1 = arith.constant 0 : i32
    return %add3A_0, %c0_i32 : i32, i32
  }
  func.func @transform_2(%arg0: i32, %arg1: i32) -> (i32, i32) {
    %c0_i32 = arith.constant 0 : i32
    %c0_i32_0 = arith.constant 0 : i32
    return %arg1, %c0_i32 : i32, i32
  }
  func.func @transform_3(%arg0: i32, %arg1: i32) -> (i32, i32) {
    %c0_i32 = arith.constant 0 : i32
    %c0_i32_0 = arith.constant 0 : i32
    %c0_i32_1 = arith.constant 0 : i32
    return %c0_i32, %c0_i32_0 : i32, i32
  }
  func.func @transform_4(%arg0: i32, %arg1: i32) -> (i32, i32) {
    %c0_i32 = arith.constant 0 : i32
    %c0_i32_0 = arith.constant 0 : i32
    return %c0_i32, %arg0 : i32, i32
  }
  func.func @transform_5(%arg0: i32, %arg1: i32) -> (i32, i32) {
    %mul3A = arith.constant 10 : i32
    %mul3A_0 = arith.muli %arg0, %mul3A : i32
    %add3A = arith.addi %mul3A_0, %arg1 : i32
    %c0_i32 = arith.constant 0 : i32
    %c0_i32_1 = arith.constant 0 : i32
    return %add3A, %c0_i32 : i32, i32
  }
}

module attributes {stable_mosaic.version = 14 : i64} {
  func.func @_tc_final_body(%arg0: memref<20480x128xf32, #tpu.memory_space<vmem>>, %arg1: memref<10240x1xf32, #tpu.memory_space<vmem>>, %arg2: memref<1x256xf32, #tpu.memory_space<vmem>>, %arg3: memref<1x10000xi32, #tpu.memory_space<vmem>>, %arg4: memref<256x10xf32, #tpu.memory_space<vmem>>, %arg5: memref<1x10xf32, #tpu.memory_space<vmem>>, %arg6: memref<16x10xf32, #tpu.memory_space<vmem>>) attributes {dimension_semantics = [], scalar_prefetch = 0 : i64, scratch_operands = 0 : i64, tpu.core_type = #tpu.core_type<tc>} {
    %get3A = arith.constant 0 : index
    %get3A_0 = arith.constant 0 : index
    %get3A_1 = vector.load %arg1[%get3A, %get3A_0] : memref<10240x1xf32, #tpu.memory_space<vmem>>, vector<10000x1xf32>
    %add3A = arith.constant 1.000000e+00 : f32
    %add3A_2 = vector.broadcast %add3A : f32 to vector<10000x1xf32>
    %add3A_3 = arith.addf %get3A_1, %add3A_2 : vector<10000x1xf32>
    %rsqrt3A = math.rsqrt %add3A_3 : vector<10000x1xf32>
    %get3A_4 = arith.constant 0 : index
    %get3A_5 = arith.constant 0 : index
    %get3A_6 = vector.load %arg0[%get3A_4, %get3A_5] : memref<20480x128xf32, #tpu.memory_space<vmem>>, vector<10000x128xf32>
    %get3A_7 = arith.constant 10240 : index
    %get3A_8 = arith.constant 0 : index
    %get3A_9 = vector.load %arg0[%get3A_7, %get3A_8] : memref<20480x128xf32, #tpu.memory_space<vmem>>, vector<10000x128xf32>
    %concatenate3A = tpu.concatenate %get3A_6, %get3A_9 in 1 : vector<10000x128xf32>, vector<10000x128xf32> -> vector<10000x256xf32>
    %mul3A = vector.broadcast %rsqrt3A : vector<10000x1xf32> to vector<10000x256xf32>
    %mul3A_10 = arith.mulf %concatenate3A, %mul3A : vector<10000x256xf32>
    %get3A_11 = arith.constant 0 : index
    %get3A_12 = arith.constant 0 : index
    %get3A_13 = vector.load %arg2[%get3A_11, %get3A_12] : memref<1x256xf32, #tpu.memory_space<vmem>>, vector<1x256xf32>
    %add3A_14 = vector.broadcast %get3A_13 : vector<1x256xf32> to vector<10000x256xf32>
    %add3A_15 = arith.addf %mul3A_10, %add3A_14 : vector<10000x256xf32>
    %max3A = arith.constant 0.000000e+00 : f32
    %max3A_16 = vector.broadcast %max3A : f32 to vector<10000x256xf32>
    %max3A_17 = arith.maximumf %add3A_15, %max3A_16 : vector<10000x256xf32>
    %iota3A = tpu.iota {dimensions = array<i32: 0>} : vector<16x10000xi32>
    %get3A_18 = arith.constant 0 : index
    %get3A_19 = arith.constant 0 : index
    %get3A_20 = vector.load %arg3[%get3A_18, %get3A_19] : memref<1x10000xi32, #tpu.memory_space<vmem>>, vector<1x10000xi32>
    %eq3A = vector.broadcast %get3A_20 : vector<1x10000xi32> to vector<16x10000xi32>
    %eq3A_21 = arith.cmpi eq, %iota3A, %eq3A : vector<16x10000xi32>
    %convert_element_type3A = arith.extui %eq3A_21 : vector<16x10000xi1> to vector<16x10000xi32>
    %convert_element_type3A_22 = arith.sitofp %convert_element_type3A : vector<16x10000xi32> to vector<16x10000xf32>
    %reduce_sum3A = arith.constant dense<0.000000e+00> : vector<16xf32>
    %reduce_sum3A_23 = vector.multi_reduction <add>, %convert_element_type3A_22, %reduce_sum3A [1] : vector<16x10000xf32> to vector<16xf32>
    %broadcast_in_dim3A = vector.shape_cast %reduce_sum3A_23 : vector<16xf32> to vector<16x1xf32>
    %dot_general3A = arith.constant dense<0.000000e+00> : vector<16x256xf32>
    %dot_general3A_24 = tpu.matmul %convert_element_type3A_22, %max3A_17, %dot_general3A {dimension_numbers = #tpu.dot_dimension_numbers<[1], [0], [0], [1], [0, 0, 1, 1], [], []>, precision = #tpu.contract_precision<fp32>, transpose_lhs_hint = false} : vector<16x10000xf32>, vector<10000x256xf32>, vector<16x256xf32> -> vector<16x256xf32>
    %max3A_25 = arith.constant 1.000000e+00 : f32
    %max3A_26 = vector.broadcast %max3A_25 : f32 to vector<16x1xf32>
    %max3A_27 = arith.maximumf %broadcast_in_dim3A, %max3A_26 : vector<16x1xf32>
    %div3A = vector.broadcast %max3A_27 : vector<16x1xf32> to vector<16x256xf32>
    %div3A_28 = arith.divf %dot_general3A_24, %div3A : vector<16x256xf32>
    %get3A_29 = arith.constant 0 : index
    %get3A_30 = arith.constant 0 : index
    %get3A_31 = vector.load %arg4[%get3A_29, %get3A_30] : memref<256x10xf32, #tpu.memory_space<vmem>>, vector<256x10xf32>
    %dot_general3A_32 = arith.constant dense<0.000000e+00> : vector<16x10xf32>
    %dot_general3A_33 = tpu.matmul %div3A_28, %get3A_31, %dot_general3A_32 {dimension_numbers = #tpu.dot_dimension_numbers<[1], [0], [0], [1], [0, 0, 1, 1], [], []>, precision = #tpu.contract_precision<fp32>, transpose_lhs_hint = false} : vector<16x256xf32>, vector<256x10xf32>, vector<16x10xf32> -> vector<16x10xf32>
    %get3A_34 = arith.constant 0 : index
    %get3A_35 = arith.constant 0 : index
    %get3A_36 = vector.load %arg5[%get3A_34, %get3A_35] : memref<1x10xf32, #tpu.memory_space<vmem>>, vector<1x10xf32>
    %add3A_37 = vector.broadcast %get3A_36 : vector<1x10xf32> to vector<16x10xf32>
    %add3A_38 = arith.addf %dot_general3A_33, %add3A_37 : vector<16x10xf32>
    %swap3A = arith.constant 0 : index
    %swap3A_39 = arith.constant 0 : index
    %swap3A_40 = vector.load %arg6[%swap3A, %swap3A_39] : memref<16x10xf32, #tpu.memory_space<vmem>>, vector<16x10xf32>
    tpu.vector_store %arg6[%swap3A, %swap3A_39], %add3A_38 {strides = array<i32>} : memref<16x10xf32, #tpu.memory_space<vmem>>, vector<16x10xf32>,
    return
  }
}

</mosaic_0001>

<sc_bundles>
// kernel: kernel.14.cloned.1.call-start
scs
__scs_entry_jumppad:
0x0: {  	(pc) =	sbr.rel $0x88, $3  }
0x1: {  	(tag) =	ssettag $0x0;
	lr =	simm.s32 $0x1  }
0x2: {  	[smem:$0x3F92] =	sst lr;
	_ =	strace $0xD0000000  }
0x3: {  	_ = 	snop  }
0x4: {  	_ = 	snop  }
0x5: {  	_ = 	snop  }
0x6: {  	_ = 	snop  }
0x7: {  	_ = 	snop  }
__scs_overlays_trampoline_lowered:
0x8: {  	[smem:$0x3FA1] =	sst s0  }
0x9: {  	[smem:$0x3FA2] =	sst s1  }
0xa: {  	[smem:$0x3FA3] =	sst s2  }
0xb: {  	[smem:$0x3FA4] =	sst s3  }
0xc: {  	[smem:$0x3FA5] =	sst s4  }
0xd: {  	[smem:$0x3FA6] =	sst s5  }
0xe: {  	[smem:$0x3FA7] =	sst s6  }
0xf: {  	[smem:$0x3FA8] =	sst s7  }
0x10: {  	[smem:$0x3FA9] =	sst s8  }
0x11: {  	[smem:$0x3FAA] =	sst s9;
	s0 =	simm.s32 @!p0 $0x0  }
0x12: {  	s1 =	sld [smem:$0x3F90];
	s0 =	simm.s32 @p0 $0x1  }
0x13: {  	[smem:$0x3FAB] =	sst s0;
	s0 =	simm.s32 @!p1 $0x0  }
0x14: {  	s2 =	sld [smem:$0x3F8F];
	s0 =	simm.s32 @p1 $0x1  }
0x15: {  	[smem:$0x3FAC] =	sst s0;
	s0 =	simm.s32 @!p2 $0x0  }
0x16: {  	s3 =	sld [smem:$0x3FDB];
	s0 =	simm.s32 @p2 $0x1  }
0x17: {  	s4 =	simm.s32 $0x1BF5;
	[smem:$0x3FAE] =	sst s0  }
0x18: {  	s0 =	sld [smem:$0x3F91];
	_ =	swait.ge [sflag:s4], $0x0  }
0x19: {  	s7 =	sld [smem:$0x3F92]  }
0x1a: {  	s8 =	sadd.s32 $0xFFFFE003, lr  }
0x1b: {  	s9 =	sadd.s32 $0xFFFFFEF7, lr;
	s5 =	simm.s32 $0xFFFFFFFF;
	p2 =	slt.u32 s8, $0xFFFFF086  }
0x1c: {  	p1 =	slt.u32 s9, $0xF7A;
	s5 =	simm.s32 @!p2 $0x0  }
0x1d: {  	s5 =	simm.s32 @p1 $0x1;
	p0 =	seq.s32 s7, s2  }
0x1e: {  	s7 =	smul.u32 @!p0 $0xF7A, s2;
	p2 =	seq.s32 @!p0 s5, $0x0  }
0x1f: {  	s9 =	smul.u32 $0xF7A, s1;
	s8 =	simm.s32 @!p0 $0x1BF5;
	p2 =	por !p2, p0  }
0x20: {  	[sflag:s8] =	ssyncset.s32 @!p0 $0xFFFFF086;
	s6 =	sadd.s32 @!p0 s3, s7;
	s7 =	simm.s32 @!p0 $0x108  }
0x21: {  	s3 =	sadd.s32 s3, s9;
	s6 =	sadd.s32 @!p0 $0x88, s6;
	s7 =	simm.s32 @p2 $0x1082  }
0x22: {  	[simem:s7], [sflag:s8] =	dma.local @!p0 [hbm:s6], $0xF7A  }
0x23: {  	s9 =	sor.u32 $0xD0000000, s2;
	s6 =	simm.s32 $0x108;
	_ =	swait.ge @!p0 [sflag:s8], $0x0  }
0x24: {  	s3 =	sadd.s32 $0x88, s3;
	s6 =	simm.s32 @!p1 $0x1082;
	[sflag:s4] =	ssyncset.s32 $0xFFFFF086  }
0x25: {  	[simem:s6], [sflag:s4] =	dma.local [hbm:s3], $0xF7A  }
0x26: {  	[smem:$0x3F92] =	sst s1;
	(tag) =	ssettag s2;
	_ =	strace s9  }
0x27: {  	s1 =	sld [smem:$0x3FA2]  }
0x28: {  	s2 =	sld [smem:$0x3FA3]  }
0x29: {  	s4 =	sld [smem:$0x3FA5]  }
0x2a: {  	p0 =	seq.s32 s5, $0x0;
	s5 =	sld [smem:$0x3FA6]  }
0x2b: {  	s6 =	sld [smem:$0x3FA7]  }
0x2c: {  	s7 =	sld [smem:$0x3FA8]  }
0x2d: {  	s3 =	simm.s32 $0x108;
	s8 =	sld [smem:$0x3FA9]  }
0x2e: {  	s3 =	simm.s32 @!p0 $0x1082;
	s9 =	sld [smem:$0x3FAA]  }
0x2f: {  	lr =	sadd.s32 s0, s3;
	s0 =	sld [smem:$0x3FA1]  }
0x30: {  	s3 =	sld [smem:$0x3FA4]  }
0x31: {  	[smem:$0x3FAD] =	sst s10  }
0x32: {  	s10 =	sld [smem:$0x3FAB];
	_ =	sdelay $0x3  }
0x33: {  	p0 =	seq.s32 s10, $0x1;
	s10 =	sld [smem:$0x3FAD];
	_ =	sdelay $0x3  }
0x34: {  	[smem:$0x3FAD] =	sst s10  }
0x35: {  	s10 =	sld [smem:$0x3FAC];
	_ =	sdelay $0x3  }
0x36: {  	p1 =	seq.s32 s10, $0x1;
	s10 =	sld [smem:$0x3FAD];
	_ =	sdelay $0x3  }
0x37: {  	[smem:$0x3FAD] =	sst s10  }
0x38: {  	s10 =	sld [smem:$0x3FAE]  }
0x39: {  	_ = 	snop;
	(pc) =	sbr.ind lr, $3  }
0x3a: {  	_ = 	snop  }
0x3b: {  	_ = 	snop  }
0x3c: {  	p2 =	seq.s32 s10, $0x1;
	s10 =	sld [smem:$0x3FAD]  }
0x3d: {  	_ =	shalt  }
0x3e: {  	_ =	shalt  }
0x3f: {  	_ =	shalt  }
0x40: {  	_ =	shalt  }
0x41: {  	_ =	shalt  }
0x42: {  	_ =	shalt  }
0x43: {  	_ =	shalt  }
0x44: {  	_ =	shalt  }
0x45: {  	_ =	shalt  }
0x46: {  	_ =	shalt  }
0x47: {  	_ =	shalt  }
0x48: {  	_ =	shalt  }
0x49: {  	_ =	shalt  }
0x4a: {  	_ =	shalt  }
0x4b: {  	_ =	shalt  }
0x4c: {  	_ =	shalt  }
0x4d: {  	_ =	shalt  }
0x4e: {  	_ =	shalt  }
0x4f: {  	_ =	shalt  }
0x50: {  	_ =	shalt  }
0x51: {  	_ =	shalt  }
0x52: {  	_ =	shalt  }
0x53: {  	_ =	shalt  }
0x54: {  	_ =	shalt  }
0x55: {  	_ =	shalt  }
0x56: {  	_ =	shalt  }
0x57: {  	_ =	shalt  }
0x58: {  	_ =	shalt  }
0x59: {  	_ =	shalt  }
0x5a: {  	_ =	shalt  }
0x5b: {  	_ =	shalt  }
0x5c: {  	_ =	shalt  }
0x5d: {  	_ =	shalt  }
0x5e: {  	_ =	shalt  }
0x5f: {  	_ =	shalt  }
0x60: {  	_ =	shalt  }
0x61: {  	_ =	shalt  }
0x62: {  	_ =	shalt  }
0x63: {  	_ =	shalt  }
0x64: {  	_ =	shalt  }
0x65: {  	_ =	shalt  }
0x66: {  	_ =	shalt  }
0x67: {  	_ =	shalt  }
0x68: {  	_ =	shalt  }
0x69: {  	_ =	shalt  }
0x6a: {  	_ =	shalt  }
0x6b: {  	_ =	shalt  }
0x6c: {  	_ =	shalt  }
0x6d: {  	_ =	shalt  }
0x6e: {  	_ =	shalt  }
0x6f: {  	_ =	shalt  }
0x70: {  	_ =	shalt  }
0x71: {  	_ =	shalt  }
0x72: {  	_ =	shalt  }
0x73: {  	_ =	shalt  }
0x74: {  	_ =	shalt  }
0x75: {  	_ =	shalt  }
0x76: {  	_ =	shalt  }
0x77: {  	_ =	shalt  }
0x78: {  	_ =	shalt  }
0x79: {  	_ =	shalt  }
0x7a: {  	_ =	shalt  }
0x7b: {  	_ =	shalt  }
0x7c: {  	_ =	shalt  }
0x7d: {  	_ =	shalt  }
0x7e: {  	_ =	shalt  }
0x7f: {  	_ =	shalt  }
0x80: {  	_ =	shalt  }
0x81: {  	_ =	shalt  }
0x82: {  	_ =	shalt  }
0x83: {  	_ =	shalt  }
0x84: {  	_ =	shalt  }
0x85: {  	_ =	shalt  }
0x86: {  	_ =	shalt  }
0x87: {  	_ =	shalt  }
.Lfunc_end0:
.L_simem_size_0:
called_computation_lowered:
.L_overlay_start_0:
0x88: {  	s2 =	sld [smem:$0x3FD9]  }
0x89: {  	s3 =	sld [smem:$0x3FFE];
	_ =	sdelay $0x1  }
0x8a: {  	s1 =	srdreg.scid  }
0x8b: {  	s0 =	sand.u32 $0x1, s1  }
0x8c: {  	s16 =	sshll.u32 s0, $0xA;
	s2 =	sadd.s32 s3, s2  }
0x8d: {  	s2 =	sadd.s32 s2, s16  }
0x8e: {  	[smem:$0x3FB9] =	sst s2  }
0x8f: {  	_ = 	snop  }
0x90: {  	(tm) =	ssettm $0x1  }
0x91: {  	s17 =	sld [smem:$0x3FFB];
	_ =	sdelay $0x3  }
0x92: {  	_ =	strace s17  }
0x93: {  	s2 =	sld [smem:$0x3FFC];
	_ =	sdelay $0x3  }
0x94: {  	_ =	strace s2  }
0x95: {  	s2 =	sld [smem:$0x3FFD];
	_ =	sdelay $0x3  }
0x96: {  	_ =	strace s2  }
0x97: {  	_ =	strace $0x8FFFFFFF  }
0x98: {  	s18 =	sld [smem:$0x3FDB];
	_ =	sdelay $0x1  }
0x99: {  	s19 =	simm.s32 $_scs_section_size  }
0x9a: {  	s4 =	simm.s32 $_size__tile_overlayer_lowered;
	s5 =	simm.s32 $_tile_overlayer_lowered  }
0x9b: {  	s22 =	simm.s32 $0x1BFF;
	s21 =	sshll.u32 s5, $0x1;
	s2 =	sadd.s32 s19, s18  }
0x9c: {  	s6 =	simm.s32 $0x0;
	s20 =	sshll.u32 s4, $0x1;
	s4 =	sadd.s32 s21, s2  }
0x9d: {  	[timem:s6], [sflag:s22] =	dma.local [hbm:s4], s20  }
0x9e: {  	_ =	swait.ge [sflag:s22], s20  }
0x9f: {  	s3 =	ssub.s32 $0x0, s20;
	[sflag:s22] =	ssyncset.done $0x0  }
0xa0: {  	[sflag:s22] =	ssyncadd.s32 s3;
	_ =	sdelay $0x1  }
0xa1: {  	s23 =	simm.s32 $0x1B8B  }
0xa2: {  	_ =	swait.ge [sflag:s23], $0x1  }
0xa3: {  	[sflag:s23] =	ssyncset.done $0x0  }
0xa4: {  	s25 =	simm.s32 $0x1B8E;
	s24 =	sld [smem:$0x3FFE];
	[sflag:s23] =	ssyncadd.s32 $0xFFFFFFFF  }
0xa5: {  	s26 =	simm.s32 $execute0_lowered;
	[smem:$0x3FD2] =	sst s25  }
0xa6: {  	s4 =	sshll.u32 s26, $0x1;
	_ =	strace $0x80000046;
	[dreg:$0x1] =	wrdreg $0xFFFFFFFF  }
0xa7: {  	s28 =	simm.s32 $_size_execute0_lowered;
	s2 =	sadd.s32 s2, s4;
	[dreg:$0x0] =	wrdreg $0x0  }
0xa8: {  	s4 =	sshll.u32 s28, $0x1;
	[dreg:$0x2] =	wrdreg s2  }
0xa9: {  	[dreg:$0x3] =	wrdreg s4  }
0xaa: {  	[dreg:$0x4] =	wrdreg $0xC0  }
0xab: {  	_ =	task [dreg:s6], $0x5FFFF  }
0xac: {  	[dreg:$0x1] =	wrdreg $0xFFFFFFFF  }
0xad: {  	[dreg:$0x0] =	wrdreg $0x60  }
0xae: {  	[dreg:$0x2] =	wrdreg s24  }
0xaf: {  	[dreg:$0x3] =	wrdreg $0xCB000  }
0xb0: {  	[dreg:$0x4] =	wrdreg $0x9  }
0xb1: {  	_ =	task.clear_ibuf [dreg:s6], $0x5FFFF;
	_ =	strace $0x90000046  }
0xb2: {  	s29 =	simm.s32 $0x9;
	_ =	strace $0x80000048  }
0xb3: {  	_ =	swait.ge [sflag:s29], $0x1  }
0xb4: {  	[sflag:s29] =	ssyncadd.s32 $0xFFFFFFFF  }
0xb5: {  	_ =	strace $0x90000048  }
0xb6: {  	_ =	sfence  }
0xb7: {  	s30 =	sld [smem:$0x0];
	_ =	sdelay $0x2  }
0xb8: {  	s31 =	sshll.u32 s1, $0xD;
	s1 =	sshrl.u32 s1, $0x2  }
0xb9: {  	s3 =	sand.u32 $0x4000, s31;
	s1 =	sadd.s32 s1, s30  }
0xba: {  	s0 =	sor.u32 s3, s0;
	s1 =	sshll.u32 s1, $0x11  }
0xbb: {  	s0 =	sor.u32 s1, s0  }
0xbc: {  	s0 =	sadd.s32 $0x8F2B, s0  }
0xbd: {  	[sflag:s0] =	ssyncadd.remote.s32 $0x1  }
0xbe: {  	_ =	sfence.sel $0xFFFF  }
0xbf: {  	[dreg:$0x0] =	wrdreg $0xFFFFFFFF;
	(pc) =	sbr.abs _section_cstart, $3  }
0xc0: {  	[dreg:$0x1] =	wrdreg $0xFFFFFFFF  }
0xc1: {  	_ =	task.clear_ibuf [dreg:s6], $0x2FFFF;
	_ =	strace $0x9FFFFFFF  }
0xc2: {  	(tm) =	ssettm $0x7FFFFFFF  }
0xc3: {  	_ =	shalt  }
tec
execute0_lowered:
.L_overlay_start_1:
0x0: {  	(tag) =	ssettag $0x1  }
0x1: {  	s3 =	rddreg [dreg:$0x0]  }
0x2: {  	s0 =	stileid.u32;
	s1 =	srdreg.scid  }
0x3: {  	s8 =	rddreg [dreg:$0x1];
	s2 =	simm.s32 $0x0;
	s4 =	smul.u32 $0x4E20, s0  }
0x4: {  	s13 =	simm.s32 $0x9E00;
	s14 =	simm.s32 $0xC600;
	s7 =	smul.u32 $0x280, s0  }
0x5: {  	s15 =	simm.s32 $0xC880;
	s16 =	simm.s32 $0x0;
	s31 =	smul.u32 $0xA000, s0  }
0x6: {  	s5 =	sand.u32 $0x1, s1;
	s1 =	rddreg [dreg:$0x2];
	s12 =	smul.u32 $0xA00, s0  }
0x7: {  	[smem:$0x7FF] =	sst s2;
	s6 =	sshll.u32 s5, $0x4;
	s11 =	smul.u32 $0x2800, s5  }
0x8: {  	_ =	strace $0x80000047;
	s5 =	ssub.s32 $0x2, s5;
	s6 =	sor.u32 s0, s6  }
0x9: {  	s4 =	sshrl.u32 s4, $0x3;
	s30 =	sshrl.u32 s5, $0x1;
	s12 =	sshrl.u32 s12, $0x2  }
0xa: {  	s6 =	smul.u32 $0x9E0, s6;
	s4 =	sadd.s32 s4, s3;
	s7 =	sadd.s32 s7, s11  }
0xb: {  	s10 =	ssub.s32 s5, s30;
	v0 =	vmov s11;
	s11 =	simm.s32 $0x1;
	s7 =	sshrl.u32 s7, $0x3  }
0xc: {  	s10 =	smax.u32 s10, $0x1;
	s6 =	sadd.s32 s6, s3;
	s9 =	sadd.s32 s7, s3  }
0xd: {  	s3 =	sadd.s32 $0x4A00, s4;
	s4 =	sadd.s32 $0xE640, s4;
	s7 =	sshrl.u32 s31, $0x2  }
0xe: {  	s5 =	sadd.s32 $0x18E00, s6;
	s6 =	sadd.s32 $0x2CA00, s6;
	s7 =	sadd.s32 s7, s8  }
0xf: {  	v1 =	vimm.s32 $0x2710;
	v2 =	vimm.f32 $0.0e+00;
	v3 =	vimm.f32 $1.000000000e+00;
	s8 =	sadd.s32 s12, s8;
	s9 =	sadd.s32 $0x18400, s9;
	s12 =	simm.s32 $0x4F00  }
.LBB2_1:
0x10: {  	[tilespmem:s2], [sflag:$0x1] =	stream.linear.gather [hbm4b:s3+s2], $0x4E20, $0x38;
	[tilespmem:$0xF300] =	vst v63  }
0x11: {  	_ =	swait.ge [sflag:s11], $0x4E20  }
0x12: {  	[sflag:s11] =	ssyncset.done $0x0  }
0x13: {  	[sflag:s11] =	ssyncadd.s32 $0xFFFFB1E0  }
0x14: {  	[tilespmem:s12], [sflag:$0x1] =	stream.linear.gather [hbm4b:s4+s2], $0x4E20, $0x38;
	[tilespmem:$0xF300] =	vst v63  }
0x15: {  	_ =	swait.ge [sflag:s11], $0x4E20  }
0x16: {  	[sflag:s11] =	ssyncset.done $0x0  }
0x17: {  	[sflag:s11] =	ssyncadd.s32 $0xFFFFB1E0  }
0x18: {  	[tilespmem:$0x4E20] =	vst v1  }
0x19: {  	[tilespmem:$0x9D20] =	vst v1  }
0x1a: {  	[tilespmem:$0x4E30] =	vst v1  }
0x1b: {  	[tilespmem:$0x9D30] =	vst v1  }
0x1c: {  	[tilespmem:$0x4E40] =	vst v1  }
0x1d: {  	[tilespmem:$0x9D40] =	vst v1  }
0x1e: {  	[tilespmem:$0x4E50] =	vst v1  }
0x1f: {  	[tilespmem:$0x9D50] =	vst v1  }
0x20: {  	[tilespmem:$0x4E60] =	vst v1  }
0x21: {  	[tilespmem:$0x9D60] =	vst v1  }
0x22: {  	[tilespmem:$0x4E70] =	vst v1  }
0x23: {  	[tilespmem:$0x9D70] =	vst v1  }
0x24: {  	[tilespmem:$0x4E80] =	vst v1  }
0x25: {  	[tilespmem:$0x9D80] =	vst v1  }
0x26: {  	[tilespmem:$0x4E90] =	vst v1  }
0x27: {  	[tilespmem:$0x9D90] =	vst v1  }
0x28: {  	[tilespmem:$0x4EA0] =	vst v1  }
0x29: {  	[tilespmem:$0x9DA0] =	vst v1  }
0x2a: {  	[tilespmem:$0x4EB0] =	vst v1  }
0x2b: {  	[tilespmem:$0x9DB0] =	vst v1  }
0x2c: {  	[tilespmem:$0x4EC0] =	vst v1  }
0x2d: {  	[tilespmem:$0x9DC0] =	vst v1  }
0x2e: {  	[tilespmem:$0x4ED0] =	vst v1  }
0x2f: {  	[tilespmem:$0x9DD0] =	vst v1  }
0x30: {  	[tilespmem:$0x4EE0] =	vst v1  }
0x31: {  	[tilespmem:$0x9DE0] =	vst v1  }
0x32: {  	[tilespmem:$0x4EF0] =	vst v1  }
0x33: {  	s17 =	simm.s32 $0x40;
	s18 =	simm.s32 $0x0;
	[tilespmem:$0x9DF0] =	vst v1  }
.LBB2_2:
0x34: {  	p0 =	sne.s32 s17, $0x9FC0;
	[tilespmem:s18+$0x9E00] =	vst v2;
	s18 =	smov.u32 s17;
	s17 =	sadd.s32 $0x40, s17  }
.Ltmp0:
0x35: {  	(pc) =	sbr.rel @p0 .LBB2_2-.Ltmp0, $2  }
0x36: {  	_ =	sdelay $0x2  }
0x37: {  	s18 =	sshra.s32 s18, $0x2  }
0x38: {  	[tilespmem:s18+$0x9E00] =	vst v2;
	s18 =	simm.s32 $0x0;
	s17 =	simm.s32 $0x40  }
.LBB2_4:
0x39: {  	p0 =	sne.s32 s17, $0x13BC0;
	v4 =	vld [tilespmem:s18+$0x4F00];
	_ =	sdelay $0x3  }
.Ltmp1:
0x3a: {  	(pc) =	sbr.rel @p0 .LBB2_4-.Ltmp1, $2  }
0x3b: {  	_ =	sdelay $0x2  }
0x3c: {  	s18 =	sshra.s32 s17, $0x2;
	s17 =	sadd.s32 $0x40, s17;
	[tilespmem:v4+s13+$0x0] =	vst.idx.add.f32.msk $0xffff, v3  }
0x3d: {  	v4 =	vld [tilespmem:s18+$0x4F00];
	_ =	sdelay $0x7  }
0x3e: {  	s17 =	simm.s32 $0x0;
	s18 =	simm.s32 $0x40;
	[tilespmem:v4+s13+$0x0] =	vst.idx.add.f32.msk $0xffff, v3  }
.LBB2_6:
0x3f: {  	p0 =	sne.s32 s18, $0x13BC0;
	v4 =	vld [tilespmem:s17+$0x0];
	_ =	sdelay $0x1  }
.Ltmp2:
0x40: {  	(pc) =	sbr.rel @p0 .LBB2_6-.Ltmp2, $3  }
0x41: {  	_ =	sdelay $0x1  }
0x42: {  	v4 =	vadd.s32 v0, v4  }
0x43: {  	[tilespmem:s17+$0x0] =	vst v4;
	s17 =	sshra.s32 s18, $0x2;
	s18 =	sadd.s32 $0x40, s18  }
0x44: {  	v4 =	vld [tilespmem:s17+$0x0];
	_ =	sdelay $0x4  }
0x45: {  	v4 =	vadd.s32 v0, v4  }
0x46: {  	[tilespmem:s17+$0x0] =	vst v4;
	s17 =	simm.s32 $0x0  }
0x47: {  	[hbm4b:s5+s17] =	stream.linear.scatter [tilespmem:s17], [sflag:$0x1], $0x4F00, $0x38;
	[tilespmem:$0xF300] =	vst v63  }
0x48: {  	_ =	swait.ge [sflag:s11], $0x4F00  }
0x49: {  	[sflag:s11] =	ssyncset.done $0x0  }
0x4a: {  	[sflag:s11] =	ssyncadd.s32 $0xFFFFB100  }
0x4b: {  	[hbm4b:s6+s17] =	stream.linear.scatter [tilespmem:s12], [sflag:$0x1], $0x4F00, $0x38;
	[tilespmem:$0xF300] =	vst v63  }
0x4c: {  	_ =	swait.ge [sflag:s11], $0x4F00  }
0x4d: {  	[sflag:s11] =	ssyncset.done $0x0  }
0x4e: {  	[sflag:s11] =	ssyncadd.s32 $0xFFFFB100  }
0x4f: {  	[spmem:s7] =	stream.linear.scatter [tilespmem:s13], [sflag:$0x1], $0x2800, $0x38;
	[tilespmem:$0xF300] =	vst v63  }
0x50: {  	_ =	swait.ge [sflag:s11], $0x2800  }
0x51: {  	[sflag:s11] =	ssyncset.done $0x0  }
0x52: {  	[sflag:s11] =	ssyncadd.s32 $0xFFFFD800  }
0x53: {  	[bflag:$0x0] =	sbarrier.arrive $0xFFFF  }
0x54: {  	[tilespmem:$0xC880] =	vst v2  }
0x55: {  	[tilespmem:$0xC890] =	vst v2  }
0x56: {  	[tilespmem:$0xC8A0] =	vst v2  }
0x57: {  	[tilespmem:$0xC8B0] =	vst v2  }
0x58: {  	[tilespmem:$0xC8C0] =	vst v2  }
0x59: {  	[tilespmem:$0xC8D0] =	vst v2  }
0x5a: {  	[tilespmem:$0xC8E0] =	vst v2  }
0x5b: {  	[tilespmem:$0xC8F0] =	vst v2  }
0x5c: {  	[tilespmem:$0xC900] =	vst v2  }
0x5d: {  	[tilespmem:$0xC910] =	vst v2  }
0x5e: {  	[tilespmem:$0xC920] =	vst v2  }
0x5f: {  	[tilespmem:$0xC930] =	vst v2  }
0x60: {  	[tilespmem:$0xC940] =	vst v2  }
0x61: {  	[tilespmem:$0xC950] =	vst v2  }
0x62: {  	[tilespmem:$0xC960] =	vst v2  }
0x63: {  	[tilespmem:$0xC970] =	vst v2  }
0x64: {  	[tilespmem:$0xC980] =	vst v2  }
0x65: {  	[tilespmem:$0xC990] =	vst v2  }
0x66: {  	[tilespmem:$0xC9A0] =	vst v2  }
0x67: {  	[tilespmem:$0xC9B0] =	vst v2  }
0x68: {  	[tilespmem:$0xC9C0] =	vst v2  }
0x69: {  	[tilespmem:$0xC9D0] =	vst v2  }
0x6a: {  	[tilespmem:$0xC9E0] =	vst v2  }
0x6b: {  	[tilespmem:$0xC9F0] =	vst v2  }
0x6c: {  	[tilespmem:$0xCA00] =	vst v2  }
0x6d: {  	[tilespmem:$0xCA10] =	vst v2  }
0x6e: {  	[tilespmem:$0xCA20] =	vst v2  }
0x6f: {  	[tilespmem:$0xCA30] =	vst v2  }
0x70: {  	[tilespmem:$0xCA40] =	vst v2  }
0x71: {  	[tilespmem:$0xCA50] =	vst v2  }
0x72: {  	[tilespmem:$0xCA60] =	vst v2  }
0x73: {  	[tilespmem:$0xCA70] =	vst v2  }
0x74: {  	[tilespmem:$0xCA80] =	vst v2  }
0x75: {  	[tilespmem:$0xCA90] =	vst v2  }
0x76: {  	[tilespmem:$0xCAA0] =	vst v2  }
0x77: {  	[tilespmem:$0xCAB0] =	vst v2  }
0x78: {  	[tilespmem:$0xCAC0] =	vst v2  }
0x79: {  	[tilespmem:$0xCAD0] =	vst v2  }
0x7a: {  	[tilespmem:$0xCAE0] =	vst v2  }
0x7b: {  	[tilespmem:$0xCAF0] =	vst v2  }
.LBB2_8:
0x7c: {  	s18 =	sshra.s32 s17, $0x2  }
0x7d: {  	s18 =	sadd.s32 s18, s8  }
0x7e: {  	[tilespmem:s14], [sflag:$0x1] =	stream.linear.gather [spmem:s18], $0x280, $0x38;
	[tilespmem:$0xF300] =	vst v63  }
0x7f: {  	_ =	swait.ge [sflag:s11], $0x280  }
0x80: {  	[sflag:s11] =	ssyncset.done $0x0  }
0x81: {  	[sflag:s11] =	ssyncadd.s32 $0xFFFFFD80  }
0x82: {  	v4 =	vld [tilespmem:$0xC880]  }
0x83: {  	v5 =	vld [tilespmem:$0xC600]  }
0x84: {  	v6 =	vld [tilespmem:$0xC890]  }
0x85: {  	v7 =	vld [tilespmem:$0xC610]  }
0x86: {  	v8 =	vld [tilespmem:$0xC8A0]  }
0x87: {  	v9 =	vld [tilespmem:$0xC620]  }
0x88: {  	v10 =	vld [tilespmem:$0xC8B0]  }
0x89: {  	v11 =	vld [tilespmem:$0xC630]  }
0x8a: {  	v12 =	vld [tilespmem:$0xC8C0]  }
0x8b: {  	v13 =	vld [tilespmem:$0xC640]  }
0x8c: {  	v14 =	vld [tilespmem:$0xC8D0]  }
0x8d: {  	v15 =	vld [tilespmem:$0xC650]  }
0x8e: {  	v16 =	vld [tilespmem:$0xC8E0]  }
0x8f: {  	v17 =	vld [tilespmem:$0xC660]  }
0x90: {  	v18 =	vld [tilespmem:$0xC8F0]  }
0x91: {  	v19 =	vld [tilespmem:$0xC670]  }
0x92: {  	v20 =	vld [tilespmem:$0xC900]  }
0x93: {  	v21 =	vld [tilespmem:$0xC680]  }
0x94: {  	v22 =	vld [tilespmem:$0xC910]  }
0x95: {  	v23 =	vld [tilespmem:$0xC690]  }
0x96: {  	v24 =	vld [tilespmem:$0xC920]  }
0x97: {  	v25 =	vld [tilespmem:$0xC6A0]  }
0x98: {  	v26 =	vld [tilespmem:$0xC930]  }
0x99: {  	v27 =	vld [tilespmem:$0xC6B0]  }
0x9a: {  	v28 =	vld [tilespmem:$0xC940]  }
0x9b: {  	v29 =	vld [tilespmem:$0xC6C0]  }
0x9c: {  	v30 =	vld [tilespmem:$0xC950]  }
0x9d: {  	v31 =	vld [tilespmem:$0xC6D0]  }
0x9e: {  	v32 =	vld [tilespmem:$0xC960]  }
0x9f: {  	v33 =	vld [tilespmem:$0xC6E0]  }
0xa0: {  	v34 =	vld [tilespmem:$0xC970]  }
0xa1: {  	v35 =	vld [tilespmem:$0xC6F0]  }
0xa2: {  	v36 =	vld [tilespmem:$0xC980]  }
0xa3: {  	v37 =	vld [tilespmem:$0xC700]  }
0xa4: {  	v38 =	vld [tilespmem:$0xC990]  }
0xa5: {  	v39 =	vld [tilespmem:$0xC710]  }
0xa6: {  	v40 =	vld [tilespmem:$0xC9A0]  }
0xa7: {  	v41 =	vld [tilespmem:$0xC720]  }
0xa8: {  	v42 =	vld [tilespmem:$0xC9B0]  }
0xa9: {  	v43 =	vld [tilespmem:$0xC730]  }
0xaa: {  	v44 =	vld [tilespmem:$0xC9C0]  }
0xab: {  	v45 =	vld [tilespmem:$0xC740]  }
0xac: {  	v46 =	vld [tilespmem:$0xC9D0]  }
0xad: {  	v47 =	vld [tilespmem:$0xC750]  }
0xae: {  	v48 =	vld [tilespmem:$0xC9E0]  }
0xaf: {  	v50 =	vld [tilespmem:$0xCA00];
	v4 =	vadd.f32 v5, v4  }
0xb0: {  	v51 =	vld [tilespmem:$0xC780];
	v6 =	vadd.f32 v7, v6  }
0xb1: {  	v53 =	vld [tilespmem:$0xCA10];
	[tilespmem:$0xC880] =	vst v4;
	v4 =	vadd.f32 v9, v8  }
0xb2: {  	v54 =	vld [tilespmem:$0xC790];
	v49 =	vadd.f32 v11, v10;
	[tilespmem:$0xC890] =	vst v6  }
0xb3: {  	v56 =	vld [tilespmem:$0xCA20];
	[tilespmem:$0xC8A0] =	vst v4;
	v4 =	vadd.f32 v13, v12  }
0xb4: {  	v57 =	vld [tilespmem:$0xC7A0];
	v52 =	vadd.f32 v15, v14;
	[tilespmem:$0xC8B0] =	vst v49  }
0xb5: {  	v59 =	vld [tilespmem:$0xCA30];
	[tilespmem:$0xC8C0] =	vst v4;
	v4 =	vadd.f32 v17, v16  }
0xb6: {  	v60 =	vld [tilespmem:$0xC7B0];
	v55 =	vadd.f32 v19, v18;
	[tilespmem:$0xC8D0] =	vst v52  }
0xb7: {  	v62 =	vld [tilespmem:$0xCA40];
	[tilespmem:$0xC8E0] =	vst v4;
	v4 =	vadd.f32 v21, v20  }
0xb8: {  	v63 =	vld [tilespmem:$0xC7C0];
	v58 =	vadd.f32 v23, v22;
	[tilespmem:$0xC8F0] =	vst v55  }
0xb9: {  	v5 =	vld [tilespmem:$0xC760];
	[tilespmem:$0xC900] =	vst v4;
	v4 =	vadd.f32 v25, v24  }
0xba: {  	v7 =	vld [tilespmem:$0xC9F0];
	v61 =	vadd.f32 v27, v26;
	[tilespmem:$0xC910] =	vst v58  }
0xbb: {  	v30 =	vadd.f32 v31, v30;
	v31 =	vld [tilespmem:$0xCA50];
	[tilespmem:$0xC920] =	vst v4;
	v4 =	vadd.f32 v29, v28  }
0xbc: {  	v34 =	vadd.f32 v35, v34;
	v35 =	vld [tilespmem:$0xCA60];
	[tilespmem:$0xC930] =	vst v61  }
0xbd: {  	v38 =	vadd.f32 v39, v38;
	v39 =	vld [tilespmem:$0xCA70];
	[tilespmem:$0xC940] =	vst v4;
	v4 =	vadd.f32 v33, v32  }
0xbe: {  	v42 =	vadd.f32 v43, v42;
	v43 =	vld [tilespmem:$0xCA80];
	[tilespmem:$0xC950] =	vst v30  }
0xbf: {  	v8 =	vld [tilespmem:$0xC770];
	[tilespmem:$0xC960] =	vst v4;
	v4 =	vadd.f32 v37, v36  }
0xc0: {  	[tilespmem:$0xC970] =	vst v34;
	v49 =	vld [tilespmem:$0xC820]  }
0xc1: {  	v52 =	vld [tilespmem:$0xC830];
	[tilespmem:$0xC980] =	vst v4;
	v4 =	vadd.f32 v41, v40  }
0xc2: {  	[tilespmem:$0xC990] =	vst v38;
	v55 =	vld [tilespmem:$0xC840]  }
0xc3: {  	v58 =	vld [tilespmem:$0xC850];
	[tilespmem:$0xC9A0] =	vst v4;
	v4 =	vadd.f32 v45, v44  }
0xc4: {  	[tilespmem:$0xC9B0] =	vst v42;
	v61 =	vld [tilespmem:$0xC860];
	v45 =	vadd.f32 v47, v46  }
0xc5: {  	v33 =	vld [tilespmem:$0xC7D0];
	[tilespmem:$0xC9C0] =	vst v4;
	v4 =	vadd.f32 v5, v48  }
0xc6: {  	v41 =	vld [tilespmem:$0xC7F0];
	v47 =	vadd.f32 v8, v7;
	[tilespmem:$0xC9D0] =	vst v45  }
0xc7: {  	v37 =	vld [tilespmem:$0xC7E0];
	[tilespmem:$0xC9E0] =	vst v4;
	v4 =	vadd.f32 v51, v50  }
0xc8: {  	v44 =	vld [tilespmem:$0xC800];
	[tilespmem:$0xC9F0] =	vst v47;
	v50 =	vadd.f32 v54, v53  }
0xc9: {  	v46 =	vld [tilespmem:$0xCA90];
	v53 =	vadd.f32 v60, v59;
	[tilespmem:$0xCA00] =	vst v4  }
0xca: {  	v5 =	vld [tilespmem:$0xC810];
	v4 =	vadd.f32 v57, v56;
	[tilespmem:$0xCA10] =	vst v50  }
0xcb: {  	v48 =	vld [tilespmem:$0xCAA0];
	v59 =	vadd.f32 v41, v39;
	[tilespmem:$0xCA30] =	vst v53  }
0xcc: {  	v51 =	vld [tilespmem:$0xCAB0];
	[tilespmem:$0xCA20] =	vst v4;
	v4 =	vadd.f32 v63, v62  }
0xcd: {  	v54 =	vld [tilespmem:$0xCAC0];
	v56 =	vadd.f32 v33, v31;
	[tilespmem:$0xCA70] =	vst v59  }
0xce: {  	v57 =	vld [tilespmem:$0xCAD0];
	[tilespmem:$0xCA40] =	vst v4;
	v4 =	vadd.f32 v37, v35  }
0xcf: {  	v5 =	vadd.f32 v5, v46;
	[tilespmem:$0xCA50] =	vst v56;
	v62 =	vld [tilespmem:$0xCAF0]  }
0xd0: {  	v63 =	vld [tilespmem:$0xC870];
	[tilespmem:$0xCA60] =	vst v4;
	v4 =	vadd.f32 v44, v43  }
0xd1: {  	v60 =	vld [tilespmem:$0xCAE0];
	[tilespmem:$0xCA90] =	vst v5;
	v5 =	vadd.f32 v52, v51  }
0xd2: {  	[tilespmem:$0xCA80] =	vst v4;
	v4 =	vadd.f32 v49, v48  }
0xd3: {  	p0 =	sne.s32 s17, $0x96000;
	[tilespmem:$0xCAB0] =	vst v5;
	v5 =	vadd.f32 v58, v57  }
.Ltmp3:
0xd4: {  	[tilespmem:$0xCAA0] =	vst v4;
	v4 =	vadd.f32 v55, v54;
	(pc) =	sbr.rel @p0 .LBB2_8-.Ltmp3, $4  }
0xd5: {  	[tilespmem:$0xCAD0] =	vst v5;
	v5 =	vadd.f32 v63, v62  }
0xd6: {  	[tilespmem:$0xCAC0] =	vst v4;
	v4 =	vadd.f32 v61, v60  }
0xd7: {  	[tilespmem:$0xCAF0] =	vst v5  }
0xd8: {  	s17 =	sadd.s32 $0xA000, s17;
	[tilespmem:$0xCAE0] =	vst v4  }
0xd9: {  	s16 =	sadd.s32 $0x1, s16  }
0xda: {  	p0 =	sne.s32 s16, s10  }
.Ltmp4:
0xdb: {  	_ = 	snop;
	(pc) =	sbr.rel @p0 .LBB2_1-.Ltmp4, $4  }
0xdc: {  	[hbm4b:s9+s2] =	stream.linear.scatter [tilespmem:s15], [sflag:$0x1], $0x280, $0x38;
	[tilespmem:$0xF300] =	vst v63  }
0xdd: {  	_ =	swait.ge [sflag:s11], $0x280  }
0xde: {  	[sflag:s11] =	ssyncset.done $0x0  }
0xdf: {  	[sflag:s11] =	ssyncadd.s32 $0xFFFFFD80  }
0xe0: {  	_ =	sfence.sel $0x180000  }
0xe1: {  	[bflag:$0x0] =	sbarrier.arrive $0xFFFF  }
0xe2: {  	p0 =	sne.s32 s0, $0x0;
	_ =	strace $0x90000047  }
0xe3: {  	s0 =	sadd.s32 @!p0 $0x100000, s1;
	[bflag:$0x2] =	sbarrier.arrive $0xFFFF  }
0xe4: {  	[sflag:s0] =	ssyncadd.tile.s32 @!p0 $0x1;
	_ =	shalt  }
.Lfunc_end2:
_tile_overlayer_lowered:
.L_overlay_start_2:
0xe5: {  	(tag) =	ssettag $0x2  }
0xe6: {  	s0 =	rddreg [dreg:$0x0];
	s2 =	stileid.u32  }
0xe7: {  	s1 =	rddreg [dreg:$0x1];
	p0 =	sne.s32 s2, $0x0  }
0xe8: {  	s3 =	rddreg [dreg:$0x2];
	[bflag:$0x3] =	sbarrier.arrive $0xFFFF;
	s2 =	simm.s32 @!p0 $0x1C01  }
0xe9: {  	[timem:s3], [sflag:s2] =	dma.local @!p0 [hbm:s0], s1  }
0xea: {  	s0 =	simm.s32 @!p0 $0x1  }
0xeb: {  	_ =	swait.ge @!p0 [sflag:s0], s1  }
0xec: {  	s1 =	ssub.s32 @!p0 $0x0, s1;
	[sflag:s0] =	ssyncset.done @!p0 $0x0  }
0xed: {  	[sflag:s0] =	ssyncadd.s32 @!p0 s1  }
0xee: {  	[bflag:$0x3] =	sbarrier.arrive $0xFFFF  }
0xef: {  	_ =	shalt  }

// kernel: kernel.17.cloned.1.call-start
scs
__scs_entry_jumppad:
0x0: {  	(pc) =	sbr.rel $0x88, $3  }
0x1: {  	(tag) =	ssettag $0x0;
	lr =	simm.s32 $0x1  }
0x2: {  	[smem:$0x3F92] =	sst lr;
	_ =	strace $0xD0000000  }
0x3: {  	_ = 	snop  }
0x4: {  	_ = 	snop  }
0x5: {  	_ = 	snop  }
0x6: {  	_ = 	snop  }
0x7: {  	_ = 	snop  }
__scs_overlays_trampoline_lowered:
0x8: {  	[smem:$0x3FA1] =	sst s0  }
0x9: {  	[smem:$0x3FA2] =	sst s1  }
0xa: {  	[smem:$0x3FA3] =	sst s2  }
0xb: {  	[smem:$0x3FA4] =	sst s3  }
0xc: {  	[smem:$0x3FA5] =	sst s4  }
0xd: {  	[smem:$0x3FA6] =	sst s5  }
0xe: {  	[smem:$0x3FA7] =	sst s6  }
0xf: {  	[smem:$0x3FA8] =	sst s7  }
0x10: {  	[smem:$0x3FA9] =	sst s8  }
0x11: {  	[smem:$0x3FAA] =	sst s9;
	s0 =	simm.s32 @!p0 $0x0  }
0x12: {  	s1 =	sld [smem:$0x3F90];
	s0 =	simm.s32 @p0 $0x1  }
0x13: {  	[smem:$0x3FAB] =	sst s0;
	s0 =	simm.s32 @!p1 $0x0  }
0x14: {  	s2 =	sld [smem:$0x3F8F];
	s0 =	simm.s32 @p1 $0x1  }
0x15: {  	[smem:$0x3FAC] =	sst s0;
	s0 =	simm.s32 @!p2 $0x0  }
0x16: {  	s3 =	sld [smem:$0x3FDB];
	s0 =	simm.s32 @p2 $0x1  }
0x17: {  	s4 =	simm.s32 $0x1BF5;
	[smem:$0x3FAE] =	sst s0  }
0x18: {  	s0 =	sld [smem:$0x3F91];
	_ =	swait.ge [sflag:s4], $0x0  }
0x19: {  	s7 =	sld [smem:$0x3F92]  }
0x1a: {  	s8 =	sadd.s32 $0xFFFFE003, lr  }
0x1b: {  	s9 =	sadd.s32 $0xFFFFFEF7, lr;
	s5 =	simm.s32 $0xFFFFFFFF;
	p2 =	slt.u32 s8, $0xFFFFF086  }
0x1c: {  	p1 =	slt.u32 s9, $0xF7A;
	s5 =	simm.s32 @!p2 $0x0  }
0x1d: {  	s5 =	simm.s32 @p1 $0x1;
	p0 =	seq.s32 s7, s2  }
0x1e: {  	s7 =	smul.u32 @!p0 $0xF7A, s2;
	p2 =	seq.s32 @!p0 s5, $0x0  }
0x1f: {  	s9 =	smul.u32 $0xF7A, s1;
	s8 =	simm.s32 @!p0 $0x1BF5;
	p2 =	por !p2, p0  }
0x20: {  	[sflag:s8] =	ssyncset.s32 @!p0 $0xFFFFF086;
	s6 =	sadd.s32 @!p0 s3, s7;
	s7 =	simm.s32 @!p0 $0x108  }
0x21: {  	s3 =	sadd.s32 s3, s9;
	s6 =	sadd.s32 @!p0 $0x88, s6;
	s7 =	simm.s32 @p2 $0x1082  }
0x22: {  	[simem:s7], [sflag:s8] =	dma.local @!p0 [hbm:s6], $0xF7A  }
0x23: {  	s9 =	sor.u32 $0xD0000000, s2;
	s6 =	simm.s32 $0x108;
	_ =	swait.ge @!p0 [sflag:s8], $0x0  }
0x24: {  	s3 =	sadd.s32 $0x88, s3;
	s6 =	simm.s32 @!p1 $0x1082;
	[sflag:s4] =	ssyncset.s32 $0xFFFFF086  }
0x25: {  	[simem:s6], [sflag:s4] =	dma.local [hbm:s3], $0xF7A  }
0x26: {  	[smem:$0x3F92] =	sst s1;
	(tag) =	ssettag s2;
	_ =	strace s9  }
0x27: {  	s1 =	sld [smem:$0x3FA2]  }
0x28: {  	s2 =	sld [smem:$0x3FA3]  }
0x29: {  	s4 =	sld [smem:$0x3FA5]  }
0x2a: {  	p0 =	seq.s32 s5, $0x0;
	s5 =	sld [smem:$0x3FA6]  }
0x2b: {  	s6 =	sld [smem:$0x3FA7]  }
0x2c: {  	s7 =	sld [smem:$0x3FA8]  }
0x2d: {  	s3 =	simm.s32 $0x108;
	s8 =	sld [smem:$0x3FA9]  }
0x2e: {  	s3 =	simm.s32 @!p0 $0x1082;
	s9 =	sld [smem:$0x3FAA]  }
0x2f: {  	lr =	sadd.s32 s0, s3;
	s0 =	sld [smem:$0x3FA1]  }
0x30: {  	s3 =	sld [smem:$0x3FA4]  }
0x31: {  	[smem:$0x3FAD] =	sst s10  }
0x32: {  	s10 =	sld [smem:$0x3FAB];
	_ =	sdelay $0x3  }
0x33: {  	p0 =	seq.s32 s10, $0x1;
	s10 =	sld [smem:$0x3FAD];
	_ =	sdelay $0x3  }
0x34: {  	[smem:$0x3FAD] =	sst s10  }
0x35: {  	s10 =	sld [smem:$0x3FAC];
	_ =	sdelay $0x3  }
0x36: {  	p1 =	seq.s32 s10, $0x1;
	s10 =	sld [smem:$0x3FAD];
	_ =	sdelay $0x3  }
0x37: {  	[smem:$0x3FAD] =	sst s10  }
0x38: {  	s10 =	sld [smem:$0x3FAE]  }
0x39: {  	_ = 	snop;
	(pc) =	sbr.ind lr, $3  }
0x3a: {  	_ = 	snop  }
0x3b: {  	_ = 	snop  }
0x3c: {  	p2 =	seq.s32 s10, $0x1;
	s10 =	sld [smem:$0x3FAD]  }
0x3d: {  	_ =	shalt  }
0x3e: {  	_ =	shalt  }
0x3f: {  	_ =	shalt  }
0x40: {  	_ =	shalt  }
0x41: {  	_ =	shalt  }
0x42: {  	_ =	shalt  }
0x43: {  	_ =	shalt  }
0x44: {  	_ =	shalt  }
0x45: {  	_ =	shalt  }
0x46: {  	_ =	shalt  }
0x47: {  	_ =	shalt  }
0x48: {  	_ =	shalt  }
0x49: {  	_ =	shalt  }
0x4a: {  	_ =	shalt  }
0x4b: {  	_ =	shalt  }
0x4c: {  	_ =	shalt  }
0x4d: {  	_ =	shalt  }
0x4e: {  	_ =	shalt  }
0x4f: {  	_ =	shalt  }
0x50: {  	_ =	shalt  }
0x51: {  	_ =	shalt  }
0x52: {  	_ =	shalt  }
0x53: {  	_ =	shalt  }
0x54: {  	_ =	shalt  }
0x55: {  	_ =	shalt  }
0x56: {  	_ =	shalt  }
0x57: {  	_ =	shalt  }
0x58: {  	_ =	shalt  }
0x59: {  	_ =	shalt  }
0x5a: {  	_ =	shalt  }
0x5b: {  	_ =	shalt  }
0x5c: {  	_ =	shalt  }
0x5d: {  	_ =	shalt  }
0x5e: {  	_ =	shalt  }
0x5f: {  	_ =	shalt  }
0x60: {  	_ =	shalt  }
0x61: {  	_ =	shalt  }
0x62: {  	_ =	shalt  }
0x63: {  	_ =	shalt  }
0x64: {  	_ =	shalt  }
0x65: {  	_ =	shalt  }
0x66: {  	_ =	shalt  }
0x67: {  	_ =	shalt  }
0x68: {  	_ =	shalt  }
0x69: {  	_ =	shalt  }
0x6a: {  	_ =	shalt  }
0x6b: {  	_ =	shalt  }
0x6c: {  	_ =	shalt  }
0x6d: {  	_ =	shalt  }
0x6e: {  	_ =	shalt  }
0x6f: {  	_ =	shalt  }
0x70: {  	_ =	shalt  }
0x71: {  	_ =	shalt  }
0x72: {  	_ =	shalt  }
0x73: {  	_ =	shalt  }
0x74: {  	_ =	shalt  }
0x75: {  	_ =	shalt  }
0x76: {  	_ =	shalt  }
0x77: {  	_ =	shalt  }
0x78: {  	_ =	shalt  }
0x79: {  	_ =	shalt  }
0x7a: {  	_ =	shalt  }
0x7b: {  	_ =	shalt  }
0x7c: {  	_ =	shalt  }
0x7d: {  	_ =	shalt  }
0x7e: {  	_ =	shalt  }
0x7f: {  	_ =	shalt  }
0x80: {  	_ =	shalt  }
0x81: {  	_ =	shalt  }
0x82: {  	_ =	shalt  }
0x83: {  	_ =	shalt  }
0x84: {  	_ =	shalt  }
0x85: {  	_ =	shalt  }
0x86: {  	_ =	shalt  }
0x87: {  	_ =	shalt  }
.Lfunc_end0:
.L_simem_size_0:
called_computation.1_lowered:
.L_overlay_start_0:
0x88: {  	s2 =	sld [smem:$0x3FD9]  }
0x89: {  	s3 =	sld [smem:$0x3FFE];
	_ =	sdelay $0x1  }
0x8a: {  	s1 =	srdreg.scid  }
0x8b: {  	s0 =	sand.u32 $0x1, s1  }
0x8c: {  	s16 =	sshll.u32 s0, $0xA;
	s2 =	sadd.s32 s3, s2  }
0x8d: {  	s2 =	sadd.s32 s2, s16  }
0x8e: {  	[smem:$0x3FB9] =	sst s2  }
0x8f: {  	_ = 	snop  }
0x90: {  	(tm) =	ssettm $0x1  }
0x91: {  	s17 =	sld [smem:$0x3FFB];
	_ =	sdelay $0x3  }
0x92: {  	_ =	strace s17  }
0x93: {  	s2 =	sld [smem:$0x3FFC];
	_ =	sdelay $0x3  }
0x94: {  	_ =	strace s2  }
0x95: {  	s2 =	sld [smem:$0x3FFD];
	_ =	sdelay $0x3  }
0x96: {  	_ =	strace s2  }
0x97: {  	_ =	strace $0x8FFFFFFF  }
0x98: {  	s18 =	sld [smem:$0x3FDB];
	_ =	sdelay $0x1  }
0x99: {  	s19 =	simm.s32 $_scs_section_size  }
0x9a: {  	s4 =	simm.s32 $_size__tile_overlayer_lowered;
	s5 =	simm.s32 $_tile_overlayer_lowered  }
0x9b: {  	s22 =	simm.s32 $0x1BFF;
	s21 =	sshll.u32 s5, $0x1;
	s2 =	sadd.s32 s19, s18  }
0x9c: {  	s6 =	simm.s32 $0x0;
	s20 =	sshll.u32 s4, $0x1;
	s4 =	sadd.s32 s21, s2  }
0x9d: {  	[timem:s6], [sflag:s22] =	dma.local [hbm:s4], s20  }
0x9e: {  	_ =	swait.ge [sflag:s22], s20  }
0x9f: {  	s3 =	ssub.s32 $0x0, s20;
	[sflag:s22] =	ssyncset.done $0x0  }
0xa0: {  	[sflag:s22] =	ssyncadd.s32 s3;
	_ =	sdelay $0x1  }
0xa1: {  	s23 =	simm.s32 $0x1B8B  }
0xa2: {  	_ =	swait.ge [sflag:s23], $0x1  }
0xa3: {  	[sflag:s23] =	ssyncset.done $0x0  }
0xa4: {  	s25 =	simm.s32 $0x1B8E;
	s24 =	sld [smem:$0x3FFE];
	[sflag:s23] =	ssyncadd.s32 $0xFFFFFFFF  }
0xa5: {  	s26 =	simm.s32 $execute0_lowered;
	[smem:$0x3FD2] =	sst s25  }
0xa6: {  	s4 =	sshll.u32 s26, $0x1;
	_ =	strace $0x80000049;
	[dreg:$0x1] =	wrdreg $0xFFFFFFFF  }
0xa7: {  	s28 =	simm.s32 $_size_execute0_lowered;
	s2 =	sadd.s32 s2, s4;
	[dreg:$0x0] =	wrdreg $0x0  }
0xa8: {  	s4 =	sshll.u32 s28, $0x1;
	[dreg:$0x2] =	wrdreg s2  }
0xa9: {  	[dreg:$0x3] =	wrdreg s4  }
0xaa: {  	[dreg:$0x4] =	wrdreg $0xC0  }
0xab: {  	_ =	task [dreg:s6], $0x5FFFF  }
0xac: {  	[dreg:$0x1] =	wrdreg $0xFFFFFFFF  }
0xad: {  	[dreg:$0x0] =	wrdreg $0x60  }
0xae: {  	[dreg:$0x2] =	wrdreg s24  }
0xaf: {  	[dreg:$0x3] =	wrdreg $0x82000  }
0xb0: {  	[dreg:$0x4] =	wrdreg $0x9  }
0xb1: {  	_ =	task.clear_ibuf [dreg:s6], $0x5FFFF;
	_ =	strace $0x90000049  }
0xb2: {  	s29 =	simm.s32 $0x9;
	_ =	strace $0x8000004B  }
0xb3: {  	_ =	swait.ge [sflag:s29], $0x1  }
0xb4: {  	[sflag:s29] =	ssyncadd.s32 $0xFFFFFFFF  }
0xb5: {  	_ =	strace $0x9000004B  }
0xb6: {  	_ =	sfence  }
0xb7: {  	s30 =	sld [smem:$0x0];
	_ =	sdelay $0x2  }
0xb8: {  	s31 =	sshll.u32 s1, $0xD;
	s1 =	sshrl.u32 s1, $0x2  }
0xb9: {  	s3 =	sand.u32 $0x4000, s31;
	s1 =	sadd.s32 s1, s30  }
0xba: {  	s0 =	sor.u32 s3, s0;
	s1 =	sshll.u32 s1, $0x11  }
0xbb: {  	s0 =	sor.u32 s1, s0  }
0xbc: {  	s0 =	sadd.s32 $0x8F2B, s0  }
0xbd: {  	[sflag:s0] =	ssyncadd.remote.s32 $0x1  }
0xbe: {  	_ =	sfence.sel $0xFFFF  }
0xbf: {  	[dreg:$0x0] =	wrdreg $0xFFFFFFFF;
	(pc) =	sbr.abs _section_cstart, $3  }
0xc0: {  	[dreg:$0x1] =	wrdreg $0xFFFFFFFF  }
0xc1: {  	_ =	task.clear_ibuf [dreg:s6], $0x2FFFF;
	_ =	strace $0x9FFFFFFF  }
0xc2: {  	(tm) =	ssettm $0x7FFFFFFF  }
0xc3: {  	_ =	shalt  }
tec
execute0_lowered:
.L_overlay_start_1:
0x0: {  	(tag) =	ssettag $0x1  }
0x1: {  	s0 =	rddreg [dreg:$0x0]  }
0x2: {  	s1 =	rddreg [dreg:$0x1];
	s2 =	srdreg.scid  }
0x3: {  	s3 =	simm.s32 $0x0;
	s12 =	stileid.u32;
	s28 =	simm.s32 $0x5  }
0x4: {  	s29 =	simm.s32 $0x3;
	s30 =	simm.s32 $0x7;
	s31 =	simm.s32 $0x6  }
0x5: {  	s2 =	sand.u32 $0x1, s2;
	[smem:$0x7FF] =	sst s3;
	s8 =	smul.u32 $0x280, s12  }
0x6: {  	s4 =	sadd.s32 $0x40600, s0;
	s5 =	sadd.s32 $0x18E00, s0;
	s9 =	smul.u32 $0x50000, s12  }
0x7: {  	s6 =	sadd.s32 $0x2CA00, s0;
	s20 =	smul.u32 $0x4F00, s12;
	s21 =	sshll.u32 s12, $0x6  }
0x8: {  	s7 =	smul.u32 $0x2800, s2;
	_ =	strace $0x8000004A;
	s10 =	ssub.s32 $0x2, s2  }
0x9: {  	s19 =	sshll.u32 s2, $0x4;
	s2 =	smul.u32 $0x4F000, s2;
	s11 =	sshrl.u32 s10, $0x1  }
0xa: {  	s9 =	sshrl.u32 s9, $0x2;
	s7 =	sadd.s32 s8, s7;
	s8 =	sor.u32 s12, s19  }
0xb: {  	s10 =	ssub.s32 s10, s11;
	s9 =	sadd.s32 s9, s1;
	s2 =	sadd.s32 s20, s2  }
0xc: {  	s19 =	simm.s32 $0x9;
	s20 =	simm.s32 $0x100;
	s7 =	sshll.u32 s7, $0x4  }
0xd: {  	s8 =	smul.u32 $0x4F00, s8;
	s11 =	sadd.s32 $0x180, s2;
	s14 =	smax.u32 s10, $0x1  }
0xe: {  	s17 =	sadd.s32 $0x100, s2;
	s18 =	sshrl.u32 s9, $0x3;
	s2 =	simm.s32 $0x8  }
0xf: {  	s0 =	sadd.s32 s7, s0;
	s7 =	sadd.s32 s4, s7;
	s26 =	sshrl.u32 s11, $0x3  }
0x10: {  	[dreg:$0x3] =	wrdreg s7;
	s22 =	sshrl.u32 s8, $0x3;
	s8 =	sor.u32 $0x1C09, s21  }
0x11: {  	s0 =	sadd.s32 $0x90600, s0;
	s15 =	sadd.s32 s26, s6;
	s16 =	sadd.s32 s26, s5  }
0x12: {  	s21 =	simm.s32 $0x80;
	s26 =	simm.s32 $0x4200;
	s23 =	sadd.s32 s5, s22  }
0x13: {  	s24 =	sadd.s32 s6, s22;
	s25 =	sor.u32 $0x10, s22;
	[dreg:$0x8] =	wrdreg s0  }
0x14: {  	s22 =	simm.s32 $0x180;
	s0 =	simm.s32 $0x4;
	[dreg:$0x4] =	wrdreg s23  }
0x15: {  	[dreg:$0x5] =	wrdreg s24;
	s12 =	sadd.s32 s5, s25;
	s7 =	sadd.s32 s6, s25  }
0x16: {  	s23 =	simm.s32 $0x1;
	s24 =	simm.s32 $0x200;
	[dreg:$0x6] =	wrdreg s12  }
0x17: {  	s25 =	simm.s32 $0x2;
	[dreg:$0x7] =	wrdreg s7;
	s7 =	simm.s32 $0x0  }
.LBB2_1:
0x18: {  	s9 =	rddreg [dreg:$0x3]  }
0x19: {  	[spmem:s18], [sflag:s8] =	dma.local [hbm:s9], $0x2800  }
0x1a: {  	_ =	swait.ge [sflag:s19], $0x2800  }
0x1b: {  	[sflag:s19] =	ssyncset.done $0x0  }
0x1c: {  	[sflag:s19] =	ssyncadd.s32 $0xFFFFD800  }
0x1d: {  	[bflag:$0x0] =	sbarrier.arrive $0xFFFF  }
0x1e: {  	s11 =	rddreg [dreg:$0x4]  }
0x1f: {  	[tilespmem:s3], [sflag:$0x1] =	stream.linear.gather [hbm4b:s11+s3], $0x80, $0x38;
	[tilespmem:$0x1C200] =	vst v63  }
0x20: {  	s12 =	rddreg [dreg:$0x5]  }
0x21: {  	[tilespmem:s20], [sflag:$0x3] =	stream.linear.gather [hbm4b:s12+s3], $0x80, $0x38;
	[tilespmem:$0x1C200] =	vst v63  }
0x22: {  	s13 =	rddreg [dreg:$0x6]  }
0x23: {  	[tilespmem:s21], [sflag:$0x2] =	stream.linear.gather [hbm4b:s13+s3], $0x80, $0x38;
	[tilespmem:$0x1C200] =	vst v63  }
0x24: {  	s10 =	rddreg [dreg:$0x7]  }
0x25: {  	[tilespmem:s22], [sflag:$0x4] =	stream.linear.gather [hbm4b:s10+s3], $0x80, $0x38;
	[tilespmem:$0x1C200] =	vst v63  }
0x26: {  	_ =	swait.ge [sflag:s23], $0x80  }
0x27: {  	[sflag:s23] =	ssyncset.done $0x0  }
0x28: {  	[sflag:s23] =	ssyncadd.s32 $0xFFFFFF80  }
0x29: {  	[tilespmem:s24], [sflag:$0x5] =	stream.indirect.gather [hbm4b:s4+s21], $0x80, s3, s21, $0xb8;
	[tilespmem:$0x1C200] =	vst v63  }
0x2a: {  	_ =	swait.ge [sflag:s25], $0x80  }
0x2b: {  	[sflag:s25] =	ssyncset.done $0x0  }
0x2c: {  	[sflag:s25] =	ssyncadd.s32 $0xFFFFFF80  }
0x2d: {  	[tilespmem:s26], [sflag:$0x6] =	stream.indirect.gather [hbm4b:s4+s21], $0x80, s21, s21, $0xb8;
	[tilespmem:$0x1C200] =	vst v63  }
0x2e: {  	_ =	swait.ge [sflag:s28], $0x4000  }
0x2f: {  	[sflag:s28] =	ssyncset.done $0x0  }
0x30: {  	[sflag:s28] =	ssyncadd.s32 $0xFFFFC000  }
0x31: {  	_ =	swait.ge [sflag:s29], $0x80  }
0x32: {  	[sflag:s29] =	ssyncset.done $0x0  }
0x33: {  	s11 =	sshrl.u32 s17, $0x3;
	[sflag:s29] =	ssyncadd.s32 $0xFFFFFF80  }
0x34: {  	[spmem:s1] =	stream.indirect.scatter.add.f32 [tilespmem:s24], [sflag:$0x7], $0x80, s20, s21, $0xb8;
	[tilespmem:$0x1C200] =	vst v63  }
0x35: {  	s10 =	sadd.s32 s5, s11  }
0x36: {  	[tilespmem:s3], [sflag:$0x1] =	stream.linear.gather [hbm4b:s10+s3], $0x80, $0x38;
	[tilespmem:$0x1C200] =	vst v63  }
0x37: {  	_ =	swait.ge [sflag:s30], $0x4000  }
0x38: {  	[sflag:s30] =	ssyncset.done $0x0  }
0x39: {  	s9 =	sadd.s32 s6, s11;
	[sflag:s30] =	ssyncadd.s32 $0xFFFFC000  }
0x3a: {  	[tilespmem:s20], [sflag:$0x3] =	stream.linear.gather [hbm4b:s9+s3], $0x80, $0x38;
	[tilespmem:$0x1C200] =	vst v63  }
0x3b: {  	_ =	swait.ge [sflag:s23], $0x80  }
0x3c: {  	[sflag:s23] =	ssyncset.done $0x0  }
0x3d: {  	[sflag:s23] =	ssyncadd.s32 $0xFFFFFF80  }
0x3e: {  	[tilespmem:s24], [sflag:$0x5] =	stream.indirect.gather [hbm4b:s4+s21], $0x80, s3, s21, $0xb8;
	[tilespmem:$0x1C200] =	vst v63  }
0x3f: {  	_ =	swait.ge [sflag:s31], $0x4000  }
0x40: {  	[sflag:s31] =	ssyncset.done $0x0  }
0x41: {  	[sflag:s31] =	ssyncadd.s32 $0xFFFFC000  }
0x42: {  	_ =	swait.ge [sflag:s0], $0x80  }
0x43: {  	[sflag:s0] =	ssyncset.done $0x0  }
0x44: {  	[sflag:s0] =	ssyncadd.s32 $0xFFFFFF80  }
0x45: {  	[spmem:s1] =	stream.indirect.scatter.add.f32 [tilespmem:s26], [sflag:$0x8], $0x80, s22, s21, $0xb8;
	[tilespmem:$0x1C200] =	vst v63  }
0x46: {  	s12 =	sadd.s32 $0x0, s16  }
0x47: {  	[tilespmem:s21], [sflag:$0x2] =	stream.linear.gather [hbm4b:s12+s3], $0x80, $0x38;
	[tilespmem:$0x1C200] =	vst v63  }
0x48: {  	_ =	swait.ge [sflag:s2], $0x4000  }
0x49: {  	[sflag:s2] =	ssyncset.done $0x0  }
0x4a: {  	s13 =	sadd.s32 $0x0, s15;
	[sflag:s2] =	ssyncadd.s32 $0xFFFFC000  }
0x4b: {  	[tilespmem:s22], [sflag:$0x4] =	stream.linear.gather [hbm4b:s13+s3], $0x80, $0x38;
	[tilespmem:$0x1C200] =	vst v63  }
0x4c: {  	_ =	swait.ge [sflag:s25], $0x80  }
0x4d: {  	[sflag:s25] =	ssyncset.done $0x0  }
0x4e: {  	s10 =	sadd.s32 $0x100, s17;
	s9 =	simm.s32 $0x20;
	[sflag:s25] =	ssyncadd.s32 $0xFFFFFF80  }
.LBB2_2:
0x4f: {  	[tilespmem:s26], [sflag:$0x6] =	stream.indirect.gather [hbm4b:s4+s21], $0x80, s21, s21, $0xb8;
	[tilespmem:$0x1C200] =	vst v63  }
0x50: {  	s11 =	smov.u32 s9  }
0x51: {  	p0 =	sne.s32 s9, $0x9A0;
	s9 =	sadd.s32 $0x20, s9;
	_ =	swait.ge [sflag:s28], $0x4000  }
0x52: {  	[sflag:s28] =	ssyncset.done $0x0  }
0x53: {  	[sflag:s28] =	ssyncadd.s32 $0xFFFFC000  }
0x54: {  	_ =	swait.ge [sflag:s29], $0x80  }
0x55: {  	[sflag:s29] =	ssyncset.done $0x0  }
0x56: {  	s12 =	sshrl.u32 s10, $0x3;
	[sflag:s29] =	ssyncadd.s32 $0xFFFFFF80  }
0x57: {  	[spmem:s1] =	stream.indirect.scatter.add.f32 [tilespmem:s24], [sflag:$0x7], $0x80, s20, s21, $0xb8;
	[tilespmem:$0x1C200] =	vst v63  }
0x58: {  	s13 =	sadd.s32 s5, s12  }
0x59: {  	[tilespmem:s3], [sflag:$0x1] =	stream.linear.gather [hbm4b:s13+s3], $0x80, $0x38;
	[tilespmem:$0x1C200] =	vst v63  }
0x5a: {  	_ =	swait.ge [sflag:s30], $0x4000  }
0x5b: {  	[sflag:s30] =	ssyncset.done $0x0  }
0x5c: {  	s12 =	sadd.s32 s6, s12;
	[sflag:s30] =	ssyncadd.s32 $0xFFFFC000  }
0x5d: {  	[tilespmem:s20], [sflag:$0x3] =	stream.linear.gather [hbm4b:s12+s3], $0x80, $0x38;
	[tilespmem:$0x1C200] =	vst v63  }
0x5e: {  	_ =	swait.ge [sflag:s23], $0x80  }
0x5f: {  	[sflag:s23] =	ssyncset.done $0x0  }
0x60: {  	[sflag:s23] =	ssyncadd.s32 $0xFFFFFF80  }
0x61: {  	[tilespmem:s24], [sflag:$0x5] =	stream.indirect.gather [hbm4b:s4+s21], $0x80, s3, s21, $0xb8;
	[tilespmem:$0x1C200] =	vst v63  }
0x62: {  	_ =	swait.ge [sflag:s31], $0x4000  }
0x63: {  	[sflag:s31] =	ssyncset.done $0x0  }
0x64: {  	[sflag:s31] =	ssyncadd.s32 $0xFFFFC000  }
0x65: {  	_ =	swait.ge [sflag:s0], $0x80  }
0x66: {  	[sflag:s0] =	ssyncset.done $0x0  }
0x67: {  	[sflag:s0] =	ssyncadd.s32 $0xFFFFFF80  }
0x68: {  	[spmem:s1] =	stream.indirect.scatter.add.f32 [tilespmem:s26], [sflag:$0x8], $0x80, s22, s21, $0xb8;
	[tilespmem:$0x1C200] =	vst v63  }
0x69: {  	s12 =	sadd.s32 s11, s16  }
0x6a: {  	[tilespmem:s21], [sflag:$0x2] =	stream.linear.gather [hbm4b:s12+s3], $0x80, $0x38;
	[tilespmem:$0x1C200] =	vst v63  }
0x6b: {  	_ =	swait.ge [sflag:s2], $0x4000  }
0x6c: {  	[sflag:s2] =	ssyncset.done $0x0  }
.Ltmp0:
0x6d: {  	s11 =	sadd.s32 s11, s15;
	[sflag:s2] =	ssyncadd.s32 $0xFFFFC000;
	(pc) =	sbr.rel @p0 .LBB2_2-.Ltmp0, $4  }
0x6e: {  	[tilespmem:s22], [sflag:$0x4] =	stream.linear.gather [hbm4b:s11+s3], $0x80, $0x38;
	[tilespmem:$0x1C200] =	vst v63  }
0x6f: {  	_ =	swait.ge [sflag:s25], $0x80  }
0x70: {  	[sflag:s25] =	ssyncset.done $0x0  }
0x71: {  	s10 =	sadd.s32 $0x100, s10;
	[sflag:s25] =	ssyncadd.s32 $0xFFFFFF80  }
0x72: {  	[tilespmem:s26], [sflag:$0x6] =	stream.indirect.gather [hbm4b:s4+s21], $0x80, s21, s21, $0xb8;
	[tilespmem:$0x1C200] =	vst v63  }
0x73: {  	_ =	swait.ge [sflag:s28], $0x4000  }
0x74: {  	[sflag:s28] =	ssyncset.done $0x0  }
0x75: {  	[sflag:s28] =	ssyncadd.s32 $0xFFFFC000  }
0x76: {  	_ =	swait.ge [sflag:s29], $0x80  }
0x77: {  	[sflag:s29] =	ssyncset.done $0x0  }
0x78: {  	[sflag:s29] =	ssyncadd.s32 $0xFFFFFF80  }
0x79: {  	[spmem:s1] =	stream.indirect.scatter.add.f32 [tilespmem:s24], [sflag:$0x7], $0x80, s20, s21, $0xb8;
	[tilespmem:$0x1C200] =	vst v63  }
0x7a: {  	_ =	swait.ge [sflag:s30], $0x4000  }
0x7b: {  	[sflag:s30] =	ssyncset.done $0x0  }
0x7c: {  	[sflag:s30] =	ssyncadd.s32 $0xFFFFC000  }
0x7d: {  	_ =	swait.ge [sflag:s31], $0x4000  }
0x7e: {  	[sflag:s31] =	ssyncset.done $0x0  }
0x7f: {  	[sflag:s31] =	ssyncadd.s32 $0xFFFFC000  }
0x80: {  	_ =	swait.ge [sflag:s0], $0x80  }
0x81: {  	[sflag:s0] =	ssyncset.done $0x0  }
0x82: {  	[sflag:s0] =	ssyncadd.s32 $0xFFFFFF80  }
0x83: {  	[spmem:s1] =	stream.indirect.scatter.add.f32 [tilespmem:s26], [sflag:$0x8], $0x80, s22, s21, $0xb8;
	[tilespmem:$0x1C200] =	vst v63  }
0x84: {  	_ =	swait.ge [sflag:s2], $0x4000  }
0x85: {  	[sflag:s2] =	ssyncset.done $0x0  }
0x86: {  	s7 =	sadd.s32 $0x1, s7;
	[sflag:s2] =	ssyncadd.s32 $0xFFFFC000  }
0x87: {  	p0 =	sne.s32 s7, s14;
	[bflag:$0x0] =	sbarrier.arrive $0xFFFF  }
.Ltmp1:
0x88: {  	s9 =	rddreg [dreg:$0x8];
	(pc) =	sbr.rel @p0 .LBB2_1-.Ltmp1, $4  }
0x89: {  	[hbm:s9], [sflag:s8] =	dma.local [spmem:s18], $0x2800  }
0x8a: {  	_ =	swait.ge [sflag:s19], $0x2800  }
0x8b: {  	[sflag:s19] =	ssyncset.done $0x0  }
0x8c: {  	[sflag:s19] =	ssyncadd.s32 $0xFFFFD800  }
0x8d: {  	_ =	sfence.sel $0x180000  }
0x8e: {  	[bflag:$0x0] =	sbarrier.arrive $0xFFFF  }
0x8f: {  	_ =	strace $0x9000004A  }
0x90: {  	s0 =	stileid.u32;
	[bflag:$0x2] =	sbarrier.arrive $0xFFFF  }
0x91: {  	p0 =	sne.s32 s0, $0x0;
	s0 =	rddreg [dreg:$0x2]  }
0x92: {  	s0 =	sadd.s32 @!p0 $0x100000, s0  }
0x93: {  	[sflag:s0] =	ssyncadd.tile.s32 @!p0 $0x1;
	_ =	shalt  }
.Lfunc_end2:
_tile_overlayer_lowered:
.L_overlay_start_2:
0x94: {  	(tag) =	ssettag $0x2  }
0x95: {  	s0 =	rddreg [dreg:$0x0];
	s2 =	stileid.u32  }
0x96: {  	s1 =	rddreg [dreg:$0x1];
	p0 =	sne.s32 s2, $0x0  }
0x97: {  	s3 =	rddreg [dreg:$0x2];
	[bflag:$0x3] =	sbarrier.arrive $0xFFFF;
	s2 =	simm.s32 @!p0 $0x1C09  }
0x98: {  	[timem:s3], [sflag:s2] =	dma.local @!p0 [hbm:s0], s1  }
0x99: {  	s0 =	simm.s32 @!p0 $0x9  }
0x9a: {  	_ =	swait.ge @!p0 [sflag:s0], s1  }
0x9b: {  	s1 =	ssub.s32 @!p0 $0x0, s1;
	[sflag:s0] =	ssyncset.done @!p0 $0x0  }
0x9c: {  	[sflag:s0] =	ssyncadd.s32 @!p0 s1  }
0x9d: {  	[bflag:$0x3] =	sbarrier.arrive $0xFFFF  }
0x9e: {  	_ =	shalt  }

// kernel: kernel.20.cloned.1.call-start
scs
__scs_entry_jumppad:
0x0: {  	(pc) =	sbr.rel $0x88, $3  }
0x1: {  	(tag) =	ssettag $0x0;
	lr =	simm.s32 $0x1  }
0x2: {  	[smem:$0x3F92] =	sst lr;
	_ =	strace $0xD0000000  }
0x3: {  	_ = 	snop  }
0x4: {  	_ = 	snop  }
0x5: {  	_ = 	snop  }
0x6: {  	_ = 	snop  }
0x7: {  	_ = 	snop  }
__scs_overlays_trampoline_lowered:
0x8: {  	[smem:$0x3FA1] =	sst s0  }
0x9: {  	[smem:$0x3FA2] =	sst s1  }
0xa: {  	[smem:$0x3FA3] =	sst s2  }
0xb: {  	[smem:$0x3FA4] =	sst s3  }
0xc: {  	[smem:$0x3FA5] =	sst s4  }
0xd: {  	[smem:$0x3FA6] =	sst s5  }
0xe: {  	[smem:$0x3FA7] =	sst s6  }
0xf: {  	[smem:$0x3FA8] =	sst s7  }
0x10: {  	[smem:$0x3FA9] =	sst s8  }
0x11: {  	[smem:$0x3FAA] =	sst s9;
	s0 =	simm.s32 @!p0 $0x0  }
0x12: {  	s1 =	sld [smem:$0x3F90];
	s0 =	simm.s32 @p0 $0x1  }
0x13: {  	[smem:$0x3FAB] =	sst s0;
	s0 =	simm.s32 @!p1 $0x0  }
0x14: {  	s2 =	sld [smem:$0x3F8F];
	s0 =	simm.s32 @p1 $0x1  }
0x15: {  	[smem:$0x3FAC] =	sst s0;
	s0 =	simm.s32 @!p2 $0x0  }
0x16: {  	s3 =	sld [smem:$0x3FDB];
	s0 =	simm.s32 @p2 $0x1  }
0x17: {  	s4 =	simm.s32 $0x1BF5;
	[smem:$0x3FAE] =	sst s0  }
0x18: {  	s0 =	sld [smem:$0x3F91];
	_ =	swait.ge [sflag:s4], $0x0  }
0x19: {  	s7 =	sld [smem:$0x3F92]  }
0x1a: {  	s8 =	sadd.s32 $0xFFFFE003, lr  }
0x1b: {  	s9 =	sadd.s32 $0xFFFFFEF7, lr;
	s5 =	simm.s32 $0xFFFFFFFF;
	p2 =	slt.u32 s8, $0xFFFFF086  }
0x1c: {  	p1 =	slt.u32 s9, $0xF7A;
	s5 =	simm.s32 @!p2 $0x0  }
0x1d: {  	s5 =	simm.s32 @p1 $0x1;
	p0 =	seq.s32 s7, s2  }
0x1e: {  	s7 =	smul.u32 @!p0 $0xF7A, s2;
	p2 =	seq.s32 @!p0 s5, $0x0  }
0x1f: {  	s9 =	smul.u32 $0xF7A, s1;
	s8 =	simm.s32 @!p0 $0x1BF5;
	p2 =	por !p2, p0  }
0x20: {  	[sflag:s8] =	ssyncset.s32 @!p0 $0xFFFFF086;
	s6 =	sadd.s32 @!p0 s3, s7;
	s7 =	simm.s32 @!p0 $0x108  }
0x21: {  	s3 =	sadd.s32 s3, s9;
	s6 =	sadd.s32 @!p0 $0x88, s6;
	s7 =	simm.s32 @p2 $0x1082  }
0x22: {  	[simem:s7], [sflag:s8] =	dma.local @!p0 [hbm:s6], $0xF7A  }
0x23: {  	s9 =	sor.u32 $0xD0000000, s2;
	s6 =	simm.s32 $0x108;
	_ =	swait.ge @!p0 [sflag:s8], $0x0  }
0x24: {  	s3 =	sadd.s32 $0x88, s3;
	s6 =	simm.s32 @!p1 $0x1082;
	[sflag:s4] =	ssyncset.s32 $0xFFFFF086  }
0x25: {  	[simem:s6], [sflag:s4] =	dma.local [hbm:s3], $0xF7A  }
0x26: {  	[smem:$0x3F92] =	sst s1;
	(tag) =	ssettag s2;
	_ =	strace s9  }
0x27: {  	s1 =	sld [smem:$0x3FA2]  }
0x28: {  	s2 =	sld [smem:$0x3FA3]  }
0x29: {  	s4 =	sld [smem:$0x3FA5]  }
0x2a: {  	p0 =	seq.s32 s5, $0x0;
	s5 =	sld [smem:$0x3FA6]  }
0x2b: {  	s6 =	sld [smem:$0x3FA7]  }
0x2c: {  	s7 =	sld [smem:$0x3FA8]  }
0x2d: {  	s3 =	simm.s32 $0x108;
	s8 =	sld [smem:$0x3FA9]  }
0x2e: {  	s3 =	simm.s32 @!p0 $0x1082;
	s9 =	sld [smem:$0x3FAA]  }
0x2f: {  	lr =	sadd.s32 s0, s3;
	s0 =	sld [smem:$0x3FA1]  }
0x30: {  	s3 =	sld [smem:$0x3FA4]  }
0x31: {  	[smem:$0x3FAD] =	sst s10  }
0x32: {  	s10 =	sld [smem:$0x3FAB];
	_ =	sdelay $0x3  }
0x33: {  	p0 =	seq.s32 s10, $0x1;
	s10 =	sld [smem:$0x3FAD];
	_ =	sdelay $0x3  }
0x34: {  	[smem:$0x3FAD] =	sst s10  }
0x35: {  	s10 =	sld [smem:$0x3FAC];
	_ =	sdelay $0x3  }
0x36: {  	p1 =	seq.s32 s10, $0x1;
	s10 =	sld [smem:$0x3FAD];
	_ =	sdelay $0x3  }
0x37: {  	[smem:$0x3FAD] =	sst s10  }
0x38: {  	s10 =	sld [smem:$0x3FAE]  }
0x39: {  	_ = 	snop;
	(pc) =	sbr.ind lr, $3  }
0x3a: {  	_ = 	snop  }
0x3b: {  	_ = 	snop  }
0x3c: {  	p2 =	seq.s32 s10, $0x1;
	s10 =	sld [smem:$0x3FAD]  }
0x3d: {  	_ =	shalt  }
0x3e: {  	_ =	shalt  }
0x3f: {  	_ =	shalt  }
0x40: {  	_ =	shalt  }
0x41: {  	_ =	shalt  }
0x42: {  	_ =	shalt  }
0x43: {  	_ =	shalt  }
0x44: {  	_ =	shalt  }
0x45: {  	_ =	shalt  }
0x46: {  	_ =	shalt  }
0x47: {  	_ =	shalt  }
0x48: {  	_ =	shalt  }
0x49: {  	_ =	shalt  }
0x4a: {  	_ =	shalt  }
0x4b: {  	_ =	shalt  }
0x4c: {  	_ =	shalt  }
0x4d: {  	_ =	shalt  }
0x4e: {  	_ =	shalt  }
0x4f: {  	_ =	shalt  }
0x50: {  	_ =	shalt  }
0x51: {  	_ =	shalt  }
0x52: {  	_ =	shalt  }
0x53: {  	_ =	shalt  }
0x54: {  	_ =	shalt  }
0x55: {  	_ =	shalt  }
0x56: {  	_ =	shalt  }
0x57: {  	_ =	shalt  }
0x58: {  	_ =	shalt  }
0x59: {  	_ =	shalt  }
0x5a: {  	_ =	shalt  }
0x5b: {  	_ =	shalt  }
0x5c: {  	_ =	shalt  }
0x5d: {  	_ =	shalt  }
0x5e: {  	_ =	shalt  }
0x5f: {  	_ =	shalt  }
0x60: {  	_ =	shalt  }
0x61: {  	_ =	shalt  }
0x62: {  	_ =	shalt  }
0x63: {  	_ =	shalt  }
0x64: {  	_ =	shalt  }
0x65: {  	_ =	shalt  }
0x66: {  	_ =	shalt  }
0x67: {  	_ =	shalt  }
0x68: {  	_ =	shalt  }
0x69: {  	_ =	shalt  }
0x6a: {  	_ =	shalt  }
0x6b: {  	_ =	shalt  }
0x6c: {  	_ =	shalt  }
0x6d: {  	_ =	shalt  }
0x6e: {  	_ =	shalt  }
0x6f: {  	_ =	shalt  }
0x70: {  	_ =	shalt  }
0x71: {  	_ =	shalt  }
0x72: {  	_ =	shalt  }
0x73: {  	_ =	shalt  }
0x74: {  	_ =	shalt  }
0x75: {  	_ =	shalt  }
0x76: {  	_ =	shalt  }
0x77: {  	_ =	shalt  }
0x78: {  	_ =	shalt  }
0x79: {  	_ =	shalt  }
0x7a: {  	_ =	shalt  }
0x7b: {  	_ =	shalt  }
0x7c: {  	_ =	shalt  }
0x7d: {  	_ =	shalt  }
0x7e: {  	_ =	shalt  }
0x7f: {  	_ =	shalt  }
0x80: {  	_ =	shalt  }
0x81: {  	_ =	shalt  }
0x82: {  	_ =	shalt  }
0x83: {  	_ =	shalt  }
0x84: {  	_ =	shalt  }
0x85: {  	_ =	shalt  }
0x86: {  	_ =	shalt  }
0x87: {  	_ =	shalt  }
.Lfunc_end0:
.L_simem_size_0:
called_computation.2_lowered:
.L_overlay_start_0:
0x88: {  	s2 =	sld [smem:$0x3FD9]  }
0x89: {  	s3 =	sld [smem:$0x3FFE];
	_ =	sdelay $0x1  }
0x8a: {  	s1 =	srdreg.scid  }
0x8b: {  	s0 =	sand.u32 $0x1, s1  }
0x8c: {  	s16 =	sshll.u32 s0, $0xA;
	s2 =	sadd.s32 s3, s2  }
0x8d: {  	s2 =	sadd.s32 s2, s16  }
0x8e: {  	[smem:$0x3FB9] =	sst s2  }
0x8f: {  	_ = 	snop  }
0x90: {  	(tm) =	ssettm $0x1  }
0x91: {  	s17 =	sld [smem:$0x3FFB];
	_ =	sdelay $0x3  }
0x92: {  	_ =	strace s17  }
0x93: {  	s2 =	sld [smem:$0x3FFC];
	_ =	sdelay $0x3  }
0x94: {  	_ =	strace s2  }
0x95: {  	s2 =	sld [smem:$0x3FFD];
	_ =	sdelay $0x3  }
0x96: {  	_ =	strace s2  }
0x97: {  	_ =	strace $0x8FFFFFFF  }
0x98: {  	s18 =	sld [smem:$0x3FDB];
	_ =	sdelay $0x1  }
0x99: {  	s19 =	simm.s32 $_scs_section_size  }
0x9a: {  	s4 =	simm.s32 $_size__tile_overlayer_lowered;
	s5 =	simm.s32 $_tile_overlayer_lowered  }
0x9b: {  	s22 =	simm.s32 $0x1BFF;
	s21 =	sshll.u32 s5, $0x1;
	s2 =	sadd.s32 s19, s18  }
0x9c: {  	s6 =	simm.s32 $0x0;
	s20 =	sshll.u32 s4, $0x1;
	s4 =	sadd.s32 s21, s2  }
0x9d: {  	[timem:s6], [sflag:s22] =	dma.local [hbm:s4], s20  }
0x9e: {  	_ =	swait.ge [sflag:s22], s20  }
0x9f: {  	s3 =	ssub.s32 $0x0, s20;
	[sflag:s22] =	ssyncset.done $0x0  }
0xa0: {  	[sflag:s22] =	ssyncadd.s32 s3;
	_ =	sdelay $0x1  }
0xa1: {  	s23 =	simm.s32 $0x1B8B  }
0xa2: {  	_ =	swait.ge [sflag:s23], $0x1  }
0xa3: {  	[sflag:s23] =	ssyncset.done $0x0  }
0xa4: {  	s25 =	simm.s32 $0x1B8E;
	s24 =	sld [smem:$0x3FFE];
	[sflag:s23] =	ssyncadd.s32 $0xFFFFFFFF  }
0xa5: {  	s26 =	simm.s32 $execute0_lowered;
	[smem:$0x3FD2] =	sst s25  }
0xa6: {  	s4 =	sshll.u32 s26, $0x1;
	_ =	strace $0x8000004C;
	[dreg:$0x1] =	wrdreg $0xFFFFFFFF  }
0xa7: {  	s28 =	simm.s32 $_size_execute0_lowered;
	s2 =	sadd.s32 s2, s4;
	[dreg:$0x0] =	wrdreg $0x0  }
0xa8: {  	s4 =	sshll.u32 s28, $0x1;
	[dreg:$0x2] =	wrdreg s2  }
0xa9: {  	[dreg:$0x3] =	wrdreg s4  }
0xaa: {  	[dreg:$0x4] =	wrdreg $0xC0  }
0xab: {  	_ =	task [dreg:s6], $0x5FFFF  }
0xac: {  	[dreg:$0x1] =	wrdreg $0xFFFFFFFF  }
0xad: {  	[dreg:$0x0] =	wrdreg $0x60  }
0xae: {  	[dreg:$0x2] =	wrdreg s24  }
0xaf: {  	[dreg:$0x3] =	wrdreg $0x82000  }
0xb0: {  	[dreg:$0x4] =	wrdreg $0x9  }
0xb1: {  	_ =	task.clear_ibuf [dreg:s6], $0x5FFFF;
	_ =	strace $0x9000004C  }
0xb2: {  	s29 =	simm.s32 $0x9;
	_ =	strace $0x8000004E  }
0xb3: {  	_ =	swait.ge [sflag:s29], $0x1  }
0xb4: {  	[sflag:s29] =	ssyncadd.s32 $0xFFFFFFFF  }
0xb5: {  	_ =	strace $0x9000004E  }
0xb6: {  	_ =	sfence  }
0xb7: {  	s30 =	sld [smem:$0x0];
	_ =	sdelay $0x2  }
0xb8: {  	s31 =	sshll.u32 s1, $0xD;
	s1 =	sshrl.u32 s1, $0x2  }
0xb9: {  	s3 =	sand.u32 $0x4000, s31;
	s1 =	sadd.s32 s1, s30  }
0xba: {  	s0 =	sor.u32 s3, s0;
	s1 =	sshll.u32 s1, $0x11  }
0xbb: {  	s0 =	sor.u32 s1, s0  }
0xbc: {  	s0 =	sadd.s32 $0x8F2B, s0  }
0xbd: {  	[sflag:s0] =	ssyncadd.remote.s32 $0x1  }
0xbe: {  	_ =	sfence.sel $0xFFFF  }
0xbf: {  	[dreg:$0x0] =	wrdreg $0xFFFFFFFF;
	(pc) =	sbr.abs _section_cstart, $3  }
0xc0: {  	[dreg:$0x1] =	wrdreg $0xFFFFFFFF  }
0xc1: {  	_ =	task.clear_ibuf [dreg:s6], $0x2FFFF;
	_ =	strace $0x9FFFFFFF  }
0xc2: {  	(tm) =	ssettm $0x7FFFFFFF  }
0xc3: {  	_ =	shalt  }
tec
execute0_lowered:
.L_overlay_start_1:
0x0: {  	(tag) =	ssettag $0x1  }
0x1: {  	s0 =	rddreg [dreg:$0x0]  }
0x2: {  	s1 =	rddreg [dreg:$0x1];
	s2 =	srdreg.scid  }
0x3: {  	s3 =	simm.s32 $0x0;
	s12 =	stileid.u32;
	s28 =	simm.s32 $0x5  }
0x4: {  	s29 =	simm.s32 $0x3;
	s30 =	simm.s32 $0x7;
	s31 =	simm.s32 $0x6  }
0x5: {  	s2 =	sand.u32 $0x1, s2;
	[smem:$0x7FF] =	sst s3;
	s8 =	smul.u32 $0x280, s12  }
0x6: {  	s4 =	sadd.s32 $0x40600, s0;
	s5 =	sadd.s32 $0x18E00, s0;
	s9 =	smul.u32 $0x50000, s12  }
0x7: {  	s6 =	sadd.s32 $0x2CA00, s0;
	s20 =	smul.u32 $0x4F00, s12;
	s21 =	sshll.u32 s12, $0x6  }
0x8: {  	s7 =	smul.u32 $0x2800, s2;
	_ =	strace $0x8000004D;
	s10 =	ssub.s32 $0x2, s2  }
0x9: {  	s19 =	sshll.u32 s2, $0x4;
	s2 =	smul.u32 $0x4F000, s2;
	s11 =	sshrl.u32 s10, $0x1  }
0xa: {  	s9 =	sshrl.u32 s9, $0x2;
	s7 =	sadd.s32 s8, s7;
	s8 =	sor.u32 s12, s19  }
0xb: {  	s10 =	ssub.s32 s10, s11;
	s9 =	sadd.s32 s9, s1;
	s2 =	sadd.s32 s20, s2  }
0xc: {  	s19 =	simm.s32 $0x9;
	s20 =	simm.s32 $0x100;
	s7 =	sshll.u32 s7, $0x4  }
0xd: {  	s8 =	smul.u32 $0x4F00, s8;
	s11 =	sadd.s32 $0x180, s2;
	s14 =	smax.u32 s10, $0x1  }
0xe: {  	s17 =	sadd.s32 $0x100, s2;
	s18 =	sshrl.u32 s9, $0x3;
	s2 =	simm.s32 $0x8  }
0xf: {  	s0 =	sadd.s32 s7, s0;
	s7 =	sadd.s32 s4, s7;
	s26 =	sshrl.u32 s11, $0x3  }
0x10: {  	[dreg:$0x3] =	wrdreg s7;
	s22 =	sshrl.u32 s8, $0x3;
	s8 =	sor.u32 $0x1C09, s21  }
0x11: {  	s0 =	sadd.s32 $0x90600, s0;
	s15 =	sadd.s32 s26, s6;
	s16 =	sadd.s32 s26, s5  }
0x12: {  	s21 =	simm.s32 $0x80;
	s26 =	simm.s32 $0x4200;
	s23 =	sadd.s32 s5, s22  }
0x13: {  	s24 =	sadd.s32 s6, s22;
	s25 =	sor.u32 $0x10, s22;
	[dreg:$0x8] =	wrdreg s0  }
0x14: {  	s22 =	simm.s32 $0x180;
	s0 =	simm.s32 $0x4;
	[dreg:$0x4] =	wrdreg s23  }
0x15: {  	[dreg:$0x5] =	wrdreg s24;
	s12 =	sadd.s32 s5, s25;
	s7 =	sadd.s32 s6, s25  }
0x16: {  	s23 =	simm.s32 $0x1;
	s24 =	simm.s32 $0x200;
	[dreg:$0x6] =	wrdreg s12  }
0x17: {  	s25 =	simm.s32 $0x2;
	[dreg:$0x7] =	wrdreg s7;
	s7 =	simm.s32 $0x0  }
.LBB2_1:
0x18: {  	s9 =	rddreg [dreg:$0x3]  }
0x19: {  	[spmem:s18], [sflag:s8] =	dma.local [hbm:s9], $0x2800  }
0x1a: {  	_ =	swait.ge [sflag:s19], $0x2800  }
0x1b: {  	[sflag:s19] =	ssyncset.done $0x0  }
0x1c: {  	[sflag:s19] =	ssyncadd.s32 $0xFFFFD800  }
0x1d: {  	[bflag:$0x0] =	sbarrier.arrive $0xFFFF  }
0x1e: {  	s11 =	rddreg [dreg:$0x4]  }
0x1f: {  	[tilespmem:s3], [sflag:$0x1] =	stream.linear.gather [hbm4b:s11+s3], $0x80, $0x38;
	[tilespmem:$0x1C200] =	vst v63  }
0x20: {  	s12 =	rddreg [dreg:$0x5]  }
0x21: {  	[tilespmem:s20], [sflag:$0x3] =	stream.linear.gather [hbm4b:s12+s3], $0x80, $0x38;
	[tilespmem:$0x1C200] =	vst v63  }
0x22: {  	s13 =	rddreg [dreg:$0x6]  }
0x23: {  	[tilespmem:s21], [sflag:$0x2] =	stream.linear.gather [hbm4b:s13+s3], $0x80, $0x38;
	[tilespmem:$0x1C200] =	vst v63  }
0x24: {  	s10 =	rddreg [dreg:$0x7]  }
0x25: {  	[tilespmem:s22], [sflag:$0x4] =	stream.linear.gather [hbm4b:s10+s3], $0x80, $0x38;
	[tilespmem:$0x1C200] =	vst v63  }
0x26: {  	_ =	swait.ge [sflag:s23], $0x80  }
0x27: {  	[sflag:s23] =	ssyncset.done $0x0  }
0x28: {  	[sflag:s23] =	ssyncadd.s32 $0xFFFFFF80  }
0x29: {  	[tilespmem:s24], [sflag:$0x5] =	stream.indirect.gather [hbm4b:s4+s21], $0x80, s3, s21, $0xb8;
	[tilespmem:$0x1C200] =	vst v63  }
0x2a: {  	_ =	swait.ge [sflag:s25], $0x80  }
0x2b: {  	[sflag:s25] =	ssyncset.done $0x0  }
0x2c: {  	[sflag:s25] =	ssyncadd.s32 $0xFFFFFF80  }
0x2d: {  	[tilespmem:s26], [sflag:$0x6] =	stream.indirect.gather [hbm4b:s4+s21], $0x80, s21, s21, $0xb8;
	[tilespmem:$0x1C200] =	vst v63  }
0x2e: {  	_ =	swait.ge [sflag:s28], $0x4000  }
0x2f: {  	[sflag:s28] =	ssyncset.done $0x0  }
0x30: {  	[sflag:s28] =	ssyncadd.s32 $0xFFFFC000  }
0x31: {  	_ =	swait.ge [sflag:s29], $0x80  }
0x32: {  	[sflag:s29] =	ssyncset.done $0x0  }
0x33: {  	s11 =	sshrl.u32 s17, $0x3;
	[sflag:s29] =	ssyncadd.s32 $0xFFFFFF80  }
0x34: {  	[spmem:s1] =	stream.indirect.scatter.add.f32 [tilespmem:s24], [sflag:$0x7], $0x80, s20, s21, $0xb8;
	[tilespmem:$0x1C200] =	vst v63  }
0x35: {  	s10 =	sadd.s32 s5, s11  }
0x36: {  	[tilespmem:s3], [sflag:$0x1] =	stream.linear.gather [hbm4b:s10+s3], $0x80, $0x38;
	[tilespmem:$0x1C200] =	vst v63  }
0x37: {  	_ =	swait.ge [sflag:s30], $0x4000  }
0x38: {  	[sflag:s30] =	ssyncset.done $0x0  }
0x39: {  	s9 =	sadd.s32 s6, s11;
	[sflag:s30] =	ssyncadd.s32 $0xFFFFC000  }
0x3a: {  	[tilespmem:s20], [sflag:$0x3] =	stream.linear.gather [hbm4b:s9+s3], $0x80, $0x38;
	[tilespmem:$0x1C200] =	vst v63  }
0x3b: {  	_ =	swait.ge [sflag:s23], $0x80  }
0x3c: {  	[sflag:s23] =	ssyncset.done $0x0  }
0x3d: {  	[sflag:s23] =	ssyncadd.s32 $0xFFFFFF80  }
0x3e: {  	[tilespmem:s24], [sflag:$0x5] =	stream.indirect.gather [hbm4b:s4+s21], $0x80, s3, s21, $0xb8;
	[tilespmem:$0x1C200] =	vst v63  }
0x3f: {  	_ =	swait.ge [sflag:s31], $0x4000  }
0x40: {  	[sflag:s31] =	ssyncset.done $0x0  }
0x41: {  	[sflag:s31] =	ssyncadd.s32 $0xFFFFC000  }
0x42: {  	_ =	swait.ge [sflag:s0], $0x80  }
0x43: {  	[sflag:s0] =	ssyncset.done $0x0  }
0x44: {  	[sflag:s0] =	ssyncadd.s32 $0xFFFFFF80  }
0x45: {  	[spmem:s1] =	stream.indirect.scatter.add.f32 [tilespmem:s26], [sflag:$0x8], $0x80, s22, s21, $0xb8;
	[tilespmem:$0x1C200] =	vst v63  }
0x46: {  	s12 =	sadd.s32 $0x0, s16  }
0x47: {  	[tilespmem:s21], [sflag:$0x2] =	stream.linear.gather [hbm4b:s12+s3], $0x80, $0x38;
	[tilespmem:$0x1C200] =	vst v63  }
0x48: {  	_ =	swait.ge [sflag:s2], $0x4000  }
0x49: {  	[sflag:s2] =	ssyncset.done $0x0  }
0x4a: {  	s13 =	sadd.s32 $0x0, s15;
	[sflag:s2] =	ssyncadd.s32 $0xFFFFC000  }
0x4b: {  	[tilespmem:s22], [sflag:$0x4] =	stream.linear.gather [hbm4b:s13+s3], $0x80, $0x38;
	[tilespmem:$0x1C200] =	vst v63  }
0x4c: {  	_ =	swait.ge [sflag:s25], $0x80  }
0x4d: {  	[sflag:s25] =	ssyncset.done $0x0  }
0x4e: {  	s10 =	sadd.s32 $0x100, s17;
	s9 =	simm.s32 $0x20;
	[sflag:s25] =	ssyncadd.s32 $0xFFFFFF80  }
.LBB2_2:
0x4f: {  	[tilespmem:s26], [sflag:$0x6] =	stream.indirect.gather [hbm4b:s4+s21], $0x80, s21, s21, $0xb8;
	[tilespmem:$0x1C200] =	vst v63  }
0x50: {  	s11 =	smov.u32 s9  }
0x51: {  	p0 =	sne.s32 s9, $0x9A0;
	s9 =	sadd.s32 $0x20, s9;
	_ =	swait.ge [sflag:s28], $0x4000  }
0x52: {  	[sflag:s28] =	ssyncset.done $0x0  }
0x53: {  	[sflag:s28] =	ssyncadd.s32 $0xFFFFC000  }
0x54: {  	_ =	swait.ge [sflag:s29], $0x80  }
0x55: {  	[sflag:s29] =	ssyncset.done $0x0  }
0x56: {  	s12 =	sshrl.u32 s10, $0x3;
	[sflag:s29] =	ssyncadd.s32 $0xFFFFFF80  }
0x57: {  	[spmem:s1] =	stream.indirect.scatter.add.f32 [tilespmem:s24], [sflag:$0x7], $0x80, s20, s21, $0xb8;
	[tilespmem:$0x1C200] =	vst v63  }
0x58: {  	s13 =	sadd.s32 s5, s12  }
0x59: {  	[tilespmem:s3], [sflag:$0x1] =	stream.linear.gather [hbm4b:s13+s3], $0x80, $0x38;
	[tilespmem:$0x1C200] =	vst v63  }
0x5a: {  	_ =	swait.ge [sflag:s30], $0x4000  }
0x5b: {  	[sflag:s30] =	ssyncset.done $0x0  }
0x5c: {  	s12 =	sadd.s32 s6, s12;
	[sflag:s30] =	ssyncadd.s32 $0xFFFFC000  }
0x5d: {  	[tilespmem:s20], [sflag:$0x3] =	stream.linear.gather [hbm4b:s12+s3], $0x80, $0x38;
	[tilespmem:$0x1C200] =	vst v63  }
0x5e: {  	_ =	swait.ge [sflag:s23], $0x80  }
0x5f: {  	[sflag:s23] =	ssyncset.done $0x0  }
0x60: {  	[sflag:s23] =	ssyncadd.s32 $0xFFFFFF80  }
0x61: {  	[tilespmem:s24], [sflag:$0x5] =	stream.indirect.gather [hbm4b:s4+s21], $0x80, s3, s21, $0xb8;
	[tilespmem:$0x1C200] =	vst v63  }
0x62: {  	_ =	swait.ge [sflag:s31], $0x4000  }
0x63: {  	[sflag:s31] =	ssyncset.done $0x0  }
0x64: {  	[sflag:s31] =	ssyncadd.s32 $0xFFFFC000  }
0x65: {  	_ =	swait.ge [sflag:s0], $0x80  }
0x66: {  	[sflag:s0] =	ssyncset.done $0x0  }
0x67: {  	[sflag:s0] =	ssyncadd.s32 $0xFFFFFF80  }
0x68: {  	[spmem:s1] =	stream.indirect.scatter.add.f32 [tilespmem:s26], [sflag:$0x8], $0x80, s22, s21, $0xb8;
	[tilespmem:$0x1C200] =	vst v63  }
0x69: {  	s12 =	sadd.s32 s11, s16  }
0x6a: {  	[tilespmem:s21], [sflag:$0x2] =	stream.linear.gather [hbm4b:s12+s3], $0x80, $0x38;
	[tilespmem:$0x1C200] =	vst v63  }
0x6b: {  	_ =	swait.ge [sflag:s2], $0x4000  }
0x6c: {  	[sflag:s2] =	ssyncset.done $0x0  }
.Ltmp0:
0x6d: {  	s11 =	sadd.s32 s11, s15;
	[sflag:s2] =	ssyncadd.s32 $0xFFFFC000;
	(pc) =	sbr.rel @p0 .LBB2_2-.Ltmp0, $4  }
0x6e: {  	[tilespmem:s22], [sflag:$0x4] =	stream.linear.gather [hbm4b:s11+s3], $0x80, $0x38;
	[tilespmem:$0x1C200] =	vst v63  }
0x6f: {  	_ =	swait.ge [sflag:s25], $0x80  }
0x70: {  	[sflag:s25] =	ssyncset.done $0x0  }
0x71: {  	s10 =	sadd.s32 $0x100, s10;
	[sflag:s25] =	ssyncadd.s32 $0xFFFFFF80  }
0x72: {  	[tilespmem:s26], [sflag:$0x6] =	stream.indirect.gather [hbm4b:s4+s21], $0x80, s21, s21, $0xb8;
	[tilespmem:$0x1C200] =	vst v63  }
0x73: {  	_ =	swait.ge [sflag:s28], $0x4000  }
0x74: {  	[sflag:s28] =	ssyncset.done $0x0  }
0x75: {  	[sflag:s28] =	ssyncadd.s32 $0xFFFFC000  }
0x76: {  	_ =	swait.ge [sflag:s29], $0x80  }
0x77: {  	[sflag:s29] =	ssyncset.done $0x0  }
0x78: {  	[sflag:s29] =	ssyncadd.s32 $0xFFFFFF80  }
0x79: {  	[spmem:s1] =	stream.indirect.scatter.add.f32 [tilespmem:s24], [sflag:$0x7], $0x80, s20, s21, $0xb8;
	[tilespmem:$0x1C200] =	vst v63  }
0x7a: {  	_ =	swait.ge [sflag:s30], $0x4000  }
0x7b: {  	[sflag:s30] =	ssyncset.done $0x0  }
0x7c: {  	[sflag:s30] =	ssyncadd.s32 $0xFFFFC000  }
0x7d: {  	_ =	swait.ge [sflag:s31], $0x4000  }
0x7e: {  	[sflag:s31] =	ssyncset.done $0x0  }
0x7f: {  	[sflag:s31] =	ssyncadd.s32 $0xFFFFC000  }
0x80: {  	_ =	swait.ge [sflag:s0], $0x80  }
0x81: {  	[sflag:s0] =	ssyncset.done $0x0  }
0x82: {  	[sflag:s0] =	ssyncadd.s32 $0xFFFFFF80  }
0x83: {  	[spmem:s1] =	stream.indirect.scatter.add.f32 [tilespmem:s26], [sflag:$0x8], $0x80, s22, s21, $0xb8;
	[tilespmem:$0x1C200] =	vst v63  }
0x84: {  	_ =	swait.ge [sflag:s2], $0x4000  }
0x85: {  	[sflag:s2] =	ssyncset.done $0x0  }
0x86: {  	s7 =	sadd.s32 $0x1, s7;
	[sflag:s2] =	ssyncadd.s32 $0xFFFFC000  }
0x87: {  	p0 =	sne.s32 s7, s14;
	[bflag:$0x0] =	sbarrier.arrive $0xFFFF  }
.Ltmp1:
0x88: {  	s9 =	rddreg [dreg:$0x8];
	(pc) =	sbr.rel @p0 .LBB2_1-.Ltmp1, $4  }
0x89: {  	[hbm:s9], [sflag:s8] =	dma.local [spmem:s18], $0x2800  }
0x8a: {  	_ =	swait.ge [sflag:s19], $0x2800  }
0x8b: {  	[sflag:s19] =	ssyncset.done $0x0  }
0x8c: {  	[sflag:s19] =	ssyncadd.s32 $0xFFFFD800  }
0x8d: {  	_ =	sfence.sel $0x180000  }
0x8e: {  	[bflag:$0x0] =	sbarrier.arrive $0xFFFF  }
0x8f: {  	_ =	strace $0x9000004D  }
0x90: {  	s0 =	stileid.u32;
	[bflag:$0x2] =	sbarrier.arrive $0xFFFF  }
0x91: {  	p0 =	sne.s32 s0, $0x0;
	s0 =	rddreg [dreg:$0x2]  }
0x92: {  	s0 =	sadd.s32 @!p0 $0x100000, s0  }
0x93: {  	[sflag:s0] =	ssyncadd.tile.s32 @!p0 $0x1;
	_ =	shalt  }
.Lfunc_end2:
_tile_overlayer_lowered:
.L_overlay_start_2:
0x94: {  	(tag) =	ssettag $0x2  }
0x95: {  	s0 =	rddreg [dreg:$0x0];
	s2 =	stileid.u32  }
0x96: {  	s1 =	rddreg [dreg:$0x1];
	p0 =	sne.s32 s2, $0x0  }
0x97: {  	s3 =	rddreg [dreg:$0x2];
	[bflag:$0x3] =	sbarrier.arrive $0xFFFF;
	s2 =	simm.s32 @!p0 $0x1C09  }
0x98: {  	[timem:s3], [sflag:s2] =	dma.local @!p0 [hbm:s0], s1  }
0x99: {  	s0 =	simm.s32 @!p0 $0x9  }
0x9a: {  	_ =	swait.ge @!p0 [sflag:s0], s1  }
0x9b: {  	s1 =	ssub.s32 @!p0 $0x0, s1;
	[sflag:s0] =	ssyncset.done @!p0 $0x0  }
0x9c: {  	[sflag:s0] =	ssyncadd.s32 @!p0 s1  }
0x9d: {  	[bflag:$0x3] =	sbarrier.arrive $0xFFFF  }
0x9e: {  	_ =	shalt  }

// kernel: kernel.23.cloned.1.call-start
scs
__scs_entry_jumppad:
0x0: {  	(pc) =	sbr.rel $0x88, $3  }
0x1: {  	(tag) =	ssettag $0x0;
	lr =	simm.s32 $0x1  }
0x2: {  	[smem:$0x3F92] =	sst lr;
	_ =	strace $0xD0000000  }
0x3: {  	_ = 	snop  }
0x4: {  	_ = 	snop  }
0x5: {  	_ = 	snop  }
0x6: {  	_ = 	snop  }
0x7: {  	_ = 	snop  }
__scs_overlays_trampoline_lowered:
0x8: {  	[smem:$0x3FA1] =	sst s0  }
0x9: {  	[smem:$0x3FA2] =	sst s1  }
0xa: {  	[smem:$0x3FA3] =	sst s2  }
0xb: {  	[smem:$0x3FA4] =	sst s3  }
0xc: {  	[smem:$0x3FA5] =	sst s4  }
0xd: {  	[smem:$0x3FA6] =	sst s5  }
0xe: {  	[smem:$0x3FA7] =	sst s6  }
0xf: {  	[smem:$0x3FA8] =	sst s7  }
0x10: {  	[smem:$0x3FA9] =	sst s8  }
0x11: {  	[smem:$0x3FAA] =	sst s9;
	s0 =	simm.s32 @!p0 $0x0  }
0x12: {  	s1 =	sld [smem:$0x3F90];
	s0 =	simm.s32 @p0 $0x1  }
0x13: {  	[smem:$0x3FAB] =	sst s0;
	s0 =	simm.s32 @!p1 $0x0  }
0x14: {  	s2 =	sld [smem:$0x3F8F];
	s0 =	simm.s32 @p1 $0x1  }
0x15: {  	[smem:$0x3FAC] =	sst s0;
	s0 =	simm.s32 @!p2 $0x0  }
0x16: {  	s3 =	sld [smem:$0x3FDB];
	s0 =	simm.s32 @p2 $0x1  }
0x17: {  	s4 =	simm.s32 $0x1BF5;
	[smem:$0x3FAE] =	sst s0  }
0x18: {  	s0 =	sld [smem:$0x3F91];
	_ =	swait.ge [sflag:s4], $0x0  }
0x19: {  	s7 =	sld [smem:$0x3F92]  }
0x1a: {  	s8 =	sadd.s32 $0xFFFFE003, lr  }
0x1b: {  	s9 =	sadd.s32 $0xFFFFFEF7, lr;
	s5 =	simm.s32 $0xFFFFFFFF;
	p2 =	slt.u32 s8, $0xFFFFF086  }
0x1c: {  	p1 =	slt.u32 s9, $0xF7A;
	s5 =	simm.s32 @!p2 $0x0  }
0x1d: {  	s5 =	simm.s32 @p1 $0x1;
	p0 =	seq.s32 s7, s2  }
0x1e: {  	s7 =	smul.u32 @!p0 $0xF7A, s2;
	p2 =	seq.s32 @!p0 s5, $0x0  }
0x1f: {  	s9 =	smul.u32 $0xF7A, s1;
	s8 =	simm.s32 @!p0 $0x1BF5;
	p2 =	por !p2, p0  }
0x20: {  	[sflag:s8] =	ssyncset.s32 @!p0 $0xFFFFF086;
	s6 =	sadd.s32 @!p0 s3, s7;
	s7 =	simm.s32 @!p0 $0x108  }
0x21: {  	s3 =	sadd.s32 s3, s9;
	s6 =	sadd.s32 @!p0 $0x88, s6;
	s7 =	simm.s32 @p2 $0x1082  }
0x22: {  	[simem:s7], [sflag:s8] =	dma.local @!p0 [hbm:s6], $0xF7A  }
0x23: {  	s9 =	sor.u32 $0xD0000000, s2;
	s6 =	simm.s32 $0x108;
	_ =	swait.ge @!p0 [sflag:s8], $0x0  }
0x24: {  	s3 =	sadd.s32 $0x88, s3;
	s6 =	simm.s32 @!p1 $0x1082;
	[sflag:s4] =	ssyncset.s32 $0xFFFFF086  }
0x25: {  	[simem:s6], [sflag:s4] =	dma.local [hbm:s3], $0xF7A  }
0x26: {  	[smem:$0x3F92] =	sst s1;
	(tag) =	ssettag s2;
	_ =	strace s9  }
0x27: {  	s1 =	sld [smem:$0x3FA2]  }
0x28: {  	s2 =	sld [smem:$0x3FA3]  }
0x29: {  	s4 =	sld [smem:$0x3FA5]  }
0x2a: {  	p0 =	seq.s32 s5, $0x0;
	s5 =	sld [smem:$0x3FA6]  }
0x2b: {  	s6 =	sld [smem:$0x3FA7]  }
0x2c: {  	s7 =	sld [smem:$0x3FA8]  }
0x2d: {  	s3 =	simm.s32 $0x108;
	s8 =	sld [smem:$0x3FA9]  }
0x2e: {  	s3 =	simm.s32 @!p0 $0x1082;
	s9 =	sld [smem:$0x3FAA]  }
0x2f: {  	lr =	sadd.s32 s0, s3;
	s0 =	sld [smem:$0x3FA1]  }
0x30: {  	s3 =	sld [smem:$0x3FA4]  }
0x31: {  	[smem:$0x3FAD] =	sst s10  }
0x32: {  	s10 =	sld [smem:$0x3FAB];
	_ =	sdelay $0x3  }
0x33: {  	p0 =	seq.s32 s10, $0x1;
	s10 =	sld [smem:$0x3FAD];
	_ =	sdelay $0x3  }
0x34: {  	[smem:$0x3FAD] =	sst s10  }
0x35: {  	s10 =	sld [smem:$0x3FAC];
	_ =	sdelay $0x3  }
0x36: {  	p1 =	seq.s32 s10, $0x1;
	s10 =	sld [smem:$0x3FAD];
	_ =	sdelay $0x3  }
0x37: {  	[smem:$0x3FAD] =	sst s10  }
0x38: {  	s10 =	sld [smem:$0x3FAE]  }
0x39: {  	_ = 	snop;
	(pc) =	sbr.ind lr, $3  }
0x3a: {  	_ = 	snop  }
0x3b: {  	_ = 	snop  }
0x3c: {  	p2 =	seq.s32 s10, $0x1;
	s10 =	sld [smem:$0x3FAD]  }
0x3d: {  	_ =	shalt  }
0x3e: {  	_ =	shalt  }
0x3f: {  	_ =	shalt  }
0x40: {  	_ =	shalt  }
0x41: {  	_ =	shalt  }
0x42: {  	_ =	shalt  }
0x43: {  	_ =	shalt  }
0x44: {  	_ =	shalt  }
0x45: {  	_ =	shalt  }
0x46: {  	_ =	shalt  }
0x47: {  	_ =	shalt  }
0x48: {  	_ =	shalt  }
0x49: {  	_ =	shalt  }
0x4a: {  	_ =	shalt  }
0x4b: {  	_ =	shalt  }
0x4c: {  	_ =	shalt  }
0x4d: {  	_ =	shalt  }
0x4e: {  	_ =	shalt  }
0x4f: {  	_ =	shalt  }
0x50: {  	_ =	shalt  }
0x51: {  	_ =	shalt  }
0x52: {  	_ =	shalt  }
0x53: {  	_ =	shalt  }
0x54: {  	_ =	shalt  }
0x55: {  	_ =	shalt  }
0x56: {  	_ =	shalt  }
0x57: {  	_ =	shalt  }
0x58: {  	_ =	shalt  }
0x59: {  	_ =	shalt  }
0x5a: {  	_ =	shalt  }
0x5b: {  	_ =	shalt  }
0x5c: {  	_ =	shalt  }
0x5d: {  	_ =	shalt  }
0x5e: {  	_ =	shalt  }
0x5f: {  	_ =	shalt  }
0x60: {  	_ =	shalt  }
0x61: {  	_ =	shalt  }
0x62: {  	_ =	shalt  }
0x63: {  	_ =	shalt  }
0x64: {  	_ =	shalt  }
0x65: {  	_ =	shalt  }
0x66: {  	_ =	shalt  }
0x67: {  	_ =	shalt  }
0x68: {  	_ =	shalt  }
0x69: {  	_ =	shalt  }
0x6a: {  	_ =	shalt  }
0x6b: {  	_ =	shalt  }
0x6c: {  	_ =	shalt  }
0x6d: {  	_ =	shalt  }
0x6e: {  	_ =	shalt  }
0x6f: {  	_ =	shalt  }
0x70: {  	_ =	shalt  }
0x71: {  	_ =	shalt  }
0x72: {  	_ =	shalt  }
0x73: {  	_ =	shalt  }
0x74: {  	_ =	shalt  }
0x75: {  	_ =	shalt  }
0x76: {  	_ =	shalt  }
0x77: {  	_ =	shalt  }
0x78: {  	_ =	shalt  }
0x79: {  	_ =	shalt  }
0x7a: {  	_ =	shalt  }
0x7b: {  	_ =	shalt  }
0x7c: {  	_ =	shalt  }
0x7d: {  	_ =	shalt  }
0x7e: {  	_ =	shalt  }
0x7f: {  	_ =	shalt  }
0x80: {  	_ =	shalt  }
0x81: {  	_ =	shalt  }
0x82: {  	_ =	shalt  }
0x83: {  	_ =	shalt  }
0x84: {  	_ =	shalt  }
0x85: {  	_ =	shalt  }
0x86: {  	_ =	shalt  }
0x87: {  	_ =	shalt  }
.Lfunc_end0:
.L_simem_size_0:
called_computation.3_lowered:
.L_overlay_start_0:
0x88: {  	s2 =	sld [smem:$0x3FD9]  }
0x89: {  	s3 =	sld [smem:$0x3FFE];
	_ =	sdelay $0x1  }
0x8a: {  	s1 =	srdreg.scid  }
0x8b: {  	s0 =	sand.u32 $0x1, s1  }
0x8c: {  	s16 =	sshll.u32 s0, $0xA;
	s2 =	sadd.s32 s3, s2  }
0x8d: {  	s2 =	sadd.s32 s2, s16  }
0x8e: {  	[smem:$0x3FB9] =	sst s2  }
0x8f: {  	_ = 	snop  }
0x90: {  	(tm) =	ssettm $0x1  }
0x91: {  	s17 =	sld [smem:$0x3FFB];
	_ =	sdelay $0x3  }
0x92: {  	_ =	strace s17  }
0x93: {  	s2 =	sld [smem:$0x3FFC];
	_ =	sdelay $0x3  }
0x94: {  	_ =	strace s2  }
0x95: {  	s2 =	sld [smem:$0x3FFD];
	_ =	sdelay $0x3  }
0x96: {  	_ =	strace s2  }
0x97: {  	_ =	strace $0x8FFFFFFF  }
0x98: {  	s18 =	sld [smem:$0x3FDB];
	_ =	sdelay $0x1  }
0x99: {  	s19 =	simm.s32 $_scs_section_size  }
0x9a: {  	s4 =	simm.s32 $_size__tile_overlayer_lowered;
	s5 =	simm.s32 $_tile_overlayer_lowered  }
0x9b: {  	s22 =	simm.s32 $0x1BFF;
	s21 =	sshll.u32 s5, $0x1;
	s2 =	sadd.s32 s19, s18  }
0x9c: {  	s6 =	simm.s32 $0x0;
	s20 =	sshll.u32 s4, $0x1;
	s4 =	sadd.s32 s21, s2  }
0x9d: {  	[timem:s6], [sflag:s22] =	dma.local [hbm:s4], s20  }
0x9e: {  	_ =	swait.ge [sflag:s22], s20  }
0x9f: {  	s3 =	ssub.s32 $0x0, s20;
	[sflag:s22] =	ssyncset.done $0x0  }
0xa0: {  	[sflag:s22] =	ssyncadd.s32 s3;
	_ =	sdelay $0x1  }
0xa1: {  	s23 =	simm.s32 $0x1B8B  }
0xa2: {  	_ =	swait.ge [sflag:s23], $0x1  }
0xa3: {  	[sflag:s23] =	ssyncset.done $0x0  }
0xa4: {  	s25 =	simm.s32 $0x1B8E;
	s24 =	sld [smem:$0x3FFE];
	[sflag:s23] =	ssyncadd.s32 $0xFFFFFFFF  }
0xa5: {  	s26 =	simm.s32 $execute0_lowered;
	[smem:$0x3FD2] =	sst s25  }
0xa6: {  	s4 =	sshll.u32 s26, $0x1;
	_ =	strace $0x8000004F;
	[dreg:$0x1] =	wrdreg $0xFFFFFFFF  }
0xa7: {  	s28 =	simm.s32 $_size_execute0_lowered;
	s2 =	sadd.s32 s2, s4;
	[dreg:$0x0] =	wrdreg $0x0  }
0xa8: {  	s4 =	sshll.u32 s28, $0x1;
	[dreg:$0x2] =	wrdreg s2  }
0xa9: {  	[dreg:$0x3] =	wrdreg s4  }
0xaa: {  	[dreg:$0x4] =	wrdreg $0xC0  }
0xab: {  	_ =	task [dreg:s6], $0x5FFFF  }
0xac: {  	[dreg:$0x1] =	wrdreg $0xFFFFFFFF  }
0xad: {  	[dreg:$0x0] =	wrdreg $0x60  }
0xae: {  	[dreg:$0x2] =	wrdreg s24  }
0xaf: {  	[dreg:$0x3] =	wrdreg $0x82000  }
0xb0: {  	[dreg:$0x4] =	wrdreg $0x9  }
0xb1: {  	_ =	task.clear_ibuf [dreg:s6], $0x5FFFF;
	_ =	strace $0x9000004F  }
0xb2: {  	s29 =	simm.s32 $0x9;
	_ =	strace $0x80000051  }
0xb3: {  	_ =	swait.ge [sflag:s29], $0x1  }
0xb4: {  	[sflag:s29] =	ssyncadd.s32 $0xFFFFFFFF  }
0xb5: {  	_ =	strace $0x90000051  }
0xb6: {  	_ =	sfence  }
0xb7: {  	s30 =	sld [smem:$0x0];
	_ =	sdelay $0x2  }
0xb8: {  	s31 =	sshll.u32 s1, $0xD;
	s1 =	sshrl.u32 s1, $0x2  }
0xb9: {  	s3 =	sand.u32 $0x4000, s31;
	s1 =	sadd.s32 s1, s30  }
0xba: {  	s0 =	sor.u32 s3, s0;
	s1 =	sshll.u32 s1, $0x11  }
0xbb: {  	s0 =	sor.u32 s1, s0  }
0xbc: {  	s0 =	sadd.s32 $0x8F2B, s0  }
0xbd: {  	[sflag:s0] =	ssyncadd.remote.s32 $0x1  }
0xbe: {  	_ =	sfence.sel $0xFFFF  }
0xbf: {  	[dreg:$0x0] =	wrdreg $0xFFFFFFFF;
	(pc) =	sbr.abs _section_cstart, $3  }
0xc0: {  	[dreg:$0x1] =	wrdreg $0xFFFFFFFF  }
0xc1: {  	_ =	task.clear_ibuf [dreg:s6], $0x2FFFF;
	_ =	strace $0x9FFFFFFF  }
0xc2: {  	(tm) =	ssettm $0x7FFFFFFF  }
0xc3: {  	_ =	shalt  }
tec
execute0_lowered:
.L_overlay_start_1:
0x0: {  	(tag) =	ssettag $0x1  }
0x1: {  	s0 =	rddreg [dreg:$0x0]  }
0x2: {  	s1 =	rddreg [dreg:$0x1];
	s2 =	srdreg.scid  }
0x3: {  	s3 =	simm.s32 $0x0;
	s12 =	stileid.u32;
	s28 =	simm.s32 $0x5  }
0x4: {  	s29 =	simm.s32 $0x3;
	s30 =	simm.s32 $0x7;
	s31 =	simm.s32 $0x6  }
0x5: {  	s2 =	sand.u32 $0x1, s2;
	[smem:$0x7FF] =	sst s3;
	s8 =	smul.u32 $0x280, s12  }
0x6: {  	s4 =	sadd.s32 $0x40600, s0;
	s5 =	sadd.s32 $0x18E00, s0;
	s9 =	smul.u32 $0x50000, s12  }
0x7: {  	s6 =	sadd.s32 $0x2CA00, s0;
	s20 =	smul.u32 $0x4F00, s12;
	s21 =	sshll.u32 s12, $0x6  }
0x8: {  	s7 =	smul.u32 $0x2800, s2;
	_ =	strace $0x80000050;
	s10 =	ssub.s32 $0x2, s2  }
0x9: {  	s19 =	sshll.u32 s2, $0x4;
	s2 =	smul.u32 $0x4F000, s2;
	s11 =	sshrl.u32 s10, $0x1  }
0xa: {  	s9 =	sshrl.u32 s9, $0x2;
	s7 =	sadd.s32 s8, s7;
	s8 =	sor.u32 s12, s19  }
0xb: {  	s10 =	ssub.s32 s10, s11;
	s9 =	sadd.s32 s9, s1;
	s2 =	sadd.s32 s20, s2  }
0xc: {  	s19 =	simm.s32 $0x9;
	s20 =	simm.s32 $0x100;
	s7 =	sshll.u32 s7, $0x4  }
0xd: {  	s8 =	smul.u32 $0x4F00, s8;
	s11 =	sadd.s32 $0x180, s2;
	s14 =	smax.u32 s10, $0x1  }
0xe: {  	s17 =	sadd.s32 $0x100, s2;
	s18 =	sshrl.u32 s9, $0x3;
	s2 =	simm.s32 $0x8  }
0xf: {  	s0 =	sadd.s32 s7, s0;
	s7 =	sadd.s32 s4, s7;
	s26 =	sshrl.u32 s11, $0x3  }
0x10: {  	[dreg:$0x3] =	wrdreg s7;
	s22 =	sshrl.u32 s8, $0x3;
	s8 =	sor.u32 $0x1C09, s21  }
0x11: {  	s0 =	sadd.s32 $0x90600, s0;
	s15 =	sadd.s32 s26, s6;
	s16 =	sadd.s32 s26, s5  }
0x12: {  	s21 =	simm.s32 $0x80;
	s26 =	simm.s32 $0x4200;
	s23 =	sadd.s32 s5, s22  }
0x13: {  	s24 =	sadd.s32 s6, s22;
	s25 =	sor.u32 $0x10, s22;
	[dreg:$0x8] =	wrdreg s0  }
0x14: {  	s22 =	simm.s32 $0x180;
	s0 =	simm.s32 $0x4;
	[dreg:$0x4] =	wrdreg s23  }
0x15: {  	[dreg:$0x5] =	wrdreg s24;
	s12 =	sadd.s32 s5, s25;
	s7 =	sadd.s32 s6, s25  }
0x16: {  	s23 =	simm.s32 $0x1;
	s24 =	simm.s32 $0x200;
	[dreg:$0x6] =	wrdreg s12  }
0x17: {  	s25 =	simm.s32 $0x2;
	[dreg:$0x7] =	wrdreg s7;
	s7 =	simm.s32 $0x0  }
.LBB2_1:
0x18: {  	s9 =	rddreg [dreg:$0x3]  }
0x19: {  	[spmem:s18], [sflag:s8] =	dma.local [hbm:s9], $0x2800  }
0x1a: {  	_ =	swait.ge [sflag:s19], $0x2800  }
0x1b: {  	[sflag:s19] =	ssyncset.done $0x0  }
0x1c: {  	[sflag:s19] =	ssyncadd.s32 $0xFFFFD800  }
0x1d: {  	[bflag:$0x0] =	sbarrier.arrive $0xFFFF  }
0x1e: {  	s11 =	rddreg [dreg:$0x4]  }
0x1f: {  	[tilespmem:s3], [sflag:$0x1] =	stream.linear.gather [hbm4b:s11+s3], $0x80, $0x38;
	[tilespmem:$0x1C200] =	vst v63  }
0x20: {  	s12 =	rddreg [dreg:$0x5]  }
0x21: {  	[tilespmem:s20], [sflag:$0x3] =	stream.linear.gather [hbm4b:s12+s3], $0x80, $0x38;
	[tilespmem:$0x1C200] =	vst v63  }
0x22: {  	s13 =	rddreg [dreg:$0x6]  }
0x23: {  	[tilespmem:s21], [sflag:$0x2] =	stream.linear.gather [hbm4b:s13+s3], $0x80, $0x38;
	[tilespmem:$0x1C200] =	vst v63  }
0x24: {  	s10 =	rddreg [dreg:$0x7]  }
0x25: {  	[tilespmem:s22], [sflag:$0x4] =	stream.linear.gather [hbm4b:s10+s3], $0x80, $0x38;
	[tilespmem:$0x1C200] =	vst v63  }
0x26: {  	_ =	swait.ge [sflag:s23], $0x80  }
0x27: {  	[sflag:s23] =	ssyncset.done $0x0  }
0x28: {  	[sflag:s23] =	ssyncadd.s32 $0xFFFFFF80  }
0x29: {  	[tilespmem:s24], [sflag:$0x5] =	stream.indirect.gather [hbm4b:s4+s21], $0x80, s3, s21, $0xb8;
	[tilespmem:$0x1C200] =	vst v63  }
0x2a: {  	_ =	swait.ge [sflag:s25], $0x80  }
0x2b: {  	[sflag:s25] =	ssyncset.done $0x0  }
0x2c: {  	[sflag:s25] =	ssyncadd.s32 $0xFFFFFF80  }
0x2d: {  	[tilespmem:s26], [sflag:$0x6] =	stream.indirect.gather [hbm4b:s4+s21], $0x80, s21, s21, $0xb8;
	[tilespmem:$0x1C200] =	vst v63  }
0x2e: {  	_ =	swait.ge [sflag:s28], $0x4000  }
0x2f: {  	[sflag:s28] =	ssyncset.done $0x0  }
0x30: {  	[sflag:s28] =	ssyncadd.s32 $0xFFFFC000  }
0x31: {  	_ =	swait.ge [sflag:s29], $0x80  }
0x32: {  	[sflag:s29] =	ssyncset.done $0x0  }
0x33: {  	s11 =	sshrl.u32 s17, $0x3;
	[sflag:s29] =	ssyncadd.s32 $0xFFFFFF80  }
0x34: {  	[spmem:s1] =	stream.indirect.scatter.add.f32 [tilespmem:s24], [sflag:$0x7], $0x80, s20, s21, $0xb8;
	[tilespmem:$0x1C200] =	vst v63  }
0x35: {  	s10 =	sadd.s32 s5, s11  }
0x36: {  	[tilespmem:s3], [sflag:$0x1] =	stream.linear.gather [hbm4b:s10+s3], $0x80, $0x38;
	[tilespmem:$0x1C200] =	vst v63  }
0x37: {  	_ =	swait.ge [sflag:s30], $0x4000  }
0x38: {  	[sflag:s30] =	ssyncset.done $0x0  }
0x39: {  	s9 =	sadd.s32 s6, s11;
	[sflag:s30] =	ssyncadd.s32 $0xFFFFC000  }
0x3a: {  	[tilespmem:s20], [sflag:$0x3] =	stream.linear.gather [hbm4b:s9+s3], $0x80, $0x38;
	[tilespmem:$0x1C200] =	vst v63  }
0x3b: {  	_ =	swait.ge [sflag:s23], $0x80  }
0x3c: {  	[sflag:s23] =	ssyncset.done $0x0  }
0x3d: {  	[sflag:s23] =	ssyncadd.s32 $0xFFFFFF80  }
0x3e: {  	[tilespmem:s24], [sflag:$0x5] =	stream.indirect.gather [hbm4b:s4+s21], $0x80, s3, s21, $0xb8;
	[tilespmem:$0x1C200] =	vst v63  }
0x3f: {  	_ =	swait.ge [sflag:s31], $0x4000  }
0x40: {  	[sflag:s31] =	ssyncset.done $0x0  }
0x41: {  	[sflag:s31] =	ssyncadd.s32 $0xFFFFC000  }
0x42: {  	_ =	swait.ge [sflag:s0], $0x80  }
0x43: {  	[sflag:s0] =	ssyncset.done $0x0  }
0x44: {  	[sflag:s0] =	ssyncadd.s32 $0xFFFFFF80  }
0x45: {  	[spmem:s1] =	stream.indirect.scatter.add.f32 [tilespmem:s26], [sflag:$0x8], $0x80, s22, s21, $0xb8;
	[tilespmem:$0x1C200] =	vst v63  }
0x46: {  	s12 =	sadd.s32 $0x0, s16  }
0x47: {  	[tilespmem:s21], [sflag:$0x2] =	stream.linear.gather [hbm4b:s12+s3], $0x80, $0x38;
	[tilespmem:$0x1C200] =	vst v63  }
0x48: {  	_ =	swait.ge [sflag:s2], $0x4000  }
0x49: {  	[sflag:s2] =	ssyncset.done $0x0  }
0x4a: {  	s13 =	sadd.s32 $0x0, s15;
	[sflag:s2] =	ssyncadd.s32 $0xFFFFC000  }
0x4b: {  	[tilespmem:s22], [sflag:$0x4] =	stream.linear.gather [hbm4b:s13+s3], $0x80, $0x38;
	[tilespmem:$0x1C200] =	vst v63  }
0x4c: {  	_ =	swait.ge [sflag:s25], $0x80  }
0x4d: {  	[sflag:s25] =	ssyncset.done $0x0  }
0x4e: {  	s10 =	sadd.s32 $0x100, s17;
	s9 =	simm.s32 $0x20;
	[sflag:s25] =	ssyncadd.s32 $0xFFFFFF80  }
.LBB2_2:
0x4f: {  	[tilespmem:s26], [sflag:$0x6] =	stream.indirect.gather [hbm4b:s4+s21], $0x80, s21, s21, $0xb8;
	[tilespmem:$0x1C200] =	vst v63  }
0x50: {  	s11 =	smov.u32 s9  }
0x51: {  	p0 =	sne.s32 s9, $0x9A0;
	s9 =	sadd.s32 $0x20, s9;
	_ =	swait.ge [sflag:s28], $0x4000  }
0x52: {  	[sflag:s28] =	ssyncset.done $0x0  }
0x53: {  	[sflag:s28] =	ssyncadd.s32 $0xFFFFC000  }
0x54: {  	_ =	swait.ge [sflag:s29], $0x80  }
0x55: {  	[sflag:s29] =	ssyncset.done $0x0  }
0x56: {  	s12 =	sshrl.u32 s10, $0x3;
	[sflag:s29] =	ssyncadd.s32 $0xFFFFFF80  }
0x57: {  	[spmem:s1] =	stream.indirect.scatter.add.f32 [tilespmem:s24], [sflag:$0x7], $0x80, s20, s21, $0xb8;
	[tilespmem:$0x1C200] =	vst v63  }
0x58: {  	s13 =	sadd.s32 s5, s12  }
0x59: {  	[tilespmem:s3], [sflag:$0x1] =	stream.linear.gather [hbm4b:s13+s3], $0x80, $0x38;
	[tilespmem:$0x1C200] =	vst v63  }
0x5a: {  	_ =	swait.ge [sflag:s30], $0x4000  }
0x5b: {  	[sflag:s30] =	ssyncset.done $0x0  }
0x5c: {  	s12 =	sadd.s32 s6, s12;
	[sflag:s30] =	ssyncadd.s32 $0xFFFFC000  }
0x5d: {  	[tilespmem:s20], [sflag:$0x3] =	stream.linear.gather [hbm4b:s12+s3], $0x80, $0x38;
	[tilespmem:$0x1C200] =	vst v63  }
0x5e: {  	_ =	swait.ge [sflag:s23], $0x80  }
0x5f: {  	[sflag:s23] =	ssyncset.done $0x0  }
0x60: {  	[sflag:s23] =	ssyncadd.s32 $0xFFFFFF80  }
0x61: {  	[tilespmem:s24], [sflag:$0x5] =	stream.indirect.gather [hbm4b:s4+s21], $0x80, s3, s21, $0xb8;
	[tilespmem:$0x1C200] =	vst v63  }
0x62: {  	_ =	swait.ge [sflag:s31], $0x4000  }
0x63: {  	[sflag:s31] =	ssyncset.done $0x0  }
0x64: {  	[sflag:s31] =	ssyncadd.s32 $0xFFFFC000  }
0x65: {  	_ =	swait.ge [sflag:s0], $0x80  }
0x66: {  	[sflag:s0] =	ssyncset.done $0x0  }
0x67: {  	[sflag:s0] =	ssyncadd.s32 $0xFFFFFF80  }
0x68: {  	[spmem:s1] =	stream.indirect.scatter.add.f32 [tilespmem:s26], [sflag:$0x8], $0x80, s22, s21, $0xb8;
	[tilespmem:$0x1C200] =	vst v63  }
0x69: {  	s12 =	sadd.s32 s11, s16  }
0x6a: {  	[tilespmem:s21], [sflag:$0x2] =	stream.linear.gather [hbm4b:s12+s3], $0x80, $0x38;
	[tilespmem:$0x1C200] =	vst v63  }
0x6b: {  	_ =	swait.ge [sflag:s2], $0x4000  }
0x6c: {  	[sflag:s2] =	ssyncset.done $0x0  }
.Ltmp0:
0x6d: {  	s11 =	sadd.s32 s11, s15;
	[sflag:s2] =	ssyncadd.s32 $0xFFFFC000;
	(pc) =	sbr.rel @p0 .LBB2_2-.Ltmp0, $4  }
0x6e: {  	[tilespmem:s22], [sflag:$0x4] =	stream.linear.gather [hbm4b:s11+s3], $0x80, $0x38;
	[tilespmem:$0x1C200] =	vst v63  }
0x6f: {  	_ =	swait.ge [sflag:s25], $0x80  }
0x70: {  	[sflag:s25] =	ssyncset.done $0x0  }
0x71: {  	s10 =	sadd.s32 $0x100, s10;
	[sflag:s25] =	ssyncadd.s32 $0xFFFFFF80  }
0x72: {  	[tilespmem:s26], [sflag:$0x6] =	stream.indirect.gather [hbm4b:s4+s21], $0x80, s21, s21, $0xb8;
	[tilespmem:$0x1C200] =	vst v63  }
0x73: {  	_ =	swait.ge [sflag:s28], $0x4000  }
0x74: {  	[sflag:s28] =	ssyncset.done $0x0  }
0x75: {  	[sflag:s28] =	ssyncadd.s32 $0xFFFFC000  }
0x76: {  	_ =	swait.ge [sflag:s29], $0x80  }
0x77: {  	[sflag:s29] =	ssyncset.done $0x0  }
0x78: {  	[sflag:s29] =	ssyncadd.s32 $0xFFFFFF80  }
0x79: {  	[spmem:s1] =	stream.indirect.scatter.add.f32 [tilespmem:s24], [sflag:$0x7], $0x80, s20, s21, $0xb8;
	[tilespmem:$0x1C200] =	vst v63  }
0x7a: {  	_ =	swait.ge [sflag:s30], $0x4000  }
0x7b: {  	[sflag:s30] =	ssyncset.done $0x0  }
0x7c: {  	[sflag:s30] =	ssyncadd.s32 $0xFFFFC000  }
0x7d: {  	_ =	swait.ge [sflag:s31], $0x4000  }
0x7e: {  	[sflag:s31] =	ssyncset.done $0x0  }
0x7f: {  	[sflag:s31] =	ssyncadd.s32 $0xFFFFC000  }
0x80: {  	_ =	swait.ge [sflag:s0], $0x80  }
0x81: {  	[sflag:s0] =	ssyncset.done $0x0  }
0x82: {  	[sflag:s0] =	ssyncadd.s32 $0xFFFFFF80  }
0x83: {  	[spmem:s1] =	stream.indirect.scatter.add.f32 [tilespmem:s26], [sflag:$0x8], $0x80, s22, s21, $0xb8;
	[tilespmem:$0x1C200] =	vst v63  }
0x84: {  	_ =	swait.ge [sflag:s2], $0x4000  }
0x85: {  	[sflag:s2] =	ssyncset.done $0x0  }
0x86: {  	s7 =	sadd.s32 $0x1, s7;
	[sflag:s2] =	ssyncadd.s32 $0xFFFFC000  }
0x87: {  	p0 =	sne.s32 s7, s14;
	[bflag:$0x0] =	sbarrier.arrive $0xFFFF  }
.Ltmp1:
0x88: {  	s9 =	rddreg [dreg:$0x8];
	(pc) =	sbr.rel @p0 .LBB2_1-.Ltmp1, $4  }
0x89: {  	[hbm:s9], [sflag:s8] =	dma.local [spmem:s18], $0x2800  }
0x8a: {  	_ =	swait.ge [sflag:s19], $0x2800  }
0x8b: {  	[sflag:s19] =	ssyncset.done $0x0  }
0x8c: {  	[sflag:s19] =	ssyncadd.s32 $0xFFFFD800  }
0x8d: {  	_ =	sfence.sel $0x180000  }
0x8e: {  	[bflag:$0x0] =	sbarrier.arrive $0xFFFF  }
0x8f: {  	_ =	strace $0x90000050  }
0x90: {  	s0 =	stileid.u32;
	[bflag:$0x2] =	sbarrier.arrive $0xFFFF  }
0x91: {  	p0 =	sne.s32 s0, $0x0;
	s0 =	rddreg [dreg:$0x2]  }
0x92: {  	s0 =	sadd.s32 @!p0 $0x100000, s0  }
0x93: {  	[sflag:s0] =	ssyncadd.tile.s32 @!p0 $0x1;
	_ =	shalt  }
.Lfunc_end2:
_tile_overlayer_lowered:
.L_overlay_start_2:
0x94: {  	(tag) =	ssettag $0x2  }
0x95: {  	s0 =	rddreg [dreg:$0x0];
	s2 =	stileid.u32  }
0x96: {  	s1 =	rddreg [dreg:$0x1];
	p0 =	sne.s32 s2, $0x0  }
0x97: {  	s3 =	rddreg [dreg:$0x2];
	[bflag:$0x3] =	sbarrier.arrive $0xFFFF;
	s2 =	simm.s32 @!p0 $0x1C09  }
0x98: {  	[timem:s3], [sflag:s2] =	dma.local @!p0 [hbm:s0], s1  }
0x99: {  	s0 =	simm.s32 @!p0 $0x9  }
0x9a: {  	_ =	swait.ge @!p0 [sflag:s0], s1  }
0x9b: {  	s1 =	ssub.s32 @!p0 $0x0, s1;
	[sflag:s0] =	ssyncset.done @!p0 $0x0  }
0x9c: {  	[sflag:s0] =	ssyncadd.s32 @!p0 s1  }
0x9d: {  	[bflag:$0x3] =	sbarrier.arrive $0xFFFF  }
0x9e: {  	_ =	shalt  }

// kernel: kernel.26.cloned.1.call-start
scs
__scs_entry_jumppad:
0x0: {  	(pc) =	sbr.rel $0x88, $3  }
0x1: {  	(tag) =	ssettag $0x0;
	lr =	simm.s32 $0x1  }
0x2: {  	[smem:$0x3F92] =	sst lr;
	_ =	strace $0xD0000000  }
0x3: {  	_ = 	snop  }
0x4: {  	_ = 	snop  }
0x5: {  	_ = 	snop  }
0x6: {  	_ = 	snop  }
0x7: {  	_ = 	snop  }
__scs_overlays_trampoline_lowered:
0x8: {  	[smem:$0x3FA1] =	sst s0  }
0x9: {  	[smem:$0x3FA2] =	sst s1  }
0xa: {  	[smem:$0x3FA3] =	sst s2  }
0xb: {  	[smem:$0x3FA4] =	sst s3  }
0xc: {  	[smem:$0x3FA5] =	sst s4  }
0xd: {  	[smem:$0x3FA6] =	sst s5  }
0xe: {  	[smem:$0x3FA7] =	sst s6  }
0xf: {  	[smem:$0x3FA8] =	sst s7  }
0x10: {  	[smem:$0x3FA9] =	sst s8  }
0x11: {  	[smem:$0x3FAA] =	sst s9;
	s0 =	simm.s32 @!p0 $0x0  }
0x12: {  	s1 =	sld [smem:$0x3F90];
	s0 =	simm.s32 @p0 $0x1  }
0x13: {  	[smem:$0x3FAB] =	sst s0;
	s0 =	simm.s32 @!p1 $0x0  }
0x14: {  	s2 =	sld [smem:$0x3F8F];
	s0 =	simm.s32 @p1 $0x1  }
0x15: {  	[smem:$0x3FAC] =	sst s0;
	s0 =	simm.s32 @!p2 $0x0  }
0x16: {  	s3 =	sld [smem:$0x3FDB];
	s0 =	simm.s32 @p2 $0x1  }
0x17: {  	s4 =	simm.s32 $0x1BF5;
	[smem:$0x3FAE] =	sst s0  }
0x18: {  	s0 =	sld [smem:$0x3F91];
	_ =	swait.ge [sflag:s4], $0x0  }
0x19: {  	s7 =	sld [smem:$0x3F92]  }
0x1a: {  	s8 =	sadd.s32 $0xFFFFE003, lr  }
0x1b: {  	s9 =	sadd.s32 $0xFFFFFEF7, lr;
	s5 =	simm.s32 $0xFFFFFFFF;
	p2 =	slt.u32 s8, $0xFFFFF086  }
0x1c: {  	p1 =	slt.u32 s9, $0xF7A;
	s5 =	simm.s32 @!p2 $0x0  }
0x1d: {  	s5 =	simm.s32 @p1 $0x1;
	p0 =	seq.s32 s7, s2  }
0x1e: {  	s7 =	smul.u32 @!p0 $0xF7A, s2;
	p2 =	seq.s32 @!p0 s5, $0x0  }
0x1f: {  	s9 =	smul.u32 $0xF7A, s1;
	s8 =	simm.s32 @!p0 $0x1BF5;
	p2 =	por !p2, p0  }
0x20: {  	[sflag:s8] =	ssyncset.s32 @!p0 $0xFFFFF086;
	s6 =	sadd.s32 @!p0 s3, s7;
	s7 =	simm.s32 @!p0 $0x108  }
0x21: {  	s3 =	sadd.s32 s3, s9;
	s6 =	sadd.s32 @!p0 $0x88, s6;
	s7 =	simm.s32 @p2 $0x1082  }
0x22: {  	[simem:s7], [sflag:s8] =	dma.local @!p0 [hbm:s6], $0xF7A  }
0x23: {  	s9 =	sor.u32 $0xD0000000, s2;
	s6 =	simm.s32 $0x108;
	_ =	swait.ge @!p0 [sflag:s8], $0x0  }
0x24: {  	s3 =	sadd.s32 $0x88, s3;
	s6 =	simm.s32 @!p1 $0x1082;
	[sflag:s4] =	ssyncset.s32 $0xFFFFF086  }
0x25: {  	[simem:s6], [sflag:s4] =	dma.local [hbm:s3], $0xF7A  }
0x26: {  	[smem:$0x3F92] =	sst s1;
	(tag) =	ssettag s2;
	_ =	strace s9  }
0x27: {  	s1 =	sld [smem:$0x3FA2]  }
0x28: {  	s2 =	sld [smem:$0x3FA3]  }
0x29: {  	s4 =	sld [smem:$0x3FA5]  }
0x2a: {  	p0 =	seq.s32 s5, $0x0;
	s5 =	sld [smem:$0x3FA6]  }
0x2b: {  	s6 =	sld [smem:$0x3FA7]  }
0x2c: {  	s7 =	sld [smem:$0x3FA8]  }
0x2d: {  	s3 =	simm.s32 $0x108;
	s8 =	sld [smem:$0x3FA9]  }
0x2e: {  	s3 =	simm.s32 @!p0 $0x1082;
	s9 =	sld [smem:$0x3FAA]  }
0x2f: {  	lr =	sadd.s32 s0, s3;
	s0 =	sld [smem:$0x3FA1]  }
0x30: {  	s3 =	sld [smem:$0x3FA4]  }
0x31: {  	[smem:$0x3FAD] =	sst s10  }
0x32: {  	s10 =	sld [smem:$0x3FAB];
	_ =	sdelay $0x3  }
0x33: {  	p0 =	seq.s32 s10, $0x1;
	s10 =	sld [smem:$0x3FAD];
	_ =	sdelay $0x3  }
0x34: {  	[smem:$0x3FAD] =	sst s10  }
0x35: {  	s10 =	sld [smem:$0x3FAC];
	_ =	sdelay $0x3  }
0x36: {  	p1 =	seq.s32 s10, $0x1;
	s10 =	sld [smem:$0x3FAD];
	_ =	sdelay $0x3  }
0x37: {  	[smem:$0x3FAD] =	sst s10  }
0x38: {  	s10 =	sld [smem:$0x3FAE]  }
0x39: {  	_ = 	snop;
	(pc) =	sbr.ind lr, $3  }
0x3a: {  	_ = 	snop  }
0x3b: {  	_ = 	snop  }
0x3c: {  	p2 =	seq.s32 s10, $0x1;
	s10 =	sld [smem:$0x3FAD]  }
0x3d: {  	_ =	shalt  }
0x3e: {  	_ =	shalt  }
0x3f: {  	_ =	shalt  }
0x40: {  	_ =	shalt  }
0x41: {  	_ =	shalt  }
0x42: {  	_ =	shalt  }
0x43: {  	_ =	shalt  }
0x44: {  	_ =	shalt  }
0x45: {  	_ =	shalt  }
0x46: {  	_ =	shalt  }
0x47: {  	_ =	shalt  }
0x48: {  	_ =	shalt  }
0x49: {  	_ =	shalt  }
0x4a: {  	_ =	shalt  }
0x4b: {  	_ =	shalt  }
0x4c: {  	_ =	shalt  }
0x4d: {  	_ =	shalt  }
0x4e: {  	_ =	shalt  }
0x4f: {  	_ =	shalt  }
0x50: {  	_ =	shalt  }
0x51: {  	_ =	shalt  }
0x52: {  	_ =	shalt  }
0x53: {  	_ =	shalt  }
0x54: {  	_ =	shalt  }
0x55: {  	_ =	shalt  }
0x56: {  	_ =	shalt  }
0x57: {  	_ =	shalt  }
0x58: {  	_ =	shalt  }
0x59: {  	_ =	shalt  }
0x5a: {  	_ =	shalt  }
0x5b: {  	_ =	shalt  }
0x5c: {  	_ =	shalt  }
0x5d: {  	_ =	shalt  }
0x5e: {  	_ =	shalt  }
0x5f: {  	_ =	shalt  }
0x60: {  	_ =	shalt  }
0x61: {  	_ =	shalt  }
0x62: {  	_ =	shalt  }
0x63: {  	_ =	shalt  }
0x64: {  	_ =	shalt  }
0x65: {  	_ =	shalt  }
0x66: {  	_ =	shalt  }
0x67: {  	_ =	shalt  }
0x68: {  	_ =	shalt  }
0x69: {  	_ =	shalt  }
0x6a: {  	_ =	shalt  }
0x6b: {  	_ =	shalt  }
0x6c: {  	_ =	shalt  }
0x6d: {  	_ =	shalt  }
0x6e: {  	_ =	shalt  }
0x6f: {  	_ =	shalt  }
0x70: {  	_ =	shalt  }
0x71: {  	_ =	shalt  }
0x72: {  	_ =	shalt  }
0x73: {  	_ =	shalt  }
0x74: {  	_ =	shalt  }
0x75: {  	_ =	shalt  }
0x76: {  	_ =	shalt  }
0x77: {  	_ =	shalt  }
0x78: {  	_ =	shalt  }
0x79: {  	_ =	shalt  }
0x7a: {  	_ =	shalt  }
0x7b: {  	_ =	shalt  }
0x7c: {  	_ =	shalt  }
0x7d: {  	_ =	shalt  }
0x7e: {  	_ =	shalt  }
0x7f: {  	_ =	shalt  }
0x80: {  	_ =	shalt  }
0x81: {  	_ =	shalt  }
0x82: {  	_ =	shalt  }
0x83: {  	_ =	shalt  }
0x84: {  	_ =	shalt  }
0x85: {  	_ =	shalt  }
0x86: {  	_ =	shalt  }
0x87: {  	_ =	shalt  }
.Lfunc_end0:
.L_simem_size_0:
called_computation.4_lowered:
.L_overlay_start_0:
0x88: {  	s2 =	sld [smem:$0x3FD9]  }
0x89: {  	s3 =	sld [smem:$0x3FFE];
	_ =	sdelay $0x1  }
0x8a: {  	s1 =	srdreg.scid  }
0x8b: {  	s0 =	sand.u32 $0x1, s1  }
0x8c: {  	s16 =	sshll.u32 s0, $0xA;
	s2 =	sadd.s32 s3, s2  }
0x8d: {  	s2 =	sadd.s32 s2, s16  }
0x8e: {  	[smem:$0x3FB9] =	sst s2  }
0x8f: {  	_ = 	snop  }
0x90: {  	(tm) =	ssettm $0x1  }
0x91: {  	s17 =	sld [smem:$0x3FFB];
	_ =	sdelay $0x3  }
0x92: {  	_ =	strace s17  }
0x93: {  	s2 =	sld [smem:$0x3FFC];
	_ =	sdelay $0x3  }
0x94: {  	_ =	strace s2  }
0x95: {  	s2 =	sld [smem:$0x3FFD];
	_ =	sdelay $0x3  }
0x96: {  	_ =	strace s2  }
0x97: {  	_ =	strace $0x8FFFFFFF  }
0x98: {  	s18 =	sld [smem:$0x3FDB];
	_ =	sdelay $0x1  }
0x99: {  	s19 =	simm.s32 $_scs_section_size  }
0x9a: {  	s4 =	simm.s32 $_size__tile_overlayer_lowered;
	s5 =	simm.s32 $_tile_overlayer_lowered  }
0x9b: {  	s22 =	simm.s32 $0x1BFF;
	s21 =	sshll.u32 s5, $0x1;
	s2 =	sadd.s32 s19, s18  }
0x9c: {  	s6 =	simm.s32 $0x0;
	s20 =	sshll.u32 s4, $0x1;
	s4 =	sadd.s32 s21, s2  }
0x9d: {  	[timem:s6], [sflag:s22] =	dma.local [hbm:s4], s20  }
0x9e: {  	_ =	swait.ge [sflag:s22], s20  }
0x9f: {  	s3 =	ssub.s32 $0x0, s20;
	[sflag:s22] =	ssyncset.done $0x0  }
0xa0: {  	[sflag:s22] =	ssyncadd.s32 s3;
	_ =	sdelay $0x1  }
0xa1: {  	s23 =	simm.s32 $0x1B8B  }
0xa2: {  	_ =	swait.ge [sflag:s23], $0x1  }
0xa3: {  	[sflag:s23] =	ssyncset.done $0x0  }
0xa4: {  	s25 =	simm.s32 $0x1B8E;
	s24 =	sld [smem:$0x3FFE];
	[sflag:s23] =	ssyncadd.s32 $0xFFFFFFFF  }
0xa5: {  	s26 =	simm.s32 $execute0_lowered;
	[smem:$0x3FD2] =	sst s25  }
0xa6: {  	s4 =	sshll.u32 s26, $0x1;
	_ =	strace $0x80000052;
	[dreg:$0x1] =	wrdreg $0xFFFFFFFF  }
0xa7: {  	s28 =	simm.s32 $_size_execute0_lowered;
	s2 =	sadd.s32 s2, s4;
	[dreg:$0x0] =	wrdreg $0x0  }
0xa8: {  	s4 =	sshll.u32 s28, $0x1;
	[dreg:$0x2] =	wrdreg s2  }
0xa9: {  	[dreg:$0x3] =	wrdreg s4  }
0xaa: {  	[dreg:$0x4] =	wrdreg $0xC0  }
0xab: {  	_ =	task [dreg:s6], $0x5FFFF  }
0xac: {  	[dreg:$0x1] =	wrdreg $0xFFFFFFFF  }
0xad: {  	[dreg:$0x0] =	wrdreg $0x60  }
0xae: {  	[dreg:$0x2] =	wrdreg s24  }
0xaf: {  	[dreg:$0x3] =	wrdreg $0x82000  }
0xb0: {  	[dreg:$0x4] =	wrdreg $0x9  }
0xb1: {  	_ =	task.clear_ibuf [dreg:s6], $0x5FFFF;
	_ =	strace $0x90000052  }
0xb2: {  	s29 =	simm.s32 $0x9;
	_ =	strace $0x80000054  }
0xb3: {  	_ =	swait.ge [sflag:s29], $0x1  }
0xb4: {  	[sflag:s29] =	ssyncadd.s32 $0xFFFFFFFF  }
0xb5: {  	_ =	strace $0x90000054  }
0xb6: {  	_ =	sfence  }
0xb7: {  	s30 =	sld [smem:$0x0];
	_ =	sdelay $0x2  }
0xb8: {  	s31 =	sshll.u32 s1, $0xD;
	s1 =	sshrl.u32 s1, $0x2  }
0xb9: {  	s3 =	sand.u32 $0x4000, s31;
	s1 =	sadd.s32 s1, s30  }
0xba: {  	s0 =	sor.u32 s3, s0;
	s1 =	sshll.u32 s1, $0x11  }
0xbb: {  	s0 =	sor.u32 s1, s0  }
0xbc: {  	s0 =	sadd.s32 $0x8F2B, s0  }
0xbd: {  	[sflag:s0] =	ssyncadd.remote.s32 $0x1  }
0xbe: {  	_ =	sfence.sel $0xFFFF  }
0xbf: {  	[dreg:$0x0] =	wrdreg $0xFFFFFFFF;
	(pc) =	sbr.abs _section_cstart, $3  }
0xc0: {  	[dreg:$0x1] =	wrdreg $0xFFFFFFFF  }
0xc1: {  	_ =	task.clear_ibuf [dreg:s6], $0x2FFFF;
	_ =	strace $0x9FFFFFFF  }
0xc2: {  	(tm) =	ssettm $0x7FFFFFFF  }
0xc3: {  	_ =	shalt  }
tec
execute0_lowered:
.L_overlay_start_1:
0x0: {  	(tag) =	ssettag $0x1  }
0x1: {  	s0 =	rddreg [dreg:$0x0]  }
0x2: {  	s1 =	rddreg [dreg:$0x1];
	s2 =	srdreg.scid  }
0x3: {  	s3 =	simm.s32 $0x0;
	s12 =	stileid.u32;
	s28 =	simm.s32 $0x5  }
0x4: {  	s29 =	simm.s32 $0x3;
	s30 =	simm.s32 $0x7;
	s31 =	simm.s32 $0x6  }
0x5: {  	s2 =	sand.u32 $0x1, s2;
	[smem:$0x7FF] =	sst s3;
	s8 =	smul.u32 $0x280, s12  }
0x6: {  	s4 =	sadd.s32 $0x40600, s0;
	s5 =	sadd.s32 $0x18E00, s0;
	s9 =	smul.u32 $0x50000, s12  }
0x7: {  	s6 =	sadd.s32 $0x2CA00, s0;
	s20 =	smul.u32 $0x4F00, s12;
	s21 =	sshll.u32 s12, $0x6  }
0x8: {  	s7 =	smul.u32 $0x2800, s2;
	_ =	strace $0x80000053;
	s10 =	ssub.s32 $0x2, s2  }
0x9: {  	s19 =	sshll.u32 s2, $0x4;
	s2 =	smul.u32 $0x4F000, s2;
	s11 =	sshrl.u32 s10, $0x1  }
0xa: {  	s9 =	sshrl.u32 s9, $0x2;
	s7 =	sadd.s32 s8, s7;
	s8 =	sor.u32 s12, s19  }
0xb: {  	s10 =	ssub.s32 s10, s11;
	s9 =	sadd.s32 s9, s1;
	s2 =	sadd.s32 s20, s2  }
0xc: {  	s19 =	simm.s32 $0x9;
	s20 =	simm.s32 $0x100;
	s7 =	sshll.u32 s7, $0x4  }
0xd: {  	s8 =	smul.u32 $0x4F00, s8;
	s11 =	sadd.s32 $0x180, s2;
	s14 =	smax.u32 s10, $0x1  }
0xe: {  	s17 =	sadd.s32 $0x100, s2;
	s18 =	sshrl.u32 s9, $0x3;
	s2 =	simm.s32 $0x8  }
0xf: {  	s0 =	sadd.s32 s7, s0;
	s7 =	sadd.s32 s4, s7;
	s26 =	sshrl.u32 s11, $0x3  }
0x10: {  	[dreg:$0x3] =	wrdreg s7;
	s22 =	sshrl.u32 s8, $0x3;
	s8 =	sor.u32 $0x1C09, s21  }
0x11: {  	s0 =	sadd.s32 $0x90600, s0;
	s15 =	sadd.s32 s26, s6;
	s16 =	sadd.s32 s26, s5  }
0x12: {  	s21 =	simm.s32 $0x80;
	s26 =	simm.s32 $0x4200;
	s23 =	sadd.s32 s5, s22  }
0x13: {  	s24 =	sadd.s32 s6, s22;
	s25 =	sor.u32 $0x10, s22;
	[dreg:$0x8] =	wrdreg s0  }
0x14: {  	s22 =	simm.s32 $0x180;
	s0 =	simm.s32 $0x4;
	[dreg:$0x4] =	wrdreg s23  }
0x15: {  	[dreg:$0x5] =	wrdreg s24;
	s12 =	sadd.s32 s5, s25;
	s7 =	sadd.s32 s6, s25  }
0x16: {  	s23 =	simm.s32 $0x1;
	s24 =	simm.s32 $0x200;
	[dreg:$0x6] =	wrdreg s12  }
0x17: {  	s25 =	simm.s32 $0x2;
	[dreg:$0x7] =	wrdreg s7;
	s7 =	simm.s32 $0x0  }
.LBB2_1:
0x18: {  	s9 =	rddreg [dreg:$0x3]  }
0x19: {  	[spmem:s18], [sflag:s8] =	dma.local [hbm:s9], $0x2800  }
0x1a: {  	_ =	swait.ge [sflag:s19], $0x2800  }
0x1b: {  	[sflag:s19] =	ssyncset.done $0x0  }
0x1c: {  	[sflag:s19] =	ssyncadd.s32 $0xFFFFD800  }
0x1d: {  	[bflag:$0x0] =	sbarrier.arrive $0xFFFF  }
0x1e: {  	s11 =	rddreg [dreg:$0x4]  }
0x1f: {  	[tilespmem:s3], [sflag:$0x1] =	stream.linear.gather [hbm4b:s11+s3], $0x80, $0x38;
	[tilespmem:$0x1C200] =	vst v63  }
0x20: {  	s12 =	rddreg [dreg:$0x5]  }
0x21: {  	[tilespmem:s20], [sflag:$0x3] =	stream.linear.gather [hbm4b:s12+s3], $0x80, $0x38;
	[tilespmem:$0x1C200] =	vst v63  }
0x22: {  	s13 =	rddreg [dreg:$0x6]  }
0x23: {  	[tilespmem:s21], [sflag:$0x2] =	stream.linear.gather [hbm4b:s13+s3], $0x80, $0x38;
	[tilespmem:$0x1C200] =	vst v63  }
0x24: {  	s10 =	rddreg [dreg:$0x7]  }
0x25: {  	[tilespmem:s22], [sflag:$0x4] =	stream.linear.gather [hbm4b:s10+s3], $0x80, $0x38;
	[tilespmem:$0x1C200] =	vst v63  }
0x26: {  	_ =	swait.ge [sflag:s23], $0x80  }
0x27: {  	[sflag:s23] =	ssyncset.done $0x0  }
0x28: {  	[sflag:s23] =	ssyncadd.s32 $0xFFFFFF80  }
0x29: {  	[tilespmem:s24], [sflag:$0x5] =	stream.indirect.gather [hbm4b:s4+s21], $0x80, s3, s21, $0xb8;
	[tilespmem:$0x1C200] =	vst v63  }
0x2a: {  	_ =	swait.ge [sflag:s25], $0x80  }
0x2b: {  	[sflag:s25] =	ssyncset.done $0x0  }
0x2c: {  	[sflag:s25] =	ssyncadd.s32 $0xFFFFFF80  }
0x2d: {  	[tilespmem:s26], [sflag:$0x6] =	stream.indirect.gather [hbm4b:s4+s21], $0x80, s21, s21, $0xb8;
	[tilespmem:$0x1C200] =	vst v63  }
0x2e: {  	_ =	swait.ge [sflag:s28], $0x4000  }
0x2f: {  	[sflag:s28] =	ssyncset.done $0x0  }
0x30: {  	[sflag:s28] =	ssyncadd.s32 $0xFFFFC000  }
0x31: {  	_ =	swait.ge [sflag:s29], $0x80  }
0x32: {  	[sflag:s29] =	ssyncset.done $0x0  }
0x33: {  	s11 =	sshrl.u32 s17, $0x3;
	[sflag:s29] =	ssyncadd.s32 $0xFFFFFF80  }
0x34: {  	[spmem:s1] =	stream.indirect.scatter.add.f32 [tilespmem:s24], [sflag:$0x7], $0x80, s20, s21, $0xb8;
	[tilespmem:$0x1C200] =	vst v63  }
0x35: {  	s10 =	sadd.s32 s5, s11  }
0x36: {  	[tilespmem:s3], [sflag:$0x1] =	stream.linear.gather [hbm4b:s10+s3], $0x80, $0x38;
	[tilespmem:$0x1C200] =	vst v63  }
0x37: {  	_ =	swait.ge [sflag:s30], $0x4000  }
0x38: {  	[sflag:s30] =	ssyncset.done $0x0  }
0x39: {  	s9 =	sadd.s32 s6, s11;
	[sflag:s30] =	ssyncadd.s32 $0xFFFFC000  }
0x3a: {  	[tilespmem:s20], [sflag:$0x3] =	stream.linear.gather [hbm4b:s9+s3], $0x80, $0x38;
	[tilespmem:$0x1C200] =	vst v63  }
0x3b: {  	_ =	swait.ge [sflag:s23], $0x80  }
0x3c: {  	[sflag:s23] =	ssyncset.done $0x0  }
0x3d: {  	[sflag:s23] =	ssyncadd.s32 $0xFFFFFF80  }
0x3e: {  	[tilespmem:s24], [sflag:$0x5] =	stream.indirect.gather [hbm4b:s4+s21], $0x80, s3, s21, $0xb8;
	[tilespmem:$0x1C200] =	vst v63  }
0x3f: {  	_ =	swait.ge [sflag:s31], $0x4000  }
0x40: {  	[sflag:s31] =	ssyncset.done $0x0  }
0x41: {  	[sflag:s31] =	ssyncadd.s32 $0xFFFFC000  }
0x42: {  	_ =	swait.ge [sflag:s0], $0x80  }
0x43: {  	[sflag:s0] =	ssyncset.done $0x0  }
0x44: {  	[sflag:s0] =	ssyncadd.s32 $0xFFFFFF80  }
0x45: {  	[spmem:s1] =	stream.indirect.scatter.add.f32 [tilespmem:s26], [sflag:$0x8], $0x80, s22, s21, $0xb8;
	[tilespmem:$0x1C200] =	vst v63  }
0x46: {  	s12 =	sadd.s32 $0x0, s16  }
0x47: {  	[tilespmem:s21], [sflag:$0x2] =	stream.linear.gather [hbm4b:s12+s3], $0x80, $0x38;
	[tilespmem:$0x1C200] =	vst v63  }
0x48: {  	_ =	swait.ge [sflag:s2], $0x4000  }
0x49: {  	[sflag:s2] =	ssyncset.done $0x0  }
0x4a: {  	s13 =	sadd.s32 $0x0, s15;
	[sflag:s2] =	ssyncadd.s32 $0xFFFFC000  }
0x4b: {  	[tilespmem:s22], [sflag:$0x4] =	stream.linear.gather [hbm4b:s13+s3], $0x80, $0x38;
	[tilespmem:$0x1C200] =	vst v63  }
0x4c: {  	_ =	swait.ge [sflag:s25], $0x80  }
0x4d: {  	[sflag:s25] =	ssyncset.done $0x0  }
0x4e: {  	s10 =	sadd.s32 $0x100, s17;
	s9 =	simm.s32 $0x20;
	[sflag:s25] =	ssyncadd.s32 $0xFFFFFF80  }
.LBB2_2:
0x4f: {  	[tilespmem:s26], [sflag:$0x6] =	stream.indirect.gather [hbm4b:s4+s21], $0x80, s21, s21, $0xb8;
	[tilespmem:$0x1C200] =	vst v63  }
0x50: {  	s11 =	smov.u32 s9  }
0x51: {  	p0 =	sne.s32 s9, $0x9A0;
	s9 =	sadd.s32 $0x20, s9;
	_ =	swait.ge [sflag:s28], $0x4000  }
0x52: {  	[sflag:s28] =	ssyncset.done $0x0  }
0x53: {  	[sflag:s28] =	ssyncadd.s32 $0xFFFFC000  }
0x54: {  	_ =	swait.ge [sflag:s29], $0x80  }
0x55: {  	[sflag:s29] =	ssyncset.done $0x0  }
0x56: {  	s12 =	sshrl.u32 s10, $0x3;
	[sflag:s29] =	ssyncadd.s32 $0xFFFFFF80  }
0x57: {  	[spmem:s1] =	stream.indirect.scatter.add.f32 [tilespmem:s24], [sflag:$0x7], $0x80, s20, s21, $0xb8;
	[tilespmem:$0x1C200] =	vst v63  }
0x58: {  	s13 =	sadd.s32 s5, s12  }
0x59: {  	[tilespmem:s3], [sflag:$0x1] =	stream.linear.gather [hbm4b:s13+s3], $0x80, $0x38;
	[tilespmem:$0x1C200] =	vst v63  }
0x5a: {  	_ =	swait.ge [sflag:s30], $0x4000  }
0x5b: {  	[sflag:s30] =	ssyncset.done $0x0  }
0x5c: {  	s12 =	sadd.s32 s6, s12;
	[sflag:s30] =	ssyncadd.s32 $0xFFFFC000  }
0x5d: {  	[tilespmem:s20], [sflag:$0x3] =	stream.linear.gather [hbm4b:s12+s3], $0x80, $0x38;
	[tilespmem:$0x1C200] =	vst v63  }
0x5e: {  	_ =	swait.ge [sflag:s23], $0x80  }
0x5f: {  	[sflag:s23] =	ssyncset.done $0x0  }
0x60: {  	[sflag:s23] =	ssyncadd.s32 $0xFFFFFF80  }
0x61: {  	[tilespmem:s24], [sflag:$0x5] =	stream.indirect.gather [hbm4b:s4+s21], $0x80, s3, s21, $0xb8;
	[tilespmem:$0x1C200] =	vst v63  }
0x62: {  	_ =	swait.ge [sflag:s31], $0x4000  }
0x63: {  	[sflag:s31] =	ssyncset.done $0x0  }
0x64: {  	[sflag:s31] =	ssyncadd.s32 $0xFFFFC000  }
0x65: {  	_ =	swait.ge [sflag:s0], $0x80  }
0x66: {  	[sflag:s0] =	ssyncset.done $0x0  }
0x67: {  	[sflag:s0] =	ssyncadd.s32 $0xFFFFFF80  }
0x68: {  	[spmem:s1] =	stream.indirect.scatter.add.f32 [tilespmem:s26], [sflag:$0x8], $0x80, s22, s21, $0xb8;
	[tilespmem:$0x1C200] =	vst v63  }
0x69: {  	s12 =	sadd.s32 s11, s16  }
0x6a: {  	[tilespmem:s21], [sflag:$0x2] =	stream.linear.gather [hbm4b:s12+s3], $0x80, $0x38;
	[tilespmem:$0x1C200] =	vst v63  }
0x6b: {  	_ =	swait.ge [sflag:s2], $0x4000  }
0x6c: {  	[sflag:s2] =	ssyncset.done $0x0  }
.Ltmp0:
0x6d: {  	s11 =	sadd.s32 s11, s15;
	[sflag:s2] =	ssyncadd.s32 $0xFFFFC000;
	(pc) =	sbr.rel @p0 .LBB2_2-.Ltmp0, $4  }
0x6e: {  	[tilespmem:s22], [sflag:$0x4] =	stream.linear.gather [hbm4b:s11+s3], $0x80, $0x38;
	[tilespmem:$0x1C200] =	vst v63  }
0x6f: {  	_ =	swait.ge [sflag:s25], $0x80  }
0x70: {  	[sflag:s25] =	ssyncset.done $0x0  }
0x71: {  	s10 =	sadd.s32 $0x100, s10;
	[sflag:s25] =	ssyncadd.s32 $0xFFFFFF80  }
0x72: {  	[tilespmem:s26], [sflag:$0x6] =	stream.indirect.gather [hbm4b:s4+s21], $0x80, s21, s21, $0xb8;
	[tilespmem:$0x1C200] =	vst v63  }
0x73: {  	_ =	swait.ge [sflag:s28], $0x4000  }
0x74: {  	[sflag:s28] =	ssyncset.done $0x0  }
0x75: {  	[sflag:s28] =	ssyncadd.s32 $0xFFFFC000  }
0x76: {  	_ =	swait.ge [sflag:s29], $0x80  }
0x77: {  	[sflag:s29] =	ssyncset.done $0x0  }
0x78: {  	[sflag:s29] =	ssyncadd.s32 $0xFFFFFF80  }
0x79: {  	[spmem:s1] =	stream.indirect.scatter.add.f32 [tilespmem:s24], [sflag:$0x7], $0x80, s20, s21, $0xb8;
	[tilespmem:$0x1C200] =	vst v63  }
0x7a: {  	_ =	swait.ge [sflag:s30], $0x4000  }
0x7b: {  	[sflag:s30] =	ssyncset.done $0x0  }
0x7c: {  	[sflag:s30] =	ssyncadd.s32 $0xFFFFC000  }
0x7d: {  	_ =	swait.ge [sflag:s31], $0x4000  }
0x7e: {  	[sflag:s31] =	ssyncset.done $0x0  }
0x7f: {  	[sflag:s31] =	ssyncadd.s32 $0xFFFFC000  }
0x80: {  	_ =	swait.ge [sflag:s0], $0x80  }
0x81: {  	[sflag:s0] =	ssyncset.done $0x0  }
0x82: {  	[sflag:s0] =	ssyncadd.s32 $0xFFFFFF80  }
0x83: {  	[spmem:s1] =	stream.indirect.scatter.add.f32 [tilespmem:s26], [sflag:$0x8], $0x80, s22, s21, $0xb8;
	[tilespmem:$0x1C200] =	vst v63  }
0x84: {  	_ =	swait.ge [sflag:s2], $0x4000  }
0x85: {  	[sflag:s2] =	ssyncset.done $0x0  }
0x86: {  	s7 =	sadd.s32 $0x1, s7;
	[sflag:s2] =	ssyncadd.s32 $0xFFFFC000  }
0x87: {  	p0 =	sne.s32 s7, s14;
	[bflag:$0x0] =	sbarrier.arrive $0xFFFF  }
.Ltmp1:
0x88: {  	s9 =	rddreg [dreg:$0x8];
	(pc) =	sbr.rel @p0 .LBB2_1-.Ltmp1, $4  }
0x89: {  	[hbm:s9], [sflag:s8] =	dma.local [spmem:s18], $0x2800  }
0x8a: {  	_ =	swait.ge [sflag:s19], $0x2800  }
0x8b: {  	[sflag:s19] =	ssyncset.done $0x0  }
0x8c: {  	[sflag:s19] =	ssyncadd.s32 $0xFFFFD800  }
0x8d: {  	_ =	sfence.sel $0x180000  }
0x8e: {  	[bflag:$0x0] =	sbarrier.arrive $0xFFFF  }
0x8f: {  	_ =	strace $0x90000053  }
0x90: {  	s0 =	stileid.u32;
	[bflag:$0x2] =	sbarrier.arrive $0xFFFF  }
0x91: {  	p0 =	sne.s32 s0, $0x0;
	s0 =	rddreg [dreg:$0x2]  }
0x92: {  	s0 =	sadd.s32 @!p0 $0x100000, s0  }
0x93: {  	[sflag:s0] =	ssyncadd.tile.s32 @!p0 $0x1;
	_ =	shalt  }
.Lfunc_end2:
_tile_overlayer_lowered:
.L_overlay_start_2:
0x94: {  	(tag) =	ssettag $0x2  }
0x95: {  	s0 =	rddreg [dreg:$0x0];
	s2 =	stileid.u32  }
0x96: {  	s1 =	rddreg [dreg:$0x1];
	p0 =	sne.s32 s2, $0x0  }
0x97: {  	s3 =	rddreg [dreg:$0x2];
	[bflag:$0x3] =	sbarrier.arrive $0xFFFF;
	s2 =	simm.s32 @!p0 $0x1C09  }
0x98: {  	[timem:s3], [sflag:s2] =	dma.local @!p0 [hbm:s0], s1  }
0x99: {  	s0 =	simm.s32 @!p0 $0x9  }
0x9a: {  	_ =	swait.ge @!p0 [sflag:s0], s1  }
0x9b: {  	s1 =	ssub.s32 @!p0 $0x0, s1;
	[sflag:s0] =	ssyncset.done @!p0 $0x0  }
0x9c: {  	[sflag:s0] =	ssyncadd.s32 @!p0 s1  }
0x9d: {  	[bflag:$0x3] =	sbarrier.arrive $0xFFFF  }
0x9e: {  	_ =	shalt  }

// kernel: kernel.29.cloned.1.call-start
scs
__scs_entry_jumppad:
0x0: {  	(pc) =	sbr.rel $0x88, $3  }
0x1: {  	(tag) =	ssettag $0x0;
	lr =	simm.s32 $0x1  }
0x2: {  	[smem:$0x3F92] =	sst lr;
	_ =	strace $0xD0000000  }
0x3: {  	_ = 	snop  }
0x4: {  	_ = 	snop  }
0x5: {  	_ = 	snop  }
0x6: {  	_ = 	snop  }
0x7: {  	_ = 	snop  }
__scs_overlays_trampoline_lowered:
0x8: {  	[smem:$0x3FA1] =	sst s0  }
0x9: {  	[smem:$0x3FA2] =	sst s1  }
0xa: {  	[smem:$0x3FA3] =	sst s2  }
0xb: {  	[smem:$0x3FA4] =	sst s3  }
0xc: {  	[smem:$0x3FA5] =	sst s4  }
0xd: {  	[smem:$0x3FA6] =	sst s5  }
0xe: {  	[smem:$0x3FA7] =	sst s6  }
0xf: {  	[smem:$0x3FA8] =	sst s7  }
0x10: {  	[smem:$0x3FA9] =	sst s8  }
0x11: {  	[smem:$0x3FAA] =	sst s9;
	s0 =	simm.s32 @!p0 $0x0  }
0x12: {  	s1 =	sld [smem:$0x3F90];
	s0 =	simm.s32 @p0 $0x1  }
0x13: {  	[smem:$0x3FAB] =	sst s0;
	s0 =	simm.s32 @!p1 $0x0  }
0x14: {  	s2 =	sld [smem:$0x3F8F];
	s0 =	simm.s32 @p1 $0x1  }
0x15: {  	[smem:$0x3FAC] =	sst s0;
	s0 =	simm.s32 @!p2 $0x0  }
0x16: {  	s3 =	sld [smem:$0x3FDB];
	s0 =	simm.s32 @p2 $0x1  }
0x17: {  	s4 =	simm.s32 $0x1BF5;
	[smem:$0x3FAE] =	sst s0  }
0x18: {  	s0 =	sld [smem:$0x3F91];
	_ =	swait.ge [sflag:s4], $0x0  }
0x19: {  	s7 =	sld [smem:$0x3F92]  }
0x1a: {  	s8 =	sadd.s32 $0xFFFFE003, lr  }
0x1b: {  	s9 =	sadd.s32 $0xFFFFFEF7, lr;
	s5 =	simm.s32 $0xFFFFFFFF;
	p2 =	slt.u32 s8, $0xFFFFF086  }
0x1c: {  	p1 =	slt.u32 s9, $0xF7A;
	s5 =	simm.s32 @!p2 $0x0  }
0x1d: {  	s5 =	simm.s32 @p1 $0x1;
	p0 =	seq.s32 s7, s2  }
0x1e: {  	s7 =	smul.u32 @!p0 $0xF7A, s2;
	p2 =	seq.s32 @!p0 s5, $0x0  }
0x1f: {  	s9 =	smul.u32 $0xF7A, s1;
	s8 =	simm.s32 @!p0 $0x1BF5;
	p2 =	por !p2, p0  }
0x20: {  	[sflag:s8] =	ssyncset.s32 @!p0 $0xFFFFF086;
	s6 =	sadd.s32 @!p0 s3, s7;
	s7 =	simm.s32 @!p0 $0x108  }
0x21: {  	s3 =	sadd.s32 s3, s9;
	s6 =	sadd.s32 @!p0 $0x88, s6;
	s7 =	simm.s32 @p2 $0x1082  }
0x22: {  	[simem:s7], [sflag:s8] =	dma.local @!p0 [hbm:s6], $0xF7A  }
0x23: {  	s9 =	sor.u32 $0xD0000000, s2;
	s6 =	simm.s32 $0x108;
	_ =	swait.ge @!p0 [sflag:s8], $0x0  }
0x24: {  	s3 =	sadd.s32 $0x88, s3;
	s6 =	simm.s32 @!p1 $0x1082;
	[sflag:s4] =	ssyncset.s32 $0xFFFFF086  }
0x25: {  	[simem:s6], [sflag:s4] =	dma.local [hbm:s3], $0xF7A  }
0x26: {  	[smem:$0x3F92] =	sst s1;
	(tag) =	ssettag s2;
	_ =	strace s9  }
0x27: {  	s1 =	sld [smem:$0x3FA2]  }
0x28: {  	s2 =	sld [smem:$0x3FA3]  }
0x29: {  	s4 =	sld [smem:$0x3FA5]  }
0x2a: {  	p0 =	seq.s32 s5, $0x0;
	s5 =	sld [smem:$0x3FA6]  }
0x2b: {  	s6 =	sld [smem:$0x3FA7]  }
0x2c: {  	s7 =	sld [smem:$0x3FA8]  }
0x2d: {  	s3 =	simm.s32 $0x108;
	s8 =	sld [smem:$0x3FA9]  }
0x2e: {  	s3 =	simm.s32 @!p0 $0x1082;
	s9 =	sld [smem:$0x3FAA]  }
0x2f: {  	lr =	sadd.s32 s0, s3;
	s0 =	sld [smem:$0x3FA1]  }
0x30: {  	s3 =	sld [smem:$0x3FA4]  }
0x31: {  	[smem:$0x3FAD] =	sst s10  }
0x32: {  	s10 =	sld [smem:$0x3FAB];
	_ =	sdelay $0x3  }
0x33: {  	p0 =	seq.s32 s10, $0x1;
	s10 =	sld [smem:$0x3FAD];
	_ =	sdelay $0x3  }
0x34: {  	[smem:$0x3FAD] =	sst s10  }
0x35: {  	s10 =	sld [smem:$0x3FAC];
	_ =	sdelay $0x3  }
0x36: {  	p1 =	seq.s32 s10, $0x1;
	s10 =	sld [smem:$0x3FAD];
	_ =	sdelay $0x3  }
0x37: {  	[smem:$0x3FAD] =	sst s10  }
0x38: {  	s10 =	sld [smem:$0x3FAE]  }
0x39: {  	_ = 	snop;
	(pc) =	sbr.ind lr, $3  }
0x3a: {  	_ = 	snop  }
0x3b: {  	_ = 	snop  }
0x3c: {  	p2 =	seq.s32 s10, $0x1;
	s10 =	sld [smem:$0x3FAD]  }
0x3d: {  	_ =	shalt  }
0x3e: {  	_ =	shalt  }
0x3f: {  	_ =	shalt  }
0x40: {  	_ =	shalt  }
0x41: {  	_ =	shalt  }
0x42: {  	_ =	shalt  }
0x43: {  	_ =	shalt  }
0x44: {  	_ =	shalt  }
0x45: {  	_ =	shalt  }
0x46: {  	_ =	shalt  }
0x47: {  	_ =	shalt  }
0x48: {  	_ =	shalt  }
0x49: {  	_ =	shalt  }
0x4a: {  	_ =	shalt  }
0x4b: {  	_ =	shalt  }
0x4c: {  	_ =	shalt  }
0x4d: {  	_ =	shalt  }
0x4e: {  	_ =	shalt  }
0x4f: {  	_ =	shalt  }
0x50: {  	_ =	shalt  }
0x51: {  	_ =	shalt  }
0x52: {  	_ =	shalt  }
0x53: {  	_ =	shalt  }
0x54: {  	_ =	shalt  }
0x55: {  	_ =	shalt  }
0x56: {  	_ =	shalt  }
0x57: {  	_ =	shalt  }
0x58: {  	_ =	shalt  }
0x59: {  	_ =	shalt  }
0x5a: {  	_ =	shalt  }
0x5b: {  	_ =	shalt  }
0x5c: {  	_ =	shalt  }
0x5d: {  	_ =	shalt  }
0x5e: {  	_ =	shalt  }
0x5f: {  	_ =	shalt  }
0x60: {  	_ =	shalt  }
0x61: {  	_ =	shalt  }
0x62: {  	_ =	shalt  }
0x63: {  	_ =	shalt  }
0x64: {  	_ =	shalt  }
0x65: {  	_ =	shalt  }
0x66: {  	_ =	shalt  }
0x67: {  	_ =	shalt  }
0x68: {  	_ =	shalt  }
0x69: {  	_ =	shalt  }
0x6a: {  	_ =	shalt  }
0x6b: {  	_ =	shalt  }
0x6c: {  	_ =	shalt  }
0x6d: {  	_ =	shalt  }
0x6e: {  	_ =	shalt  }
0x6f: {  	_ =	shalt  }
0x70: {  	_ =	shalt  }
0x71: {  	_ =	shalt  }
0x72: {  	_ =	shalt  }
0x73: {  	_ =	shalt  }
0x74: {  	_ =	shalt  }
0x75: {  	_ =	shalt  }
0x76: {  	_ =	shalt  }
0x77: {  	_ =	shalt  }
0x78: {  	_ =	shalt  }
0x79: {  	_ =	shalt  }
0x7a: {  	_ =	shalt  }
0x7b: {  	_ =	shalt  }
0x7c: {  	_ =	shalt  }
0x7d: {  	_ =	shalt  }
0x7e: {  	_ =	shalt  }
0x7f: {  	_ =	shalt  }
0x80: {  	_ =	shalt  }
0x81: {  	_ =	shalt  }
0x82: {  	_ =	shalt  }
0x83: {  	_ =	shalt  }
0x84: {  	_ =	shalt  }
0x85: {  	_ =	shalt  }
0x86: {  	_ =	shalt  }
0x87: {  	_ =	shalt  }
.Lfunc_end0:
.L_simem_size_0:
called_computation.5_lowered:
.L_overlay_start_0:
0x88: {  	s2 =	sld [smem:$0x3FD9]  }
0x89: {  	s3 =	sld [smem:$0x3FFE];
	_ =	sdelay $0x1  }
0x8a: {  	s1 =	srdreg.scid  }
0x8b: {  	s0 =	sand.u32 $0x1, s1  }
0x8c: {  	s16 =	sshll.u32 s0, $0xA;
	s2 =	sadd.s32 s3, s2  }
0x8d: {  	s2 =	sadd.s32 s2, s16  }
0x8e: {  	[smem:$0x3FB9] =	sst s2  }
0x8f: {  	_ = 	snop  }
0x90: {  	(tm) =	ssettm $0x1  }
0x91: {  	s17 =	sld [smem:$0x3FFB];
	_ =	sdelay $0x3  }
0x92: {  	_ =	strace s17  }
0x93: {  	s2 =	sld [smem:$0x3FFC];
	_ =	sdelay $0x3  }
0x94: {  	_ =	strace s2  }
0x95: {  	s2 =	sld [smem:$0x3FFD];
	_ =	sdelay $0x3  }
0x96: {  	_ =	strace s2  }
0x97: {  	_ =	strace $0x8FFFFFFF  }
0x98: {  	s18 =	sld [smem:$0x3FDB];
	_ =	sdelay $0x1  }
0x99: {  	s19 =	simm.s32 $_scs_section_size  }
0x9a: {  	s4 =	simm.s32 $_size__tile_overlayer_lowered;
	s5 =	simm.s32 $_tile_overlayer_lowered  }
0x9b: {  	s22 =	simm.s32 $0x1BFF;
	s21 =	sshll.u32 s5, $0x1;
	s2 =	sadd.s32 s19, s18  }
0x9c: {  	s6 =	simm.s32 $0x0;
	s20 =	sshll.u32 s4, $0x1;
	s4 =	sadd.s32 s21, s2  }
0x9d: {  	[timem:s6], [sflag:s22] =	dma.local [hbm:s4], s20  }
0x9e: {  	_ =	swait.ge [sflag:s22], s20  }
0x9f: {  	s3 =	ssub.s32 $0x0, s20;
	[sflag:s22] =	ssyncset.done $0x0  }
0xa0: {  	[sflag:s22] =	ssyncadd.s32 s3;
	_ =	sdelay $0x1  }
0xa1: {  	s23 =	simm.s32 $0x1B8B  }
0xa2: {  	_ =	swait.ge [sflag:s23], $0x1  }
0xa3: {  	[sflag:s23] =	ssyncset.done $0x0  }
0xa4: {  	s25 =	simm.s32 $0x1B8E;
	s24 =	sld [smem:$0x3FFE];
	[sflag:s23] =	ssyncadd.s32 $0xFFFFFFFF  }
0xa5: {  	s26 =	simm.s32 $execute0_lowered;
	[smem:$0x3FD2] =	sst s25  }
0xa6: {  	s4 =	sshll.u32 s26, $0x1;
	_ =	strace $0x80000055;
	[dreg:$0x1] =	wrdreg $0xFFFFFFFF  }
0xa7: {  	s28 =	simm.s32 $_size_execute0_lowered;
	s2 =	sadd.s32 s2, s4;
	[dreg:$0x0] =	wrdreg $0x0  }
0xa8: {  	s4 =	sshll.u32 s28, $0x1;
	[dreg:$0x2] =	wrdreg s2  }
0xa9: {  	[dreg:$0x3] =	wrdreg s4  }
0xaa: {  	[dreg:$0x4] =	wrdreg $0xC0  }
0xab: {  	_ =	task [dreg:s6], $0x5FFFF  }
0xac: {  	[dreg:$0x1] =	wrdreg $0xFFFFFFFF  }
0xad: {  	[dreg:$0x0] =	wrdreg $0x60  }
0xae: {  	[dreg:$0x2] =	wrdreg s24  }
0xaf: {  	[dreg:$0x3] =	wrdreg $0x82000  }
0xb0: {  	[dreg:$0x4] =	wrdreg $0x9  }
0xb1: {  	_ =	task.clear_ibuf [dreg:s6], $0x5FFFF;
	_ =	strace $0x90000055  }
0xb2: {  	s29 =	simm.s32 $0x9;
	_ =	strace $0x80000057  }
0xb3: {  	_ =	swait.ge [sflag:s29], $0x1  }
0xb4: {  	[sflag:s29] =	ssyncadd.s32 $0xFFFFFFFF  }
0xb5: {  	_ =	strace $0x90000057  }
0xb6: {  	_ =	sfence  }
0xb7: {  	s30 =	sld [smem:$0x0];
	_ =	sdelay $0x2  }
0xb8: {  	s31 =	sshll.u32 s1, $0xD;
	s1 =	sshrl.u32 s1, $0x2  }
0xb9: {  	s3 =	sand.u32 $0x4000, s31;
	s1 =	sadd.s32 s1, s30  }
0xba: {  	s0 =	sor.u32 s3, s0;
	s1 =	sshll.u32 s1, $0x11  }
0xbb: {  	s0 =	sor.u32 s1, s0  }
0xbc: {  	s0 =	sadd.s32 $0x8F2B, s0  }
0xbd: {  	[sflag:s0] =	ssyncadd.remote.s32 $0x1  }
0xbe: {  	_ =	sfence.sel $0xFFFF  }
0xbf: {  	[dreg:$0x0] =	wrdreg $0xFFFFFFFF;
	(pc) =	sbr.abs _section_cstart, $3  }
0xc0: {  	[dreg:$0x1] =	wrdreg $0xFFFFFFFF  }
0xc1: {  	_ =	task.clear_ibuf [dreg:s6], $0x2FFFF;
	_ =	strace $0x9FFFFFFF  }
0xc2: {  	(tm) =	ssettm $0x7FFFFFFF  }
0xc3: {  	_ =	shalt  }
tec
execute0_lowered:
.L_overlay_start_1:
0x0: {  	(tag) =	ssettag $0x1  }
0x1: {  	s0 =	rddreg [dreg:$0x0]  }
0x2: {  	s1 =	rddreg [dreg:$0x1];
	s2 =	srdreg.scid  }
0x3: {  	s3 =	simm.s32 $0x0;
	s12 =	stileid.u32;
	s28 =	simm.s32 $0x5  }
0x4: {  	s29 =	simm.s32 $0x3;
	s30 =	simm.s32 $0x7;
	s31 =	simm.s32 $0x6  }
0x5: {  	s2 =	sand.u32 $0x1, s2;
	[smem:$0x7FF] =	sst s3;
	s8 =	smul.u32 $0x280, s12  }
0x6: {  	s4 =	sadd.s32 $0x40600, s0;
	s5 =	sadd.s32 $0x18E00, s0;
	s9 =	smul.u32 $0x50000, s12  }
0x7: {  	s6 =	sadd.s32 $0x2CA00, s0;
	s20 =	smul.u32 $0x4F00, s12;
	s21 =	sshll.u32 s12, $0x6  }
0x8: {  	s7 =	smul.u32 $0x2800, s2;
	_ =	strace $0x80000056;
	s10 =	ssub.s32 $0x2, s2  }
0x9: {  	s19 =	sshll.u32 s2, $0x4;
	s2 =	smul.u32 $0x4F000, s2;
	s11 =	sshrl.u32 s10, $0x1  }
0xa: {  	s9 =	sshrl.u32 s9, $0x2;
	s7 =	sadd.s32 s8, s7;
	s8 =	sor.u32 s12, s19  }
0xb: {  	s10 =	ssub.s32 s10, s11;
	s9 =	sadd.s32 s9, s1;
	s2 =	sadd.s32 s20, s2  }
0xc: {  	s19 =	simm.s32 $0x9;
	s20 =	simm.s32 $0x100;
	s7 =	sshll.u32 s7, $0x4  }
0xd: {  	s8 =	smul.u32 $0x4F00, s8;
	s11 =	sadd.s32 $0x180, s2;
	s14 =	smax.u32 s10, $0x1  }
0xe: {  	s17 =	sadd.s32 $0x100, s2;
	s18 =	sshrl.u32 s9, $0x3;
	s2 =	simm.s32 $0x8  }
0xf: {  	s0 =	sadd.s32 s7, s0;
	s7 =	sadd.s32 s4, s7;
	s26 =	sshrl.u32 s11, $0x3  }
0x10: {  	[dreg:$0x3] =	wrdreg s7;
	s22 =	sshrl.u32 s8, $0x3;
	s8 =	sor.u32 $0x1C09, s21  }
0x11: {  	s0 =	sadd.s32 $0x90600, s0;
	s15 =	sadd.s32 s26, s6;
	s16 =	sadd.s32 s26, s5  }
0x12: {  	s21 =	simm.s32 $0x80;
	s26 =	simm.s32 $0x4200;
	s23 =	sadd.s32 s5, s22  }
0x13: {  	s24 =	sadd.s32 s6, s22;
	s25 =	sor.u32 $0x10, s22;
	[dreg:$0x8] =	wrdreg s0  }
0x14: {  	s22 =	simm.s32 $0x180;
	s0 =	simm.s32 $0x4;
	[dreg:$0x4] =	wrdreg s23  }
0x15: {  	[dreg:$0x5] =	wrdreg s24;
	s12 =	sadd.s32 s5, s25;
	s7 =	sadd.s32 s6, s25  }
0x16: {  	s23 =	simm.s32 $0x1;
	s24 =	simm.s32 $0x200;
	[dreg:$0x6] =	wrdreg s12  }
0x17: {  	s25 =	simm.s32 $0x2;
	[dreg:$0x7] =	wrdreg s7;
	s7 =	simm.s32 $0x0  }
.LBB2_1:
0x18: {  	s9 =	rddreg [dreg:$0x3]  }
0x19: {  	[spmem:s18], [sflag:s8] =	dma.local [hbm:s9], $0x2800  }
0x1a: {  	_ =	swait.ge [sflag:s19], $0x2800  }
0x1b: {  	[sflag:s19] =	ssyncset.done $0x0  }
0x1c: {  	[sflag:s19] =	ssyncadd.s32 $0xFFFFD800  }
0x1d: {  	[bflag:$0x0] =	sbarrier.arrive $0xFFFF  }
0x1e: {  	s11 =	rddreg [dreg:$0x4]  }
0x1f: {  	[tilespmem:s3], [sflag:$0x1] =	stream.linear.gather [hbm4b:s11+s3], $0x80, $0x38;
	[tilespmem:$0x1C200] =	vst v63  }
0x20: {  	s12 =	rddreg [dreg:$0x5]  }
0x21: {  	[tilespmem:s20], [sflag:$0x3] =	stream.linear.gather [hbm4b:s12+s3], $0x80, $0x38;
	[tilespmem:$0x1C200] =	vst v63  }
0x22: {  	s13 =	rddreg [dreg:$0x6]  }
0x23: {  	[tilespmem:s21], [sflag:$0x2] =	stream.linear.gather [hbm4b:s13+s3], $0x80, $0x38;
	[tilespmem:$0x1C200] =	vst v63  }
0x24: {  	s10 =	rddreg [dreg:$0x7]  }
0x25: {  	[tilespmem:s22], [sflag:$0x4] =	stream.linear.gather [hbm4b:s10+s3], $0x80, $0x38;
	[tilespmem:$0x1C200] =	vst v63  }
0x26: {  	_ =	swait.ge [sflag:s23], $0x80  }
0x27: {  	[sflag:s23] =	ssyncset.done $0x0  }
0x28: {  	[sflag:s23] =	ssyncadd.s32 $0xFFFFFF80  }
0x29: {  	[tilespmem:s24], [sflag:$0x5] =	stream.indirect.gather [hbm4b:s4+s21], $0x80, s3, s21, $0xb8;
	[tilespmem:$0x1C200] =	vst v63  }
0x2a: {  	_ =	swait.ge [sflag:s25], $0x80  }
0x2b: {  	[sflag:s25] =	ssyncset.done $0x0  }
0x2c: {  	[sflag:s25] =	ssyncadd.s32 $0xFFFFFF80  }
0x2d: {  	[tilespmem:s26], [sflag:$0x6] =	stream.indirect.gather [hbm4b:s4+s21], $0x80, s21, s21, $0xb8;
	[tilespmem:$0x1C200] =	vst v63  }
0x2e: {  	_ =	swait.ge [sflag:s28], $0x4000  }
0x2f: {  	[sflag:s28] =	ssyncset.done $0x0  }
0x30: {  	[sflag:s28] =	ssyncadd.s32 $0xFFFFC000  }
0x31: {  	_ =	swait.ge [sflag:s29], $0x80  }
0x32: {  	[sflag:s29] =	ssyncset.done $0x0  }
0x33: {  	s11 =	sshrl.u32 s17, $0x3;
	[sflag:s29] =	ssyncadd.s32 $0xFFFFFF80  }
0x34: {  	[spmem:s1] =	stream.indirect.scatter.add.f32 [tilespmem:s24], [sflag:$0x7], $0x80, s20, s21, $0xb8;
	[tilespmem:$0x1C200] =	vst v63  }
0x35: {  	s10 =	sadd.s32 s5, s11  }
0x36: {  	[tilespmem:s3], [sflag:$0x1] =	stream.linear.gather [hbm4b:s10+s3], $0x80, $0x38;
	[tilespmem:$0x1C200] =	vst v63  }
0x37: {  	_ =	swait.ge [sflag:s30], $0x4000  }
0x38: {  	[sflag:s30] =	ssyncset.done $0x0  }
0x39: {  	s9 =	sadd.s32 s6, s11;
	[sflag:s30] =	ssyncadd.s32 $0xFFFFC000  }
0x3a: {  	[tilespmem:s20], [sflag:$0x3] =	stream.linear.gather [hbm4b:s9+s3], $0x80, $0x38;
	[tilespmem:$0x1C200] =	vst v63  }
0x3b: {  	_ =	swait.ge [sflag:s23], $0x80  }
0x3c: {  	[sflag:s23] =	ssyncset.done $0x0  }
0x3d: {  	[sflag:s23] =	ssyncadd.s32 $0xFFFFFF80  }
0x3e: {  	[tilespmem:s24], [sflag:$0x5] =	stream.indirect.gather [hbm4b:s4+s21], $0x80, s3, s21, $0xb8;
	[tilespmem:$0x1C200] =	vst v63  }
0x3f: {  	_ =	swait.ge [sflag:s31], $0x4000  }
0x40: {  	[sflag:s31] =	ssyncset.done $0x0  }
0x41: {  	[sflag:s31] =	ssyncadd.s32 $0xFFFFC000  }
0x42: {  	_ =	swait.ge [sflag:s0], $0x80  }
0x43: {  	[sflag:s0] =	ssyncset.done $0x0  }
0x44: {  	[sflag:s0] =	ssyncadd.s32 $0xFFFFFF80  }
0x45: {  	[spmem:s1] =	stream.indirect.scatter.add.f32 [tilespmem:s26], [sflag:$0x8], $0x80, s22, s21, $0xb8;
	[tilespmem:$0x1C200] =	vst v63  }
0x46: {  	s12 =	sadd.s32 $0x0, s16  }
0x47: {  	[tilespmem:s21], [sflag:$0x2] =	stream.linear.gather [hbm4b:s12+s3], $0x80, $0x38;
	[tilespmem:$0x1C200] =	vst v63  }
0x48: {  	_ =	swait.ge [sflag:s2], $0x4000  }
0x49: {  	[sflag:s2] =	ssyncset.done $0x0  }
0x4a: {  	s13 =	sadd.s32 $0x0, s15;
	[sflag:s2] =	ssyncadd.s32 $0xFFFFC000  }
0x4b: {  	[tilespmem:s22], [sflag:$0x4] =	stream.linear.gather [hbm4b:s13+s3], $0x80, $0x38;
	[tilespmem:$0x1C200] =	vst v63  }
0x4c: {  	_ =	swait.ge [sflag:s25], $0x80  }
0x4d: {  	[sflag:s25] =	ssyncset.done $0x0  }
0x4e: {  	s10 =	sadd.s32 $0x100, s17;
	s9 =	simm.s32 $0x20;
	[sflag:s25] =	ssyncadd.s32 $0xFFFFFF80  }
.LBB2_2:
0x4f: {  	[tilespmem:s26], [sflag:$0x6] =	stream.indirect.gather [hbm4b:s4+s21], $0x80, s21, s21, $0xb8;
	[tilespmem:$0x1C200] =	vst v63  }
0x50: {  	s11 =	smov.u32 s9  }
0x51: {  	p0 =	sne.s32 s9, $0x9A0;
	s9 =	sadd.s32 $0x20, s9;
	_ =	swait.ge [sflag:s28], $0x4000  }
0x52: {  	[sflag:s28] =	ssyncset.done $0x0  }
0x53: {  	[sflag:s28] =	ssyncadd.s32 $0xFFFFC000  }
0x54: {  	_ =	swait.ge [sflag:s29], $0x80  }
0x55: {  	[sflag:s29] =	ssyncset.done $0x0  }
0x56: {  	s12 =	sshrl.u32 s10, $0x3;
	[sflag:s29] =	ssyncadd.s32 $0xFFFFFF80  }
0x57: {  	[spmem:s1] =	stream.indirect.scatter.add.f32 [tilespmem:s24], [sflag:$0x7], $0x80, s20, s21, $0xb8;
	[tilespmem:$0x1C200] =	vst v63  }
0x58: {  	s13 =	sadd.s32 s5, s12  }
0x59: {  	[tilespmem:s3], [sflag:$0x1] =	stream.linear.gather [hbm4b:s13+s3], $0x80, $0x38;
	[tilespmem:$0x1C200] =	vst v63  }
0x5a: {  	_ =	swait.ge [sflag:s30], $0x4000  }
0x5b: {  	[sflag:s30] =	ssyncset.done $0x0  }
0x5c: {  	s12 =	sadd.s32 s6, s12;
	[sflag:s30] =	ssyncadd.s32 $0xFFFFC000  }
0x5d: {  	[tilespmem:s20], [sflag:$0x3] =	stream.linear.gather [hbm4b:s12+s3], $0x80, $0x38;
	[tilespmem:$0x1C200] =	vst v63  }
0x5e: {  	_ =	swait.ge [sflag:s23], $0x80  }
0x5f: {  	[sflag:s23] =	ssyncset.done $0x0  }
0x60: {  	[sflag:s23] =	ssyncadd.s32 $0xFFFFFF80  }
0x61: {  	[tilespmem:s24], [sflag:$0x5] =	stream.indirect.gather [hbm4b:s4+s21], $0x80, s3, s21, $0xb8;
	[tilespmem:$0x1C200] =	vst v63  }
0x62: {  	_ =	swait.ge [sflag:s31], $0x4000  }
0x63: {  	[sflag:s31] =	ssyncset.done $0x0  }
0x64: {  	[sflag:s31] =	ssyncadd.s32 $0xFFFFC000  }
0x65: {  	_ =	swait.ge [sflag:s0], $0x80  }
0x66: {  	[sflag:s0] =	ssyncset.done $0x0  }
0x67: {  	[sflag:s0] =	ssyncadd.s32 $0xFFFFFF80  }
0x68: {  	[spmem:s1] =	stream.indirect.scatter.add.f32 [tilespmem:s26], [sflag:$0x8], $0x80, s22, s21, $0xb8;
	[tilespmem:$0x1C200] =	vst v63  }
0x69: {  	s12 =	sadd.s32 s11, s16  }
0x6a: {  	[tilespmem:s21], [sflag:$0x2] =	stream.linear.gather [hbm4b:s12+s3], $0x80, $0x38;
	[tilespmem:$0x1C200] =	vst v63  }
0x6b: {  	_ =	swait.ge [sflag:s2], $0x4000  }
0x6c: {  	[sflag:s2] =	ssyncset.done $0x0  }
.Ltmp0:
0x6d: {  	s11 =	sadd.s32 s11, s15;
	[sflag:s2] =	ssyncadd.s32 $0xFFFFC000;
	(pc) =	sbr.rel @p0 .LBB2_2-.Ltmp0, $4  }
0x6e: {  	[tilespmem:s22], [sflag:$0x4] =	stream.linear.gather [hbm4b:s11+s3], $0x80, $0x38;
	[tilespmem:$0x1C200] =	vst v63  }
0x6f: {  	_ =	swait.ge [sflag:s25], $0x80  }
0x70: {  	[sflag:s25] =	ssyncset.done $0x0  }
0x71: {  	s10 =	sadd.s32 $0x100, s10;
	[sflag:s25] =	ssyncadd.s32 $0xFFFFFF80  }
0x72: {  	[tilespmem:s26], [sflag:$0x6] =	stream.indirect.gather [hbm4b:s4+s21], $0x80, s21, s21, $0xb8;
	[tilespmem:$0x1C200] =	vst v63  }
0x73: {  	_ =	swait.ge [sflag:s28], $0x4000  }
0x74: {  	[sflag:s28] =	ssyncset.done $0x0  }
0x75: {  	[sflag:s28] =	ssyncadd.s32 $0xFFFFC000  }
0x76: {  	_ =	swait.ge [sflag:s29], $0x80  }
0x77: {  	[sflag:s29] =	ssyncset.done $0x0  }
0x78: {  	[sflag:s29] =	ssyncadd.s32 $0xFFFFFF80  }
0x79: {  	[spmem:s1] =	stream.indirect.scatter.add.f32 [tilespmem:s24], [sflag:$0x7], $0x80, s20, s21, $0xb8;
	[tilespmem:$0x1C200] =	vst v63  }
0x7a: {  	_ =	swait.ge [sflag:s30], $0x4000  }
0x7b: {  	[sflag:s30] =	ssyncset.done $0x0  }
0x7c: {  	[sflag:s30] =	ssyncadd.s32 $0xFFFFC000  }
0x7d: {  	_ =	swait.ge [sflag:s31], $0x4000  }
0x7e: {  	[sflag:s31] =	ssyncset.done $0x0  }
0x7f: {  	[sflag:s31] =	ssyncadd.s32 $0xFFFFC000  }
0x80: {  	_ =	swait.ge [sflag:s0], $0x80  }
0x81: {  	[sflag:s0] =	ssyncset.done $0x0  }
0x82: {  	[sflag:s0] =	ssyncadd.s32 $0xFFFFFF80  }
0x83: {  	[spmem:s1] =	stream.indirect.scatter.add.f32 [tilespmem:s26], [sflag:$0x8], $0x80, s22, s21, $0xb8;
	[tilespmem:$0x1C200] =	vst v63  }
0x84: {  	_ =	swait.ge [sflag:s2], $0x4000  }
0x85: {  	[sflag:s2] =	ssyncset.done $0x0  }
0x86: {  	s7 =	sadd.s32 $0x1, s7;
	[sflag:s2] =	ssyncadd.s32 $0xFFFFC000  }
0x87: {  	p0 =	sne.s32 s7, s14;
	[bflag:$0x0] =	sbarrier.arrive $0xFFFF  }
.Ltmp1:
0x88: {  	s9 =	rddreg [dreg:$0x8];
	(pc) =	sbr.rel @p0 .LBB2_1-.Ltmp1, $4  }
0x89: {  	[hbm:s9], [sflag:s8] =	dma.local [spmem:s18], $0x2800  }
0x8a: {  	_ =	swait.ge [sflag:s19], $0x2800  }
0x8b: {  	[sflag:s19] =	ssyncset.done $0x0  }
0x8c: {  	[sflag:s19] =	ssyncadd.s32 $0xFFFFD800  }
0x8d: {  	_ =	sfence.sel $0x180000  }
0x8e: {  	[bflag:$0x0] =	sbarrier.arrive $0xFFFF  }
0x8f: {  	_ =	strace $0x90000056  }
0x90: {  	s0 =	stileid.u32;
	[bflag:$0x2] =	sbarrier.arrive $0xFFFF  }
0x91: {  	p0 =	sne.s32 s0, $0x0;
	s0 =	rddreg [dreg:$0x2]  }
0x92: {  	s0 =	sadd.s32 @!p0 $0x100000, s0  }
0x93: {  	[sflag:s0] =	ssyncadd.tile.s32 @!p0 $0x1;
	_ =	shalt  }
.Lfunc_end2:
_tile_overlayer_lowered:
.L_overlay_start_2:
0x94: {  	(tag) =	ssettag $0x2  }
0x95: {  	s0 =	rddreg [dreg:$0x0];
	s2 =	stileid.u32  }
0x96: {  	s1 =	rddreg [dreg:$0x1];
	p0 =	sne.s32 s2, $0x0  }
0x97: {  	s3 =	rddreg [dreg:$0x2];
	[bflag:$0x3] =	sbarrier.arrive $0xFFFF;
	s2 =	simm.s32 @!p0 $0x1C09  }
0x98: {  	[timem:s3], [sflag:s2] =	dma.local @!p0 [hbm:s0], s1  }
0x99: {  	s0 =	simm.s32 @!p0 $0x9  }
0x9a: {  	_ =	swait.ge @!p0 [sflag:s0], s1  }
0x9b: {  	s1 =	ssub.s32 @!p0 $0x0, s1;
	[sflag:s0] =	ssyncset.done @!p0 $0x0  }
0x9c: {  	[sflag:s0] =	ssyncadd.s32 @!p0 s1  }
0x9d: {  	[bflag:$0x3] =	sbarrier.arrive $0xFFFF  }
0x9e: {  	_ =	shalt  }

</sc_bundles>
